<compile_context>
chip_gen: v7x
topology: tpu7x:2x2x1
jax: 0.10.2.dev20260603
libtpu: 0.0.44.dev20260713+nightly
codegen_flags: <defaults>
</compile_context>

<pallas_src>
import functools

import jax
import jax.numpy as jnp
from jax import lax
from jax.experimental import pallas as pl
from jax.experimental.pallas import tpu as pltpu
from jax.experimental.pallas import tpu_sc as plsc

N = 10000
E = 320000
ANN = 64
OUT = 128
N_STEPS = 5
N_ETYPES = 4

NSC = 2
NTILES = 16
NW = NSC * NTILES
ROWS_A = 624
ROWS_TAIL = N - NTILES * ROWS_A
K = 128
CHUNKS_PER_TILE = 80
N_CHUNKS = NW * CHUNKS_PER_TILE
E_PAD = N_CHUNKS * K
TRASH_ROW = N

BM = 2000



def _transform_body(h_ref, w_ref, b_ref, t_ref):
    t_ref[...] = jnp.dot(h_ref[...], w_ref[...],
                         preferred_element_type=jnp.float32) + b_ref[...]


def _transform(x, W, b_all):
    d = x.shape[1]
    return pl.pallas_call(
        _transform_body,
        grid=(N // BM,),
        in_specs=[pl.BlockSpec((BM, d), lambda i: (i, 0)),
                  pl.BlockSpec((d, 4 * OUT), lambda i: (0, 0)),
                  pl.BlockSpec((1, 4 * OUT), lambda i: (0, 0))],
        out_specs=pl.BlockSpec((BM, 4 * OUT), lambda i: (i, 0)),
        out_shape=jax.ShapeDtypeStruct((N, 4 * OUT), jnp.float32),
    )(x, W, b_all)


def _gru_math(ap_ref, h_ref, wih_ref, whh_ref, bih_ref, bhh_ref):
    a = ap_ref[0] + ap_ref[1]
    h = h_ref[...]
    gi = jnp.dot(a, wih_ref[...], preferred_element_type=jnp.float32) + bih_ref[...]
    gh = jnp.dot(h, whh_ref[...], preferred_element_type=jnp.float32) + bhh_ref[...]
    r = jax.nn.sigmoid(gi[:, :OUT] + gh[:, :OUT])
    z = jax.nn.sigmoid(gi[:, OUT:2 * OUT] + gh[:, OUT:2 * OUT])
    n = jnp.tanh(gi[:, 2 * OUT:] + r * gh[:, 2 * OUT:])
    return (1.0 - z) * n + z * h


def _gru_tr_body(ap_ref, h_ref, wih_ref, whh_ref, bih_ref, bhh_ref,
                 wall_ref, ball_ref, h_out_ref, t_out_ref):
    hn = _gru_math(ap_ref, h_ref, wih_ref, whh_ref, bih_ref, bhh_ref)
    h_out_ref[...] = hn
    t_out_ref[...] = jnp.dot(hn, wall_ref[...],
                             preferred_element_type=jnp.float32) + ball_ref[...]


def _gru_transform(ap, h, wihT, whhT, bih, bhh, W_all, b_all):
    return pl.pallas_call(
        _gru_tr_body,
        grid=(N // BM,),
        in_specs=[pl.BlockSpec((2, BM, OUT), lambda i: (0, i, 0)),
                  pl.BlockSpec((BM, OUT), lambda i: (i, 0)),
                  pl.BlockSpec((OUT, 3 * OUT), lambda i: (0, 0)),
                  pl.BlockSpec((OUT, 3 * OUT), lambda i: (0, 0)),
                  pl.BlockSpec((1, 3 * OUT), lambda i: (0, 0)),
                  pl.BlockSpec((1, 3 * OUT), lambda i: (0, 0)),
                  pl.BlockSpec((OUT, 4 * OUT), lambda i: (0, 0)),
                  pl.BlockSpec((1, 4 * OUT), lambda i: (0, 0))],
        out_specs=[pl.BlockSpec((BM, OUT), lambda i: (i, 0)),
                   pl.BlockSpec((BM, 4 * OUT), lambda i: (i, 0))],
        out_shape=[jax.ShapeDtypeStruct((N, OUT), jnp.float32),
                   jax.ShapeDtypeStruct((N, 4 * OUT), jnp.float32)],
    )(ap, h, wihT, whhT, bih, bhh, W_all, b_all)


def _gru_fin_body(ap_ref, h_ref, wih_ref, whh_ref, bih_ref, bhh_ref,
                  ann_ref, wh_ref, wa_ref, bo_ref, l_out_ref, p_out_ref,
                  mscr, iscr):
    i = pl.program_id(0)
    hn = _gru_math(ap_ref, h_ref, wih_ref, whh_ref, bih_ref, bhh_ref)
    logit = (jnp.sum(hn * wh_ref[...], axis=1, keepdims=True)
             + jnp.sum(ann_ref[...] * wa_ref[...], axis=1, keepdims=True)
             + bo_ref[...])
    l_out_ref[...] = logit
    bm = jnp.max(logit)
    ii = lax.broadcasted_iota(jnp.int32, logit.shape, 0) + i * BM
    bidx = jnp.min(jnp.where(logit == bm, ii, jnp.int32(1 << 30)))

    @pl.when((i == 0) | (bm > mscr[0]))
    def _update():
        mscr[0] = bm
        iscr[0] = bidx

    @pl.when(i == pl.num_programs(0) - 1)
    def _emit():
        p_out_ref[0] = iscr[0]


def _gru_final(ap, h, wihT, whhT, bih, bhh, ann, w_h, w_a, b_o):
    return pl.pallas_call(
        _gru_fin_body,
        grid=(N // BM,),
        in_specs=[pl.BlockSpec((2, BM, OUT), lambda i: (0, i, 0)),
                  pl.BlockSpec((BM, OUT), lambda i: (i, 0)),
                  pl.BlockSpec((OUT, 3 * OUT), lambda i: (0, 0)),
                  pl.BlockSpec((OUT, 3 * OUT), lambda i: (0, 0)),
                  pl.BlockSpec((1, 3 * OUT), lambda i: (0, 0)),
                  pl.BlockSpec((1, 3 * OUT), lambda i: (0, 0)),
                  pl.BlockSpec((BM, ANN), lambda i: (i, 0)),
                  pl.BlockSpec((1, OUT), lambda i: (0, 0)),
                  pl.BlockSpec((1, ANN), lambda i: (0, 0)),
                  pl.BlockSpec((1, 1), lambda i: (0, 0))],
        out_specs=[pl.BlockSpec((BM, 1), lambda i: (i, 0)),
                   pl.BlockSpec(memory_space=pltpu.SMEM)],
        out_shape=[jax.ShapeDtypeStruct((N, 1), jnp.float32),
                   jax.ShapeDtypeStruct((1,), jnp.int32)],
        scratch_shapes=[pltpu.SMEM((1,), jnp.float32),
                        pltpu.SMEM((1,), jnp.int32)],
    )(ap, h, wihT, whhT, bih, bhh, ann, w_h, w_a, b_o)



def _sc_scatter(table, packed, zeros):
    mesh = plsc.VectorSubcoreMesh(core_axis_name="c", subcore_axis_name="s",
                                  num_cores=NSC, num_subcores=NTILES)

    @functools.partial(
        pl.kernel,
        out_type=jax.ShapeDtypeStruct((NSC, N, OUT), jnp.float32),
        mesh=mesh,
        scratch_types=[
            pltpu.VMEM((4, 2, K), jnp.int32),
            pltpu.VMEM((4, 2, K), jnp.int32),
            pltpu.VMEM((K, OUT), jnp.float32),
            pltpu.VMEM((K, OUT), jnp.float32),
            pltpu.VMEM_SHARED((N + 8, OUT), jnp.float32),
            [pltpu.SemaphoreType.DMA] * 2,
            [pltpu.SemaphoreType.DMA] * 2,
            pltpu.SemaphoreType.DMA,
        ],
    )
    def k(table_hbm, packed_hbm, zeros_hbm, out_hbm,
          ibuf_a, ibuf_b, b0, b1, acc, gsem, ssem, zsem):
        bufs = (b0, b1)
        cid = lax.axis_index("c")
        sid = lax.axis_index("s")
        wid = cid * NTILES + sid
        cbase = wid * CHUNKS_PER_TILE
        pltpu.async_copy(zeros_hbm, acc.at[pl.ds(sid * ROWS_A, ROWS_A)],
                         zsem)

        @pl.when(sid == 0)
        def _zero_tail():
            pltpu.async_copy(zeros_hbm.at[pl.ds(0, ROWS_TAIL)],
                             acc.at[pl.ds(NTILES * ROWS_A, ROWS_TAIL)], zsem)

        def gather(ibuf, u, b):
            pltpu.async_copy(table_hbm.at[ibuf.at[u, 0]], bufs[b], gsem[b])

        def wait_gather(ibuf, u, b):
            pltpu.make_async_copy(table_hbm.at[ibuf.at[u, 0]], bufs[b],
                                  gsem[b]).wait()

        def scatter(ibuf, u, b):
            pltpu.async_copy(bufs[b], acc.at[ibuf.at[u, 1]], ssem[b],
                             add=True)

        def wait_scatter(ibuf, u, b):
            pltpu.make_async_copy(bufs[b], acc.at[ibuf.at[u, 1]],
                                  ssem[b]).wait()

        pltpu.sync_copy(packed_hbm.at[pl.ds(cbase, 4)], ibuf_a)
        gather(ibuf_a, 0, 0)

        pltpu.make_async_copy(zeros_hbm,
                              acc.at[pl.ds(sid * ROWS_A, ROWS_A)],
                              zsem).wait()

        @pl.when(sid == 0)
        def _zero_tail_wait():
            pltpu.make_async_copy(zeros_hbm.at[pl.ds(0, ROWS_TAIL)],
                                  acc.at[pl.ds(NTILES * ROWS_A, ROWS_TAIL)],
                                  zsem).wait()

        plsc.subcore_barrier()

        def body(j, carry):
            q = cbase + 8 * j

            def step(cur_ibuf, u, b, prev_ibuf, pu, nxt_ibuf, nu,
                     have_prev=True, have_next=True):
                if have_prev:
                    wait_scatter(prev_ibuf, pu, 1 - b)
                if have_next:
                    gather(nxt_ibuf, nu, 1 - b)
                wait_gather(cur_ibuf, u, b)
                scatter(cur_ibuf, u, b)

            @pl.when(j == 0)
            def _first():
                gather(ibuf_a, 1, 1)
                wait_gather(ibuf_a, 0, 0)
                scatter(ibuf_a, 0, 0)

            @pl.when(j > 0)
            def _steady():
                step(ibuf_a, 0, 0, ibuf_b, 3, ibuf_a, 1)

            pltpu.sync_copy(packed_hbm.at[pl.ds(q + 4, 4)], ibuf_b)
            for u in range(1, 4):
                step(ibuf_a, u, u % 2, ibuf_a, u - 1,
                     ibuf_a if u < 3 else ibuf_b, (u + 1) % 4)
            for u in range(4):
                if u < 3:
                    step(ibuf_b, u, u % 2, ibuf_b if u > 0 else ibuf_a,
                         (u - 1) % 4, ibuf_b, u + 1)

            @pl.when(j < CHUNKS_PER_TILE // 8 - 1)
            def _more():
                pltpu.sync_copy(packed_hbm.at[pl.ds(q + 8, 4)], ibuf_a)
                step(ibuf_b, 3, 1, ibuf_b, 2, ibuf_a, 0)

            @pl.when(j == CHUNKS_PER_TILE // 8 - 1)
            def _last():
                step(ibuf_b, 3, 1, ibuf_b, 2, None, 0, have_next=False)
                wait_scatter(ibuf_b, 3, 1)

            return carry

        lax.fori_loop(0, CHUNKS_PER_TILE // 8, body, 0)
        plsc.subcore_barrier()
        pltpu.sync_copy(acc.at[pl.ds(sid * ROWS_A, ROWS_A)],
                        out_hbm.at[cid].at[pl.ds(sid * ROWS_A, ROWS_A)])

        @pl.when(sid == 0)
        def _copy_tail():
            pltpu.sync_copy(acc.at[pl.ds(NTILES * ROWS_A, ROWS_TAIL)],
                            out_hbm.at[cid].at[pl.ds(NTILES * ROWS_A,
                                                     ROWS_TAIL)])

    return k(table, packed, zeros)



def kernel(annotation, edge_index, etypes, W_e, b_e, w_ih, w_hh, b_ih, b_hh,
           w_out, b_out):
    ann = annotation.astype(jnp.float32)
    src = edge_index[0].astype(jnp.int32)
    dst = edge_index[1].astype(jnp.int32)
    et = etypes.astype(jnp.int32)
    fidx = src * N_ETYPES + et
    npad = E_PAD - E
    fidx_p = jnp.concatenate(
        [fidx, (jnp.arange(npad, dtype=jnp.int32) * 40 + 16) % (N_ETYPES * N)])
    dst_p = jnp.concatenate(
        [dst, TRASH_ROW + (jnp.arange(npad, dtype=jnp.int32) % 8)])
    packed = jnp.stack([fidx_p.reshape(N_CHUNKS, K),
                        dst_p.reshape(N_CHUNKS, K)], axis=1)

    W_all = W_e.transpose(2, 0, 1).reshape(OUT, N_ETYPES * OUT)
    b_all = b_e.reshape(1, N_ETYPES * OUT)
    wihT = w_ih.T
    whhT = w_hh.T
    bih = b_ih.reshape(1, 3 * OUT)
    bhh = b_hh.reshape(1, 3 * OUT)
    w_h = w_out[:OUT, 0].reshape(1, OUT)
    w_a = w_out[OUT:, 0].reshape(1, ANN)
    b_o = b_out.reshape(1, 1)
    zeros = jnp.zeros((ROWS_A, OUT), jnp.float32)

    h = jnp.concatenate([ann, jnp.zeros((N, OUT - ANN), jnp.float32)], axis=1)
    tbl = _transform(ann, W_all[:ANN], b_all)
    for step in range(N_STEPS):
        ap = _sc_scatter(tbl.reshape(N_ETYPES * N, OUT), packed, zeros)
        if step < N_STEPS - 1:
            h, tbl = _gru_transform(ap, h, wihT, whhT, bih, bhh,
                                    W_all, b_all)
        else:
            logits2d, pred1 = _gru_final(ap, h, wihT, whhT, bih,
                                         bhh, ann, w_h, w_a, b_o)

    return logits2d.reshape(N), pred1.reshape(())

# --- scband reference (transcript-rebuilt; emitter-appended) ---
"""Pipeline reference for scband-node-selection-ggnn-38628935860779 (READ-ONLY COPY).

The authoritative reference and input builder live on the scoring server;
editing this copy changes nothing except your own understanding.
"""

import jax, jax.numpy as jnp
import numpy as np

N_NODES = 10000
N_EDGES = 320000
ANN = 64
OUT = 128
N_STEPS = 5
N_ETYPES = 4

def setup_inputs(seed: int = 0) -> dict:
    key = jax.random.key(seed)
    ks = jax.random.split(key, 12)
    annotation = jax.random.normal(ks[0], (N_NODES, ANN), dtype=jnp.float32)
    edge_index = jax.random.randint(ks[1], (2, N_EDGES), 0, N_NODES, dtype=jnp.int64) if jax.config.jax_enable_x64 else jax.random.randint(ks[1], (2, N_EDGES), 0, N_NODES).astype(jnp.int32)
    etypes = jax.random.randint(ks[2], (N_EDGES,), 0, N_ETYPES).astype(jnp.int32)
    s = 1.0 / np.sqrt(OUT)
    W_e = jax.random.uniform(ks[3], (N_ETYPES, OUT, OUT), minval=-s, maxval=s, dtype=jnp.float32)
    b_e = jax.random.uniform(ks[4], (N_ETYPES, OUT), minval=-s, maxval=s, dtype=jnp.float32)
    w_ih = jax.random.uniform(ks[5], (3 * OUT, OUT), minval=-s, maxval=s, dtype=jnp.float32)
    w_hh = jax.random.uniform(ks[6], (3 * OUT, OUT), minval=-s, maxval=s, dtype=jnp.float32)
    b_ih = jax.random.uniform(ks[7], (3 * OUT,), minval=-s, maxval=s, dtype=jnp.float32)
    b_hh = jax.random.uniform(ks[8], (3 * OUT,), minval=-s, maxval=s, dtype=jnp.float32)
    so = 1.0 / np.sqrt(OUT + ANN)
    w_out = jax.random.uniform(ks[9], (OUT + ANN, 1), minval=-so, maxval=so, dtype=jnp.float32)
    b_out = jax.random.uniform(ks[10], (1,), minval=-so, maxval=so, dtype=jnp.float32)
    return {"annotation": annotation, "edge_index": edge_index, "etypes": etypes,
            "W_e": W_e, "b_e": b_e, "w_ih": w_ih, "w_hh": w_hh,
            "b_ih": b_ih, "b_hh": b_hh, "w_out": w_out, "b_out": b_out}

def reference(annotation, edge_index, etypes, W_e, b_e, w_ih, w_hh, b_ih, b_hh, w_out, b_out):
    N = annotation.shape[0]
    # zero-pad annotation to out_feats (h1)
    h = jnp.concatenate([annotation, jnp.zeros((N, OUT - ANN), dtype=annotation.dtype)], axis=-1)
    src = edge_index[0]
    dst = edge_index[1]
    for _ in range(N_STEPS):
        # per-etype linear on all nodes: [n_etypes, N, out]
        transformed = jnp.einsum('nd,tod->tno', h, W_e) + b_e[:, None, :]
        # gather per-edge message by (etype, src)
        msg = transformed[etypes, src]  # [E, out]
        # scatter-add to dst nodes
        a = jax.ops.segment_sum(msg, dst, num_segments=N)
        # GRUCell (PyTorch gate order: r, z, n)
        gi = a @ w_ih.T + b_ih
        gh = h @ w_hh.T + b_hh
        i_r, i_z, i_n = jnp.split(gi, 3, axis=-1)
        h_r, h_z, h_n = jnp.split(gh, 3, axis=-1)
        r = jax.nn.sigmoid(i_r + h_r)
        z = jax.nn.sigmoid(i_z + h_z)
        n = jnp.tanh(i_n + r * h_n)
        h = (1.0 - z) * n + z * h
    logits = (jnp.concatenate([h, annotation], axis=-1) @ w_out + b_out).squeeze(-1)
    pred = jnp.argmax(logits)
    return logits, pred

if __name__ == "__main__":
    import jax
    _d = setup_inputs()
    print(jax.jit(kernel)(*tuple(_d.values())))

</pallas_src>

<mosaic_0001>
#map = affine_map<(d0, d1) -> (0, 0)>
#map1 = affine_map<(d0, d1) -> (0, 0, 0)>
module attributes {stable_mosaic.version = 14 : i64} {
  func.func @k(%arg0: i32, %arg1: i32, %arg2: memref<40000x128xf32, #tpu.memory_space<hbm>>, %arg3: memref<2560x2x128xi32, #tpu.memory_space<hbm>>, %arg4: memref<624x128xf32, #tpu.memory_space<hbm>>, %arg5: memref<2x10000x128xf32, #tpu.memory_space<hbm>>, %arg6: memref<4x2x128xi32, #tpu.memory_space<vmem>>, %arg7: memref<4x2x128xi32, #tpu.memory_space<vmem>>, %arg8: memref<128x128xf32, #tpu.memory_space<vmem>>, %arg9: memref<128x128xf32, #tpu.memory_space<vmem>>, %arg10: memref<10008x128xf32, #tpu.memory_space<vmem_shared>>, %arg11: memref<!tpu.dma_semaphore, #tpu.memory_space<semaphore_mem>>, %arg12: memref<!tpu.dma_semaphore, #tpu.memory_space<semaphore_mem>>, %arg13: memref<!tpu.dma_semaphore, #tpu.memory_space<semaphore_mem>>, %arg14: memref<!tpu.dma_semaphore, #tpu.memory_space<semaphore_mem>>, %arg15: memref<!tpu.dma_semaphore, #tpu.memory_space<semaphore_mem>>) attributes {dimension_semantics = [#tpu.dimension_semantics<core_parallel>, #tpu.dimension_semantics<subcore_parallel>], iteration_bounds = array<i64: 2, 16>, scalar_prefetch = 0 : i64, scratch_operands = 10 : i64, tpu.core_type = #tpu.core_type<sc_vector_subcore>, window_params = [{transform_indices = #map}, {transform_indices = #map1}, {transform_indices = #map}, {transform_indices = #map1}]} {
    %mul3A = arith.constant 16 : i32
    %mul3A_0 = arith.muli %arg0, %mul3A : i32
    %add3A = arith.addi %mul3A_0, %arg1 : i32
    %mul3A_1 = arith.constant 80 : i32
    %mul3A_2 = arith.muli %add3A, %mul3A_1 : i32
    %mul3A_3 = arith.constant 624 : i32
    %mul3A_4 = arith.muli %arg1, %mul3A_3 : i32
    %dma_start3A = arith.constant 0 : i32
    %dma_start3A_5 = tpu.memref_slice %arg10[%mul3A_4, %dma_start3A] : memref<10008x128xf32, #tpu.memory_space<vmem_shared>> -> memref<624x128xf32, #tpu.memory_space<vmem_shared>>
    tpu.enqueue_dma source(%arg4 : memref<624x128xf32, #tpu.memory_space<hbm>>) target(%dma_start3A_5 : memref<624x128xf32, #tpu.memory_space<vmem_shared>>) target_semaphore(%arg15 : memref<!tpu.dma_semaphore, #tpu.memory_space<semaphore_mem>>)
    %eq3A = arith.constant 0 : i32
    %eq3A_6 = arith.cmpi eq, %arg1, %eq3A : i32
    %convert_element_type3A = arith.extui %eq3A_6 : i1 to i32
    %cond3A = arith.constant 0 : i32
    %cond3A_7 = arith.cmpi ne, %convert_element_type3A, %cond3A : i32
    scf.if %cond3A_7 {
      %dma_start3A_39 = arith.constant 9984 : i32
      %dma_start3A_40 = arith.constant 0 : i32
      %dma_start3A_41 = tpu.memref_slice %arg10[%dma_start3A_39, %dma_start3A_40] : memref<10008x128xf32, #tpu.memory_space<vmem_shared>> -> memref<16x128xf32, #tpu.memory_space<vmem_shared>>
      %dma_start3A_42 = arith.constant 0 : i32
      %dma_start3A_43 = arith.constant 0 : i32
      %dma_start3A_44 = tpu.memref_slice %arg4[%dma_start3A_42, %dma_start3A_43] : memref<624x128xf32, #tpu.memory_space<hbm>> -> memref<16x128xf32, #tpu.memory_space<hbm>>
      tpu.enqueue_dma source(%dma_start3A_44 : memref<16x128xf32, #tpu.memory_space<hbm>>) target(%dma_start3A_41 : memref<16x128xf32, #tpu.memory_space<vmem_shared>>) target_semaphore(%arg15 : memref<!tpu.dma_semaphore, #tpu.memory_space<semaphore_mem>>)
    } else {
    }
    "tpu.region"() ({
      %run_scoped3A = tpu.sem_alloc : memref<!tpu.dma_semaphore, #tpu.memory_space<semaphore_mem>>
      %dma_start3A_39 = arith.constant 0 : i32
      %dma_start3A_40 = arith.constant 0 : i32
      %dma_start3A_41 = tpu.memref_slice %arg3[%mul3A_2, %dma_start3A_39, %dma_start3A_40] : memref<2560x2x128xi32, #tpu.memory_space<hbm>> -> memref<4x2x128xi32, #tpu.memory_space<hbm>>
      %dma_start3A_42 = arith.constant 0 : i32
      %dma_start3A_43 = arith.constant 0 : i32
      %dma_start3A_44 = tpu.memref_slice %arg3[%mul3A_2, %dma_start3A_42, %dma_start3A_43] : memref<2560x2x128xi32, #tpu.memory_space<hbm>> -> memref<4x2x128xi32, #tpu.memory_space<hbm>>
      tpu.enqueue_dma source(%dma_start3A_44 : memref<4x2x128xi32, #tpu.memory_space<hbm>>) target(%arg6 : memref<4x2x128xi32, #tpu.memory_space<vmem>>) target_semaphore(%run_scoped3A : memref<!tpu.dma_semaphore, #tpu.memory_space<semaphore_mem>>)
      %dma_wait3A_45 = arith.constant 0 : i32
      %dma_wait3A_46 = arith.constant 0 : i32
      %dma_wait3A_47 = tpu.memref_slice %arg3[%mul3A_2, %dma_wait3A_45, %dma_wait3A_46] : memref<2560x2x128xi32, #tpu.memory_space<hbm>> -> memref<4x2x128xi32, #tpu.memory_space<hbm>>
      %dma_wait3A_48 = arith.constant 0 : i32
      %dma_wait3A_49 = arith.constant 0 : i32
      %dma_wait3A_50 = tpu.memref_slice %arg3[%mul3A_2, %dma_wait3A_48, %dma_wait3A_49] : memref<2560x2x128xi32, #tpu.memory_space<hbm>> -> memref<4x2x128xi32, #tpu.memory_space<hbm>>
      tpu.wait_dma2 semaphore(%run_scoped3A : memref<!tpu.dma_semaphore, #tpu.memory_space<semaphore_mem>>) src(%dma_wait3A_50 : memref<4x2x128xi32, #tpu.memory_space<hbm>>) dst(%arg6 : memref<4x2x128xi32, #tpu.memory_space<vmem>>)
      tpu.yield
    }) : () -> ()
    %dma_start3A_8 = arith.constant 0 : i32
    %dma_start3A_9 = arith.constant 0 : i32
    %dma_start3A_10 = arith.constant 0 : i32
    %dma_start3A_11 = tpu.memref_slice %arg6[%dma_start3A_8, %dma_start3A_9, %dma_start3A_10] : memref<4x2x128xi32, #tpu.memory_space<vmem>> -> memref<1x1x128xi32, #tpu.memory_space<vmem>>
    %dma_start3A_12 = tpu.memref_squeeze %dma_start3A_11 : memref<1x1x128xi32, #tpu.memory_space<vmem>> -> memref<128xi32, #tpu.memory_space<vmem>>
    %dma_start3A_13 = arith.constant 0 : i32
    %dma_start3A_14 = arith.constant 0 : i32
    %dma_start3A_15 = tpu.memref_slice %arg2[%dma_start3A_13, %dma_start3A_14] : memref<40000x128xf32, #tpu.memory_space<hbm>> -> memref<40000x128xf32, #tpu.memory_space<hbm>>
    tpu.enqueue_indirect_dma source(%dma_start3A_15 : memref<40000x128xf32, #tpu.memory_space<hbm>>) target(%arg8 : memref<128x128xf32, #tpu.memory_space<vmem>>) offsets(%dma_start3A_12 : memref<128xi32, #tpu.memory_space<vmem>>) semaphore(%arg11 : memref<!tpu.dma_semaphore, #tpu.memory_space<semaphore_mem>>)
    %mul3A_16 = arith.constant 624 : i32
    %mul3A_17 = arith.muli %arg1, %mul3A_16 : i32
    %dma_wait3A = arith.constant 0 : i32
    %dma_wait3A_18 = tpu.memref_slice %arg10[%mul3A_17, %dma_wait3A] : memref<10008x128xf32, #tpu.memory_space<vmem_shared>> -> memref<624x128xf32, #tpu.memory_space<vmem_shared>>
    tpu.wait_dma2 semaphore(%arg15 : memref<!tpu.dma_semaphore, #tpu.memory_space<semaphore_mem>>) src(%arg4 : memref<624x128xf32, #tpu.memory_space<hbm>>) dst(%dma_wait3A_18 : memref<624x128xf32, #tpu.memory_space<vmem_shared>>)
    %eq3A_19 = arith.constant 0 : i32
    %eq3A_20 = arith.cmpi eq, %arg1, %eq3A_19 : i32
    %convert_element_type3A_21 = arith.extui %eq3A_20 : i1 to i32
    %cond3A_22 = arith.constant 0 : i32
    %cond3A_23 = arith.cmpi ne, %convert_element_type3A_21, %cond3A_22 : i32
    scf.if %cond3A_23 {
      %dma_wait3A_39 = arith.constant 9984 : i32
      %dma_wait3A_40 = arith.constant 0 : i32
      %dma_wait3A_41 = tpu.memref_slice %arg10[%dma_wait3A_39, %dma_wait3A_40] : memref<10008x128xf32, #tpu.memory_space<vmem_shared>> -> memref<16x128xf32, #tpu.memory_space<vmem_shared>>
      %dma_wait3A_42 = arith.constant 0 : i32
      %dma_wait3A_43 = arith.constant 0 : i32
      %dma_wait3A_44 = tpu.memref_slice %arg4[%dma_wait3A_42, %dma_wait3A_43] : memref<624x128xf32, #tpu.memory_space<hbm>> -> memref<16x128xf32, #tpu.memory_space<hbm>>
      tpu.wait_dma2 semaphore(%arg15 : memref<!tpu.dma_semaphore, #tpu.memory_space<semaphore_mem>>) src(%dma_wait3A_44 : memref<16x128xf32, #tpu.memory_space<hbm>>) dst(%dma_wait3A_41 : memref<16x128xf32, #tpu.memory_space<vmem_shared>>)
    } else {
    }
    %barrier3A = arith.constant 0 : index
    tpu.barrier barrier_id(%barrier3A)
    %scan3A = arith.constant 0 : i32
    %scan3A_24 = arith.constant 0 : i32
    %scan3A_25 = arith.constant 10 : i32
    %scan3A_26 = arith.addi %scan3A_24, %scan3A_25 : i32
    %scan3A_27 = arith.constant 1 : i32
    scf.for %scan3A_39 = %scan3A_24 to %scan3A_26 step %scan3A_27  : i32 {
      %mul3A_40 = arith.constant 8 : i32
      %mul3A_41 = arith.muli %mul3A_40, %scan3A_39 : i32
      %add3A_42 = arith.addi %mul3A_2, %mul3A_41 : i32
      %eq3A_43 = arith.constant 0 : i32
      %eq3A_44 = arith.cmpi eq, %scan3A_39, %eq3A_43 : i32
      %convert_element_type3A_45 = arith.extui %eq3A_44 : i1 to i32
      %cond3A_46 = arith.constant 0 : i32
      %cond3A_47 = arith.cmpi ne, %convert_element_type3A_45, %cond3A_46 : i32
      scf.if %cond3A_47 {
        %dma_start3A_255 = arith.constant 1 : i32
        %dma_start3A_256 = arith.constant 0 : i32
        %dma_start3A_257 = arith.constant 0 : i32
        %dma_start3A_258 = tpu.memref_slice %arg6[%dma_start3A_255, %dma_start3A_256, %dma_start3A_257] : memref<4x2x128xi32, #tpu.memory_space<vmem>> -> memref<1x1x128xi32, #tpu.memory_space<vmem>>
        %dma_start3A_259 = tpu.memref_squeeze %dma_start3A_258 : memref<1x1x128xi32, #tpu.memory_space<vmem>> -> memref<128xi32, #tpu.memory_space<vmem>>
        %dma_start3A_260 = arith.constant 0 : i32
        %dma_start3A_261 = arith.constant 0 : i32
        %dma_start3A_262 = tpu.memref_slice %arg2[%dma_start3A_260, %dma_start3A_261] : memref<40000x128xf32, #tpu.memory_space<hbm>> -> memref<40000x128xf32, #tpu.memory_space<hbm>>
        tpu.enqueue_indirect_dma source(%dma_start3A_262 : memref<40000x128xf32, #tpu.memory_space<hbm>>) target(%arg9 : memref<128x128xf32, #tpu.memory_space<vmem>>) offsets(%dma_start3A_259 : memref<128xi32, #tpu.memory_space<vmem>>) semaphore(%arg12 : memref<!tpu.dma_semaphore, #tpu.memory_space<semaphore_mem>>)
        %dma_wait3A_263 = arith.constant 0 : i32
        %dma_wait3A_264 = arith.constant 0 : i32
        %dma_wait3A_265 = arith.constant 0 : i32
        %dma_wait3A_266 = tpu.memref_slice %arg6[%dma_wait3A_263, %dma_wait3A_264, %dma_wait3A_265] : memref<4x2x128xi32, #tpu.memory_space<vmem>> -> memref<1x1x128xi32, #tpu.memory_space<vmem>>
        %dma_wait3A_267 = tpu.memref_squeeze %dma_wait3A_266 : memref<1x1x128xi32, #tpu.memory_space<vmem>> -> memref<128xi32, #tpu.memory_space<vmem>>
        %dma_wait3A_268 = arith.constant 0 : i32
        %dma_wait3A_269 = arith.constant 0 : i32
        %dma_wait3A_270 = tpu.memref_slice %arg2[%dma_wait3A_268, %dma_wait3A_269] : memref<40000x128xf32, #tpu.memory_space<hbm>> -> memref<40000x128xf32, #tpu.memory_space<hbm>>
        tpu.wait_indirect_dma semaphore(%arg11 : memref<!tpu.dma_semaphore, #tpu.memory_space<semaphore_mem>>) src(%dma_wait3A_270 : memref<40000x128xf32, #tpu.memory_space<hbm>>) dst(%arg8 : memref<128x128xf32, #tpu.memory_space<vmem>>)
        %dma_start3A_271 = arith.constant 0 : i32
        %dma_start3A_272 = arith.constant 1 : i32
        %dma_start3A_273 = arith.constant 0 : i32
        %dma_start3A_274 = tpu.memref_slice %arg6[%dma_start3A_271, %dma_start3A_272, %dma_start3A_273] : memref<4x2x128xi32, #tpu.memory_space<vmem>> -> memref<1x1x128xi32, #tpu.memory_space<vmem>>
        %dma_start3A_275 = tpu.memref_squeeze %dma_start3A_274 : memref<1x1x128xi32, #tpu.memory_space<vmem>> -> memref<128xi32, #tpu.memory_space<vmem>>
        %dma_start3A_276 = arith.constant 0 : i32
        %dma_start3A_277 = arith.constant 0 : i32
        %dma_start3A_278 = tpu.memref_slice %arg10[%dma_start3A_276, %dma_start3A_277] : memref<10008x128xf32, #tpu.memory_space<vmem_shared>> -> memref<10008x128xf32, #tpu.memory_space<vmem_shared>>
        tpu.enqueue_indirect_dma source(%arg8 : memref<128x128xf32, #tpu.memory_space<vmem>>) target(%dma_start3A_278 : memref<10008x128xf32, #tpu.memory_space<vmem_shared>>) offsets(%dma_start3A_275 : memref<128xi32, #tpu.memory_space<vmem>>) semaphore(%arg13 : memref<!tpu.dma_semaphore, #tpu.memory_space<semaphore_mem>>) {add = true}
      } else {
      }
      %gt3A = arith.constant 0 : i32
      %gt3A_48 = arith.cmpi sgt, %scan3A_39, %gt3A : i32
      %convert_element_type3A_49 = arith.extui %gt3A_48 : i1 to i32
      %cond3A_50 = arith.constant 0 : i32
      %cond3A_51 = arith.cmpi ne, %convert_element_type3A_49, %cond3A_50 : i32
      scf.if %cond3A_51 {
        %dma_wait3A_255 = arith.constant 3 : i32
        %dma_wait3A_256 = arith.constant 1 : i32
        %dma_wait3A_257 = arith.constant 0 : i32
        %dma_wait3A_258 = tpu.memref_slice %arg7[%dma_wait3A_255, %dma_wait3A_256, %dma_wait3A_257] : memref<4x2x128xi32, #tpu.memory_space<vmem>> -> memref<1x1x128xi32, #tpu.memory_space<vmem>>
        %dma_wait3A_259 = tpu.memref_squeeze %dma_wait3A_258 : memref<1x1x128xi32, #tpu.memory_space<vmem>> -> memref<128xi32, #tpu.memory_space<vmem>>
        %dma_wait3A_260 = arith.constant 0 : i32
        %dma_wait3A_261 = arith.constant 0 : i32
        %dma_wait3A_262 = tpu.memref_slice %arg10[%dma_wait3A_260, %dma_wait3A_261] : memref<10008x128xf32, #tpu.memory_space<vmem_shared>> -> memref<10008x128xf32, #tpu.memory_space<vmem_shared>>
        tpu.wait_indirect_dma semaphore(%arg14 : memref<!tpu.dma_semaphore, #tpu.memory_space<semaphore_mem>>) src(%arg9 : memref<128x128xf32, #tpu.memory_space<vmem>>) dst(%dma_wait3A_262 : memref<10008x128xf32, #tpu.memory_space<vmem_shared>>)
        %dma_start3A_263 = arith.constant 1 : i32
        %dma_start3A_264 = arith.constant 0 : i32
        %dma_start3A_265 = arith.constant 0 : i32
        %dma_start3A_266 = tpu.memref_slice %arg6[%dma_start3A_263, %dma_start3A_264, %dma_start3A_265] : memref<4x2x128xi32, #tpu.memory_space<vmem>> -> memref<1x1x128xi32, #tpu.memory_space<vmem>>
        %dma_start3A_267 = tpu.memref_squeeze %dma_start3A_266 : memref<1x1x128xi32, #tpu.memory_space<vmem>> -> memref<128xi32, #tpu.memory_space<vmem>>
        %dma_start3A_268 = arith.constant 0 : i32
        %dma_start3A_269 = arith.constant 0 : i32
        %dma_start3A_270 = tpu.memref_slice %arg2[%dma_start3A_268, %dma_start3A_269] : memref<40000x128xf32, #tpu.memory_space<hbm>> -> memref<40000x128xf32, #tpu.memory_space<hbm>>
        tpu.enqueue_indirect_dma source(%dma_start3A_270 : memref<40000x128xf32, #tpu.memory_space<hbm>>) target(%arg9 : memref<128x128xf32, #tpu.memory_space<vmem>>) offsets(%dma_start3A_267 : memref<128xi32, #tpu.memory_space<vmem>>) semaphore(%arg12 : memref<!tpu.dma_semaphore, #tpu.memory_space<semaphore_mem>>)
        %dma_wait3A_271 = arith.constant 0 : i32
        %dma_wait3A_272 = arith.constant 0 : i32
        %dma_wait3A_273 = arith.constant 0 : i32
        %dma_wait3A_274 = tpu.memref_slice %arg6[%dma_wait3A_271, %dma_wait3A_272, %dma_wait3A_273] : memref<4x2x128xi32, #tpu.memory_space<vmem>> -> memref<1x1x128xi32, #tpu.memory_space<vmem>>
        %dma_wait3A_275 = tpu.memref_squeeze %dma_wait3A_274 : memref<1x1x128xi32, #tpu.memory_space<vmem>> -> memref<128xi32, #tpu.memory_space<vmem>>
        %dma_wait3A_276 = arith.constant 0 : i32
        %dma_wait3A_277 = arith.constant 0 : i32
        %dma_wait3A_278 = tpu.memref_slice %arg2[%dma_wait3A_276, %dma_wait3A_277] : memref<40000x128xf32, #tpu.memory_space<hbm>> -> memref<40000x128xf32, #tpu.memory_space<hbm>>
        tpu.wait_indirect_dma semaphore(%arg11 : memref<!tpu.dma_semaphore, #tpu.memory_space<semaphore_mem>>) src(%dma_wait3A_278 : memref<40000x128xf32, #tpu.memory_space<hbm>>) dst(%arg8 : memref<128x128xf32, #tpu.memory_space<vmem>>)
        %dma_start3A_279 = arith.constant 0 : i32
        %dma_start3A_280 = arith.constant 1 : i32
        %dma_start3A_281 = arith.constant 0 : i32
        %dma_start3A_282 = tpu.memref_slice %arg6[%dma_start3A_279, %dma_start3A_280, %dma_start3A_281] : memref<4x2x128xi32, #tpu.memory_space<vmem>> -> memref<1x1x128xi32, #tpu.memory_space<vmem>>
        %dma_start3A_283 = tpu.memref_squeeze %dma_start3A_282 : memref<1x1x128xi32, #tpu.memory_space<vmem>> -> memref<128xi32, #tpu.memory_space<vmem>>
        %dma_start3A_284 = arith.constant 0 : i32
        %dma_start3A_285 = arith.constant 0 : i32
        %dma_start3A_286 = tpu.memref_slice %arg10[%dma_start3A_284, %dma_start3A_285] : memref<10008x128xf32, #tpu.memory_space<vmem_shared>> -> memref<10008x128xf32, #tpu.memory_space<vmem_shared>>
        tpu.enqueue_indirect_dma source(%arg8 : memref<128x128xf32, #tpu.memory_space<vmem>>) target(%dma_start3A_286 : memref<10008x128xf32, #tpu.memory_space<vmem_shared>>) offsets(%dma_start3A_283 : memref<128xi32, #tpu.memory_space<vmem>>) semaphore(%arg13 : memref<!tpu.dma_semaphore, #tpu.memory_space<semaphore_mem>>) {add = true}
      } else {
      }
      %add3A_52 = arith.constant 4 : i32
      %add3A_53 = arith.addi %add3A_42, %add3A_52 : i32
      "tpu.region"() ({
        %run_scoped3A = tpu.sem_alloc : memref<!tpu.dma_semaphore, #tpu.memory_space<semaphore_mem>>
        %dma_start3A_255 = arith.constant 0 : i32
        %dma_start3A_256 = arith.constant 0 : i32
        %dma_start3A_257 = tpu.memref_slice %arg3[%add3A_53, %dma_start3A_255, %dma_start3A_256] : memref<2560x2x128xi32, #tpu.memory_space<hbm>> -> memref<4x2x128xi32, #tpu.memory_space<hbm>>
        %dma_start3A_258 = arith.constant 0 : i32
        %dma_start3A_259 = arith.constant 0 : i32
        %dma_start3A_260 = tpu.memref_slice %arg3[%add3A_53, %dma_start3A_258, %dma_start3A_259] : memref<2560x2x128xi32, #tpu.memory_space<hbm>> -> memref<4x2x128xi32, #tpu.memory_space<hbm>>
        tpu.enqueue_dma source(%dma_start3A_260 : memref<4x2x128xi32, #tpu.memory_space<hbm>>) target(%arg7 : memref<4x2x128xi32, #tpu.memory_space<vmem>>) target_semaphore(%run_scoped3A : memref<!tpu.dma_semaphore, #tpu.memory_space<semaphore_mem>>)
        %dma_wait3A_261 = arith.constant 0 : i32
        %dma_wait3A_262 = arith.constant 0 : i32
        %dma_wait3A_263 = tpu.memref_slice %arg3[%add3A_53, %dma_wait3A_261, %dma_wait3A_262] : memref<2560x2x128xi32, #tpu.memory_space<hbm>> -> memref<4x2x128xi32, #tpu.memory_space<hbm>>
        %dma_wait3A_264 = arith.constant 0 : i32
        %dma_wait3A_265 = arith.constant 0 : i32
        %dma_wait3A_266 = tpu.memref_slice %arg3[%add3A_53, %dma_wait3A_264, %dma_wait3A_265] : memref<2560x2x128xi32, #tpu.memory_space<hbm>> -> memref<4x2x128xi32, #tpu.memory_space<hbm>>
        tpu.wait_dma2 semaphore(%run_scoped3A : memref<!tpu.dma_semaphore, #tpu.memory_space<semaphore_mem>>) src(%dma_wait3A_266 : memref<4x2x128xi32, #tpu.memory_space<hbm>>) dst(%arg7 : memref<4x2x128xi32, #tpu.memory_space<vmem>>)
        tpu.yield
      }) : () -> ()
      %dma_wait3A_54 = arith.constant 0 : i32
      %dma_wait3A_55 = arith.constant 1 : i32
      %dma_wait3A_56 = arith.constant 0 : i32
      %dma_wait3A_57 = tpu.memref_slice %arg6[%dma_wait3A_54, %dma_wait3A_55, %dma_wait3A_56] : memref<4x2x128xi32, #tpu.memory_space<vmem>> -> memref<1x1x128xi32, #tpu.memory_space<vmem>>
      %dma_wait3A_58 = tpu.memref_squeeze %dma_wait3A_57 : memref<1x1x128xi32, #tpu.memory_space<vmem>> -> memref<128xi32, #tpu.memory_space<vmem>>
      %dma_wait3A_59 = arith.constant 0 : i32
      %dma_wait3A_60 = arith.constant 0 : i32
      %dma_wait3A_61 = tpu.memref_slice %arg10[%dma_wait3A_59, %dma_wait3A_60] : memref<10008x128xf32, #tpu.memory_space<vmem_shared>> -> memref<10008x128xf32, #tpu.memory_space<vmem_shared>>
      tpu.wait_indirect_dma semaphore(%arg13 : memref<!tpu.dma_semaphore, #tpu.memory_space<semaphore_mem>>) src(%arg8 : memref<128x128xf32, #tpu.memory_space<vmem>>) dst(%dma_wait3A_61 : memref<10008x128xf32, #tpu.memory_space<vmem_shared>>)
      %dma_start3A_62 = arith.constant 2 : i32
      %dma_start3A_63 = arith.constant 0 : i32
      %dma_start3A_64 = arith.constant 0 : i32
      %dma_start3A_65 = tpu.memref_slice %arg6[%dma_start3A_62, %dma_start3A_63, %dma_start3A_64] : memref<4x2x128xi32, #tpu.memory_space<vmem>> -> memref<1x1x128xi32, #tpu.memory_space<vmem>>
      %dma_start3A_66 = tpu.memref_squeeze %dma_start3A_65 : memref<1x1x128xi32, #tpu.memory_space<vmem>> -> memref<128xi32, #tpu.memory_space<vmem>>
      %dma_start3A_67 = arith.constant 0 : i32
      %dma_start3A_68 = arith.constant 0 : i32
      %dma_start3A_69 = tpu.memref_slice %arg2[%dma_start3A_67, %dma_start3A_68] : memref<40000x128xf32, #tpu.memory_space<hbm>> -> memref<40000x128xf32, #tpu.memory_space<hbm>>
      tpu.enqueue_indirect_dma source(%dma_start3A_69 : memref<40000x128xf32, #tpu.memory_space<hbm>>) target(%arg8 : memref<128x128xf32, #tpu.memory_space<vmem>>) offsets(%dma_start3A_66 : memref<128xi32, #tpu.memory_space<vmem>>) semaphore(%arg11 : memref<!tpu.dma_semaphore, #tpu.memory_space<semaphore_mem>>)
      %dma_wait3A_70 = arith.constant 1 : i32
      %dma_wait3A_71 = arith.constant 0 : i32
      %dma_wait3A_72 = arith.constant 0 : i32
      %dma_wait3A_73 = tpu.memref_slice %arg6[%dma_wait3A_70, %dma_wait3A_71, %dma_wait3A_72] : memref<4x2x128xi32, #tpu.memory_space<vmem>> -> memref<1x1x128xi32, #tpu.memory_space<vmem>>
      %dma_wait3A_74 = tpu.memref_squeeze %dma_wait3A_73 : memref<1x1x128xi32, #tpu.memory_space<vmem>> -> memref<128xi32, #tpu.memory_space<vmem>>
      %dma_wait3A_75 = arith.constant 0 : i32
      %dma_wait3A_76 = arith.constant 0 : i32
      %dma_wait3A_77 = tpu.memref_slice %arg2[%dma_wait3A_75, %dma_wait3A_76] : memref<40000x128xf32, #tpu.memory_space<hbm>> -> memref<40000x128xf32, #tpu.memory_space<hbm>>
      tpu.wait_indirect_dma semaphore(%arg12 : memref<!tpu.dma_semaphore, #tpu.memory_space<semaphore_mem>>) src(%dma_wait3A_77 : memref<40000x128xf32, #tpu.memory_space<hbm>>) dst(%arg9 : memref<128x128xf32, #tpu.memory_space<vmem>>)
      %dma_start3A_78 = arith.constant 1 : i32
      %dma_start3A_79 = arith.constant 1 : i32
      %dma_start3A_80 = arith.constant 0 : i32
      %dma_start3A_81 = tpu.memref_slice %arg6[%dma_start3A_78, %dma_start3A_79, %dma_start3A_80] : memref<4x2x128xi32, #tpu.memory_space<vmem>> -> memref<1x1x128xi32, #tpu.memory_space<vmem>>
      %dma_start3A_82 = tpu.memref_squeeze %dma_start3A_81 : memref<1x1x128xi32, #tpu.memory_space<vmem>> -> memref<128xi32, #tpu.memory_space<vmem>>
      %dma_start3A_83 = arith.constant 0 : i32
      %dma_start3A_84 = arith.constant 0 : i32
      %dma_start3A_85 = tpu.memref_slice %arg10[%dma_start3A_83, %dma_start3A_84] : memref<10008x128xf32, #tpu.memory_space<vmem_shared>> -> memref<10008x128xf32, #tpu.memory_space<vmem_shared>>
      tpu.enqueue_indirect_dma source(%arg9 : memref<128x128xf32, #tpu.memory_space<vmem>>) target(%dma_start3A_85 : memref<10008x128xf32, #tpu.memory_space<vmem_shared>>) offsets(%dma_start3A_82 : memref<128xi32, #tpu.memory_space<vmem>>) semaphore(%arg14 : memref<!tpu.dma_semaphore, #tpu.memory_space<semaphore_mem>>) {add = true}
      %dma_wait3A_86 = arith.constant 1 : i32
      %dma_wait3A_87 = arith.constant 1 : i32
      %dma_wait3A_88 = arith.constant 0 : i32
      %dma_wait3A_89 = tpu.memref_slice %arg6[%dma_wait3A_86, %dma_wait3A_87, %dma_wait3A_88] : memref<4x2x128xi32, #tpu.memory_space<vmem>> -> memref<1x1x128xi32, #tpu.memory_space<vmem>>
      %dma_wait3A_90 = tpu.memref_squeeze %dma_wait3A_89 : memref<1x1x128xi32, #tpu.memory_space<vmem>> -> memref<128xi32, #tpu.memory_space<vmem>>
      %dma_wait3A_91 = arith.constant 0 : i32
      %dma_wait3A_92 = arith.constant 0 : i32
      %dma_wait3A_93 = tpu.memref_slice %arg10[%dma_wait3A_91, %dma_wait3A_92] : memref<10008x128xf32, #tpu.memory_space<vmem_shared>> -> memref<10008x128xf32, #tpu.memory_space<vmem_shared>>
      tpu.wait_indirect_dma semaphore(%arg14 : memref<!tpu.dma_semaphore, #tpu.memory_space<semaphore_mem>>) src(%arg9 : memref<128x128xf32, #tpu.memory_space<vmem>>) dst(%dma_wait3A_93 : memref<10008x128xf32, #tpu.memory_space<vmem_shared>>)
      %dma_start3A_94 = arith.constant 3 : i32
      %dma_start3A_95 = arith.constant 0 : i32
      %dma_start3A_96 = arith.constant 0 : i32
      %dma_start3A_97 = tpu.memref_slice %arg6[%dma_start3A_94, %dma_start3A_95, %dma_start3A_96] : memref<4x2x128xi32, #tpu.memory_space<vmem>> -> memref<1x1x128xi32, #tpu.memory_space<vmem>>
      %dma_start3A_98 = tpu.memref_squeeze %dma_start3A_97 : memref<1x1x128xi32, #tpu.memory_space<vmem>> -> memref<128xi32, #tpu.memory_space<vmem>>
      %dma_start3A_99 = arith.constant 0 : i32
      %dma_start3A_100 = arith.constant 0 : i32
      %dma_start3A_101 = tpu.memref_slice %arg2[%dma_start3A_99, %dma_start3A_100] : memref<40000x128xf32, #tpu.memory_space<hbm>> -> memref<40000x128xf32, #tpu.memory_space<hbm>>
      tpu.enqueue_indirect_dma source(%dma_start3A_101 : memref<40000x128xf32, #tpu.memory_space<hbm>>) target(%arg9 : memref<128x128xf32, #tpu.memory_space<vmem>>) offsets(%dma_start3A_98 : memref<128xi32, #tpu.memory_space<vmem>>) semaphore(%arg12 : memref<!tpu.dma_semaphore, #tpu.memory_space<semaphore_mem>>)
      %dma_wait3A_102 = arith.constant 2 : i32
      %dma_wait3A_103 = arith.constant 0 : i32
      %dma_wait3A_104 = arith.constant 0 : i32
      %dma_wait3A_105 = tpu.memref_slice %arg6[%dma_wait3A_102, %dma_wait3A_103, %dma_wait3A_104] : memref<4x2x128xi32, #tpu.memory_space<vmem>> -> memref<1x1x128xi32, #tpu.memory_space<vmem>>
      %dma_wait3A_106 = tpu.memref_squeeze %dma_wait3A_105 : memref<1x1x128xi32, #tpu.memory_space<vmem>> -> memref<128xi32, #tpu.memory_space<vmem>>
      %dma_wait3A_107 = arith.constant 0 : i32
      %dma_wait3A_108 = arith.constant 0 : i32
      %dma_wait3A_109 = tpu.memref_slice %arg2[%dma_wait3A_107, %dma_wait3A_108] : memref<40000x128xf32, #tpu.memory_space<hbm>> -> memref<40000x128xf32, #tpu.memory_space<hbm>>
      tpu.wait_indirect_dma semaphore(%arg11 : memref<!tpu.dma_semaphore, #tpu.memory_space<semaphore_mem>>) src(%dma_wait3A_109 : memref<40000x128xf32, #tpu.memory_space<hbm>>) dst(%arg8 : memref<128x128xf32, #tpu.memory_space<vmem>>)
      %dma_start3A_110 = arith.constant 2 : i32
      %dma_start3A_111 = arith.constant 1 : i32
      %dma_start3A_112 = arith.constant 0 : i32
      %dma_start3A_113 = tpu.memref_slice %arg6[%dma_start3A_110, %dma_start3A_111, %dma_start3A_112] : memref<4x2x128xi32, #tpu.memory_space<vmem>> -> memref<1x1x128xi32, #tpu.memory_space<vmem>>
      %dma_start3A_114 = tpu.memref_squeeze %dma_start3A_113 : memref<1x1x128xi32, #tpu.memory_space<vmem>> -> memref<128xi32, #tpu.memory_space<vmem>>
      %dma_start3A_115 = arith.constant 0 : i32
      %dma_start3A_116 = arith.constant 0 : i32
      %dma_start3A_117 = tpu.memref_slice %arg10[%dma_start3A_115, %dma_start3A_116] : memref<10008x128xf32, #tpu.memory_space<vmem_shared>> -> memref<10008x128xf32, #tpu.memory_space<vmem_shared>>
      tpu.enqueue_indirect_dma source(%arg8 : memref<128x128xf32, #tpu.memory_space<vmem>>) target(%dma_start3A_117 : memref<10008x128xf32, #tpu.memory_space<vmem_shared>>) offsets(%dma_start3A_114 : memref<128xi32, #tpu.memory_space<vmem>>) semaphore(%arg13 : memref<!tpu.dma_semaphore, #tpu.memory_space<semaphore_mem>>) {add = true}
      %dma_wait3A_118 = arith.constant 2 : i32
      %dma_wait3A_119 = arith.constant 1 : i32
      %dma_wait3A_120 = arith.constant 0 : i32
      %dma_wait3A_121 = tpu.memref_slice %arg6[%dma_wait3A_118, %dma_wait3A_119, %dma_wait3A_120] : memref<4x2x128xi32, #tpu.memory_space<vmem>> -> memref<1x1x128xi32, #tpu.memory_space<vmem>>
      %dma_wait3A_122 = tpu.memref_squeeze %dma_wait3A_121 : memref<1x1x128xi32, #tpu.memory_space<vmem>> -> memref<128xi32, #tpu.memory_space<vmem>>
      %dma_wait3A_123 = arith.constant 0 : i32
      %dma_wait3A_124 = arith.constant 0 : i32
      %dma_wait3A_125 = tpu.memref_slice %arg10[%dma_wait3A_123, %dma_wait3A_124] : memref<10008x128xf32, #tpu.memory_space<vmem_shared>> -> memref<10008x128xf32, #tpu.memory_space<vmem_shared>>
      tpu.wait_indirect_dma semaphore(%arg13 : memref<!tpu.dma_semaphore, #tpu.memory_space<semaphore_mem>>) src(%arg8 : memref<128x128xf32, #tpu.memory_space<vmem>>) dst(%dma_wait3A_125 : memref<10008x128xf32, #tpu.memory_space<vmem_shared>>)
      %dma_start3A_126 = arith.constant 0 : i32
      %dma_start3A_127 = arith.constant 0 : i32
      %dma_start3A_128 = arith.constant 0 : i32
      %dma_start3A_129 = tpu.memref_slice %arg7[%dma_start3A_126, %dma_start3A_127, %dma_start3A_128] : memref<4x2x128xi32, #tpu.memory_space<vmem>> -> memref<1x1x128xi32, #tpu.memory_space<vmem>>
      %dma_start3A_130 = tpu.memref_squeeze %dma_start3A_129 : memref<1x1x128xi32, #tpu.memory_space<vmem>> -> memref<128xi32, #tpu.memory_space<vmem>>
      %dma_start3A_131 = arith.constant 0 : i32
      %dma_start3A_132 = arith.constant 0 : i32
      %dma_start3A_133 = tpu.memref_slice %arg2[%dma_start3A_131, %dma_start3A_132] : memref<40000x128xf32, #tpu.memory_space<hbm>> -> memref<40000x128xf32, #tpu.memory_space<hbm>>
      tpu.enqueue_indirect_dma source(%dma_start3A_133 : memref<40000x128xf32, #tpu.memory_space<hbm>>) target(%arg8 : memref<128x128xf32, #tpu.memory_space<vmem>>) offsets(%dma_start3A_130 : memref<128xi32, #tpu.memory_space<vmem>>) semaphore(%arg11 : memref<!tpu.dma_semaphore, #tpu.memory_space<semaphore_mem>>)
      %dma_wait3A_134 = arith.constant 3 : i32
      %dma_wait3A_135 = arith.constant 0 : i32
      %dma_wait3A_136 = arith.constant 0 : i32
      %dma_wait3A_137 = tpu.memref_slice %arg6[%dma_wait3A_134, %dma_wait3A_135, %dma_wait3A_136] : memref<4x2x128xi32, #tpu.memory_space<vmem>> -> memref<1x1x128xi32, #tpu.memory_space<vmem>>
      %dma_wait3A_138 = tpu.memref_squeeze %dma_wait3A_137 : memref<1x1x128xi32, #tpu.memory_space<vmem>> -> memref<128xi32, #tpu.memory_space<vmem>>
      %dma_wait3A_139 = arith.constant 0 : i32
      %dma_wait3A_140 = arith.constant 0 : i32
      %dma_wait3A_141 = tpu.memref_slice %arg2[%dma_wait3A_139, %dma_wait3A_140] : memref<40000x128xf32, #tpu.memory_space<hbm>> -> memref<40000x128xf32, #tpu.memory_space<hbm>>
      tpu.wait_indirect_dma semaphore(%arg12 : memref<!tpu.dma_semaphore, #tpu.memory_space<semaphore_mem>>) src(%dma_wait3A_141 : memref<40000x128xf32, #tpu.memory_space<hbm>>) dst(%arg9 : memref<128x128xf32, #tpu.memory_space<vmem>>)
      %dma_start3A_142 = arith.constant 3 : i32
      %dma_start3A_143 = arith.constant 1 : i32
      %dma_start3A_144 = arith.constant 0 : i32
      %dma_start3A_145 = tpu.memref_slice %arg6[%dma_start3A_142, %dma_start3A_143, %dma_start3A_144] : memref<4x2x128xi32, #tpu.memory_space<vmem>> -> memref<1x1x128xi32, #tpu.memory_space<vmem>>
      %dma_start3A_146 = tpu.memref_squeeze %dma_start3A_145 : memref<1x1x128xi32, #tpu.memory_space<vmem>> -> memref<128xi32, #tpu.memory_space<vmem>>
      %dma_start3A_147 = arith.constant 0 : i32
      %dma_start3A_148 = arith.constant 0 : i32
      %dma_start3A_149 = tpu.memref_slice %arg10[%dma_start3A_147, %dma_start3A_148] : memref<10008x128xf32, #tpu.memory_space<vmem_shared>> -> memref<10008x128xf32, #tpu.memory_space<vmem_shared>>
      tpu.enqueue_indirect_dma source(%arg9 : memref<128x128xf32, #tpu.memory_space<vmem>>) target(%dma_start3A_149 : memref<10008x128xf32, #tpu.memory_space<vmem_shared>>) offsets(%dma_start3A_146 : memref<128xi32, #tpu.memory_space<vmem>>) semaphore(%arg14 : memref<!tpu.dma_semaphore, #tpu.memory_space<semaphore_mem>>) {add = true}
      %dma_wait3A_150 = arith.constant 3 : i32
      %dma_wait3A_151 = arith.constant 1 : i32
      %dma_wait3A_152 = arith.constant 0 : i32
      %dma_wait3A_153 = tpu.memref_slice %arg6[%dma_wait3A_150, %dma_wait3A_151, %dma_wait3A_152] : memref<4x2x128xi32, #tpu.memory_space<vmem>> -> memref<1x1x128xi32, #tpu.memory_space<vmem>>
      %dma_wait3A_154 = tpu.memref_squeeze %dma_wait3A_153 : memref<1x1x128xi32, #tpu.memory_space<vmem>> -> memref<128xi32, #tpu.memory_space<vmem>>
      %dma_wait3A_155 = arith.constant 0 : i32
      %dma_wait3A_156 = arith.constant 0 : i32
      %dma_wait3A_157 = tpu.memref_slice %arg10[%dma_wait3A_155, %dma_wait3A_156] : memref<10008x128xf32, #tpu.memory_space<vmem_shared>> -> memref<10008x128xf32, #tpu.memory_space<vmem_shared>>
      tpu.wait_indirect_dma semaphore(%arg14 : memref<!tpu.dma_semaphore, #tpu.memory_space<semaphore_mem>>) src(%arg9 : memref<128x128xf32, #tpu.memory_space<vmem>>) dst(%dma_wait3A_157 : memref<10008x128xf32, #tpu.memory_space<vmem_shared>>)
      %dma_start3A_158 = arith.constant 1 : i32
      %dma_start3A_159 = arith.constant 0 : i32
      %dma_start3A_160 = arith.constant 0 : i32
      %dma_start3A_161 = tpu.memref_slice %arg7[%dma_start3A_158, %dma_start3A_159, %dma_start3A_160] : memref<4x2x128xi32, #tpu.memory_space<vmem>> -> memref<1x1x128xi32, #tpu.memory_space<vmem>>
      %dma_start3A_162 = tpu.memref_squeeze %dma_start3A_161 : memref<1x1x128xi32, #tpu.memory_space<vmem>> -> memref<128xi32, #tpu.memory_space<vmem>>
      %dma_start3A_163 = arith.constant 0 : i32
      %dma_start3A_164 = arith.constant 0 : i32
      %dma_start3A_165 = tpu.memref_slice %arg2[%dma_start3A_163, %dma_start3A_164] : memref<40000x128xf32, #tpu.memory_space<hbm>> -> memref<40000x128xf32, #tpu.memory_space<hbm>>
      tpu.enqueue_indirect_dma source(%dma_start3A_165 : memref<40000x128xf32, #tpu.memory_space<hbm>>) target(%arg9 : memref<128x128xf32, #tpu.memory_space<vmem>>) offsets(%dma_start3A_162 : memref<128xi32, #tpu.memory_space<vmem>>) semaphore(%arg12 : memref<!tpu.dma_semaphore, #tpu.memory_space<semaphore_mem>>)
      %dma_wait3A_166 = arith.constant 0 : i32
      %dma_wait3A_167 = arith.constant 0 : i32
      %dma_wait3A_168 = arith.constant 0 : i32
      %dma_wait3A_169 = tpu.memref_slice %arg7[%dma_wait3A_166, %dma_wait3A_167, %dma_wait3A_168] : memref<4x2x128xi32, #tpu.memory_space<vmem>> -> memref<1x1x128xi32, #tpu.memory_space<vmem>>
      %dma_wait3A_170 = tpu.memref_squeeze %dma_wait3A_169 : memref<1x1x128xi32, #tpu.memory_space<vmem>> -> memref<128xi32, #tpu.memory_space<vmem>>
      %dma_wait3A_171 = arith.constant 0 : i32
      %dma_wait3A_172 = arith.constant 0 : i32
      %dma_wait3A_173 = tpu.memref_slice %arg2[%dma_wait3A_171, %dma_wait3A_172] : memref<40000x128xf32, #tpu.memory_space<hbm>> -> memref<40000x128xf32, #tpu.memory_space<hbm>>
      tpu.wait_indirect_dma semaphore(%arg11 : memref<!tpu.dma_semaphore, #tpu.memory_space<semaphore_mem>>) src(%dma_wait3A_173 : memref<40000x128xf32, #tpu.memory_space<hbm>>) dst(%arg8 : memref<128x128xf32, #tpu.memory_space<vmem>>)
      %dma_start3A_174 = arith.constant 0 : i32
      %dma_start3A_175 = arith.constant 1 : i32
      %dma_start3A_176 = arith.constant 0 : i32
      %dma_start3A_177 = tpu.memref_slice %arg7[%dma_start3A_174, %dma_start3A_175, %dma_start3A_176] : memref<4x2x128xi32, #tpu.memory_space<vmem>> -> memref<1x1x128xi32, #tpu.memory_space<vmem>>
      %dma_start3A_178 = tpu.memref_squeeze %dma_start3A_177 : memref<1x1x128xi32, #tpu.memory_space<vmem>> -> memref<128xi32, #tpu.memory_space<vmem>>
      %dma_start3A_179 = arith.constant 0 : i32
      %dma_start3A_180 = arith.constant 0 : i32
      %dma_start3A_181 = tpu.memref_slice %arg10[%dma_start3A_179, %dma_start3A_180] : memref<10008x128xf32, #tpu.memory_space<vmem_shared>> -> memref<10008x128xf32, #tpu.memory_space<vmem_shared>>
      tpu.enqueue_indirect_dma source(%arg8 : memref<128x128xf32, #tpu.memory_space<vmem>>) target(%dma_start3A_181 : memref<10008x128xf32, #tpu.memory_space<vmem_shared>>) offsets(%dma_start3A_178 : memref<128xi32, #tpu.memory_space<vmem>>) semaphore(%arg13 : memref<!tpu.dma_semaphore, #tpu.memory_space<semaphore_mem>>) {add = true}
      %dma_wait3A_182 = arith.constant 0 : i32
      %dma_wait3A_183 = arith.constant 1 : i32
      %dma_wait3A_184 = arith.constant 0 : i32
      %dma_wait3A_185 = tpu.memref_slice %arg7[%dma_wait3A_182, %dma_wait3A_183, %dma_wait3A_184] : memref<4x2x128xi32, #tpu.memory_space<vmem>> -> memref<1x1x128xi32, #tpu.memory_space<vmem>>
      %dma_wait3A_186 = tpu.memref_squeeze %dma_wait3A_185 : memref<1x1x128xi32, #tpu.memory_space<vmem>> -> memref<128xi32, #tpu.memory_space<vmem>>
      %dma_wait3A_187 = arith.constant 0 : i32
      %dma_wait3A_188 = arith.constant 0 : i32
      %dma_wait3A_189 = tpu.memref_slice %arg10[%dma_wait3A_187, %dma_wait3A_188] : memref<10008x128xf32, #tpu.memory_space<vmem_shared>> -> memref<10008x128xf32, #tpu.memory_space<vmem_shared>>
      tpu.wait_indirect_dma semaphore(%arg13 : memref<!tpu.dma_semaphore, #tpu.memory_space<semaphore_mem>>) src(%arg8 : memref<128x128xf32, #tpu.memory_space<vmem>>) dst(%dma_wait3A_189 : memref<10008x128xf32, #tpu.memory_space<vmem_shared>>)
      %dma_start3A_190 = arith.constant 2 : i32
      %dma_start3A_191 = arith.constant 0 : i32
      %dma_start3A_192 = arith.constant 0 : i32
      %dma_start3A_193 = tpu.memref_slice %arg7[%dma_start3A_190, %dma_start3A_191, %dma_start3A_192] : memref<4x2x128xi32, #tpu.memory_space<vmem>> -> memref<1x1x128xi32, #tpu.memory_space<vmem>>
      %dma_start3A_194 = tpu.memref_squeeze %dma_start3A_193 : memref<1x1x128xi32, #tpu.memory_space<vmem>> -> memref<128xi32, #tpu.memory_space<vmem>>
      %dma_start3A_195 = arith.constant 0 : i32
      %dma_start3A_196 = arith.constant 0 : i32
      %dma_start3A_197 = tpu.memref_slice %arg2[%dma_start3A_195, %dma_start3A_196] : memref<40000x128xf32, #tpu.memory_space<hbm>> -> memref<40000x128xf32, #tpu.memory_space<hbm>>
      tpu.enqueue_indirect_dma source(%dma_start3A_197 : memref<40000x128xf32, #tpu.memory_space<hbm>>) target(%arg8 : memref<128x128xf32, #tpu.memory_space<vmem>>) offsets(%dma_start3A_194 : memref<128xi32, #tpu.memory_space<vmem>>) semaphore(%arg11 : memref<!tpu.dma_semaphore, #tpu.memory_space<semaphore_mem>>)
      %dma_wait3A_198 = arith.constant 1 : i32
      %dma_wait3A_199 = arith.constant 0 : i32
      %dma_wait3A_200 = arith.constant 0 : i32
      %dma_wait3A_201 = tpu.memref_slice %arg7[%dma_wait3A_198, %dma_wait3A_199, %dma_wait3A_200] : memref<4x2x128xi32, #tpu.memory_space<vmem>> -> memref<1x1x128xi32, #tpu.memory_space<vmem>>
      %dma_wait3A_202 = tpu.memref_squeeze %dma_wait3A_201 : memref<1x1x128xi32, #tpu.memory_space<vmem>> -> memref<128xi32, #tpu.memory_space<vmem>>
      %dma_wait3A_203 = arith.constant 0 : i32
      %dma_wait3A_204 = arith.constant 0 : i32
      %dma_wait3A_205 = tpu.memref_slice %arg2[%dma_wait3A_203, %dma_wait3A_204] : memref<40000x128xf32, #tpu.memory_space<hbm>> -> memref<40000x128xf32, #tpu.memory_space<hbm>>
      tpu.wait_indirect_dma semaphore(%arg12 : memref<!tpu.dma_semaphore, #tpu.memory_space<semaphore_mem>>) src(%dma_wait3A_205 : memref<40000x128xf32, #tpu.memory_space<hbm>>) dst(%arg9 : memref<128x128xf32, #tpu.memory_space<vmem>>)
      %dma_start3A_206 = arith.constant 1 : i32
      %dma_start3A_207 = arith.constant 1 : i32
      %dma_start3A_208 = arith.constant 0 : i32
      %dma_start3A_209 = tpu.memref_slice %arg7[%dma_start3A_206, %dma_start3A_207, %dma_start3A_208] : memref<4x2x128xi32, #tpu.memory_space<vmem>> -> memref<1x1x128xi32, #tpu.memory_space<vmem>>
      %dma_start3A_210 = tpu.memref_squeeze %dma_start3A_209 : memref<1x1x128xi32, #tpu.memory_space<vmem>> -> memref<128xi32, #tpu.memory_space<vmem>>
      %dma_start3A_211 = arith.constant 0 : i32
      %dma_start3A_212 = arith.constant 0 : i32
      %dma_start3A_213 = tpu.memref_slice %arg10[%dma_start3A_211, %dma_start3A_212] : memref<10008x128xf32, #tpu.memory_space<vmem_shared>> -> memref<10008x128xf32, #tpu.memory_space<vmem_shared>>
      tpu.enqueue_indirect_dma source(%arg9 : memref<128x128xf32, #tpu.memory_space<vmem>>) target(%dma_start3A_213 : memref<10008x128xf32, #tpu.memory_space<vmem_shared>>) offsets(%dma_start3A_210 : memref<128xi32, #tpu.memory_space<vmem>>) semaphore(%arg14 : memref<!tpu.dma_semaphore, #tpu.memory_space<semaphore_mem>>) {add = true}
      %dma_wait3A_214 = arith.constant 1 : i32
      %dma_wait3A_215 = arith.constant 1 : i32
      %dma_wait3A_216 = arith.constant 0 : i32
      %dma_wait3A_217 = tpu.memref_slice %arg7[%dma_wait3A_214, %dma_wait3A_215, %dma_wait3A_216] : memref<4x2x128xi32, #tpu.memory_space<vmem>> -> memref<1x1x128xi32, #tpu.memory_space<vmem>>
      %dma_wait3A_218 = tpu.memref_squeeze %dma_wait3A_217 : memref<1x1x128xi32, #tpu.memory_space<vmem>> -> memref<128xi32, #tpu.memory_space<vmem>>
      %dma_wait3A_219 = arith.constant 0 : i32
      %dma_wait3A_220 = arith.constant 0 : i32
      %dma_wait3A_221 = tpu.memref_slice %arg10[%dma_wait3A_219, %dma_wait3A_220] : memref<10008x128xf32, #tpu.memory_space<vmem_shared>> -> memref<10008x128xf32, #tpu.memory_space<vmem_shared>>
      tpu.wait_indirect_dma semaphore(%arg14 : memref<!tpu.dma_semaphore, #tpu.memory_space<semaphore_mem>>) src(%arg9 : memref<128x128xf32, #tpu.memory_space<vmem>>) dst(%dma_wait3A_221 : memref<10008x128xf32, #tpu.memory_space<vmem_shared>>)
      %dma_start3A_222 = arith.constant 3 : i32
      %dma_start3A_223 = arith.constant 0 : i32
      %dma_start3A_224 = arith.constant 0 : i32
      %dma_start3A_225 = tpu.memref_slice %arg7[%dma_start3A_222, %dma_start3A_223, %dma_start3A_224] : memref<4x2x128xi32, #tpu.memory_space<vmem>> -> memref<1x1x128xi32, #tpu.memory_space<vmem>>
      %dma_start3A_226 = tpu.memref_squeeze %dma_start3A_225 : memref<1x1x128xi32, #tpu.memory_space<vmem>> -> memref<128xi32, #tpu.memory_space<vmem>>
      %dma_start3A_227 = arith.constant 0 : i32
      %dma_start3A_228 = arith.constant 0 : i32
      %dma_start3A_229 = tpu.memref_slice %arg2[%dma_start3A_227, %dma_start3A_228] : memref<40000x128xf32, #tpu.memory_space<hbm>> -> memref<40000x128xf32, #tpu.memory_space<hbm>>
      tpu.enqueue_indirect_dma source(%dma_start3A_229 : memref<40000x128xf32, #tpu.memory_space<hbm>>) target(%arg9 : memref<128x128xf32, #tpu.memory_space<vmem>>) offsets(%dma_start3A_226 : memref<128xi32, #tpu.memory_space<vmem>>) semaphore(%arg12 : memref<!tpu.dma_semaphore, #tpu.memory_space<semaphore_mem>>)
      %dma_wait3A_230 = arith.constant 2 : i32
      %dma_wait3A_231 = arith.constant 0 : i32
      %dma_wait3A_232 = arith.constant 0 : i32
      %dma_wait3A_233 = tpu.memref_slice %arg7[%dma_wait3A_230, %dma_wait3A_231, %dma_wait3A_232] : memref<4x2x128xi32, #tpu.memory_space<vmem>> -> memref<1x1x128xi32, #tpu.memory_space<vmem>>
      %dma_wait3A_234 = tpu.memref_squeeze %dma_wait3A_233 : memref<1x1x128xi32, #tpu.memory_space<vmem>> -> memref<128xi32, #tpu.memory_space<vmem>>
      %dma_wait3A_235 = arith.constant 0 : i32
      %dma_wait3A_236 = arith.constant 0 : i32
      %dma_wait3A_237 = tpu.memref_slice %arg2[%dma_wait3A_235, %dma_wait3A_236] : memref<40000x128xf32, #tpu.memory_space<hbm>> -> memref<40000x128xf32, #tpu.memory_space<hbm>>
      tpu.wait_indirect_dma semaphore(%arg11 : memref<!tpu.dma_semaphore, #tpu.memory_space<semaphore_mem>>) src(%dma_wait3A_237 : memref<40000x128xf32, #tpu.memory_space<hbm>>) dst(%arg8 : memref<128x128xf32, #tpu.memory_space<vmem>>)
      %dma_start3A_238 = arith.constant 2 : i32
      %dma_start3A_239 = arith.constant 1 : i32
      %dma_start3A_240 = arith.constant 0 : i32
      %dma_start3A_241 = tpu.memref_slice %arg7[%dma_start3A_238, %dma_start3A_239, %dma_start3A_240] : memref<4x2x128xi32, #tpu.memory_space<vmem>> -> memref<1x1x128xi32, #tpu.memory_space<vmem>>
      %dma_start3A_242 = tpu.memref_squeeze %dma_start3A_241 : memref<1x1x128xi32, #tpu.memory_space<vmem>> -> memref<128xi32, #tpu.memory_space<vmem>>
      %dma_start3A_243 = arith.constant 0 : i32
      %dma_start3A_244 = arith.constant 0 : i32
      %dma_start3A_245 = tpu.memref_slice %arg10[%dma_start3A_243, %dma_start3A_244] : memref<10008x128xf32, #tpu.memory_space<vmem_shared>> -> memref<10008x128xf32, #tpu.memory_space<vmem_shared>>
      tpu.enqueue_indirect_dma source(%arg8 : memref<128x128xf32, #tpu.memory_space<vmem>>) target(%dma_start3A_245 : memref<10008x128xf32, #tpu.memory_space<vmem_shared>>) offsets(%dma_start3A_242 : memref<128xi32, #tpu.memory_space<vmem>>) semaphore(%arg13 : memref<!tpu.dma_semaphore, #tpu.memory_space<semaphore_mem>>) {add = true}
      %lt3A = arith.constant 9 : i32
      %lt3A_246 = arith.cmpi slt, %scan3A_39, %lt3A : i32
      %convert_element_type3A_247 = arith.extui %lt3A_246 : i1 to i32
      %cond3A_248 = arith.constant 0 : i32
      %cond3A_249 = arith.cmpi ne, %convert_element_type3A_247, %cond3A_248 : i32
      scf.if %cond3A_249 {
        %add3A_255 = arith.constant 8 : i32
        %add3A_256 = arith.addi %add3A_42, %add3A_255 : i32
        "tpu.region"() ({
          %run_scoped3A = tpu.sem_alloc : memref<!tpu.dma_semaphore, #tpu.memory_space<semaphore_mem>>
          %dma_start3A_289 = arith.constant 0 : i32
          %dma_start3A_290 = arith.constant 0 : i32
          %dma_start3A_291 = tpu.memref_slice %arg3[%add3A_256, %dma_start3A_289, %dma_start3A_290] : memref<2560x2x128xi32, #tpu.memory_space<hbm>> -> memref<4x2x128xi32, #tpu.memory_space<hbm>>
          %dma_start3A_292 = arith.constant 0 : i32
          %dma_start3A_293 = arith.constant 0 : i32
          %dma_start3A_294 = tpu.memref_slice %arg3[%add3A_256, %dma_start3A_292, %dma_start3A_293] : memref<2560x2x128xi32, #tpu.memory_space<hbm>> -> memref<4x2x128xi32, #tpu.memory_space<hbm>>
          tpu.enqueue_dma source(%dma_start3A_294 : memref<4x2x128xi32, #tpu.memory_space<hbm>>) target(%arg6 : memref<4x2x128xi32, #tpu.memory_space<vmem>>) target_semaphore(%run_scoped3A : memref<!tpu.dma_semaphore, #tpu.memory_space<semaphore_mem>>)
          %dma_wait3A_295 = arith.constant 0 : i32
          %dma_wait3A_296 = arith.constant 0 : i32
          %dma_wait3A_297 = tpu.memref_slice %arg3[%add3A_256, %dma_wait3A_295, %dma_wait3A_296] : memref<2560x2x128xi32, #tpu.memory_space<hbm>> -> memref<4x2x128xi32, #tpu.memory_space<hbm>>
          %dma_wait3A_298 = arith.constant 0 : i32
          %dma_wait3A_299 = arith.constant 0 : i32
          %dma_wait3A_300 = tpu.memref_slice %arg3[%add3A_256, %dma_wait3A_298, %dma_wait3A_299] : memref<2560x2x128xi32, #tpu.memory_space<hbm>> -> memref<4x2x128xi32, #tpu.memory_space<hbm>>
          tpu.wait_dma2 semaphore(%run_scoped3A : memref<!tpu.dma_semaphore, #tpu.memory_space<semaphore_mem>>) src(%dma_wait3A_300 : memref<4x2x128xi32, #tpu.memory_space<hbm>>) dst(%arg6 : memref<4x2x128xi32, #tpu.memory_space<vmem>>)
          tpu.yield
        }) : () -> ()
        %dma_wait3A_257 = arith.constant 2 : i32
        %dma_wait3A_258 = arith.constant 1 : i32
        %dma_wait3A_259 = arith.constant 0 : i32
        %dma_wait3A_260 = tpu.memref_slice %arg7[%dma_wait3A_257, %dma_wait3A_258, %dma_wait3A_259] : memref<4x2x128xi32, #tpu.memory_space<vmem>> -> memref<1x1x128xi32, #tpu.memory_space<vmem>>
        %dma_wait3A_261 = tpu.memref_squeeze %dma_wait3A_260 : memref<1x1x128xi32, #tpu.memory_space<vmem>> -> memref<128xi32, #tpu.memory_space<vmem>>
        %dma_wait3A_262 = arith.constant 0 : i32
        %dma_wait3A_263 = arith.constant 0 : i32
        %dma_wait3A_264 = tpu.memref_slice %arg10[%dma_wait3A_262, %dma_wait3A_263] : memref<10008x128xf32, #tpu.memory_space<vmem_shared>> -> memref<10008x128xf32, #tpu.memory_space<vmem_shared>>
        tpu.wait_indirect_dma semaphore(%arg13 : memref<!tpu.dma_semaphore, #tpu.memory_space<semaphore_mem>>) src(%arg8 : memref<128x128xf32, #tpu.memory_space<vmem>>) dst(%dma_wait3A_264 : memref<10008x128xf32, #tpu.memory_space<vmem_shared>>)
        %dma_start3A_265 = arith.constant 0 : i32
        %dma_start3A_266 = arith.constant 0 : i32
        %dma_start3A_267 = arith.constant 0 : i32
        %dma_start3A_268 = tpu.memref_slice %arg6[%dma_start3A_265, %dma_start3A_266, %dma_start3A_267] : memref<4x2x128xi32, #tpu.memory_space<vmem>> -> memref<1x1x128xi32, #tpu.memory_space<vmem>>
        %dma_start3A_269 = tpu.memref_squeeze %dma_start3A_268 : memref<1x1x128xi32, #tpu.memory_space<vmem>> -> memref<128xi32, #tpu.memory_space<vmem>>
        %dma_start3A_270 = arith.constant 0 : i32
        %dma_start3A_271 = arith.constant 0 : i32
        %dma_start3A_272 = tpu.memref_slice %arg2[%dma_start3A_270, %dma_start3A_271] : memref<40000x128xf32, #tpu.memory_space<hbm>> -> memref<40000x128xf32, #tpu.memory_space<hbm>>
        tpu.enqueue_indirect_dma source(%dma_start3A_272 : memref<40000x128xf32, #tpu.memory_space<hbm>>) target(%arg8 : memref<128x128xf32, #tpu.memory_space<vmem>>) offsets(%dma_start3A_269 : memref<128xi32, #tpu.memory_space<vmem>>) semaphore(%arg11 : memref<!tpu.dma_semaphore, #tpu.memory_space<semaphore_mem>>)
        %dma_wait3A_273 = arith.constant 3 : i32
        %dma_wait3A_274 = arith.constant 0 : i32
        %dma_wait3A_275 = arith.constant 0 : i32
        %dma_wait3A_276 = tpu.memref_slice %arg7[%dma_wait3A_273, %dma_wait3A_274, %dma_wait3A_275] : memref<4x2x128xi32, #tpu.memory_space<vmem>> -> memref<1x1x128xi32, #tpu.memory_space<vmem>>
        %dma_wait3A_277 = tpu.memref_squeeze %dma_wait3A_276 : memref<1x1x128xi32, #tpu.memory_space<vmem>> -> memref<128xi32, #tpu.memory_space<vmem>>
        %dma_wait3A_278 = arith.constant 0 : i32
        %dma_wait3A_279 = arith.constant 0 : i32
        %dma_wait3A_280 = tpu.memref_slice %arg2[%dma_wait3A_278, %dma_wait3A_279] : memref<40000x128xf32, #tpu.memory_space<hbm>> -> memref<40000x128xf32, #tpu.memory_space<hbm>>
        tpu.wait_indirect_dma semaphore(%arg12 : memref<!tpu.dma_semaphore, #tpu.memory_space<semaphore_mem>>) src(%dma_wait3A_280 : memref<40000x128xf32, #tpu.memory_space<hbm>>) dst(%arg9 : memref<128x128xf32, #tpu.memory_space<vmem>>)
        %dma_start3A_281 = arith.constant 3 : i32
        %dma_start3A_282 = arith.constant 1 : i32
        %dma_start3A_283 = arith.constant 0 : i32
        %dma_start3A_284 = tpu.memref_slice %arg7[%dma_start3A_281, %dma_start3A_282, %dma_start3A_283] : memref<4x2x128xi32, #tpu.memory_space<vmem>> -> memref<1x1x128xi32, #tpu.memory_space<vmem>>
        %dma_start3A_285 = tpu.memref_squeeze %dma_start3A_284 : memref<1x1x128xi32, #tpu.memory_space<vmem>> -> memref<128xi32, #tpu.memory_space<vmem>>
        %dma_start3A_286 = arith.constant 0 : i32
        %dma_start3A_287 = arith.constant 0 : i32
        %dma_start3A_288 = tpu.memref_slice %arg10[%dma_start3A_286, %dma_start3A_287] : memref<10008x128xf32, #tpu.memory_space<vmem_shared>> -> memref<10008x128xf32, #tpu.memory_space<vmem_shared>>
        tpu.enqueue_indirect_dma source(%arg9 : memref<128x128xf32, #tpu.memory_space<vmem>>) target(%dma_start3A_288 : memref<10008x128xf32, #tpu.memory_space<vmem_shared>>) offsets(%dma_start3A_285 : memref<128xi32, #tpu.memory_space<vmem>>) semaphore(%arg14 : memref<!tpu.dma_semaphore, #tpu.memory_space<semaphore_mem>>) {add = true}
      } else {
      }
      %eq3A_250 = arith.constant 9 : i32
      %eq3A_251 = arith.cmpi eq, %scan3A_39, %eq3A_250 : i32
      %convert_element_type3A_252 = arith.extui %eq3A_251 : i1 to i32
      %cond3A_253 = arith.constant 0 : i32
      %cond3A_254 = arith.cmpi ne, %convert_element_type3A_252, %cond3A_253 : i32
      scf.if %cond3A_254 {
        %dma_wait3A_255 = arith.constant 2 : i32
        %dma_wait3A_256 = arith.constant 1 : i32
        %dma_wait3A_257 = arith.constant 0 : i32
        %dma_wait3A_258 = tpu.memref_slice %arg7[%dma_wait3A_255, %dma_wait3A_256, %dma_wait3A_257] : memref<4x2x128xi32, #tpu.memory_space<vmem>> -> memref<1x1x128xi32, #tpu.memory_space<vmem>>
        %dma_wait3A_259 = tpu.memref_squeeze %dma_wait3A_258 : memref<1x1x128xi32, #tpu.memory_space<vmem>> -> memref<128xi32, #tpu.memory_space<vmem>>
        %dma_wait3A_260 = arith.constant 0 : i32
        %dma_wait3A_261 = arith.constant 0 : i32
        %dma_wait3A_262 = tpu.memref_slice %arg10[%dma_wait3A_260, %dma_wait3A_261] : memref<10008x128xf32, #tpu.memory_space<vmem_shared>> -> memref<10008x128xf32, #tpu.memory_space<vmem_shared>>
        tpu.wait_indirect_dma semaphore(%arg13 : memref<!tpu.dma_semaphore, #tpu.memory_space<semaphore_mem>>) src(%arg8 : memref<128x128xf32, #tpu.memory_space<vmem>>) dst(%dma_wait3A_262 : memref<10008x128xf32, #tpu.memory_space<vmem_shared>>)
        %dma_wait3A_263 = arith.constant 3 : i32
        %dma_wait3A_264 = arith.constant 0 : i32
        %dma_wait3A_265 = arith.constant 0 : i32
        %dma_wait3A_266 = tpu.memref_slice %arg7[%dma_wait3A_263, %dma_wait3A_264, %dma_wait3A_265] : memref<4x2x128xi32, #tpu.memory_space<vmem>> -> memref<1x1x128xi32, #tpu.memory_space<vmem>>
        %dma_wait3A_267 = tpu.memref_squeeze %dma_wait3A_266 : memref<1x1x128xi32, #tpu.memory_space<vmem>> -> memref<128xi32, #tpu.memory_space<vmem>>
        %dma_wait3A_268 = arith.constant 0 : i32
        %dma_wait3A_269 = arith.constant 0 : i32
        %dma_wait3A_270 = tpu.memref_slice %arg2[%dma_wait3A_268, %dma_wait3A_269] : memref<40000x128xf32, #tpu.memory_space<hbm>> -> memref<40000x128xf32, #tpu.memory_space<hbm>>
        tpu.wait_indirect_dma semaphore(%arg12 : memref<!tpu.dma_semaphore, #tpu.memory_space<semaphore_mem>>) src(%dma_wait3A_270 : memref<40000x128xf32, #tpu.memory_space<hbm>>) dst(%arg9 : memref<128x128xf32, #tpu.memory_space<vmem>>)
        %dma_start3A_271 = arith.constant 3 : i32
        %dma_start3A_272 = arith.constant 1 : i32
        %dma_start3A_273 = arith.constant 0 : i32
        %dma_start3A_274 = tpu.memref_slice %arg7[%dma_start3A_271, %dma_start3A_272, %dma_start3A_273] : memref<4x2x128xi32, #tpu.memory_space<vmem>> -> memref<1x1x128xi32, #tpu.memory_space<vmem>>
        %dma_start3A_275 = tpu.memref_squeeze %dma_start3A_274 : memref<1x1x128xi32, #tpu.memory_space<vmem>> -> memref<128xi32, #tpu.memory_space<vmem>>
        %dma_start3A_276 = arith.constant 0 : i32
        %dma_start3A_277 = arith.constant 0 : i32
        %dma_start3A_278 = tpu.memref_slice %arg10[%dma_start3A_276, %dma_start3A_277] : memref<10008x128xf32, #tpu.memory_space<vmem_shared>> -> memref<10008x128xf32, #tpu.memory_space<vmem_shared>>
        tpu.enqueue_indirect_dma source(%arg9 : memref<128x128xf32, #tpu.memory_space<vmem>>) target(%dma_start3A_278 : memref<10008x128xf32, #tpu.memory_space<vmem_shared>>) offsets(%dma_start3A_275 : memref<128xi32, #tpu.memory_space<vmem>>) semaphore(%arg14 : memref<!tpu.dma_semaphore, #tpu.memory_space<semaphore_mem>>) {add = true}
        %dma_wait3A_279 = arith.constant 3 : i32
        %dma_wait3A_280 = arith.constant 1 : i32
        %dma_wait3A_281 = arith.constant 0 : i32
        %dma_wait3A_282 = tpu.memref_slice %arg7[%dma_wait3A_279, %dma_wait3A_280, %dma_wait3A_281] : memref<4x2x128xi32, #tpu.memory_space<vmem>> -> memref<1x1x128xi32, #tpu.memory_space<vmem>>
        %dma_wait3A_283 = tpu.memref_squeeze %dma_wait3A_282 : memref<1x1x128xi32, #tpu.memory_space<vmem>> -> memref<128xi32, #tpu.memory_space<vmem>>
        %dma_wait3A_284 = arith.constant 0 : i32
        %dma_wait3A_285 = arith.constant 0 : i32
        %dma_wait3A_286 = tpu.memref_slice %arg10[%dma_wait3A_284, %dma_wait3A_285] : memref<10008x128xf32, #tpu.memory_space<vmem_shared>> -> memref<10008x128xf32, #tpu.memory_space<vmem_shared>>
        tpu.wait_indirect_dma semaphore(%arg14 : memref<!tpu.dma_semaphore, #tpu.memory_space<semaphore_mem>>) src(%arg9 : memref<128x128xf32, #tpu.memory_space<vmem>>) dst(%dma_wait3A_286 : memref<10008x128xf32, #tpu.memory_space<vmem_shared>>)
      } else {
      }
    }
    %scan3A_28 = arith.constant 10 : i32
    %barrier3A_29 = arith.constant 0 : index
    tpu.barrier barrier_id(%barrier3A_29)
    %mul3A_30 = arith.constant 624 : i32
    %mul3A_31 = arith.muli %arg1, %mul3A_30 : i32
    %mul3A_32 = arith.constant 624 : i32
    %mul3A_33 = arith.muli %arg1, %mul3A_32 : i32
    "tpu.region"() ({
      %run_scoped3A = tpu.sem_alloc : memref<!tpu.dma_semaphore, #tpu.memory_space<semaphore_mem>>
      %dma_start3A_39 = arith.constant 0 : i32
      %dma_start3A_40 = arith.constant 0 : i32
      %dma_start3A_41 = tpu.memref_slice %arg5[%arg0, %dma_start3A_39, %dma_start3A_40] : memref<2x10000x128xf32, #tpu.memory_space<hbm>> -> memref<1x10000x128xf32, #tpu.memory_space<hbm>>
      %dma_start3A_42 = tpu.memref_squeeze %dma_start3A_41 : memref<1x10000x128xf32, #tpu.memory_space<hbm>> -> memref<10000x128xf32, #tpu.memory_space<hbm>>
      %dma_start3A_43 = arith.constant 0 : i32
      %dma_start3A_44 = tpu.memref_slice %dma_start3A_42[%mul3A_33, %dma_start3A_43] : memref<10000x128xf32, #tpu.memory_space<hbm>> -> memref<624x128xf32, #tpu.memory_space<hbm>>
      %dma_start3A_45 = arith.constant 0 : i32
      %dma_start3A_46 = tpu.memref_slice %arg10[%mul3A_31, %dma_start3A_45] : memref<10008x128xf32, #tpu.memory_space<vmem_shared>> -> memref<624x128xf32, #tpu.memory_space<vmem_shared>>
      tpu.enqueue_dma source(%dma_start3A_46 : memref<624x128xf32, #tpu.memory_space<vmem_shared>>) target(%dma_start3A_44 : memref<624x128xf32, #tpu.memory_space<hbm>>) target_semaphore(%run_scoped3A : memref<!tpu.dma_semaphore, #tpu.memory_space<semaphore_mem>>)
      %dma_wait3A_47 = arith.constant 0 : i32
      %dma_wait3A_48 = arith.constant 0 : i32
      %dma_wait3A_49 = tpu.memref_slice %arg5[%arg0, %dma_wait3A_47, %dma_wait3A_48] : memref<2x10000x128xf32, #tpu.memory_space<hbm>> -> memref<1x10000x128xf32, #tpu.memory_space<hbm>>
      %dma_wait3A_50 = tpu.memref_squeeze %dma_wait3A_49 : memref<1x10000x128xf32, #tpu.memory_space<hbm>> -> memref<10000x128xf32, #tpu.memory_space<hbm>>
      %dma_wait3A_51 = arith.constant 0 : i32
      %dma_wait3A_52 = tpu.memref_slice %dma_wait3A_50[%mul3A_33, %dma_wait3A_51] : memref<10000x128xf32, #tpu.memory_space<hbm>> -> memref<624x128xf32, #tpu.memory_space<hbm>>
      %dma_wait3A_53 = arith.constant 0 : i32
      %dma_wait3A_54 = tpu.memref_slice %arg10[%mul3A_31, %dma_wait3A_53] : memref<10008x128xf32, #tpu.memory_space<vmem_shared>> -> memref<624x128xf32, #tpu.memory_space<vmem_shared>>
      tpu.wait_dma2 semaphore(%run_scoped3A : memref<!tpu.dma_semaphore, #tpu.memory_space<semaphore_mem>>) src(%dma_wait3A_54 : memref<624x128xf32, #tpu.memory_space<vmem_shared>>) dst(%dma_wait3A_52 : memref<624x128xf32, #tpu.memory_space<hbm>>)
      tpu.yield
    }) : () -> ()
    %eq3A_34 = arith.constant 0 : i32
    %eq3A_35 = arith.cmpi eq, %arg1, %eq3A_34 : i32
    %convert_element_type3A_36 = arith.extui %eq3A_35 : i1 to i32
    %cond3A_37 = arith.constant 0 : i32
    %cond3A_38 = arith.cmpi ne, %convert_element_type3A_36, %cond3A_37 : i32
    scf.if %cond3A_38 {
      "tpu.region"() ({
        %run_scoped3A = tpu.sem_alloc : memref<!tpu.dma_semaphore, #tpu.memory_space<semaphore_mem>>
        %dma_start3A_39 = arith.constant 0 : i32
        %dma_start3A_40 = arith.constant 0 : i32
        %dma_start3A_41 = tpu.memref_slice %arg5[%arg0, %dma_start3A_39, %dma_start3A_40] : memref<2x10000x128xf32, #tpu.memory_space<hbm>> -> memref<1x10000x128xf32, #tpu.memory_space<hbm>>
        %dma_start3A_42 = tpu.memref_squeeze %dma_start3A_41 : memref<1x10000x128xf32, #tpu.memory_space<hbm>> -> memref<10000x128xf32, #tpu.memory_space<hbm>>
        %dma_start3A_43 = arith.constant 9984 : i32
        %dma_start3A_44 = arith.constant 0 : i32
        %dma_start3A_45 = tpu.memref_slice %dma_start3A_42[%dma_start3A_43, %dma_start3A_44] : memref<10000x128xf32, #tpu.memory_space<hbm>> -> memref<16x128xf32, #tpu.memory_space<hbm>>
        %dma_start3A_46 = arith.constant 9984 : i32
        %dma_start3A_47 = arith.constant 0 : i32
        %dma_start3A_48 = tpu.memref_slice %arg10[%dma_start3A_46, %dma_start3A_47] : memref<10008x128xf32, #tpu.memory_space<vmem_shared>> -> memref<16x128xf32, #tpu.memory_space<vmem_shared>>
        tpu.enqueue_dma source(%dma_start3A_48 : memref<16x128xf32, #tpu.memory_space<vmem_shared>>) target(%dma_start3A_45 : memref<16x128xf32, #tpu.memory_space<hbm>>) target_semaphore(%run_scoped3A : memref<!tpu.dma_semaphore, #tpu.memory_space<semaphore_mem>>)
        %dma_wait3A_49 = arith.constant 0 : i32
        %dma_wait3A_50 = arith.constant 0 : i32
        %dma_wait3A_51 = tpu.memref_slice %arg5[%arg0, %dma_wait3A_49, %dma_wait3A_50] : memref<2x10000x128xf32, #tpu.memory_space<hbm>> -> memref<1x10000x128xf32, #tpu.memory_space<hbm>>
        %dma_wait3A_52 = tpu.memref_squeeze %dma_wait3A_51 : memref<1x10000x128xf32, #tpu.memory_space<hbm>> -> memref<10000x128xf32, #tpu.memory_space<hbm>>
        %dma_wait3A_53 = arith.constant 9984 : i32
        %dma_wait3A_54 = arith.constant 0 : i32
        %dma_wait3A_55 = tpu.memref_slice %dma_wait3A_52[%dma_wait3A_53, %dma_wait3A_54] : memref<10000x128xf32, #tpu.memory_space<hbm>> -> memref<16x128xf32, #tpu.memory_space<hbm>>
        %dma_wait3A_56 = arith.constant 9984 : i32
        %dma_wait3A_57 = arith.constant 0 : i32
        %dma_wait3A_58 = tpu.memref_slice %arg10[%dma_wait3A_56, %dma_wait3A_57] : memref<10008x128xf32, #tpu.memory_space<vmem_shared>> -> memref<16x128xf32, #tpu.memory_space<vmem_shared>>
        tpu.wait_dma2 semaphore(%run_scoped3A : memref<!tpu.dma_semaphore, #tpu.memory_space<semaphore_mem>>) src(%dma_wait3A_58 : memref<16x128xf32, #tpu.memory_space<vmem_shared>>) dst(%dma_wait3A_55 : memref<16x128xf32, #tpu.memory_space<hbm>>)
        tpu.yield
      }) : () -> ()
    } else {
    }
    return
  }
}

#map = affine_map<(d0, d1) -> (0, 0)>
#map1 = affine_map<(d0, d1) -> (0, 0, 0)>
module attributes {stable_mosaic.version = 14 : i64} {
  func.func @k(%arg0: i32, %arg1: i32, %arg2: memref<40000x128xf32, #tpu.memory_space<hbm>>, %arg3: memref<2560x2x128xi32, #tpu.memory_space<hbm>>, %arg4: memref<624x128xf32, #tpu.memory_space<hbm>>, %arg5: memref<2x10000x128xf32, #tpu.memory_space<hbm>>, %arg6: memref<4x2x128xi32, #tpu.memory_space<vmem>>, %arg7: memref<4x2x128xi32, #tpu.memory_space<vmem>>, %arg8: memref<128x128xf32, #tpu.memory_space<vmem>>, %arg9: memref<128x128xf32, #tpu.memory_space<vmem>>, %arg10: memref<10008x128xf32, #tpu.memory_space<vmem_shared>>, %arg11: memref<!tpu.dma_semaphore, #tpu.memory_space<semaphore_mem>>, %arg12: memref<!tpu.dma_semaphore, #tpu.memory_space<semaphore_mem>>, %arg13: memref<!tpu.dma_semaphore, #tpu.memory_space<semaphore_mem>>, %arg14: memref<!tpu.dma_semaphore, #tpu.memory_space<semaphore_mem>>, %arg15: memref<!tpu.dma_semaphore, #tpu.memory_space<semaphore_mem>>) attributes {dimension_semantics = [#tpu.dimension_semantics<core_parallel>, #tpu.dimension_semantics<subcore_parallel>], iteration_bounds = array<i64: 2, 16>, scalar_prefetch = 0 : i64, scratch_operands = 10 : i64, tpu.core_type = #tpu.core_type<sc_vector_subcore>, window_params = [{transform_indices = #map}, {transform_indices = #map1}, {transform_indices = #map}, {transform_indices = #map1}]} {
    %mul3A = arith.constant 16 : i32
    %mul3A_0 = arith.muli %arg0, %mul3A : i32
    %add3A = arith.addi %mul3A_0, %arg1 : i32
    %mul3A_1 = arith.constant 80 : i32
    %mul3A_2 = arith.muli %add3A, %mul3A_1 : i32
    %mul3A_3 = arith.constant 624 : i32
    %mul3A_4 = arith.muli %arg1, %mul3A_3 : i32
    %dma_start3A = arith.constant 0 : i32
    %dma_start3A_5 = tpu.memref_slice %arg10[%mul3A_4, %dma_start3A] : memref<10008x128xf32, #tpu.memory_space<vmem_shared>> -> memref<624x128xf32, #tpu.memory_space<vmem_shared>>
    tpu.enqueue_dma source(%arg4 : memref<624x128xf32, #tpu.memory_space<hbm>>) target(%dma_start3A_5 : memref<624x128xf32, #tpu.memory_space<vmem_shared>>) target_semaphore(%arg15 : memref<!tpu.dma_semaphore, #tpu.memory_space<semaphore_mem>>)
    %eq3A = arith.constant 0 : i32
    %eq3A_6 = arith.cmpi eq, %arg1, %eq3A : i32
    %convert_element_type3A = arith.extui %eq3A_6 : i1 to i32
    %cond3A = arith.constant 0 : i32
    %cond3A_7 = arith.cmpi ne, %convert_element_type3A, %cond3A : i32
    scf.if %cond3A_7 {
      %dma_start3A_39 = arith.constant 9984 : i32
      %dma_start3A_40 = arith.constant 0 : i32
      %dma_start3A_41 = tpu.memref_slice %arg10[%dma_start3A_39, %dma_start3A_40] : memref<10008x128xf32, #tpu.memory_space<vmem_shared>> -> memref<16x128xf32, #tpu.memory_space<vmem_shared>>
      %dma_start3A_42 = arith.constant 0 : i32
      %dma_start3A_43 = arith.constant 0 : i32
      %dma_start3A_44 = tpu.memref_slice %arg4[%dma_start3A_42, %dma_start3A_43] : memref<624x128xf32, #tpu.memory_space<hbm>> -> memref<16x128xf32, #tpu.memory_space<hbm>>
      tpu.enqueue_dma source(%dma_start3A_44 : memref<16x128xf32, #tpu.memory_space<hbm>>) target(%dma_start3A_41 : memref<16x128xf32, #tpu.memory_space<vmem_shared>>) target_semaphore(%arg15 : memref<!tpu.dma_semaphore, #tpu.memory_space<semaphore_mem>>)
    } else {
    }
    "tpu.region"() ({
      %run_scoped3A = tpu.sem_alloc : memref<!tpu.dma_semaphore, #tpu.memory_space<semaphore_mem>>
      %dma_start3A_39 = arith.constant 0 : i32
      %dma_start3A_40 = arith.constant 0 : i32
      %dma_start3A_41 = tpu.memref_slice %arg3[%mul3A_2, %dma_start3A_39, %dma_start3A_40] : memref<2560x2x128xi32, #tpu.memory_space<hbm>> -> memref<4x2x128xi32, #tpu.memory_space<hbm>>
      %dma_start3A_42 = arith.constant 0 : i32
      %dma_start3A_43 = arith.constant 0 : i32
      %dma_start3A_44 = tpu.memref_slice %arg3[%mul3A_2, %dma_start3A_42, %dma_start3A_43] : memref<2560x2x128xi32, #tpu.memory_space<hbm>> -> memref<4x2x128xi32, #tpu.memory_space<hbm>>
      tpu.enqueue_dma source(%dma_start3A_44 : memref<4x2x128xi32, #tpu.memory_space<hbm>>) target(%arg6 : memref<4x2x128xi32, #tpu.memory_space<vmem>>) target_semaphore(%run_scoped3A : memref<!tpu.dma_semaphore, #tpu.memory_space<semaphore_mem>>)
      %dma_wait3A_45 = arith.constant 0 : i32
      %dma_wait3A_46 = arith.constant 0 : i32
      %dma_wait3A_47 = tpu.memref_slice %arg3[%mul3A_2, %dma_wait3A_45, %dma_wait3A_46] : memref<2560x2x128xi32, #tpu.memory_space<hbm>> -> memref<4x2x128xi32, #tpu.memory_space<hbm>>
      %dma_wait3A_48 = arith.constant 0 : i32
      %dma_wait3A_49 = arith.constant 0 : i32
      %dma_wait3A_50 = tpu.memref_slice %arg3[%mul3A_2, %dma_wait3A_48, %dma_wait3A_49] : memref<2560x2x128xi32, #tpu.memory_space<hbm>> -> memref<4x2x128xi32, #tpu.memory_space<hbm>>
      tpu.wait_dma2 semaphore(%run_scoped3A : memref<!tpu.dma_semaphore, #tpu.memory_space<semaphore_mem>>) src(%dma_wait3A_50 : memref<4x2x128xi32, #tpu.memory_space<hbm>>) dst(%arg6 : memref<4x2x128xi32, #tpu.memory_space<vmem>>)
      tpu.yield
    }) : () -> ()
    %dma_start3A_8 = arith.constant 0 : i32
    %dma_start3A_9 = arith.constant 0 : i32
    %dma_start3A_10 = arith.constant 0 : i32
    %dma_start3A_11 = tpu.memref_slice %arg6[%dma_start3A_8, %dma_start3A_9, %dma_start3A_10] : memref<4x2x128xi32, #tpu.memory_space<vmem>> -> memref<1x1x128xi32, #tpu.memory_space<vmem>>
    %dma_start3A_12 = tpu.memref_squeeze %dma_start3A_11 : memref<1x1x128xi32, #tpu.memory_space<vmem>> -> memref<128xi32, #tpu.memory_space<vmem>>
    %dma_start3A_13 = arith.constant 0 : i32
    %dma_start3A_14 = arith.constant 0 : i32
    %dma_start3A_15 = tpu.memref_slice %arg2[%dma_start3A_13, %dma_start3A_14] : memref<40000x128xf32, #tpu.memory_space<hbm>> -> memref<40000x128xf32, #tpu.memory_space<hbm>>
    tpu.enqueue_indirect_dma source(%dma_start3A_15 : memref<40000x128xf32, #tpu.memory_space<hbm>>) target(%arg8 : memref<128x128xf32, #tpu.memory_space<vmem>>) offsets(%dma_start3A_12 : memref<128xi32, #tpu.memory_space<vmem>>) semaphore(%arg11 : memref<!tpu.dma_semaphore, #tpu.memory_space<semaphore_mem>>)
    %mul3A_16 = arith.constant 624 : i32
    %mul3A_17 = arith.muli %arg1, %mul3A_16 : i32
    %dma_wait3A = arith.constant 0 : i32
    %dma_wait3A_18 = tpu.memref_slice %arg10[%mul3A_17, %dma_wait3A] : memref<10008x128xf32, #tpu.memory_space<vmem_shared>> -> memref<624x128xf32, #tpu.memory_space<vmem_shared>>
    tpu.wait_dma2 semaphore(%arg15 : memref<!tpu.dma_semaphore, #tpu.memory_space<semaphore_mem>>) src(%arg4 : memref<624x128xf32, #tpu.memory_space<hbm>>) dst(%dma_wait3A_18 : memref<624x128xf32, #tpu.memory_space<vmem_shared>>)
    %eq3A_19 = arith.constant 0 : i32
    %eq3A_20 = arith.cmpi eq, %arg1, %eq3A_19 : i32
    %convert_element_type3A_21 = arith.extui %eq3A_20 : i1 to i32
    %cond3A_22 = arith.constant 0 : i32
    %cond3A_23 = arith.cmpi ne, %convert_element_type3A_21, %cond3A_22 : i32
    scf.if %cond3A_23 {
      %dma_wait3A_39 = arith.constant 9984 : i32
      %dma_wait3A_40 = arith.constant 0 : i32
      %dma_wait3A_41 = tpu.memref_slice %arg10[%dma_wait3A_39, %dma_wait3A_40] : memref<10008x128xf32, #tpu.memory_space<vmem_shared>> -> memref<16x128xf32, #tpu.memory_space<vmem_shared>>
      %dma_wait3A_42 = arith.constant 0 : i32
      %dma_wait3A_43 = arith.constant 0 : i32
      %dma_wait3A_44 = tpu.memref_slice %arg4[%dma_wait3A_42, %dma_wait3A_43] : memref<624x128xf32, #tpu.memory_space<hbm>> -> memref<16x128xf32, #tpu.memory_space<hbm>>
      tpu.wait_dma2 semaphore(%arg15 : memref<!tpu.dma_semaphore, #tpu.memory_space<semaphore_mem>>) src(%dma_wait3A_44 : memref<16x128xf32, #tpu.memory_space<hbm>>) dst(%dma_wait3A_41 : memref<16x128xf32, #tpu.memory_space<vmem_shared>>)
    } else {
    }
    %barrier3A = arith.constant 0 : index
    tpu.barrier barrier_id(%barrier3A)
    %scan3A = arith.constant 0 : i32
    %scan3A_24 = arith.constant 0 : i32
    %scan3A_25 = arith.constant 10 : i32
    %scan3A_26 = arith.addi %scan3A_24, %scan3A_25 : i32
    %scan3A_27 = arith.constant 1 : i32
    scf.for %scan3A_39 = %scan3A_24 to %scan3A_26 step %scan3A_27  : i32 {
      %mul3A_40 = arith.constant 8 : i32
      %mul3A_41 = arith.muli %mul3A_40, %scan3A_39 : i32
      %add3A_42 = arith.addi %mul3A_2, %mul3A_41 : i32
      %eq3A_43 = arith.constant 0 : i32
      %eq3A_44 = arith.cmpi eq, %scan3A_39, %eq3A_43 : i32
      %convert_element_type3A_45 = arith.extui %eq3A_44 : i1 to i32
      %cond3A_46 = arith.constant 0 : i32
      %cond3A_47 = arith.cmpi ne, %convert_element_type3A_45, %cond3A_46 : i32
      scf.if %cond3A_47 {
        %dma_start3A_255 = arith.constant 1 : i32
        %dma_start3A_256 = arith.constant 0 : i32
        %dma_start3A_257 = arith.constant 0 : i32
        %dma_start3A_258 = tpu.memref_slice %arg6[%dma_start3A_255, %dma_start3A_256, %dma_start3A_257] : memref<4x2x128xi32, #tpu.memory_space<vmem>> -> memref<1x1x128xi32, #tpu.memory_space<vmem>>
        %dma_start3A_259 = tpu.memref_squeeze %dma_start3A_258 : memref<1x1x128xi32, #tpu.memory_space<vmem>> -> memref<128xi32, #tpu.memory_space<vmem>>
        %dma_start3A_260 = arith.constant 0 : i32
        %dma_start3A_261 = arith.constant 0 : i32
        %dma_start3A_262 = tpu.memref_slice %arg2[%dma_start3A_260, %dma_start3A_261] : memref<40000x128xf32, #tpu.memory_space<hbm>> -> memref<40000x128xf32, #tpu.memory_space<hbm>>
        tpu.enqueue_indirect_dma source(%dma_start3A_262 : memref<40000x128xf32, #tpu.memory_space<hbm>>) target(%arg9 : memref<128x128xf32, #tpu.memory_space<vmem>>) offsets(%dma_start3A_259 : memref<128xi32, #tpu.memory_space<vmem>>) semaphore(%arg12 : memref<!tpu.dma_semaphore, #tpu.memory_space<semaphore_mem>>)
        %dma_wait3A_263 = arith.constant 0 : i32
        %dma_wait3A_264 = arith.constant 0 : i32
        %dma_wait3A_265 = arith.constant 0 : i32
        %dma_wait3A_266 = tpu.memref_slice %arg6[%dma_wait3A_263, %dma_wait3A_264, %dma_wait3A_265] : memref<4x2x128xi32, #tpu.memory_space<vmem>> -> memref<1x1x128xi32, #tpu.memory_space<vmem>>
        %dma_wait3A_267 = tpu.memref_squeeze %dma_wait3A_266 : memref<1x1x128xi32, #tpu.memory_space<vmem>> -> memref<128xi32, #tpu.memory_space<vmem>>
        %dma_wait3A_268 = arith.constant 0 : i32
        %dma_wait3A_269 = arith.constant 0 : i32
        %dma_wait3A_270 = tpu.memref_slice %arg2[%dma_wait3A_268, %dma_wait3A_269] : memref<40000x128xf32, #tpu.memory_space<hbm>> -> memref<40000x128xf32, #tpu.memory_space<hbm>>
        tpu.wait_indirect_dma semaphore(%arg11 : memref<!tpu.dma_semaphore, #tpu.memory_space<semaphore_mem>>) src(%dma_wait3A_270 : memref<40000x128xf32, #tpu.memory_space<hbm>>) dst(%arg8 : memref<128x128xf32, #tpu.memory_space<vmem>>)
        %dma_start3A_271 = arith.constant 0 : i32
        %dma_start3A_272 = arith.constant 1 : i32
        %dma_start3A_273 = arith.constant 0 : i32
        %dma_start3A_274 = tpu.memref_slice %arg6[%dma_start3A_271, %dma_start3A_272, %dma_start3A_273] : memref<4x2x128xi32, #tpu.memory_space<vmem>> -> memref<1x1x128xi32, #tpu.memory_space<vmem>>
        %dma_start3A_275 = tpu.memref_squeeze %dma_start3A_274 : memref<1x1x128xi32, #tpu.memory_space<vmem>> -> memref<128xi32, #tpu.memory_space<vmem>>
        %dma_start3A_276 = arith.constant 0 : i32
        %dma_start3A_277 = arith.constant 0 : i32
        %dma_start3A_278 = tpu.memref_slice %arg10[%dma_start3A_276, %dma_start3A_277] : memref<10008x128xf32, #tpu.memory_space<vmem_shared>> -> memref<10008x128xf32, #tpu.memory_space<vmem_shared>>
        tpu.enqueue_indirect_dma source(%arg8 : memref<128x128xf32, #tpu.memory_space<vmem>>) target(%dma_start3A_278 : memref<10008x128xf32, #tpu.memory_space<vmem_shared>>) offsets(%dma_start3A_275 : memref<128xi32, #tpu.memory_space<vmem>>) semaphore(%arg13 : memref<!tpu.dma_semaphore, #tpu.memory_space<semaphore_mem>>) {add = true}
      } else {
      }
      %gt3A = arith.constant 0 : i32
      %gt3A_48 = arith.cmpi sgt, %scan3A_39, %gt3A : i32
      %convert_element_type3A_49 = arith.extui %gt3A_48 : i1 to i32
      %cond3A_50 = arith.constant 0 : i32
      %cond3A_51 = arith.cmpi ne, %convert_element_type3A_49, %cond3A_50 : i32
      scf.if %cond3A_51 {
        %dma_wait3A_255 = arith.constant 3 : i32
        %dma_wait3A_256 = arith.constant 1 : i32
        %dma_wait3A_257 = arith.constant 0 : i32
        %dma_wait3A_258 = tpu.memref_slice %arg7[%dma_wait3A_255, %dma_wait3A_256, %dma_wait3A_257] : memref<4x2x128xi32, #tpu.memory_space<vmem>> -> memref<1x1x128xi32, #tpu.memory_space<vmem>>
        %dma_wait3A_259 = tpu.memref_squeeze %dma_wait3A_258 : memref<1x1x128xi32, #tpu.memory_space<vmem>> -> memref<128xi32, #tpu.memory_space<vmem>>
        %dma_wait3A_260 = arith.constant 0 : i32
        %dma_wait3A_261 = arith.constant 0 : i32
        %dma_wait3A_262 = tpu.memref_slice %arg10[%dma_wait3A_260, %dma_wait3A_261] : memref<10008x128xf32, #tpu.memory_space<vmem_shared>> -> memref<10008x128xf32, #tpu.memory_space<vmem_shared>>
        tpu.wait_indirect_dma semaphore(%arg14 : memref<!tpu.dma_semaphore, #tpu.memory_space<semaphore_mem>>) src(%arg9 : memref<128x128xf32, #tpu.memory_space<vmem>>) dst(%dma_wait3A_262 : memref<10008x128xf32, #tpu.memory_space<vmem_shared>>)
        %dma_start3A_263 = arith.constant 1 : i32
        %dma_start3A_264 = arith.constant 0 : i32
        %dma_start3A_265 = arith.constant 0 : i32
        %dma_start3A_266 = tpu.memref_slice %arg6[%dma_start3A_263, %dma_start3A_264, %dma_start3A_265] : memref<4x2x128xi32, #tpu.memory_space<vmem>> -> memref<1x1x128xi32, #tpu.memory_space<vmem>>
        %dma_start3A_267 = tpu.memref_squeeze %dma_start3A_266 : memref<1x1x128xi32, #tpu.memory_space<vmem>> -> memref<128xi32, #tpu.memory_space<vmem>>
        %dma_start3A_268 = arith.constant 0 : i32
        %dma_start3A_269 = arith.constant 0 : i32
        %dma_start3A_270 = tpu.memref_slice %arg2[%dma_start3A_268, %dma_start3A_269] : memref<40000x128xf32, #tpu.memory_space<hbm>> -> memref<40000x128xf32, #tpu.memory_space<hbm>>
        tpu.enqueue_indirect_dma source(%dma_start3A_270 : memref<40000x128xf32, #tpu.memory_space<hbm>>) target(%arg9 : memref<128x128xf32, #tpu.memory_space<vmem>>) offsets(%dma_start3A_267 : memref<128xi32, #tpu.memory_space<vmem>>) semaphore(%arg12 : memref<!tpu.dma_semaphore, #tpu.memory_space<semaphore_mem>>)
        %dma_wait3A_271 = arith.constant 0 : i32
        %dma_wait3A_272 = arith.constant 0 : i32
        %dma_wait3A_273 = arith.constant 0 : i32
        %dma_wait3A_274 = tpu.memref_slice %arg6[%dma_wait3A_271, %dma_wait3A_272, %dma_wait3A_273] : memref<4x2x128xi32, #tpu.memory_space<vmem>> -> memref<1x1x128xi32, #tpu.memory_space<vmem>>
        %dma_wait3A_275 = tpu.memref_squeeze %dma_wait3A_274 : memref<1x1x128xi32, #tpu.memory_space<vmem>> -> memref<128xi32, #tpu.memory_space<vmem>>
        %dma_wait3A_276 = arith.constant 0 : i32
        %dma_wait3A_277 = arith.constant 0 : i32
        %dma_wait3A_278 = tpu.memref_slice %arg2[%dma_wait3A_276, %dma_wait3A_277] : memref<40000x128xf32, #tpu.memory_space<hbm>> -> memref<40000x128xf32, #tpu.memory_space<hbm>>
        tpu.wait_indirect_dma semaphore(%arg11 : memref<!tpu.dma_semaphore, #tpu.memory_space<semaphore_mem>>) src(%dma_wait3A_278 : memref<40000x128xf32, #tpu.memory_space<hbm>>) dst(%arg8 : memref<128x128xf32, #tpu.memory_space<vmem>>)
        %dma_start3A_279 = arith.constant 0 : i32
        %dma_start3A_280 = arith.constant 1 : i32
        %dma_start3A_281 = arith.constant 0 : i32
        %dma_start3A_282 = tpu.memref_slice %arg6[%dma_start3A_279, %dma_start3A_280, %dma_start3A_281] : memref<4x2x128xi32, #tpu.memory_space<vmem>> -> memref<1x1x128xi32, #tpu.memory_space<vmem>>
        %dma_start3A_283 = tpu.memref_squeeze %dma_start3A_282 : memref<1x1x128xi32, #tpu.memory_space<vmem>> -> memref<128xi32, #tpu.memory_space<vmem>>
        %dma_start3A_284 = arith.constant 0 : i32
        %dma_start3A_285 = arith.constant 0 : i32
        %dma_start3A_286 = tpu.memref_slice %arg10[%dma_start3A_284, %dma_start3A_285] : memref<10008x128xf32, #tpu.memory_space<vmem_shared>> -> memref<10008x128xf32, #tpu.memory_space<vmem_shared>>
        tpu.enqueue_indirect_dma source(%arg8 : memref<128x128xf32, #tpu.memory_space<vmem>>) target(%dma_start3A_286 : memref<10008x128xf32, #tpu.memory_space<vmem_shared>>) offsets(%dma_start3A_283 : memref<128xi32, #tpu.memory_space<vmem>>) semaphore(%arg13 : memref<!tpu.dma_semaphore, #tpu.memory_space<semaphore_mem>>) {add = true}
      } else {
      }
      %add3A_52 = arith.constant 4 : i32
      %add3A_53 = arith.addi %add3A_42, %add3A_52 : i32
      "tpu.region"() ({
        %run_scoped3A = tpu.sem_alloc : memref<!tpu.dma_semaphore, #tpu.memory_space<semaphore_mem>>
        %dma_start3A_255 = arith.constant 0 : i32
        %dma_start3A_256 = arith.constant 0 : i32
        %dma_start3A_257 = tpu.memref_slice %arg3[%add3A_53, %dma_start3A_255, %dma_start3A_256] : memref<2560x2x128xi32, #tpu.memory_space<hbm>> -> memref<4x2x128xi32, #tpu.memory_space<hbm>>
        %dma_start3A_258 = arith.constant 0 : i32
        %dma_start3A_259 = arith.constant 0 : i32
        %dma_start3A_260 = tpu.memref_slice %arg3[%add3A_53, %dma_start3A_258, %dma_start3A_259] : memref<2560x2x128xi32, #tpu.memory_space<hbm>> -> memref<4x2x128xi32, #tpu.memory_space<hbm>>
        tpu.enqueue_dma source(%dma_start3A_260 : memref<4x2x128xi32, #tpu.memory_space<hbm>>) target(%arg7 : memref<4x2x128xi32, #tpu.memory_space<vmem>>) target_semaphore(%run_scoped3A : memref<!tpu.dma_semaphore, #tpu.memory_space<semaphore_mem>>)
        %dma_wait3A_261 = arith.constant 0 : i32
        %dma_wait3A_262 = arith.constant 0 : i32
        %dma_wait3A_263 = tpu.memref_slice %arg3[%add3A_53, %dma_wait3A_261, %dma_wait3A_262] : memref<2560x2x128xi32, #tpu.memory_space<hbm>> -> memref<4x2x128xi32, #tpu.memory_space<hbm>>
        %dma_wait3A_264 = arith.constant 0 : i32
        %dma_wait3A_265 = arith.constant 0 : i32
        %dma_wait3A_266 = tpu.memref_slice %arg3[%add3A_53, %dma_wait3A_264, %dma_wait3A_265] : memref<2560x2x128xi32, #tpu.memory_space<hbm>> -> memref<4x2x128xi32, #tpu.memory_space<hbm>>
        tpu.wait_dma2 semaphore(%run_scoped3A : memref<!tpu.dma_semaphore, #tpu.memory_space<semaphore_mem>>) src(%dma_wait3A_266 : memref<4x2x128xi32, #tpu.memory_space<hbm>>) dst(%arg7 : memref<4x2x128xi32, #tpu.memory_space<vmem>>)
        tpu.yield
      }) : () -> ()
      %dma_wait3A_54 = arith.constant 0 : i32
      %dma_wait3A_55 = arith.constant 1 : i32
      %dma_wait3A_56 = arith.constant 0 : i32
      %dma_wait3A_57 = tpu.memref_slice %arg6[%dma_wait3A_54, %dma_wait3A_55, %dma_wait3A_56] : memref<4x2x128xi32, #tpu.memory_space<vmem>> -> memref<1x1x128xi32, #tpu.memory_space<vmem>>
      %dma_wait3A_58 = tpu.memref_squeeze %dma_wait3A_57 : memref<1x1x128xi32, #tpu.memory_space<vmem>> -> memref<128xi32, #tpu.memory_space<vmem>>
      %dma_wait3A_59 = arith.constant 0 : i32
      %dma_wait3A_60 = arith.constant 0 : i32
      %dma_wait3A_61 = tpu.memref_slice %arg10[%dma_wait3A_59, %dma_wait3A_60] : memref<10008x128xf32, #tpu.memory_space<vmem_shared>> -> memref<10008x128xf32, #tpu.memory_space<vmem_shared>>
      tpu.wait_indirect_dma semaphore(%arg13 : memref<!tpu.dma_semaphore, #tpu.memory_space<semaphore_mem>>) src(%arg8 : memref<128x128xf32, #tpu.memory_space<vmem>>) dst(%dma_wait3A_61 : memref<10008x128xf32, #tpu.memory_space<vmem_shared>>)
      %dma_start3A_62 = arith.constant 2 : i32
      %dma_start3A_63 = arith.constant 0 : i32
      %dma_start3A_64 = arith.constant 0 : i32
      %dma_start3A_65 = tpu.memref_slice %arg6[%dma_start3A_62, %dma_start3A_63, %dma_start3A_64] : memref<4x2x128xi32, #tpu.memory_space<vmem>> -> memref<1x1x128xi32, #tpu.memory_space<vmem>>
      %dma_start3A_66 = tpu.memref_squeeze %dma_start3A_65 : memref<1x1x128xi32, #tpu.memory_space<vmem>> -> memref<128xi32, #tpu.memory_space<vmem>>
      %dma_start3A_67 = arith.constant 0 : i32
      %dma_start3A_68 = arith.constant 0 : i32
      %dma_start3A_69 = tpu.memref_slice %arg2[%dma_start3A_67, %dma_start3A_68] : memref<40000x128xf32, #tpu.memory_space<hbm>> -> memref<40000x128xf32, #tpu.memory_space<hbm>>
      tpu.enqueue_indirect_dma source(%dma_start3A_69 : memref<40000x128xf32, #tpu.memory_space<hbm>>) target(%arg8 : memref<128x128xf32, #tpu.memory_space<vmem>>) offsets(%dma_start3A_66 : memref<128xi32, #tpu.memory_space<vmem>>) semaphore(%arg11 : memref<!tpu.dma_semaphore, #tpu.memory_space<semaphore_mem>>)
      %dma_wait3A_70 = arith.constant 1 : i32
      %dma_wait3A_71 = arith.constant 0 : i32
      %dma_wait3A_72 = arith.constant 0 : i32
      %dma_wait3A_73 = tpu.memref_slice %arg6[%dma_wait3A_70, %dma_wait3A_71, %dma_wait3A_72] : memref<4x2x128xi32, #tpu.memory_space<vmem>> -> memref<1x1x128xi32, #tpu.memory_space<vmem>>
      %dma_wait3A_74 = tpu.memref_squeeze %dma_wait3A_73 : memref<1x1x128xi32, #tpu.memory_space<vmem>> -> memref<128xi32, #tpu.memory_space<vmem>>
      %dma_wait3A_75 = arith.constant 0 : i32
      %dma_wait3A_76 = arith.constant 0 : i32
      %dma_wait3A_77 = tpu.memref_slice %arg2[%dma_wait3A_75, %dma_wait3A_76] : memref<40000x128xf32, #tpu.memory_space<hbm>> -> memref<40000x128xf32, #tpu.memory_space<hbm>>
      tpu.wait_indirect_dma semaphore(%arg12 : memref<!tpu.dma_semaphore, #tpu.memory_space<semaphore_mem>>) src(%dma_wait3A_77 : memref<40000x128xf32, #tpu.memory_space<hbm>>) dst(%arg9 : memref<128x128xf32, #tpu.memory_space<vmem>>)
      %dma_start3A_78 = arith.constant 1 : i32
      %dma_start3A_79 = arith.constant 1 : i32
      %dma_start3A_80 = arith.constant 0 : i32
      %dma_start3A_81 = tpu.memref_slice %arg6[%dma_start3A_78, %dma_start3A_79, %dma_start3A_80] : memref<4x2x128xi32, #tpu.memory_space<vmem>> -> memref<1x1x128xi32, #tpu.memory_space<vmem>>
      %dma_start3A_82 = tpu.memref_squeeze %dma_start3A_81 : memref<1x1x128xi32, #tpu.memory_space<vmem>> -> memref<128xi32, #tpu.memory_space<vmem>>
      %dma_start3A_83 = arith.constant 0 : i32
      %dma_start3A_84 = arith.constant 0 : i32
      %dma_start3A_85 = tpu.memref_slice %arg10[%dma_start3A_83, %dma_start3A_84] : memref<10008x128xf32, #tpu.memory_space<vmem_shared>> -> memref<10008x128xf32, #tpu.memory_space<vmem_shared>>
      tpu.enqueue_indirect_dma source(%arg9 : memref<128x128xf32, #tpu.memory_space<vmem>>) target(%dma_start3A_85 : memref<10008x128xf32, #tpu.memory_space<vmem_shared>>) offsets(%dma_start3A_82 : memref<128xi32, #tpu.memory_space<vmem>>) semaphore(%arg14 : memref<!tpu.dma_semaphore, #tpu.memory_space<semaphore_mem>>) {add = true}
      %dma_wait3A_86 = arith.constant 1 : i32
      %dma_wait3A_87 = arith.constant 1 : i32
      %dma_wait3A_88 = arith.constant 0 : i32
      %dma_wait3A_89 = tpu.memref_slice %arg6[%dma_wait3A_86, %dma_wait3A_87, %dma_wait3A_88] : memref<4x2x128xi32, #tpu.memory_space<vmem>> -> memref<1x1x128xi32, #tpu.memory_space<vmem>>
      %dma_wait3A_90 = tpu.memref_squeeze %dma_wait3A_89 : memref<1x1x128xi32, #tpu.memory_space<vmem>> -> memref<128xi32, #tpu.memory_space<vmem>>
      %dma_wait3A_91 = arith.constant 0 : i32
      %dma_wait3A_92 = arith.constant 0 : i32
      %dma_wait3A_93 = tpu.memref_slice %arg10[%dma_wait3A_91, %dma_wait3A_92] : memref<10008x128xf32, #tpu.memory_space<vmem_shared>> -> memref<10008x128xf32, #tpu.memory_space<vmem_shared>>
      tpu.wait_indirect_dma semaphore(%arg14 : memref<!tpu.dma_semaphore, #tpu.memory_space<semaphore_mem>>) src(%arg9 : memref<128x128xf32, #tpu.memory_space<vmem>>) dst(%dma_wait3A_93 : memref<10008x128xf32, #tpu.memory_space<vmem_shared>>)
      %dma_start3A_94 = arith.constant 3 : i32
      %dma_start3A_95 = arith.constant 0 : i32
      %dma_start3A_96 = arith.constant 0 : i32
      %dma_start3A_97 = tpu.memref_slice %arg6[%dma_start3A_94, %dma_start3A_95, %dma_start3A_96] : memref<4x2x128xi32, #tpu.memory_space<vmem>> -> memref<1x1x128xi32, #tpu.memory_space<vmem>>
      %dma_start3A_98 = tpu.memref_squeeze %dma_start3A_97 : memref<1x1x128xi32, #tpu.memory_space<vmem>> -> memref<128xi32, #tpu.memory_space<vmem>>
      %dma_start3A_99 = arith.constant 0 : i32
      %dma_start3A_100 = arith.constant 0 : i32
      %dma_start3A_101 = tpu.memref_slice %arg2[%dma_start3A_99, %dma_start3A_100] : memref<40000x128xf32, #tpu.memory_space<hbm>> -> memref<40000x128xf32, #tpu.memory_space<hbm>>
      tpu.enqueue_indirect_dma source(%dma_start3A_101 : memref<40000x128xf32, #tpu.memory_space<hbm>>) target(%arg9 : memref<128x128xf32, #tpu.memory_space<vmem>>) offsets(%dma_start3A_98 : memref<128xi32, #tpu.memory_space<vmem>>) semaphore(%arg12 : memref<!tpu.dma_semaphore, #tpu.memory_space<semaphore_mem>>)
      %dma_wait3A_102 = arith.constant 2 : i32
      %dma_wait3A_103 = arith.constant 0 : i32
      %dma_wait3A_104 = arith.constant 0 : i32
      %dma_wait3A_105 = tpu.memref_slice %arg6[%dma_wait3A_102, %dma_wait3A_103, %dma_wait3A_104] : memref<4x2x128xi32, #tpu.memory_space<vmem>> -> memref<1x1x128xi32, #tpu.memory_space<vmem>>
      %dma_wait3A_106 = tpu.memref_squeeze %dma_wait3A_105 : memref<1x1x128xi32, #tpu.memory_space<vmem>> -> memref<128xi32, #tpu.memory_space<vmem>>
      %dma_wait3A_107 = arith.constant 0 : i32
      %dma_wait3A_108 = arith.constant 0 : i32
      %dma_wait3A_109 = tpu.memref_slice %arg2[%dma_wait3A_107, %dma_wait3A_108] : memref<40000x128xf32, #tpu.memory_space<hbm>> -> memref<40000x128xf32, #tpu.memory_space<hbm>>
      tpu.wait_indirect_dma semaphore(%arg11 : memref<!tpu.dma_semaphore, #tpu.memory_space<semaphore_mem>>) src(%dma_wait3A_109 : memref<40000x128xf32, #tpu.memory_space<hbm>>) dst(%arg8 : memref<128x128xf32, #tpu.memory_space<vmem>>)
      %dma_start3A_110 = arith.constant 2 : i32
      %dma_start3A_111 = arith.constant 1 : i32
      %dma_start3A_112 = arith.constant 0 : i32
      %dma_start3A_113 = tpu.memref_slice %arg6[%dma_start3A_110, %dma_start3A_111, %dma_start3A_112] : memref<4x2x128xi32, #tpu.memory_space<vmem>> -> memref<1x1x128xi32, #tpu.memory_space<vmem>>
      %dma_start3A_114 = tpu.memref_squeeze %dma_start3A_113 : memref<1x1x128xi32, #tpu.memory_space<vmem>> -> memref<128xi32, #tpu.memory_space<vmem>>
      %dma_start3A_115 = arith.constant 0 : i32
      %dma_start3A_116 = arith.constant 0 : i32
      %dma_start3A_117 = tpu.memref_slice %arg10[%dma_start3A_115, %dma_start3A_116] : memref<10008x128xf32, #tpu.memory_space<vmem_shared>> -> memref<10008x128xf32, #tpu.memory_space<vmem_shared>>
      tpu.enqueue_indirect_dma source(%arg8 : memref<128x128xf32, #tpu.memory_space<vmem>>) target(%dma_start3A_117 : memref<10008x128xf32, #tpu.memory_space<vmem_shared>>) offsets(%dma_start3A_114 : memref<128xi32, #tpu.memory_space<vmem>>) semaphore(%arg13 : memref<!tpu.dma_semaphore, #tpu.memory_space<semaphore_mem>>) {add = true}
      %dma_wait3A_118 = arith.constant 2 : i32
      %dma_wait3A_119 = arith.constant 1 : i32
      %dma_wait3A_120 = arith.constant 0 : i32
      %dma_wait3A_121 = tpu.memref_slice %arg6[%dma_wait3A_118, %dma_wait3A_119, %dma_wait3A_120] : memref<4x2x128xi32, #tpu.memory_space<vmem>> -> memref<1x1x128xi32, #tpu.memory_space<vmem>>
      %dma_wait3A_122 = tpu.memref_squeeze %dma_wait3A_121 : memref<1x1x128xi32, #tpu.memory_space<vmem>> -> memref<128xi32, #tpu.memory_space<vmem>>
      %dma_wait3A_123 = arith.constant 0 : i32
      %dma_wait3A_124 = arith.constant 0 : i32
      %dma_wait3A_125 = tpu.memref_slice %arg10[%dma_wait3A_123, %dma_wait3A_124] : memref<10008x128xf32, #tpu.memory_space<vmem_shared>> -> memref<10008x128xf32, #tpu.memory_space<vmem_shared>>
      tpu.wait_indirect_dma semaphore(%arg13 : memref<!tpu.dma_semaphore, #tpu.memory_space<semaphore_mem>>) src(%arg8 : memref<128x128xf32, #tpu.memory_space<vmem>>) dst(%dma_wait3A_125 : memref<10008x128xf32, #tpu.memory_space<vmem_shared>>)
      %dma_start3A_126 = arith.constant 0 : i32
      %dma_start3A_127 = arith.constant 0 : i32
      %dma_start3A_128 = arith.constant 0 : i32
      %dma_start3A_129 = tpu.memref_slice %arg7[%dma_start3A_126, %dma_start3A_127, %dma_start3A_128] : memref<4x2x128xi32, #tpu.memory_space<vmem>> -> memref<1x1x128xi32, #tpu.memory_space<vmem>>
      %dma_start3A_130 = tpu.memref_squeeze %dma_start3A_129 : memref<1x1x128xi32, #tpu.memory_space<vmem>> -> memref<128xi32, #tpu.memory_space<vmem>>
      %dma_start3A_131 = arith.constant 0 : i32
      %dma_start3A_132 = arith.constant 0 : i32
      %dma_start3A_133 = tpu.memref_slice %arg2[%dma_start3A_131, %dma_start3A_132] : memref<40000x128xf32, #tpu.memory_space<hbm>> -> memref<40000x128xf32, #tpu.memory_space<hbm>>
      tpu.enqueue_indirect_dma source(%dma_start3A_133 : memref<40000x128xf32, #tpu.memory_space<hbm>>) target(%arg8 : memref<128x128xf32, #tpu.memory_space<vmem>>) offsets(%dma_start3A_130 : memref<128xi32, #tpu.memory_space<vmem>>) semaphore(%arg11 : memref<!tpu.dma_semaphore, #tpu.memory_space<semaphore_mem>>)
      %dma_wait3A_134 = arith.constant 3 : i32
      %dma_wait3A_135 = arith.constant 0 : i32
      %dma_wait3A_136 = arith.constant 0 : i32
      %dma_wait3A_137 = tpu.memref_slice %arg6[%dma_wait3A_134, %dma_wait3A_135, %dma_wait3A_136] : memref<4x2x128xi32, #tpu.memory_space<vmem>> -> memref<1x1x128xi32, #tpu.memory_space<vmem>>
      %dma_wait3A_138 = tpu.memref_squeeze %dma_wait3A_137 : memref<1x1x128xi32, #tpu.memory_space<vmem>> -> memref<128xi32, #tpu.memory_space<vmem>>
      %dma_wait3A_139 = arith.constant 0 : i32
      %dma_wait3A_140 = arith.constant 0 : i32
      %dma_wait3A_141 = tpu.memref_slice %arg2[%dma_wait3A_139, %dma_wait3A_140] : memref<40000x128xf32, #tpu.memory_space<hbm>> -> memref<40000x128xf32, #tpu.memory_space<hbm>>
      tpu.wait_indirect_dma semaphore(%arg12 : memref<!tpu.dma_semaphore, #tpu.memory_space<semaphore_mem>>) src(%dma_wait3A_141 : memref<40000x128xf32, #tpu.memory_space<hbm>>) dst(%arg9 : memref<128x128xf32, #tpu.memory_space<vmem>>)
      %dma_start3A_142 = arith.constant 3 : i32
      %dma_start3A_143 = arith.constant 1 : i32
      %dma_start3A_144 = arith.constant 0 : i32
      %dma_start3A_145 = tpu.memref_slice %arg6[%dma_start3A_142, %dma_start3A_143, %dma_start3A_144] : memref<4x2x128xi32, #tpu.memory_space<vmem>> -> memref<1x1x128xi32, #tpu.memory_space<vmem>>
      %dma_start3A_146 = tpu.memref_squeeze %dma_start3A_145 : memref<1x1x128xi32, #tpu.memory_space<vmem>> -> memref<128xi32, #tpu.memory_space<vmem>>
      %dma_start3A_147 = arith.constant 0 : i32
      %dma_start3A_148 = arith.constant 0 : i32
      %dma_start3A_149 = tpu.memref_slice %arg10[%dma_start3A_147, %dma_start3A_148] : memref<10008x128xf32, #tpu.memory_space<vmem_shared>> -> memref<10008x128xf32, #tpu.memory_space<vmem_shared>>
      tpu.enqueue_indirect_dma source(%arg9 : memref<128x128xf32, #tpu.memory_space<vmem>>) target(%dma_start3A_149 : memref<10008x128xf32, #tpu.memory_space<vmem_shared>>) offsets(%dma_start3A_146 : memref<128xi32, #tpu.memory_space<vmem>>) semaphore(%arg14 : memref<!tpu.dma_semaphore, #tpu.memory_space<semaphore_mem>>) {add = true}
      %dma_wait3A_150 = arith.constant 3 : i32
      %dma_wait3A_151 = arith.constant 1 : i32
      %dma_wait3A_152 = arith.constant 0 : i32
      %dma_wait3A_153 = tpu.memref_slice %arg6[%dma_wait3A_150, %dma_wait3A_151, %dma_wait3A_152] : memref<4x2x128xi32, #tpu.memory_space<vmem>> -> memref<1x1x128xi32, #tpu.memory_space<vmem>>
      %dma_wait3A_154 = tpu.memref_squeeze %dma_wait3A_153 : memref<1x1x128xi32, #tpu.memory_space<vmem>> -> memref<128xi32, #tpu.memory_space<vmem>>
      %dma_wait3A_155 = arith.constant 0 : i32
      %dma_wait3A_156 = arith.constant 0 : i32
      %dma_wait3A_157 = tpu.memref_slice %arg10[%dma_wait3A_155, %dma_wait3A_156] : memref<10008x128xf32, #tpu.memory_space<vmem_shared>> -> memref<10008x128xf32, #tpu.memory_space<vmem_shared>>
      tpu.wait_indirect_dma semaphore(%arg14 : memref<!tpu.dma_semaphore, #tpu.memory_space<semaphore_mem>>) src(%arg9 : memref<128x128xf32, #tpu.memory_space<vmem>>) dst(%dma_wait3A_157 : memref<10008x128xf32, #tpu.memory_space<vmem_shared>>)
      %dma_start3A_158 = arith.constant 1 : i32
      %dma_start3A_159 = arith.constant 0 : i32
      %dma_start3A_160 = arith.constant 0 : i32
      %dma_start3A_161 = tpu.memref_slice %arg7[%dma_start3A_158, %dma_start3A_159, %dma_start3A_160] : memref<4x2x128xi32, #tpu.memory_space<vmem>> -> memref<1x1x128xi32, #tpu.memory_space<vmem>>
      %dma_start3A_162 = tpu.memref_squeeze %dma_start3A_161 : memref<1x1x128xi32, #tpu.memory_space<vmem>> -> memref<128xi32, #tpu.memory_space<vmem>>
      %dma_start3A_163 = arith.constant 0 : i32
      %dma_start3A_164 = arith.constant 0 : i32
      %dma_start3A_165 = tpu.memref_slice %arg2[%dma_start3A_163, %dma_start3A_164] : memref<40000x128xf32, #tpu.memory_space<hbm>> -> memref<40000x128xf32, #tpu.memory_space<hbm>>
      tpu.enqueue_indirect_dma source(%dma_start3A_165 : memref<40000x128xf32, #tpu.memory_space<hbm>>) target(%arg9 : memref<128x128xf32, #tpu.memory_space<vmem>>) offsets(%dma_start3A_162 : memref<128xi32, #tpu.memory_space<vmem>>) semaphore(%arg12 : memref<!tpu.dma_semaphore, #tpu.memory_space<semaphore_mem>>)
      %dma_wait3A_166 = arith.constant 0 : i32
      %dma_wait3A_167 = arith.constant 0 : i32
      %dma_wait3A_168 = arith.constant 0 : i32
      %dma_wait3A_169 = tpu.memref_slice %arg7[%dma_wait3A_166, %dma_wait3A_167, %dma_wait3A_168] : memref<4x2x128xi32, #tpu.memory_space<vmem>> -> memref<1x1x128xi32, #tpu.memory_space<vmem>>
      %dma_wait3A_170 = tpu.memref_squeeze %dma_wait3A_169 : memref<1x1x128xi32, #tpu.memory_space<vmem>> -> memref<128xi32, #tpu.memory_space<vmem>>
      %dma_wait3A_171 = arith.constant 0 : i32
      %dma_wait3A_172 = arith.constant 0 : i32
      %dma_wait3A_173 = tpu.memref_slice %arg2[%dma_wait3A_171, %dma_wait3A_172] : memref<40000x128xf32, #tpu.memory_space<hbm>> -> memref<40000x128xf32, #tpu.memory_space<hbm>>
      tpu.wait_indirect_dma semaphore(%arg11 : memref<!tpu.dma_semaphore, #tpu.memory_space<semaphore_mem>>) src(%dma_wait3A_173 : memref<40000x128xf32, #tpu.memory_space<hbm>>) dst(%arg8 : memref<128x128xf32, #tpu.memory_space<vmem>>)
      %dma_start3A_174 = arith.constant 0 : i32
      %dma_start3A_175 = arith.constant 1 : i32
      %dma_start3A_176 = arith.constant 0 : i32
      %dma_start3A_177 = tpu.memref_slice %arg7[%dma_start3A_174, %dma_start3A_175, %dma_start3A_176] : memref<4x2x128xi32, #tpu.memory_space<vmem>> -> memref<1x1x128xi32, #tpu.memory_space<vmem>>
      %dma_start3A_178 = tpu.memref_squeeze %dma_start3A_177 : memref<1x1x128xi32, #tpu.memory_space<vmem>> -> memref<128xi32, #tpu.memory_space<vmem>>
      %dma_start3A_179 = arith.constant 0 : i32
      %dma_start3A_180 = arith.constant 0 : i32
      %dma_start3A_181 = tpu.memref_slice %arg10[%dma_start3A_179, %dma_start3A_180] : memref<10008x128xf32, #tpu.memory_space<vmem_shared>> -> memref<10008x128xf32, #tpu.memory_space<vmem_shared>>
      tpu.enqueue_indirect_dma source(%arg8 : memref<128x128xf32, #tpu.memory_space<vmem>>) target(%dma_start3A_181 : memref<10008x128xf32, #tpu.memory_space<vmem_shared>>) offsets(%dma_start3A_178 : memref<128xi32, #tpu.memory_space<vmem>>) semaphore(%arg13 : memref<!tpu.dma_semaphore, #tpu.memory_space<semaphore_mem>>) {add = true}
      %dma_wait3A_182 = arith.constant 0 : i32
      %dma_wait3A_183 = arith.constant 1 : i32
      %dma_wait3A_184 = arith.constant 0 : i32
      %dma_wait3A_185 = tpu.memref_slice %arg7[%dma_wait3A_182, %dma_wait3A_183, %dma_wait3A_184] : memref<4x2x128xi32, #tpu.memory_space<vmem>> -> memref<1x1x128xi32, #tpu.memory_space<vmem>>
      %dma_wait3A_186 = tpu.memref_squeeze %dma_wait3A_185 : memref<1x1x128xi32, #tpu.memory_space<vmem>> -> memref<128xi32, #tpu.memory_space<vmem>>
      %dma_wait3A_187 = arith.constant 0 : i32
      %dma_wait3A_188 = arith.constant 0 : i32
      %dma_wait3A_189 = tpu.memref_slice %arg10[%dma_wait3A_187, %dma_wait3A_188] : memref<10008x128xf32, #tpu.memory_space<vmem_shared>> -> memref<10008x128xf32, #tpu.memory_space<vmem_shared>>
      tpu.wait_indirect_dma semaphore(%arg13 : memref<!tpu.dma_semaphore, #tpu.memory_space<semaphore_mem>>) src(%arg8 : memref<128x128xf32, #tpu.memory_space<vmem>>) dst(%dma_wait3A_189 : memref<10008x128xf32, #tpu.memory_space<vmem_shared>>)
      %dma_start3A_190 = arith.constant 2 : i32
      %dma_start3A_191 = arith.constant 0 : i32
      %dma_start3A_192 = arith.constant 0 : i32
      %dma_start3A_193 = tpu.memref_slice %arg7[%dma_start3A_190, %dma_start3A_191, %dma_start3A_192] : memref<4x2x128xi32, #tpu.memory_space<vmem>> -> memref<1x1x128xi32, #tpu.memory_space<vmem>>
      %dma_start3A_194 = tpu.memref_squeeze %dma_start3A_193 : memref<1x1x128xi32, #tpu.memory_space<vmem>> -> memref<128xi32, #tpu.memory_space<vmem>>
      %dma_start3A_195 = arith.constant 0 : i32
      %dma_start3A_196 = arith.constant 0 : i32
      %dma_start3A_197 = tpu.memref_slice %arg2[%dma_start3A_195, %dma_start3A_196] : memref<40000x128xf32, #tpu.memory_space<hbm>> -> memref<40000x128xf32, #tpu.memory_space<hbm>>
      tpu.enqueue_indirect_dma source(%dma_start3A_197 : memref<40000x128xf32, #tpu.memory_space<hbm>>) target(%arg8 : memref<128x128xf32, #tpu.memory_space<vmem>>) offsets(%dma_start3A_194 : memref<128xi32, #tpu.memory_space<vmem>>) semaphore(%arg11 : memref<!tpu.dma_semaphore, #tpu.memory_space<semaphore_mem>>)
      %dma_wait3A_198 = arith.constant 1 : i32
      %dma_wait3A_199 = arith.constant 0 : i32
      %dma_wait3A_200 = arith.constant 0 : i32
      %dma_wait3A_201 = tpu.memref_slice %arg7[%dma_wait3A_198, %dma_wait3A_199, %dma_wait3A_200] : memref<4x2x128xi32, #tpu.memory_space<vmem>> -> memref<1x1x128xi32, #tpu.memory_space<vmem>>
      %dma_wait3A_202 = tpu.memref_squeeze %dma_wait3A_201 : memref<1x1x128xi32, #tpu.memory_space<vmem>> -> memref<128xi32, #tpu.memory_space<vmem>>
      %dma_wait3A_203 = arith.constant 0 : i32
      %dma_wait3A_204 = arith.constant 0 : i32
      %dma_wait3A_205 = tpu.memref_slice %arg2[%dma_wait3A_203, %dma_wait3A_204] : memref<40000x128xf32, #tpu.memory_space<hbm>> -> memref<40000x128xf32, #tpu.memory_space<hbm>>
      tpu.wait_indirect_dma semaphore(%arg12 : memref<!tpu.dma_semaphore, #tpu.memory_space<semaphore_mem>>) src(%dma_wait3A_205 : memref<40000x128xf32, #tpu.memory_space<hbm>>) dst(%arg9 : memref<128x128xf32, #tpu.memory_space<vmem>>)
      %dma_start3A_206 = arith.constant 1 : i32
      %dma_start3A_207 = arith.constant 1 : i32
      %dma_start3A_208 = arith.constant 0 : i32
      %dma_start3A_209 = tpu.memref_slice %arg7[%dma_start3A_206, %dma_start3A_207, %dma_start3A_208] : memref<4x2x128xi32, #tpu.memory_space<vmem>> -> memref<1x1x128xi32, #tpu.memory_space<vmem>>
      %dma_start3A_210 = tpu.memref_squeeze %dma_start3A_209 : memref<1x1x128xi32, #tpu.memory_space<vmem>> -> memref<128xi32, #tpu.memory_space<vmem>>
      %dma_start3A_211 = arith.constant 0 : i32
      %dma_start3A_212 = arith.constant 0 : i32
      %dma_start3A_213 = tpu.memref_slice %arg10[%dma_start3A_211, %dma_start3A_212] : memref<10008x128xf32, #tpu.memory_space<vmem_shared>> -> memref<10008x128xf32, #tpu.memory_space<vmem_shared>>
      tpu.enqueue_indirect_dma source(%arg9 : memref<128x128xf32, #tpu.memory_space<vmem>>) target(%dma_start3A_213 : memref<10008x128xf32, #tpu.memory_space<vmem_shared>>) offsets(%dma_start3A_210 : memref<128xi32, #tpu.memory_space<vmem>>) semaphore(%arg14 : memref<!tpu.dma_semaphore, #tpu.memory_space<semaphore_mem>>) {add = true}
      %dma_wait3A_214 = arith.constant 1 : i32
      %dma_wait3A_215 = arith.constant 1 : i32
      %dma_wait3A_216 = arith.constant 0 : i32
      %dma_wait3A_217 = tpu.memref_slice %arg7[%dma_wait3A_214, %dma_wait3A_215, %dma_wait3A_216] : memref<4x2x128xi32, #tpu.memory_space<vmem>> -> memref<1x1x128xi32, #tpu.memory_space<vmem>>
      %dma_wait3A_218 = tpu.memref_squeeze %dma_wait3A_217 : memref<1x1x128xi32, #tpu.memory_space<vmem>> -> memref<128xi32, #tpu.memory_space<vmem>>
      %dma_wait3A_219 = arith.constant 0 : i32
      %dma_wait3A_220 = arith.constant 0 : i32
      %dma_wait3A_221 = tpu.memref_slice %arg10[%dma_wait3A_219, %dma_wait3A_220] : memref<10008x128xf32, #tpu.memory_space<vmem_shared>> -> memref<10008x128xf32, #tpu.memory_space<vmem_shared>>
      tpu.wait_indirect_dma semaphore(%arg14 : memref<!tpu.dma_semaphore, #tpu.memory_space<semaphore_mem>>) src(%arg9 : memref<128x128xf32, #tpu.memory_space<vmem>>) dst(%dma_wait3A_221 : memref<10008x128xf32, #tpu.memory_space<vmem_shared>>)
      %dma_start3A_222 = arith.constant 3 : i32
      %dma_start3A_223 = arith.constant 0 : i32
      %dma_start3A_224 = arith.constant 0 : i32
      %dma_start3A_225 = tpu.memref_slice %arg7[%dma_start3A_222, %dma_start3A_223, %dma_start3A_224] : memref<4x2x128xi32, #tpu.memory_space<vmem>> -> memref<1x1x128xi32, #tpu.memory_space<vmem>>
      %dma_start3A_226 = tpu.memref_squeeze %dma_start3A_225 : memref<1x1x128xi32, #tpu.memory_space<vmem>> -> memref<128xi32, #tpu.memory_space<vmem>>
      %dma_start3A_227 = arith.constant 0 : i32
      %dma_start3A_228 = arith.constant 0 : i32
      %dma_start3A_229 = tpu.memref_slice %arg2[%dma_start3A_227, %dma_start3A_228] : memref<40000x128xf32, #tpu.memory_space<hbm>> -> memref<40000x128xf32, #tpu.memory_space<hbm>>
      tpu.enqueue_indirect_dma source(%dma_start3A_229 : memref<40000x128xf32, #tpu.memory_space<hbm>>) target(%arg9 : memref<128x128xf32, #tpu.memory_space<vmem>>) offsets(%dma_start3A_226 : memref<128xi32, #tpu.memory_space<vmem>>) semaphore(%arg12 : memref<!tpu.dma_semaphore, #tpu.memory_space<semaphore_mem>>)
      %dma_wait3A_230 = arith.constant 2 : i32
      %dma_wait3A_231 = arith.constant 0 : i32
      %dma_wait3A_232 = arith.constant 0 : i32
      %dma_wait3A_233 = tpu.memref_slice %arg7[%dma_wait3A_230, %dma_wait3A_231, %dma_wait3A_232] : memref<4x2x128xi32, #tpu.memory_space<vmem>> -> memref<1x1x128xi32, #tpu.memory_space<vmem>>
      %dma_wait3A_234 = tpu.memref_squeeze %dma_wait3A_233 : memref<1x1x128xi32, #tpu.memory_space<vmem>> -> memref<128xi32, #tpu.memory_space<vmem>>
      %dma_wait3A_235 = arith.constant 0 : i32
      %dma_wait3A_236 = arith.constant 0 : i32
      %dma_wait3A_237 = tpu.memref_slice %arg2[%dma_wait3A_235, %dma_wait3A_236] : memref<40000x128xf32, #tpu.memory_space<hbm>> -> memref<40000x128xf32, #tpu.memory_space<hbm>>
      tpu.wait_indirect_dma semaphore(%arg11 : memref<!tpu.dma_semaphore, #tpu.memory_space<semaphore_mem>>) src(%dma_wait3A_237 : memref<40000x128xf32, #tpu.memory_space<hbm>>) dst(%arg8 : memref<128x128xf32, #tpu.memory_space<vmem>>)
      %dma_start3A_238 = arith.constant 2 : i32
      %dma_start3A_239 = arith.constant 1 : i32
      %dma_start3A_240 = arith.constant 0 : i32
      %dma_start3A_241 = tpu.memref_slice %arg7[%dma_start3A_238, %dma_start3A_239, %dma_start3A_240] : memref<4x2x128xi32, #tpu.memory_space<vmem>> -> memref<1x1x128xi32, #tpu.memory_space<vmem>>
      %dma_start3A_242 = tpu.memref_squeeze %dma_start3A_241 : memref<1x1x128xi32, #tpu.memory_space<vmem>> -> memref<128xi32, #tpu.memory_space<vmem>>
      %dma_start3A_243 = arith.constant 0 : i32
      %dma_start3A_244 = arith.constant 0 : i32
      %dma_start3A_245 = tpu.memref_slice %arg10[%dma_start3A_243, %dma_start3A_244] : memref<10008x128xf32, #tpu.memory_space<vmem_shared>> -> memref<10008x128xf32, #tpu.memory_space<vmem_shared>>
      tpu.enqueue_indirect_dma source(%arg8 : memref<128x128xf32, #tpu.memory_space<vmem>>) target(%dma_start3A_245 : memref<10008x128xf32, #tpu.memory_space<vmem_shared>>) offsets(%dma_start3A_242 : memref<128xi32, #tpu.memory_space<vmem>>) semaphore(%arg13 : memref<!tpu.dma_semaphore, #tpu.memory_space<semaphore_mem>>) {add = true}
      %lt3A = arith.constant 9 : i32
      %lt3A_246 = arith.cmpi slt, %scan3A_39, %lt3A : i32
      %convert_element_type3A_247 = arith.extui %lt3A_246 : i1 to i32
      %cond3A_248 = arith.constant 0 : i32
      %cond3A_249 = arith.cmpi ne, %convert_element_type3A_247, %cond3A_248 : i32
      scf.if %cond3A_249 {
        %add3A_255 = arith.constant 8 : i32
        %add3A_256 = arith.addi %add3A_42, %add3A_255 : i32
        "tpu.region"() ({
          %run_scoped3A = tpu.sem_alloc : memref<!tpu.dma_semaphore, #tpu.memory_space<semaphore_mem>>
          %dma_start3A_289 = arith.constant 0 : i32
          %dma_start3A_290 = arith.constant 0 : i32
          %dma_start3A_291 = tpu.memref_slice %arg3[%add3A_256, %dma_start3A_289, %dma_start3A_290] : memref<2560x2x128xi32, #tpu.memory_space<hbm>> -> memref<4x2x128xi32, #tpu.memory_space<hbm>>
          %dma_start3A_292 = arith.constant 0 : i32
          %dma_start3A_293 = arith.constant 0 : i32
          %dma_start3A_294 = tpu.memref_slice %arg3[%add3A_256, %dma_start3A_292, %dma_start3A_293] : memref<2560x2x128xi32, #tpu.memory_space<hbm>> -> memref<4x2x128xi32, #tpu.memory_space<hbm>>
          tpu.enqueue_dma source(%dma_start3A_294 : memref<4x2x128xi32, #tpu.memory_space<hbm>>) target(%arg6 : memref<4x2x128xi32, #tpu.memory_space<vmem>>) target_semaphore(%run_scoped3A : memref<!tpu.dma_semaphore, #tpu.memory_space<semaphore_mem>>)
          %dma_wait3A_295 = arith.constant 0 : i32
          %dma_wait3A_296 = arith.constant 0 : i32
          %dma_wait3A_297 = tpu.memref_slice %arg3[%add3A_256, %dma_wait3A_295, %dma_wait3A_296] : memref<2560x2x128xi32, #tpu.memory_space<hbm>> -> memref<4x2x128xi32, #tpu.memory_space<hbm>>
          %dma_wait3A_298 = arith.constant 0 : i32
          %dma_wait3A_299 = arith.constant 0 : i32
          %dma_wait3A_300 = tpu.memref_slice %arg3[%add3A_256, %dma_wait3A_298, %dma_wait3A_299] : memref<2560x2x128xi32, #tpu.memory_space<hbm>> -> memref<4x2x128xi32, #tpu.memory_space<hbm>>
          tpu.wait_dma2 semaphore(%run_scoped3A : memref<!tpu.dma_semaphore, #tpu.memory_space<semaphore_mem>>) src(%dma_wait3A_300 : memref<4x2x128xi32, #tpu.memory_space<hbm>>) dst(%arg6 : memref<4x2x128xi32, #tpu.memory_space<vmem>>)
          tpu.yield
        }) : () -> ()
        %dma_wait3A_257 = arith.constant 2 : i32
        %dma_wait3A_258 = arith.constant 1 : i32
        %dma_wait3A_259 = arith.constant 0 : i32
        %dma_wait3A_260 = tpu.memref_slice %arg7[%dma_wait3A_257, %dma_wait3A_258, %dma_wait3A_259] : memref<4x2x128xi32, #tpu.memory_space<vmem>> -> memref<1x1x128xi32, #tpu.memory_space<vmem>>
        %dma_wait3A_261 = tpu.memref_squeeze %dma_wait3A_260 : memref<1x1x128xi32, #tpu.memory_space<vmem>> -> memref<128xi32, #tpu.memory_space<vmem>>
        %dma_wait3A_262 = arith.constant 0 : i32
        %dma_wait3A_263 = arith.constant 0 : i32
        %dma_wait3A_264 = tpu.memref_slice %arg10[%dma_wait3A_262, %dma_wait3A_263] : memref<10008x128xf32, #tpu.memory_space<vmem_shared>> -> memref<10008x128xf32, #tpu.memory_space<vmem_shared>>
        tpu.wait_indirect_dma semaphore(%arg13 : memref<!tpu.dma_semaphore, #tpu.memory_space<semaphore_mem>>) src(%arg8 : memref<128x128xf32, #tpu.memory_space<vmem>>) dst(%dma_wait3A_264 : memref<10008x128xf32, #tpu.memory_space<vmem_shared>>)
        %dma_start3A_265 = arith.constant 0 : i32
        %dma_start3A_266 = arith.constant 0 : i32
        %dma_start3A_267 = arith.constant 0 : i32
        %dma_start3A_268 = tpu.memref_slice %arg6[%dma_start3A_265, %dma_start3A_266, %dma_start3A_267] : memref<4x2x128xi32, #tpu.memory_space<vmem>> -> memref<1x1x128xi32, #tpu.memory_space<vmem>>
        %dma_start3A_269 = tpu.memref_squeeze %dma_start3A_268 : memref<1x1x128xi32, #tpu.memory_space<vmem>> -> memref<128xi32, #tpu.memory_space<vmem>>
        %dma_start3A_270 = arith.constant 0 : i32
        %dma_start3A_271 = arith.constant 0 : i32
        %dma_start3A_272 = tpu.memref_slice %arg2[%dma_start3A_270, %dma_start3A_271] : memref<40000x128xf32, #tpu.memory_space<hbm>> -> memref<40000x128xf32, #tpu.memory_space<hbm>>
        tpu.enqueue_indirect_dma source(%dma_start3A_272 : memref<40000x128xf32, #tpu.memory_space<hbm>>) target(%arg8 : memref<128x128xf32, #tpu.memory_space<vmem>>) offsets(%dma_start3A_269 : memref<128xi32, #tpu.memory_space<vmem>>) semaphore(%arg11 : memref<!tpu.dma_semaphore, #tpu.memory_space<semaphore_mem>>)
        %dma_wait3A_273 = arith.constant 3 : i32
        %dma_wait3A_274 = arith.constant 0 : i32
        %dma_wait3A_275 = arith.constant 0 : i32
        %dma_wait3A_276 = tpu.memref_slice %arg7[%dma_wait3A_273, %dma_wait3A_274, %dma_wait3A_275] : memref<4x2x128xi32, #tpu.memory_space<vmem>> -> memref<1x1x128xi32, #tpu.memory_space<vmem>>
        %dma_wait3A_277 = tpu.memref_squeeze %dma_wait3A_276 : memref<1x1x128xi32, #tpu.memory_space<vmem>> -> memref<128xi32, #tpu.memory_space<vmem>>
        %dma_wait3A_278 = arith.constant 0 : i32
        %dma_wait3A_279 = arith.constant 0 : i32
        %dma_wait3A_280 = tpu.memref_slice %arg2[%dma_wait3A_278, %dma_wait3A_279] : memref<40000x128xf32, #tpu.memory_space<hbm>> -> memref<40000x128xf32, #tpu.memory_space<hbm>>
        tpu.wait_indirect_dma semaphore(%arg12 : memref<!tpu.dma_semaphore, #tpu.memory_space<semaphore_mem>>) src(%dma_wait3A_280 : memref<40000x128xf32, #tpu.memory_space<hbm>>) dst(%arg9 : memref<128x128xf32, #tpu.memory_space<vmem>>)
        %dma_start3A_281 = arith.constant 3 : i32
        %dma_start3A_282 = arith.constant 1 : i32
        %dma_start3A_283 = arith.constant 0 : i32
        %dma_start3A_284 = tpu.memref_slice %arg7[%dma_start3A_281, %dma_start3A_282, %dma_start3A_283] : memref<4x2x128xi32, #tpu.memory_space<vmem>> -> memref<1x1x128xi32, #tpu.memory_space<vmem>>
        %dma_start3A_285 = tpu.memref_squeeze %dma_start3A_284 : memref<1x1x128xi32, #tpu.memory_space<vmem>> -> memref<128xi32, #tpu.memory_space<vmem>>
        %dma_start3A_286 = arith.constant 0 : i32
        %dma_start3A_287 = arith.constant 0 : i32
        %dma_start3A_288 = tpu.memref_slice %arg10[%dma_start3A_286, %dma_start3A_287] : memref<10008x128xf32, #tpu.memory_space<vmem_shared>> -> memref<10008x128xf32, #tpu.memory_space<vmem_shared>>
        tpu.enqueue_indirect_dma source(%arg9 : memref<128x128xf32, #tpu.memory_space<vmem>>) target(%dma_start3A_288 : memref<10008x128xf32, #tpu.memory_space<vmem_shared>>) offsets(%dma_start3A_285 : memref<128xi32, #tpu.memory_space<vmem>>) semaphore(%arg14 : memref<!tpu.dma_semaphore, #tpu.memory_space<semaphore_mem>>) {add = true}
      } else {
      }
      %eq3A_250 = arith.constant 9 : i32
      %eq3A_251 = arith.cmpi eq, %scan3A_39, %eq3A_250 : i32
      %convert_element_type3A_252 = arith.extui %eq3A_251 : i1 to i32
      %cond3A_253 = arith.constant 0 : i32
      %cond3A_254 = arith.cmpi ne, %convert_element_type3A_252, %cond3A_253 : i32
      scf.if %cond3A_254 {
        %dma_wait3A_255 = arith.constant 2 : i32
        %dma_wait3A_256 = arith.constant 1 : i32
        %dma_wait3A_257 = arith.constant 0 : i32
        %dma_wait3A_258 = tpu.memref_slice %arg7[%dma_wait3A_255, %dma_wait3A_256, %dma_wait3A_257] : memref<4x2x128xi32, #tpu.memory_space<vmem>> -> memref<1x1x128xi32, #tpu.memory_space<vmem>>
        %dma_wait3A_259 = tpu.memref_squeeze %dma_wait3A_258 : memref<1x1x128xi32, #tpu.memory_space<vmem>> -> memref<128xi32, #tpu.memory_space<vmem>>
        %dma_wait3A_260 = arith.constant 0 : i32
        %dma_wait3A_261 = arith.constant 0 : i32
        %dma_wait3A_262 = tpu.memref_slice %arg10[%dma_wait3A_260, %dma_wait3A_261] : memref<10008x128xf32, #tpu.memory_space<vmem_shared>> -> memref<10008x128xf32, #tpu.memory_space<vmem_shared>>
        tpu.wait_indirect_dma semaphore(%arg13 : memref<!tpu.dma_semaphore, #tpu.memory_space<semaphore_mem>>) src(%arg8 : memref<128x128xf32, #tpu.memory_space<vmem>>) dst(%dma_wait3A_262 : memref<10008x128xf32, #tpu.memory_space<vmem_shared>>)
        %dma_wait3A_263 = arith.constant 3 : i32
        %dma_wait3A_264 = arith.constant 0 : i32
        %dma_wait3A_265 = arith.constant 0 : i32
        %dma_wait3A_266 = tpu.memref_slice %arg7[%dma_wait3A_263, %dma_wait3A_264, %dma_wait3A_265] : memref<4x2x128xi32, #tpu.memory_space<vmem>> -> memref<1x1x128xi32, #tpu.memory_space<vmem>>
        %dma_wait3A_267 = tpu.memref_squeeze %dma_wait3A_266 : memref<1x1x128xi32, #tpu.memory_space<vmem>> -> memref<128xi32, #tpu.memory_space<vmem>>
        %dma_wait3A_268 = arith.constant 0 : i32
        %dma_wait3A_269 = arith.constant 0 : i32
        %dma_wait3A_270 = tpu.memref_slice %arg2[%dma_wait3A_268, %dma_wait3A_269] : memref<40000x128xf32, #tpu.memory_space<hbm>> -> memref<40000x128xf32, #tpu.memory_space<hbm>>
        tpu.wait_indirect_dma semaphore(%arg12 : memref<!tpu.dma_semaphore, #tpu.memory_space<semaphore_mem>>) src(%dma_wait3A_270 : memref<40000x128xf32, #tpu.memory_space<hbm>>) dst(%arg9 : memref<128x128xf32, #tpu.memory_space<vmem>>)
        %dma_start3A_271 = arith.constant 3 : i32
        %dma_start3A_272 = arith.constant 1 : i32
        %dma_start3A_273 = arith.constant 0 : i32
        %dma_start3A_274 = tpu.memref_slice %arg7[%dma_start3A_271, %dma_start3A_272, %dma_start3A_273] : memref<4x2x128xi32, #tpu.memory_space<vmem>> -> memref<1x1x128xi32, #tpu.memory_space<vmem>>
        %dma_start3A_275 = tpu.memref_squeeze %dma_start3A_274 : memref<1x1x128xi32, #tpu.memory_space<vmem>> -> memref<128xi32, #tpu.memory_space<vmem>>
        %dma_start3A_276 = arith.constant 0 : i32
        %dma_start3A_277 = arith.constant 0 : i32
        %dma_start3A_278 = tpu.memref_slice %arg10[%dma_start3A_276, %dma_start3A_277] : memref<10008x128xf32, #tpu.memory_space<vmem_shared>> -> memref<10008x128xf32, #tpu.memory_space<vmem_shared>>
        tpu.enqueue_indirect_dma source(%arg9 : memref<128x128xf32, #tpu.memory_space<vmem>>) target(%dma_start3A_278 : memref<10008x128xf32, #tpu.memory_space<vmem_shared>>) offsets(%dma_start3A_275 : memref<128xi32, #tpu.memory_space<vmem>>) semaphore(%arg14 : memref<!tpu.dma_semaphore, #tpu.memory_space<semaphore_mem>>) {add = true}
        %dma_wait3A_279 = arith.constant 3 : i32
        %dma_wait3A_280 = arith.constant 1 : i32
        %dma_wait3A_281 = arith.constant 0 : i32
        %dma_wait3A_282 = tpu.memref_slice %arg7[%dma_wait3A_279, %dma_wait3A_280, %dma_wait3A_281] : memref<4x2x128xi32, #tpu.memory_space<vmem>> -> memref<1x1x128xi32, #tpu.memory_space<vmem>>
        %dma_wait3A_283 = tpu.memref_squeeze %dma_wait3A_282 : memref<1x1x128xi32, #tpu.memory_space<vmem>> -> memref<128xi32, #tpu.memory_space<vmem>>
        %dma_wait3A_284 = arith.constant 0 : i32
        %dma_wait3A_285 = arith.constant 0 : i32
        %dma_wait3A_286 = tpu.memref_slice %arg10[%dma_wait3A_284, %dma_wait3A_285] : memref<10008x128xf32, #tpu.memory_space<vmem_shared>> -> memref<10008x128xf32, #tpu.memory_space<vmem_shared>>
        tpu.wait_indirect_dma semaphore(%arg14 : memref<!tpu.dma_semaphore, #tpu.memory_space<semaphore_mem>>) src(%arg9 : memref<128x128xf32, #tpu.memory_space<vmem>>) dst(%dma_wait3A_286 : memref<10008x128xf32, #tpu.memory_space<vmem_shared>>)
      } else {
      }
    }
    %scan3A_28 = arith.constant 10 : i32
    %barrier3A_29 = arith.constant 0 : index
    tpu.barrier barrier_id(%barrier3A_29)
    %mul3A_30 = arith.constant 624 : i32
    %mul3A_31 = arith.muli %arg1, %mul3A_30 : i32
    %mul3A_32 = arith.constant 624 : i32
    %mul3A_33 = arith.muli %arg1, %mul3A_32 : i32
    "tpu.region"() ({
      %run_scoped3A = tpu.sem_alloc : memref<!tpu.dma_semaphore, #tpu.memory_space<semaphore_mem>>
      %dma_start3A_39 = arith.constant 0 : i32
      %dma_start3A_40 = arith.constant 0 : i32
      %dma_start3A_41 = tpu.memref_slice %arg5[%arg0, %dma_start3A_39, %dma_start3A_40] : memref<2x10000x128xf32, #tpu.memory_space<hbm>> -> memref<1x10000x128xf32, #tpu.memory_space<hbm>>
      %dma_start3A_42 = tpu.memref_squeeze %dma_start3A_41 : memref<1x10000x128xf32, #tpu.memory_space<hbm>> -> memref<10000x128xf32, #tpu.memory_space<hbm>>
      %dma_start3A_43 = arith.constant 0 : i32
      %dma_start3A_44 = tpu.memref_slice %dma_start3A_42[%mul3A_33, %dma_start3A_43] : memref<10000x128xf32, #tpu.memory_space<hbm>> -> memref<624x128xf32, #tpu.memory_space<hbm>>
      %dma_start3A_45 = arith.constant 0 : i32
      %dma_start3A_46 = tpu.memref_slice %arg10[%mul3A_31, %dma_start3A_45] : memref<10008x128xf32, #tpu.memory_space<vmem_shared>> -> memref<624x128xf32, #tpu.memory_space<vmem_shared>>
      tpu.enqueue_dma source(%dma_start3A_46 : memref<624x128xf32, #tpu.memory_space<vmem_shared>>) target(%dma_start3A_44 : memref<624x128xf32, #tpu.memory_space<hbm>>) target_semaphore(%run_scoped3A : memref<!tpu.dma_semaphore, #tpu.memory_space<semaphore_mem>>)
      %dma_wait3A_47 = arith.constant 0 : i32
      %dma_wait3A_48 = arith.constant 0 : i32
      %dma_wait3A_49 = tpu.memref_slice %arg5[%arg0, %dma_wait3A_47, %dma_wait3A_48] : memref<2x10000x128xf32, #tpu.memory_space<hbm>> -> memref<1x10000x128xf32, #tpu.memory_space<hbm>>
      %dma_wait3A_50 = tpu.memref_squeeze %dma_wait3A_49 : memref<1x10000x128xf32, #tpu.memory_space<hbm>> -> memref<10000x128xf32, #tpu.memory_space<hbm>>
      %dma_wait3A_51 = arith.constant 0 : i32
      %dma_wait3A_52 = tpu.memref_slice %dma_wait3A_50[%mul3A_33, %dma_wait3A_51] : memref<10000x128xf32, #tpu.memory_space<hbm>> -> memref<624x128xf32, #tpu.memory_space<hbm>>
      %dma_wait3A_53 = arith.constant 0 : i32
      %dma_wait3A_54 = tpu.memref_slice %arg10[%mul3A_31, %dma_wait3A_53] : memref<10008x128xf32, #tpu.memory_space<vmem_shared>> -> memref<624x128xf32, #tpu.memory_space<vmem_shared>>
      tpu.wait_dma2 semaphore(%run_scoped3A : memref<!tpu.dma_semaphore, #tpu.memory_space<semaphore_mem>>) src(%dma_wait3A_54 : memref<624x128xf32, #tpu.memory_space<vmem_shared>>) dst(%dma_wait3A_52 : memref<624x128xf32, #tpu.memory_space<hbm>>)
      tpu.yield
    }) : () -> ()
    %eq3A_34 = arith.constant 0 : i32
    %eq3A_35 = arith.cmpi eq, %arg1, %eq3A_34 : i32
    %convert_element_type3A_36 = arith.extui %eq3A_35 : i1 to i32
    %cond3A_37 = arith.constant 0 : i32
    %cond3A_38 = arith.cmpi ne, %convert_element_type3A_36, %cond3A_37 : i32
    scf.if %cond3A_38 {
      "tpu.region"() ({
        %run_scoped3A = tpu.sem_alloc : memref<!tpu.dma_semaphore, #tpu.memory_space<semaphore_mem>>
        %dma_start3A_39 = arith.constant 0 : i32
        %dma_start3A_40 = arith.constant 0 : i32
        %dma_start3A_41 = tpu.memref_slice %arg5[%arg0, %dma_start3A_39, %dma_start3A_40] : memref<2x10000x128xf32, #tpu.memory_space<hbm>> -> memref<1x10000x128xf32, #tpu.memory_space<hbm>>
        %dma_start3A_42 = tpu.memref_squeeze %dma_start3A_41 : memref<1x10000x128xf32, #tpu.memory_space<hbm>> -> memref<10000x128xf32, #tpu.memory_space<hbm>>
        %dma_start3A_43 = arith.constant 9984 : i32
        %dma_start3A_44 = arith.constant 0 : i32
        %dma_start3A_45 = tpu.memref_slice %dma_start3A_42[%dma_start3A_43, %dma_start3A_44] : memref<10000x128xf32, #tpu.memory_space<hbm>> -> memref<16x128xf32, #tpu.memory_space<hbm>>
        %dma_start3A_46 = arith.constant 9984 : i32
        %dma_start3A_47 = arith.constant 0 : i32
        %dma_start3A_48 = tpu.memref_slice %arg10[%dma_start3A_46, %dma_start3A_47] : memref<10008x128xf32, #tpu.memory_space<vmem_shared>> -> memref<16x128xf32, #tpu.memory_space<vmem_shared>>
        tpu.enqueue_dma source(%dma_start3A_48 : memref<16x128xf32, #tpu.memory_space<vmem_shared>>) target(%dma_start3A_45 : memref<16x128xf32, #tpu.memory_space<hbm>>) target_semaphore(%run_scoped3A : memref<!tpu.dma_semaphore, #tpu.memory_space<semaphore_mem>>)
        %dma_wait3A_49 = arith.constant 0 : i32
        %dma_wait3A_50 = arith.constant 0 : i32
        %dma_wait3A_51 = tpu.memref_slice %arg5[%arg0, %dma_wait3A_49, %dma_wait3A_50] : memref<2x10000x128xf32, #tpu.memory_space<hbm>> -> memref<1x10000x128xf32, #tpu.memory_space<hbm>>
        %dma_wait3A_52 = tpu.memref_squeeze %dma_wait3A_51 : memref<1x10000x128xf32, #tpu.memory_space<hbm>> -> memref<10000x128xf32, #tpu.memory_space<hbm>>
        %dma_wait3A_53 = arith.constant 9984 : i32
        %dma_wait3A_54 = arith.constant 0 : i32
        %dma_wait3A_55 = tpu.memref_slice %dma_wait3A_52[%dma_wait3A_53, %dma_wait3A_54] : memref<10000x128xf32, #tpu.memory_space<hbm>> -> memref<16x128xf32, #tpu.memory_space<hbm>>
        %dma_wait3A_56 = arith.constant 9984 : i32
        %dma_wait3A_57 = arith.constant 0 : i32
        %dma_wait3A_58 = tpu.memref_slice %arg10[%dma_wait3A_56, %dma_wait3A_57] : memref<10008x128xf32, #tpu.memory_space<vmem_shared>> -> memref<16x128xf32, #tpu.memory_space<vmem_shared>>
        tpu.wait_dma2 semaphore(%run_scoped3A : memref<!tpu.dma_semaphore, #tpu.memory_space<semaphore_mem>>) src(%dma_wait3A_58 : memref<16x128xf32, #tpu.memory_space<vmem_shared>>) dst(%dma_wait3A_55 : memref<16x128xf32, #tpu.memory_space<hbm>>)
        tpu.yield
      }) : () -> ()
    } else {
    }
    return
  }
}

#map = affine_map<(d0, d1) -> (0, 0)>
#map1 = affine_map<(d0, d1) -> (0, 0, 0)>
module attributes {stable_mosaic.version = 14 : i64} {
  func.func @k(%arg0: i32, %arg1: i32, %arg2: memref<40000x128xf32, #tpu.memory_space<hbm>>, %arg3: memref<2560x2x128xi32, #tpu.memory_space<hbm>>, %arg4: memref<624x128xf32, #tpu.memory_space<hbm>>, %arg5: memref<2x10000x128xf32, #tpu.memory_space<hbm>>, %arg6: memref<4x2x128xi32, #tpu.memory_space<vmem>>, %arg7: memref<4x2x128xi32, #tpu.memory_space<vmem>>, %arg8: memref<128x128xf32, #tpu.memory_space<vmem>>, %arg9: memref<128x128xf32, #tpu.memory_space<vmem>>, %arg10: memref<10008x128xf32, #tpu.memory_space<vmem_shared>>, %arg11: memref<!tpu.dma_semaphore, #tpu.memory_space<semaphore_mem>>, %arg12: memref<!tpu.dma_semaphore, #tpu.memory_space<semaphore_mem>>, %arg13: memref<!tpu.dma_semaphore, #tpu.memory_space<semaphore_mem>>, %arg14: memref<!tpu.dma_semaphore, #tpu.memory_space<semaphore_mem>>, %arg15: memref<!tpu.dma_semaphore, #tpu.memory_space<semaphore_mem>>) attributes {dimension_semantics = [#tpu.dimension_semantics<core_parallel>, #tpu.dimension_semantics<subcore_parallel>], iteration_bounds = array<i64: 2, 16>, scalar_prefetch = 0 : i64, scratch_operands = 10 : i64, tpu.core_type = #tpu.core_type<sc_vector_subcore>, window_params = [{transform_indices = #map}, {transform_indices = #map1}, {transform_indices = #map}, {transform_indices = #map1}]} {
    %mul3A = arith.constant 16 : i32
    %mul3A_0 = arith.muli %arg0, %mul3A : i32
    %add3A = arith.addi %mul3A_0, %arg1 : i32
    %mul3A_1 = arith.constant 80 : i32
    %mul3A_2 = arith.muli %add3A, %mul3A_1 : i32
    %mul3A_3 = arith.constant 624 : i32
    %mul3A_4 = arith.muli %arg1, %mul3A_3 : i32
    %dma_start3A = arith.constant 0 : i32
    %dma_start3A_5 = tpu.memref_slice %arg10[%mul3A_4, %dma_start3A] : memref<10008x128xf32, #tpu.memory_space<vmem_shared>> -> memref<624x128xf32, #tpu.memory_space<vmem_shared>>
    tpu.enqueue_dma source(%arg4 : memref<624x128xf32, #tpu.memory_space<hbm>>) target(%dma_start3A_5 : memref<624x128xf32, #tpu.memory_space<vmem_shared>>) target_semaphore(%arg15 : memref<!tpu.dma_semaphore, #tpu.memory_space<semaphore_mem>>)
    %eq3A = arith.constant 0 : i32
    %eq3A_6 = arith.cmpi eq, %arg1, %eq3A : i32
    %convert_element_type3A = arith.extui %eq3A_6 : i1 to i32
    %cond3A = arith.constant 0 : i32
    %cond3A_7 = arith.cmpi ne, %convert_element_type3A, %cond3A : i32
    scf.if %cond3A_7 {
      %dma_start3A_39 = arith.constant 9984 : i32
      %dma_start3A_40 = arith.constant 0 : i32
      %dma_start3A_41 = tpu.memref_slice %arg10[%dma_start3A_39, %dma_start3A_40] : memref<10008x128xf32, #tpu.memory_space<vmem_shared>> -> memref<16x128xf32, #tpu.memory_space<vmem_shared>>
      %dma_start3A_42 = arith.constant 0 : i32
      %dma_start3A_43 = arith.constant 0 : i32
      %dma_start3A_44 = tpu.memref_slice %arg4[%dma_start3A_42, %dma_start3A_43] : memref<624x128xf32, #tpu.memory_space<hbm>> -> memref<16x128xf32, #tpu.memory_space<hbm>>
      tpu.enqueue_dma source(%dma_start3A_44 : memref<16x128xf32, #tpu.memory_space<hbm>>) target(%dma_start3A_41 : memref<16x128xf32, #tpu.memory_space<vmem_shared>>) target_semaphore(%arg15 : memref<!tpu.dma_semaphore, #tpu.memory_space<semaphore_mem>>)
    } else {
    }
    "tpu.region"() ({
      %run_scoped3A = tpu.sem_alloc : memref<!tpu.dma_semaphore, #tpu.memory_space<semaphore_mem>>
      %dma_start3A_39 = arith.constant 0 : i32
      %dma_start3A_40 = arith.constant 0 : i32
      %dma_start3A_41 = tpu.memref_slice %arg3[%mul3A_2, %dma_start3A_39, %dma_start3A_40] : memref<2560x2x128xi32, #tpu.memory_space<hbm>> -> memref<4x2x128xi32, #tpu.memory_space<hbm>>
      %dma_start3A_42 = arith.constant 0 : i32
      %dma_start3A_43 = arith.constant 0 : i32
      %dma_start3A_44 = tpu.memref_slice %arg3[%mul3A_2, %dma_start3A_42, %dma_start3A_43] : memref<2560x2x128xi32, #tpu.memory_space<hbm>> -> memref<4x2x128xi32, #tpu.memory_space<hbm>>
      tpu.enqueue_dma source(%dma_start3A_44 : memref<4x2x128xi32, #tpu.memory_space<hbm>>) target(%arg6 : memref<4x2x128xi32, #tpu.memory_space<vmem>>) target_semaphore(%run_scoped3A : memref<!tpu.dma_semaphore, #tpu.memory_space<semaphore_mem>>)
      %dma_wait3A_45 = arith.constant 0 : i32
      %dma_wait3A_46 = arith.constant 0 : i32
      %dma_wait3A_47 = tpu.memref_slice %arg3[%mul3A_2, %dma_wait3A_45, %dma_wait3A_46] : memref<2560x2x128xi32, #tpu.memory_space<hbm>> -> memref<4x2x128xi32, #tpu.memory_space<hbm>>
      %dma_wait3A_48 = arith.constant 0 : i32
      %dma_wait3A_49 = arith.constant 0 : i32
      %dma_wait3A_50 = tpu.memref_slice %arg3[%mul3A_2, %dma_wait3A_48, %dma_wait3A_49] : memref<2560x2x128xi32, #tpu.memory_space<hbm>> -> memref<4x2x128xi32, #tpu.memory_space<hbm>>
      tpu.wait_dma2 semaphore(%run_scoped3A : memref<!tpu.dma_semaphore, #tpu.memory_space<semaphore_mem>>) src(%dma_wait3A_50 : memref<4x2x128xi32, #tpu.memory_space<hbm>>) dst(%arg6 : memref<4x2x128xi32, #tpu.memory_space<vmem>>)
      tpu.yield
    }) : () -> ()
    %dma_start3A_8 = arith.constant 0 : i32
    %dma_start3A_9 = arith.constant 0 : i32
    %dma_start3A_10 = arith.constant 0 : i32
    %dma_start3A_11 = tpu.memref_slice %arg6[%dma_start3A_8, %dma_start3A_9, %dma_start3A_10] : memref<4x2x128xi32, #tpu.memory_space<vmem>> -> memref<1x1x128xi32, #tpu.memory_space<vmem>>
    %dma_start3A_12 = tpu.memref_squeeze %dma_start3A_11 : memref<1x1x128xi32, #tpu.memory_space<vmem>> -> memref<128xi32, #tpu.memory_space<vmem>>
    %dma_start3A_13 = arith.constant 0 : i32
    %dma_start3A_14 = arith.constant 0 : i32
    %dma_start3A_15 = tpu.memref_slice %arg2[%dma_start3A_13, %dma_start3A_14] : memref<40000x128xf32, #tpu.memory_space<hbm>> -> memref<40000x128xf32, #tpu.memory_space<hbm>>
    tpu.enqueue_indirect_dma source(%dma_start3A_15 : memref<40000x128xf32, #tpu.memory_space<hbm>>) target(%arg8 : memref<128x128xf32, #tpu.memory_space<vmem>>) offsets(%dma_start3A_12 : memref<128xi32, #tpu.memory_space<vmem>>) semaphore(%arg11 : memref<!tpu.dma_semaphore, #tpu.memory_space<semaphore_mem>>)
    %mul3A_16 = arith.constant 624 : i32
    %mul3A_17 = arith.muli %arg1, %mul3A_16 : i32
    %dma_wait3A = arith.constant 0 : i32
    %dma_wait3A_18 = tpu.memref_slice %arg10[%mul3A_17, %dma_wait3A] : memref<10008x128xf32, #tpu.memory_space<vmem_shared>> -> memref<624x128xf32, #tpu.memory_space<vmem_shared>>
    tpu.wait_dma2 semaphore(%arg15 : memref<!tpu.dma_semaphore, #tpu.memory_space<semaphore_mem>>) src(%arg4 : memref<624x128xf32, #tpu.memory_space<hbm>>) dst(%dma_wait3A_18 : memref<624x128xf32, #tpu.memory_space<vmem_shared>>)
    %eq3A_19 = arith.constant 0 : i32
    %eq3A_20 = arith.cmpi eq, %arg1, %eq3A_19 : i32
    %convert_element_type3A_21 = arith.extui %eq3A_20 : i1 to i32
    %cond3A_22 = arith.constant 0 : i32
    %cond3A_23 = arith.cmpi ne, %convert_element_type3A_21, %cond3A_22 : i32
    scf.if %cond3A_23 {
      %dma_wait3A_39 = arith.constant 9984 : i32
      %dma_wait3A_40 = arith.constant 0 : i32
      %dma_wait3A_41 = tpu.memref_slice %arg10[%dma_wait3A_39, %dma_wait3A_40] : memref<10008x128xf32, #tpu.memory_space<vmem_shared>> -> memref<16x128xf32, #tpu.memory_space<vmem_shared>>
      %dma_wait3A_42 = arith.constant 0 : i32
      %dma_wait3A_43 = arith.constant 0 : i32
      %dma_wait3A_44 = tpu.memref_slice %arg4[%dma_wait3A_42, %dma_wait3A_43] : memref<624x128xf32, #tpu.memory_space<hbm>> -> memref<16x128xf32, #tpu.memory_space<hbm>>
      tpu.wait_dma2 semaphore(%arg15 : memref<!tpu.dma_semaphore, #tpu.memory_space<semaphore_mem>>) src(%dma_wait3A_44 : memref<16x128xf32, #tpu.memory_space<hbm>>) dst(%dma_wait3A_41 : memref<16x128xf32, #tpu.memory_space<vmem_shared>>)
    } else {
    }
    %barrier3A = arith.constant 0 : index
    tpu.barrier barrier_id(%barrier3A)
    %scan3A = arith.constant 0 : i32
    %scan3A_24 = arith.constant 0 : i32
    %scan3A_25 = arith.constant 10 : i32
    %scan3A_26 = arith.addi %scan3A_24, %scan3A_25 : i32
    %scan3A_27 = arith.constant 1 : i32
    scf.for %scan3A_39 = %scan3A_24 to %scan3A_26 step %scan3A_27  : i32 {
      %mul3A_40 = arith.constant 8 : i32
      %mul3A_41 = arith.muli %mul3A_40, %scan3A_39 : i32
      %add3A_42 = arith.addi %mul3A_2, %mul3A_41 : i32
      %eq3A_43 = arith.constant 0 : i32
      %eq3A_44 = arith.cmpi eq, %scan3A_39, %eq3A_43 : i32
      %convert_element_type3A_45 = arith.extui %eq3A_44 : i1 to i32
      %cond3A_46 = arith.constant 0 : i32
      %cond3A_47 = arith.cmpi ne, %convert_element_type3A_45, %cond3A_46 : i32
      scf.if %cond3A_47 {
        %dma_start3A_255 = arith.constant 1 : i32
        %dma_start3A_256 = arith.constant 0 : i32
        %dma_start3A_257 = arith.constant 0 : i32
        %dma_start3A_258 = tpu.memref_slice %arg6[%dma_start3A_255, %dma_start3A_256, %dma_start3A_257] : memref<4x2x128xi32, #tpu.memory_space<vmem>> -> memref<1x1x128xi32, #tpu.memory_space<vmem>>
        %dma_start3A_259 = tpu.memref_squeeze %dma_start3A_258 : memref<1x1x128xi32, #tpu.memory_space<vmem>> -> memref<128xi32, #tpu.memory_space<vmem>>
        %dma_start3A_260 = arith.constant 0 : i32
        %dma_start3A_261 = arith.constant 0 : i32
        %dma_start3A_262 = tpu.memref_slice %arg2[%dma_start3A_260, %dma_start3A_261] : memref<40000x128xf32, #tpu.memory_space<hbm>> -> memref<40000x128xf32, #tpu.memory_space<hbm>>
        tpu.enqueue_indirect_dma source(%dma_start3A_262 : memref<40000x128xf32, #tpu.memory_space<hbm>>) target(%arg9 : memref<128x128xf32, #tpu.memory_space<vmem>>) offsets(%dma_start3A_259 : memref<128xi32, #tpu.memory_space<vmem>>) semaphore(%arg12 : memref<!tpu.dma_semaphore, #tpu.memory_space<semaphore_mem>>)
        %dma_wait3A_263 = arith.constant 0 : i32
        %dma_wait3A_264 = arith.constant 0 : i32
        %dma_wait3A_265 = arith.constant 0 : i32
        %dma_wait3A_266 = tpu.memref_slice %arg6[%dma_wait3A_263, %dma_wait3A_264, %dma_wait3A_265] : memref<4x2x128xi32, #tpu.memory_space<vmem>> -> memref<1x1x128xi32, #tpu.memory_space<vmem>>
        %dma_wait3A_267 = tpu.memref_squeeze %dma_wait3A_266 : memref<1x1x128xi32, #tpu.memory_space<vmem>> -> memref<128xi32, #tpu.memory_space<vmem>>
        %dma_wait3A_268 = arith.constant 0 : i32
        %dma_wait3A_269 = arith.constant 0 : i32
        %dma_wait3A_270 = tpu.memref_slice %arg2[%dma_wait3A_268, %dma_wait3A_269] : memref<40000x128xf32, #tpu.memory_space<hbm>> -> memref<40000x128xf32, #tpu.memory_space<hbm>>
        tpu.wait_indirect_dma semaphore(%arg11 : memref<!tpu.dma_semaphore, #tpu.memory_space<semaphore_mem>>) src(%dma_wait3A_270 : memref<40000x128xf32, #tpu.memory_space<hbm>>) dst(%arg8 : memref<128x128xf32, #tpu.memory_space<vmem>>)
        %dma_start3A_271 = arith.constant 0 : i32
        %dma_start3A_272 = arith.constant 1 : i32
        %dma_start3A_273 = arith.constant 0 : i32
        %dma_start3A_274 = tpu.memref_slice %arg6[%dma_start3A_271, %dma_start3A_272, %dma_start3A_273] : memref<4x2x128xi32, #tpu.memory_space<vmem>> -> memref<1x1x128xi32, #tpu.memory_space<vmem>>
        %dma_start3A_275 = tpu.memref_squeeze %dma_start3A_274 : memref<1x1x128xi32, #tpu.memory_space<vmem>> -> memref<128xi32, #tpu.memory_space<vmem>>
        %dma_start3A_276 = arith.constant 0 : i32
        %dma_start3A_277 = arith.constant 0 : i32
        %dma_start3A_278 = tpu.memref_slice %arg10[%dma_start3A_276, %dma_start3A_277] : memref<10008x128xf32, #tpu.memory_space<vmem_shared>> -> memref<10008x128xf32, #tpu.memory_space<vmem_shared>>
        tpu.enqueue_indirect_dma source(%arg8 : memref<128x128xf32, #tpu.memory_space<vmem>>) target(%dma_start3A_278 : memref<10008x128xf32, #tpu.memory_space<vmem_shared>>) offsets(%dma_start3A_275 : memref<128xi32, #tpu.memory_space<vmem>>) semaphore(%arg13 : memref<!tpu.dma_semaphore, #tpu.memory_space<semaphore_mem>>) {add = true}
      } else {
      }
      %gt3A = arith.constant 0 : i32
      %gt3A_48 = arith.cmpi sgt, %scan3A_39, %gt3A : i32
      %convert_element_type3A_49 = arith.extui %gt3A_48 : i1 to i32
      %cond3A_50 = arith.constant 0 : i32
      %cond3A_51 = arith.cmpi ne, %convert_element_type3A_49, %cond3A_50 : i32
      scf.if %cond3A_51 {
        %dma_wait3A_255 = arith.constant 3 : i32
        %dma_wait3A_256 = arith.constant 1 : i32
        %dma_wait3A_257 = arith.constant 0 : i32
        %dma_wait3A_258 = tpu.memref_slice %arg7[%dma_wait3A_255, %dma_wait3A_256, %dma_wait3A_257] : memref<4x2x128xi32, #tpu.memory_space<vmem>> -> memref<1x1x128xi32, #tpu.memory_space<vmem>>
        %dma_wait3A_259 = tpu.memref_squeeze %dma_wait3A_258 : memref<1x1x128xi32, #tpu.memory_space<vmem>> -> memref<128xi32, #tpu.memory_space<vmem>>
        %dma_wait3A_260 = arith.constant 0 : i32
        %dma_wait3A_261 = arith.constant 0 : i32
        %dma_wait3A_262 = tpu.memref_slice %arg10[%dma_wait3A_260, %dma_wait3A_261] : memref<10008x128xf32, #tpu.memory_space<vmem_shared>> -> memref<10008x128xf32, #tpu.memory_space<vmem_shared>>
        tpu.wait_indirect_dma semaphore(%arg14 : memref<!tpu.dma_semaphore, #tpu.memory_space<semaphore_mem>>) src(%arg9 : memref<128x128xf32, #tpu.memory_space<vmem>>) dst(%dma_wait3A_262 : memref<10008x128xf32, #tpu.memory_space<vmem_shared>>)
        %dma_start3A_263 = arith.constant 1 : i32
        %dma_start3A_264 = arith.constant 0 : i32
        %dma_start3A_265 = arith.constant 0 : i32
        %dma_start3A_266 = tpu.memref_slice %arg6[%dma_start3A_263, %dma_start3A_264, %dma_start3A_265] : memref<4x2x128xi32, #tpu.memory_space<vmem>> -> memref<1x1x128xi32, #tpu.memory_space<vmem>>
        %dma_start3A_267 = tpu.memref_squeeze %dma_start3A_266 : memref<1x1x128xi32, #tpu.memory_space<vmem>> -> memref<128xi32, #tpu.memory_space<vmem>>
        %dma_start3A_268 = arith.constant 0 : i32
        %dma_start3A_269 = arith.constant 0 : i32
        %dma_start3A_270 = tpu.memref_slice %arg2[%dma_start3A_268, %dma_start3A_269] : memref<40000x128xf32, #tpu.memory_space<hbm>> -> memref<40000x128xf32, #tpu.memory_space<hbm>>
        tpu.enqueue_indirect_dma source(%dma_start3A_270 : memref<40000x128xf32, #tpu.memory_space<hbm>>) target(%arg9 : memref<128x128xf32, #tpu.memory_space<vmem>>) offsets(%dma_start3A_267 : memref<128xi32, #tpu.memory_space<vmem>>) semaphore(%arg12 : memref<!tpu.dma_semaphore, #tpu.memory_space<semaphore_mem>>)
        %dma_wait3A_271 = arith.constant 0 : i32
        %dma_wait3A_272 = arith.constant 0 : i32
        %dma_wait3A_273 = arith.constant 0 : i32
        %dma_wait3A_274 = tpu.memref_slice %arg6[%dma_wait3A_271, %dma_wait3A_272, %dma_wait3A_273] : memref<4x2x128xi32, #tpu.memory_space<vmem>> -> memref<1x1x128xi32, #tpu.memory_space<vmem>>
        %dma_wait3A_275 = tpu.memref_squeeze %dma_wait3A_274 : memref<1x1x128xi32, #tpu.memory_space<vmem>> -> memref<128xi32, #tpu.memory_space<vmem>>
        %dma_wait3A_276 = arith.constant 0 : i32
        %dma_wait3A_277 = arith.constant 0 : i32
        %dma_wait3A_278 = tpu.memref_slice %arg2[%dma_wait3A_276, %dma_wait3A_277] : memref<40000x128xf32, #tpu.memory_space<hbm>> -> memref<40000x128xf32, #tpu.memory_space<hbm>>
        tpu.wait_indirect_dma semaphore(%arg11 : memref<!tpu.dma_semaphore, #tpu.memory_space<semaphore_mem>>) src(%dma_wait3A_278 : memref<40000x128xf32, #tpu.memory_space<hbm>>) dst(%arg8 : memref<128x128xf32, #tpu.memory_space<vmem>>)
        %dma_start3A_279 = arith.constant 0 : i32
        %dma_start3A_280 = arith.constant 1 : i32
        %dma_start3A_281 = arith.constant 0 : i32
        %dma_start3A_282 = tpu.memref_slice %arg6[%dma_start3A_279, %dma_start3A_280, %dma_start3A_281] : memref<4x2x128xi32, #tpu.memory_space<vmem>> -> memref<1x1x128xi32, #tpu.memory_space<vmem>>
        %dma_start3A_283 = tpu.memref_squeeze %dma_start3A_282 : memref<1x1x128xi32, #tpu.memory_space<vmem>> -> memref<128xi32, #tpu.memory_space<vmem>>
        %dma_start3A_284 = arith.constant 0 : i32
        %dma_start3A_285 = arith.constant 0 : i32
        %dma_start3A_286 = tpu.memref_slice %arg10[%dma_start3A_284, %dma_start3A_285] : memref<10008x128xf32, #tpu.memory_space<vmem_shared>> -> memref<10008x128xf32, #tpu.memory_space<vmem_shared>>
        tpu.enqueue_indirect_dma source(%arg8 : memref<128x128xf32, #tpu.memory_space<vmem>>) target(%dma_start3A_286 : memref<10008x128xf32, #tpu.memory_space<vmem_shared>>) offsets(%dma_start3A_283 : memref<128xi32, #tpu.memory_space<vmem>>) semaphore(%arg13 : memref<!tpu.dma_semaphore, #tpu.memory_space<semaphore_mem>>) {add = true}
      } else {
      }
      %add3A_52 = arith.constant 4 : i32
      %add3A_53 = arith.addi %add3A_42, %add3A_52 : i32
      "tpu.region"() ({
        %run_scoped3A = tpu.sem_alloc : memref<!tpu.dma_semaphore, #tpu.memory_space<semaphore_mem>>
        %dma_start3A_255 = arith.constant 0 : i32
        %dma_start3A_256 = arith.constant 0 : i32
        %dma_start3A_257 = tpu.memref_slice %arg3[%add3A_53, %dma_start3A_255, %dma_start3A_256] : memref<2560x2x128xi32, #tpu.memory_space<hbm>> -> memref<4x2x128xi32, #tpu.memory_space<hbm>>
        %dma_start3A_258 = arith.constant 0 : i32
        %dma_start3A_259 = arith.constant 0 : i32
        %dma_start3A_260 = tpu.memref_slice %arg3[%add3A_53, %dma_start3A_258, %dma_start3A_259] : memref<2560x2x128xi32, #tpu.memory_space<hbm>> -> memref<4x2x128xi32, #tpu.memory_space<hbm>>
        tpu.enqueue_dma source(%dma_start3A_260 : memref<4x2x128xi32, #tpu.memory_space<hbm>>) target(%arg7 : memref<4x2x128xi32, #tpu.memory_space<vmem>>) target_semaphore(%run_scoped3A : memref<!tpu.dma_semaphore, #tpu.memory_space<semaphore_mem>>)
        %dma_wait3A_261 = arith.constant 0 : i32
        %dma_wait3A_262 = arith.constant 0 : i32
        %dma_wait3A_263 = tpu.memref_slice %arg3[%add3A_53, %dma_wait3A_261, %dma_wait3A_262] : memref<2560x2x128xi32, #tpu.memory_space<hbm>> -> memref<4x2x128xi32, #tpu.memory_space<hbm>>
        %dma_wait3A_264 = arith.constant 0 : i32
        %dma_wait3A_265 = arith.constant 0 : i32
        %dma_wait3A_266 = tpu.memref_slice %arg3[%add3A_53, %dma_wait3A_264, %dma_wait3A_265] : memref<2560x2x128xi32, #tpu.memory_space<hbm>> -> memref<4x2x128xi32, #tpu.memory_space<hbm>>
        tpu.wait_dma2 semaphore(%run_scoped3A : memref<!tpu.dma_semaphore, #tpu.memory_space<semaphore_mem>>) src(%dma_wait3A_266 : memref<4x2x128xi32, #tpu.memory_space<hbm>>) dst(%arg7 : memref<4x2x128xi32, #tpu.memory_space<vmem>>)
        tpu.yield
      }) : () -> ()
      %dma_wait3A_54 = arith.constant 0 : i32
      %dma_wait3A_55 = arith.constant 1 : i32
      %dma_wait3A_56 = arith.constant 0 : i32
      %dma_wait3A_57 = tpu.memref_slice %arg6[%dma_wait3A_54, %dma_wait3A_55, %dma_wait3A_56] : memref<4x2x128xi32, #tpu.memory_space<vmem>> -> memref<1x1x128xi32, #tpu.memory_space<vmem>>
      %dma_wait3A_58 = tpu.memref_squeeze %dma_wait3A_57 : memref<1x1x128xi32, #tpu.memory_space<vmem>> -> memref<128xi32, #tpu.memory_space<vmem>>
      %dma_wait3A_59 = arith.constant 0 : i32
      %dma_wait3A_60 = arith.constant 0 : i32
      %dma_wait3A_61 = tpu.memref_slice %arg10[%dma_wait3A_59, %dma_wait3A_60] : memref<10008x128xf32, #tpu.memory_space<vmem_shared>> -> memref<10008x128xf32, #tpu.memory_space<vmem_shared>>
      tpu.wait_indirect_dma semaphore(%arg13 : memref<!tpu.dma_semaphore, #tpu.memory_space<semaphore_mem>>) src(%arg8 : memref<128x128xf32, #tpu.memory_space<vmem>>) dst(%dma_wait3A_61 : memref<10008x128xf32, #tpu.memory_space<vmem_shared>>)
      %dma_start3A_62 = arith.constant 2 : i32
      %dma_start3A_63 = arith.constant 0 : i32
      %dma_start3A_64 = arith.constant 0 : i32
      %dma_start3A_65 = tpu.memref_slice %arg6[%dma_start3A_62, %dma_start3A_63, %dma_start3A_64] : memref<4x2x128xi32, #tpu.memory_space<vmem>> -> memref<1x1x128xi32, #tpu.memory_space<vmem>>
      %dma_start3A_66 = tpu.memref_squeeze %dma_start3A_65 : memref<1x1x128xi32, #tpu.memory_space<vmem>> -> memref<128xi32, #tpu.memory_space<vmem>>
      %dma_start3A_67 = arith.constant 0 : i32
      %dma_start3A_68 = arith.constant 0 : i32
      %dma_start3A_69 = tpu.memref_slice %arg2[%dma_start3A_67, %dma_start3A_68] : memref<40000x128xf32, #tpu.memory_space<hbm>> -> memref<40000x128xf32, #tpu.memory_space<hbm>>
      tpu.enqueue_indirect_dma source(%dma_start3A_69 : memref<40000x128xf32, #tpu.memory_space<hbm>>) target(%arg8 : memref<128x128xf32, #tpu.memory_space<vmem>>) offsets(%dma_start3A_66 : memref<128xi32, #tpu.memory_space<vmem>>) semaphore(%arg11 : memref<!tpu.dma_semaphore, #tpu.memory_space<semaphore_mem>>)
      %dma_wait3A_70 = arith.constant 1 : i32
      %dma_wait3A_71 = arith.constant 0 : i32
      %dma_wait3A_72 = arith.constant 0 : i32
      %dma_wait3A_73 = tpu.memref_slice %arg6[%dma_wait3A_70, %dma_wait3A_71, %dma_wait3A_72] : memref<4x2x128xi32, #tpu.memory_space<vmem>> -> memref<1x1x128xi32, #tpu.memory_space<vmem>>
      %dma_wait3A_74 = tpu.memref_squeeze %dma_wait3A_73 : memref<1x1x128xi32, #tpu.memory_space<vmem>> -> memref<128xi32, #tpu.memory_space<vmem>>
      %dma_wait3A_75 = arith.constant 0 : i32
      %dma_wait3A_76 = arith.constant 0 : i32
      %dma_wait3A_77 = tpu.memref_slice %arg2[%dma_wait3A_75, %dma_wait3A_76] : memref<40000x128xf32, #tpu.memory_space<hbm>> -> memref<40000x128xf32, #tpu.memory_space<hbm>>
      tpu.wait_indirect_dma semaphore(%arg12 : memref<!tpu.dma_semaphore, #tpu.memory_space<semaphore_mem>>) src(%dma_wait3A_77 : memref<40000x128xf32, #tpu.memory_space<hbm>>) dst(%arg9 : memref<128x128xf32, #tpu.memory_space<vmem>>)
      %dma_start3A_78 = arith.constant 1 : i32
      %dma_start3A_79 = arith.constant 1 : i32
      %dma_start3A_80 = arith.constant 0 : i32
      %dma_start3A_81 = tpu.memref_slice %arg6[%dma_start3A_78, %dma_start3A_79, %dma_start3A_80] : memref<4x2x128xi32, #tpu.memory_space<vmem>> -> memref<1x1x128xi32, #tpu.memory_space<vmem>>
      %dma_start3A_82 = tpu.memref_squeeze %dma_start3A_81 : memref<1x1x128xi32, #tpu.memory_space<vmem>> -> memref<128xi32, #tpu.memory_space<vmem>>
      %dma_start3A_83 = arith.constant 0 : i32
      %dma_start3A_84 = arith.constant 0 : i32
      %dma_start3A_85 = tpu.memref_slice %arg10[%dma_start3A_83, %dma_start3A_84] : memref<10008x128xf32, #tpu.memory_space<vmem_shared>> -> memref<10008x128xf32, #tpu.memory_space<vmem_shared>>
      tpu.enqueue_indirect_dma source(%arg9 : memref<128x128xf32, #tpu.memory_space<vmem>>) target(%dma_start3A_85 : memref<10008x128xf32, #tpu.memory_space<vmem_shared>>) offsets(%dma_start3A_82 : memref<128xi32, #tpu.memory_space<vmem>>) semaphore(%arg14 : memref<!tpu.dma_semaphore, #tpu.memory_space<semaphore_mem>>) {add = true}
      %dma_wait3A_86 = arith.constant 1 : i32
      %dma_wait3A_87 = arith.constant 1 : i32
      %dma_wait3A_88 = arith.constant 0 : i32
      %dma_wait3A_89 = tpu.memref_slice %arg6[%dma_wait3A_86, %dma_wait3A_87, %dma_wait3A_88] : memref<4x2x128xi32, #tpu.memory_space<vmem>> -> memref<1x1x128xi32, #tpu.memory_space<vmem>>
      %dma_wait3A_90 = tpu.memref_squeeze %dma_wait3A_89 : memref<1x1x128xi32, #tpu.memory_space<vmem>> -> memref<128xi32, #tpu.memory_space<vmem>>
      %dma_wait3A_91 = arith.constant 0 : i32
      %dma_wait3A_92 = arith.constant 0 : i32
      %dma_wait3A_93 = tpu.memref_slice %arg10[%dma_wait3A_91, %dma_wait3A_92] : memref<10008x128xf32, #tpu.memory_space<vmem_shared>> -> memref<10008x128xf32, #tpu.memory_space<vmem_shared>>
      tpu.wait_indirect_dma semaphore(%arg14 : memref<!tpu.dma_semaphore, #tpu.memory_space<semaphore_mem>>) src(%arg9 : memref<128x128xf32, #tpu.memory_space<vmem>>) dst(%dma_wait3A_93 : memref<10008x128xf32, #tpu.memory_space<vmem_shared>>)
      %dma_start3A_94 = arith.constant 3 : i32
      %dma_start3A_95 = arith.constant 0 : i32
      %dma_start3A_96 = arith.constant 0 : i32
      %dma_start3A_97 = tpu.memref_slice %arg6[%dma_start3A_94, %dma_start3A_95, %dma_start3A_96] : memref<4x2x128xi32, #tpu.memory_space<vmem>> -> memref<1x1x128xi32, #tpu.memory_space<vmem>>
      %dma_start3A_98 = tpu.memref_squeeze %dma_start3A_97 : memref<1x1x128xi32, #tpu.memory_space<vmem>> -> memref<128xi32, #tpu.memory_space<vmem>>
      %dma_start3A_99 = arith.constant 0 : i32
      %dma_start3A_100 = arith.constant 0 : i32
      %dma_start3A_101 = tpu.memref_slice %arg2[%dma_start3A_99, %dma_start3A_100] : memref<40000x128xf32, #tpu.memory_space<hbm>> -> memref<40000x128xf32, #tpu.memory_space<hbm>>
      tpu.enqueue_indirect_dma source(%dma_start3A_101 : memref<40000x128xf32, #tpu.memory_space<hbm>>) target(%arg9 : memref<128x128xf32, #tpu.memory_space<vmem>>) offsets(%dma_start3A_98 : memref<128xi32, #tpu.memory_space<vmem>>) semaphore(%arg12 : memref<!tpu.dma_semaphore, #tpu.memory_space<semaphore_mem>>)
      %dma_wait3A_102 = arith.constant 2 : i32
      %dma_wait3A_103 = arith.constant 0 : i32
      %dma_wait3A_104 = arith.constant 0 : i32
      %dma_wait3A_105 = tpu.memref_slice %arg6[%dma_wait3A_102, %dma_wait3A_103, %dma_wait3A_104] : memref<4x2x128xi32, #tpu.memory_space<vmem>> -> memref<1x1x128xi32, #tpu.memory_space<vmem>>
      %dma_wait3A_106 = tpu.memref_squeeze %dma_wait3A_105 : memref<1x1x128xi32, #tpu.memory_space<vmem>> -> memref<128xi32, #tpu.memory_space<vmem>>
      %dma_wait3A_107 = arith.constant 0 : i32
      %dma_wait3A_108 = arith.constant 0 : i32
      %dma_wait3A_109 = tpu.memref_slice %arg2[%dma_wait3A_107, %dma_wait3A_108] : memref<40000x128xf32, #tpu.memory_space<hbm>> -> memref<40000x128xf32, #tpu.memory_space<hbm>>
      tpu.wait_indirect_dma semaphore(%arg11 : memref<!tpu.dma_semaphore, #tpu.memory_space<semaphore_mem>>) src(%dma_wait3A_109 : memref<40000x128xf32, #tpu.memory_space<hbm>>) dst(%arg8 : memref<128x128xf32, #tpu.memory_space<vmem>>)
      %dma_start3A_110 = arith.constant 2 : i32
      %dma_start3A_111 = arith.constant 1 : i32
      %dma_start3A_112 = arith.constant 0 : i32
      %dma_start3A_113 = tpu.memref_slice %arg6[%dma_start3A_110, %dma_start3A_111, %dma_start3A_112] : memref<4x2x128xi32, #tpu.memory_space<vmem>> -> memref<1x1x128xi32, #tpu.memory_space<vmem>>
      %dma_start3A_114 = tpu.memref_squeeze %dma_start3A_113 : memref<1x1x128xi32, #tpu.memory_space<vmem>> -> memref<128xi32, #tpu.memory_space<vmem>>
      %dma_start3A_115 = arith.constant 0 : i32
      %dma_start3A_116 = arith.constant 0 : i32
      %dma_start3A_117 = tpu.memref_slice %arg10[%dma_start3A_115, %dma_start3A_116] : memref<10008x128xf32, #tpu.memory_space<vmem_shared>> -> memref<10008x128xf32, #tpu.memory_space<vmem_shared>>
      tpu.enqueue_indirect_dma source(%arg8 : memref<128x128xf32, #tpu.memory_space<vmem>>) target(%dma_start3A_117 : memref<10008x128xf32, #tpu.memory_space<vmem_shared>>) offsets(%dma_start3A_114 : memref<128xi32, #tpu.memory_space<vmem>>) semaphore(%arg13 : memref<!tpu.dma_semaphore, #tpu.memory_space<semaphore_mem>>) {add = true}
      %dma_wait3A_118 = arith.constant 2 : i32
      %dma_wait3A_119 = arith.constant 1 : i32
      %dma_wait3A_120 = arith.constant 0 : i32
      %dma_wait3A_121 = tpu.memref_slice %arg6[%dma_wait3A_118, %dma_wait3A_119, %dma_wait3A_120] : memref<4x2x128xi32, #tpu.memory_space<vmem>> -> memref<1x1x128xi32, #tpu.memory_space<vmem>>
      %dma_wait3A_122 = tpu.memref_squeeze %dma_wait3A_121 : memref<1x1x128xi32, #tpu.memory_space<vmem>> -> memref<128xi32, #tpu.memory_space<vmem>>
      %dma_wait3A_123 = arith.constant 0 : i32
      %dma_wait3A_124 = arith.constant 0 : i32
      %dma_wait3A_125 = tpu.memref_slice %arg10[%dma_wait3A_123, %dma_wait3A_124] : memref<10008x128xf32, #tpu.memory_space<vmem_shared>> -> memref<10008x128xf32, #tpu.memory_space<vmem_shared>>
      tpu.wait_indirect_dma semaphore(%arg13 : memref<!tpu.dma_semaphore, #tpu.memory_space<semaphore_mem>>) src(%arg8 : memref<128x128xf32, #tpu.memory_space<vmem>>) dst(%dma_wait3A_125 : memref<10008x128xf32, #tpu.memory_space<vmem_shared>>)
      %dma_start3A_126 = arith.constant 0 : i32
      %dma_start3A_127 = arith.constant 0 : i32
      %dma_start3A_128 = arith.constant 0 : i32
      %dma_start3A_129 = tpu.memref_slice %arg7[%dma_start3A_126, %dma_start3A_127, %dma_start3A_128] : memref<4x2x128xi32, #tpu.memory_space<vmem>> -> memref<1x1x128xi32, #tpu.memory_space<vmem>>
      %dma_start3A_130 = tpu.memref_squeeze %dma_start3A_129 : memref<1x1x128xi32, #tpu.memory_space<vmem>> -> memref<128xi32, #tpu.memory_space<vmem>>
      %dma_start3A_131 = arith.constant 0 : i32
      %dma_start3A_132 = arith.constant 0 : i32
      %dma_start3A_133 = tpu.memref_slice %arg2[%dma_start3A_131, %dma_start3A_132] : memref<40000x128xf32, #tpu.memory_space<hbm>> -> memref<40000x128xf32, #tpu.memory_space<hbm>>
      tpu.enqueue_indirect_dma source(%dma_start3A_133 : memref<40000x128xf32, #tpu.memory_space<hbm>>) target(%arg8 : memref<128x128xf32, #tpu.memory_space<vmem>>) offsets(%dma_start3A_130 : memref<128xi32, #tpu.memory_space<vmem>>) semaphore(%arg11 : memref<!tpu.dma_semaphore, #tpu.memory_space<semaphore_mem>>)
      %dma_wait3A_134 = arith.constant 3 : i32
      %dma_wait3A_135 = arith.constant 0 : i32
      %dma_wait3A_136 = arith.constant 0 : i32
      %dma_wait3A_137 = tpu.memref_slice %arg6[%dma_wait3A_134, %dma_wait3A_135, %dma_wait3A_136] : memref<4x2x128xi32, #tpu.memory_space<vmem>> -> memref<1x1x128xi32, #tpu.memory_space<vmem>>
      %dma_wait3A_138 = tpu.memref_squeeze %dma_wait3A_137 : memref<1x1x128xi32, #tpu.memory_space<vmem>> -> memref<128xi32, #tpu.memory_space<vmem>>
      %dma_wait3A_139 = arith.constant 0 : i32
      %dma_wait3A_140 = arith.constant 0 : i32
      %dma_wait3A_141 = tpu.memref_slice %arg2[%dma_wait3A_139, %dma_wait3A_140] : memref<40000x128xf32, #tpu.memory_space<hbm>> -> memref<40000x128xf32, #tpu.memory_space<hbm>>
      tpu.wait_indirect_dma semaphore(%arg12 : memref<!tpu.dma_semaphore, #tpu.memory_space<semaphore_mem>>) src(%dma_wait3A_141 : memref<40000x128xf32, #tpu.memory_space<hbm>>) dst(%arg9 : memref<128x128xf32, #tpu.memory_space<vmem>>)
      %dma_start3A_142 = arith.constant 3 : i32
      %dma_start3A_143 = arith.constant 1 : i32
      %dma_start3A_144 = arith.constant 0 : i32
      %dma_start3A_145 = tpu.memref_slice %arg6[%dma_start3A_142, %dma_start3A_143, %dma_start3A_144] : memref<4x2x128xi32, #tpu.memory_space<vmem>> -> memref<1x1x128xi32, #tpu.memory_space<vmem>>
      %dma_start3A_146 = tpu.memref_squeeze %dma_start3A_145 : memref<1x1x128xi32, #tpu.memory_space<vmem>> -> memref<128xi32, #tpu.memory_space<vmem>>
      %dma_start3A_147 = arith.constant 0 : i32
      %dma_start3A_148 = arith.constant 0 : i32
      %dma_start3A_149 = tpu.memref_slice %arg10[%dma_start3A_147, %dma_start3A_148] : memref<10008x128xf32, #tpu.memory_space<vmem_shared>> -> memref<10008x128xf32, #tpu.memory_space<vmem_shared>>
      tpu.enqueue_indirect_dma source(%arg9 : memref<128x128xf32, #tpu.memory_space<vmem>>) target(%dma_start3A_149 : memref<10008x128xf32, #tpu.memory_space<vmem_shared>>) offsets(%dma_start3A_146 : memref<128xi32, #tpu.memory_space<vmem>>) semaphore(%arg14 : memref<!tpu.dma_semaphore, #tpu.memory_space<semaphore_mem>>) {add = true}
      %dma_wait3A_150 = arith.constant 3 : i32
      %dma_wait3A_151 = arith.constant 1 : i32
      %dma_wait3A_152 = arith.constant 0 : i32
      %dma_wait3A_153 = tpu.memref_slice %arg6[%dma_wait3A_150, %dma_wait3A_151, %dma_wait3A_152] : memref<4x2x128xi32, #tpu.memory_space<vmem>> -> memref<1x1x128xi32, #tpu.memory_space<vmem>>
      %dma_wait3A_154 = tpu.memref_squeeze %dma_wait3A_153 : memref<1x1x128xi32, #tpu.memory_space<vmem>> -> memref<128xi32, #tpu.memory_space<vmem>>
      %dma_wait3A_155 = arith.constant 0 : i32
      %dma_wait3A_156 = arith.constant 0 : i32
      %dma_wait3A_157 = tpu.memref_slice %arg10[%dma_wait3A_155, %dma_wait3A_156] : memref<10008x128xf32, #tpu.memory_space<vmem_shared>> -> memref<10008x128xf32, #tpu.memory_space<vmem_shared>>
      tpu.wait_indirect_dma semaphore(%arg14 : memref<!tpu.dma_semaphore, #tpu.memory_space<semaphore_mem>>) src(%arg9 : memref<128x128xf32, #tpu.memory_space<vmem>>) dst(%dma_wait3A_157 : memref<10008x128xf32, #tpu.memory_space<vmem_shared>>)
      %dma_start3A_158 = arith.constant 1 : i32
      %dma_start3A_159 = arith.constant 0 : i32
      %dma_start3A_160 = arith.constant 0 : i32
      %dma_start3A_161 = tpu.memref_slice %arg7[%dma_start3A_158, %dma_start3A_159, %dma_start3A_160] : memref<4x2x128xi32, #tpu.memory_space<vmem>> -> memref<1x1x128xi32, #tpu.memory_space<vmem>>
      %dma_start3A_162 = tpu.memref_squeeze %dma_start3A_161 : memref<1x1x128xi32, #tpu.memory_space<vmem>> -> memref<128xi32, #tpu.memory_space<vmem>>
      %dma_start3A_163 = arith.constant 0 : i32
      %dma_start3A_164 = arith.constant 0 : i32
      %dma_start3A_165 = tpu.memref_slice %arg2[%dma_start3A_163, %dma_start3A_164] : memref<40000x128xf32, #tpu.memory_space<hbm>> -> memref<40000x128xf32, #tpu.memory_space<hbm>>
      tpu.enqueue_indirect_dma source(%dma_start3A_165 : memref<40000x128xf32, #tpu.memory_space<hbm>>) target(%arg9 : memref<128x128xf32, #tpu.memory_space<vmem>>) offsets(%dma_start3A_162 : memref<128xi32, #tpu.memory_space<vmem>>) semaphore(%arg12 : memref<!tpu.dma_semaphore, #tpu.memory_space<semaphore_mem>>)
      %dma_wait3A_166 = arith.constant 0 : i32
      %dma_wait3A_167 = arith.constant 0 : i32
      %dma_wait3A_168 = arith.constant 0 : i32
      %dma_wait3A_169 = tpu.memref_slice %arg7[%dma_wait3A_166, %dma_wait3A_167, %dma_wait3A_168] : memref<4x2x128xi32, #tpu.memory_space<vmem>> -> memref<1x1x128xi32, #tpu.memory_space<vmem>>
      %dma_wait3A_170 = tpu.memref_squeeze %dma_wait3A_169 : memref<1x1x128xi32, #tpu.memory_space<vmem>> -> memref<128xi32, #tpu.memory_space<vmem>>
      %dma_wait3A_171 = arith.constant 0 : i32
      %dma_wait3A_172 = arith.constant 0 : i32
      %dma_wait3A_173 = tpu.memref_slice %arg2[%dma_wait3A_171, %dma_wait3A_172] : memref<40000x128xf32, #tpu.memory_space<hbm>> -> memref<40000x128xf32, #tpu.memory_space<hbm>>
      tpu.wait_indirect_dma semaphore(%arg11 : memref<!tpu.dma_semaphore, #tpu.memory_space<semaphore_mem>>) src(%dma_wait3A_173 : memref<40000x128xf32, #tpu.memory_space<hbm>>) dst(%arg8 : memref<128x128xf32, #tpu.memory_space<vmem>>)
      %dma_start3A_174 = arith.constant 0 : i32
      %dma_start3A_175 = arith.constant 1 : i32
      %dma_start3A_176 = arith.constant 0 : i32
      %dma_start3A_177 = tpu.memref_slice %arg7[%dma_start3A_174, %dma_start3A_175, %dma_start3A_176] : memref<4x2x128xi32, #tpu.memory_space<vmem>> -> memref<1x1x128xi32, #tpu.memory_space<vmem>>
      %dma_start3A_178 = tpu.memref_squeeze %dma_start3A_177 : memref<1x1x128xi32, #tpu.memory_space<vmem>> -> memref<128xi32, #tpu.memory_space<vmem>>
      %dma_start3A_179 = arith.constant 0 : i32
      %dma_start3A_180 = arith.constant 0 : i32
      %dma_start3A_181 = tpu.memref_slice %arg10[%dma_start3A_179, %dma_start3A_180] : memref<10008x128xf32, #tpu.memory_space<vmem_shared>> -> memref<10008x128xf32, #tpu.memory_space<vmem_shared>>
      tpu.enqueue_indirect_dma source(%arg8 : memref<128x128xf32, #tpu.memory_space<vmem>>) target(%dma_start3A_181 : memref<10008x128xf32, #tpu.memory_space<vmem_shared>>) offsets(%dma_start3A_178 : memref<128xi32, #tpu.memory_space<vmem>>) semaphore(%arg13 : memref<!tpu.dma_semaphore, #tpu.memory_space<semaphore_mem>>) {add = true}
      %dma_wait3A_182 = arith.constant 0 : i32
      %dma_wait3A_183 = arith.constant 1 : i32
      %dma_wait3A_184 = arith.constant 0 : i32
      %dma_wait3A_185 = tpu.memref_slice %arg7[%dma_wait3A_182, %dma_wait3A_183, %dma_wait3A_184] : memref<4x2x128xi32, #tpu.memory_space<vmem>> -> memref<1x1x128xi32, #tpu.memory_space<vmem>>
      %dma_wait3A_186 = tpu.memref_squeeze %dma_wait3A_185 : memref<1x1x128xi32, #tpu.memory_space<vmem>> -> memref<128xi32, #tpu.memory_space<vmem>>
      %dma_wait3A_187 = arith.constant 0 : i32
      %dma_wait3A_188 = arith.constant 0 : i32
      %dma_wait3A_189 = tpu.memref_slice %arg10[%dma_wait3A_187, %dma_wait3A_188] : memref<10008x128xf32, #tpu.memory_space<vmem_shared>> -> memref<10008x128xf32, #tpu.memory_space<vmem_shared>>
      tpu.wait_indirect_dma semaphore(%arg13 : memref<!tpu.dma_semaphore, #tpu.memory_space<semaphore_mem>>) src(%arg8 : memref<128x128xf32, #tpu.memory_space<vmem>>) dst(%dma_wait3A_189 : memref<10008x128xf32, #tpu.memory_space<vmem_shared>>)
      %dma_start3A_190 = arith.constant 2 : i32
      %dma_start3A_191 = arith.constant 0 : i32
      %dma_start3A_192 = arith.constant 0 : i32
      %dma_start3A_193 = tpu.memref_slice %arg7[%dma_start3A_190, %dma_start3A_191, %dma_start3A_192] : memref<4x2x128xi32, #tpu.memory_space<vmem>> -> memref<1x1x128xi32, #tpu.memory_space<vmem>>
      %dma_start3A_194 = tpu.memref_squeeze %dma_start3A_193 : memref<1x1x128xi32, #tpu.memory_space<vmem>> -> memref<128xi32, #tpu.memory_space<vmem>>
      %dma_start3A_195 = arith.constant 0 : i32
      %dma_start3A_196 = arith.constant 0 : i32
      %dma_start3A_197 = tpu.memref_slice %arg2[%dma_start3A_195, %dma_start3A_196] : memref<40000x128xf32, #tpu.memory_space<hbm>> -> memref<40000x128xf32, #tpu.memory_space<hbm>>
      tpu.enqueue_indirect_dma source(%dma_start3A_197 : memref<40000x128xf32, #tpu.memory_space<hbm>>) target(%arg8 : memref<128x128xf32, #tpu.memory_space<vmem>>) offsets(%dma_start3A_194 : memref<128xi32, #tpu.memory_space<vmem>>) semaphore(%arg11 : memref<!tpu.dma_semaphore, #tpu.memory_space<semaphore_mem>>)
      %dma_wait3A_198 = arith.constant 1 : i32
      %dma_wait3A_199 = arith.constant 0 : i32
      %dma_wait3A_200 = arith.constant 0 : i32
      %dma_wait3A_201 = tpu.memref_slice %arg7[%dma_wait3A_198, %dma_wait3A_199, %dma_wait3A_200] : memref<4x2x128xi32, #tpu.memory_space<vmem>> -> memref<1x1x128xi32, #tpu.memory_space<vmem>>
      %dma_wait3A_202 = tpu.memref_squeeze %dma_wait3A_201 : memref<1x1x128xi32, #tpu.memory_space<vmem>> -> memref<128xi32, #tpu.memory_space<vmem>>
      %dma_wait3A_203 = arith.constant 0 : i32
      %dma_wait3A_204 = arith.constant 0 : i32
      %dma_wait3A_205 = tpu.memref_slice %arg2[%dma_wait3A_203, %dma_wait3A_204] : memref<40000x128xf32, #tpu.memory_space<hbm>> -> memref<40000x128xf32, #tpu.memory_space<hbm>>
      tpu.wait_indirect_dma semaphore(%arg12 : memref<!tpu.dma_semaphore, #tpu.memory_space<semaphore_mem>>) src(%dma_wait3A_205 : memref<40000x128xf32, #tpu.memory_space<hbm>>) dst(%arg9 : memref<128x128xf32, #tpu.memory_space<vmem>>)
      %dma_start3A_206 = arith.constant 1 : i32
      %dma_start3A_207 = arith.constant 1 : i32
      %dma_start3A_208 = arith.constant 0 : i32
      %dma_start3A_209 = tpu.memref_slice %arg7[%dma_start3A_206, %dma_start3A_207, %dma_start3A_208] : memref<4x2x128xi32, #tpu.memory_space<vmem>> -> memref<1x1x128xi32, #tpu.memory_space<vmem>>
      %dma_start3A_210 = tpu.memref_squeeze %dma_start3A_209 : memref<1x1x128xi32, #tpu.memory_space<vmem>> -> memref<128xi32, #tpu.memory_space<vmem>>
      %dma_start3A_211 = arith.constant 0 : i32
      %dma_start3A_212 = arith.constant 0 : i32
      %dma_start3A_213 = tpu.memref_slice %arg10[%dma_start3A_211, %dma_start3A_212] : memref<10008x128xf32, #tpu.memory_space<vmem_shared>> -> memref<10008x128xf32, #tpu.memory_space<vmem_shared>>
      tpu.enqueue_indirect_dma source(%arg9 : memref<128x128xf32, #tpu.memory_space<vmem>>) target(%dma_start3A_213 : memref<10008x128xf32, #tpu.memory_space<vmem_shared>>) offsets(%dma_start3A_210 : memref<128xi32, #tpu.memory_space<vmem>>) semaphore(%arg14 : memref<!tpu.dma_semaphore, #tpu.memory_space<semaphore_mem>>) {add = true}
      %dma_wait3A_214 = arith.constant 1 : i32
      %dma_wait3A_215 = arith.constant 1 : i32
      %dma_wait3A_216 = arith.constant 0 : i32
      %dma_wait3A_217 = tpu.memref_slice %arg7[%dma_wait3A_214, %dma_wait3A_215, %dma_wait3A_216] : memref<4x2x128xi32, #tpu.memory_space<vmem>> -> memref<1x1x128xi32, #tpu.memory_space<vmem>>
      %dma_wait3A_218 = tpu.memref_squeeze %dma_wait3A_217 : memref<1x1x128xi32, #tpu.memory_space<vmem>> -> memref<128xi32, #tpu.memory_space<vmem>>
      %dma_wait3A_219 = arith.constant 0 : i32
      %dma_wait3A_220 = arith.constant 0 : i32
      %dma_wait3A_221 = tpu.memref_slice %arg10[%dma_wait3A_219, %dma_wait3A_220] : memref<10008x128xf32, #tpu.memory_space<vmem_shared>> -> memref<10008x128xf32, #tpu.memory_space<vmem_shared>>
      tpu.wait_indirect_dma semaphore(%arg14 : memref<!tpu.dma_semaphore, #tpu.memory_space<semaphore_mem>>) src(%arg9 : memref<128x128xf32, #tpu.memory_space<vmem>>) dst(%dma_wait3A_221 : memref<10008x128xf32, #tpu.memory_space<vmem_shared>>)
      %dma_start3A_222 = arith.constant 3 : i32
      %dma_start3A_223 = arith.constant 0 : i32
      %dma_start3A_224 = arith.constant 0 : i32
      %dma_start3A_225 = tpu.memref_slice %arg7[%dma_start3A_222, %dma_start3A_223, %dma_start3A_224] : memref<4x2x128xi32, #tpu.memory_space<vmem>> -> memref<1x1x128xi32, #tpu.memory_space<vmem>>
      %dma_start3A_226 = tpu.memref_squeeze %dma_start3A_225 : memref<1x1x128xi32, #tpu.memory_space<vmem>> -> memref<128xi32, #tpu.memory_space<vmem>>
      %dma_start3A_227 = arith.constant 0 : i32
      %dma_start3A_228 = arith.constant 0 : i32
      %dma_start3A_229 = tpu.memref_slice %arg2[%dma_start3A_227, %dma_start3A_228] : memref<40000x128xf32, #tpu.memory_space<hbm>> -> memref<40000x128xf32, #tpu.memory_space<hbm>>
      tpu.enqueue_indirect_dma source(%dma_start3A_229 : memref<40000x128xf32, #tpu.memory_space<hbm>>) target(%arg9 : memref<128x128xf32, #tpu.memory_space<vmem>>) offsets(%dma_start3A_226 : memref<128xi32, #tpu.memory_space<vmem>>) semaphore(%arg12 : memref<!tpu.dma_semaphore, #tpu.memory_space<semaphore_mem>>)
      %dma_wait3A_230 = arith.constant 2 : i32
      %dma_wait3A_231 = arith.constant 0 : i32
      %dma_wait3A_232 = arith.constant 0 : i32
      %dma_wait3A_233 = tpu.memref_slice %arg7[%dma_wait3A_230, %dma_wait3A_231, %dma_wait3A_232] : memref<4x2x128xi32, #tpu.memory_space<vmem>> -> memref<1x1x128xi32, #tpu.memory_space<vmem>>
      %dma_wait3A_234 = tpu.memref_squeeze %dma_wait3A_233 : memref<1x1x128xi32, #tpu.memory_space<vmem>> -> memref<128xi32, #tpu.memory_space<vmem>>
      %dma_wait3A_235 = arith.constant 0 : i32
      %dma_wait3A_236 = arith.constant 0 : i32
      %dma_wait3A_237 = tpu.memref_slice %arg2[%dma_wait3A_235, %dma_wait3A_236] : memref<40000x128xf32, #tpu.memory_space<hbm>> -> memref<40000x128xf32, #tpu.memory_space<hbm>>
      tpu.wait_indirect_dma semaphore(%arg11 : memref<!tpu.dma_semaphore, #tpu.memory_space<semaphore_mem>>) src(%dma_wait3A_237 : memref<40000x128xf32, #tpu.memory_space<hbm>>) dst(%arg8 : memref<128x128xf32, #tpu.memory_space<vmem>>)
      %dma_start3A_238 = arith.constant 2 : i32
      %dma_start3A_239 = arith.constant 1 : i32
      %dma_start3A_240 = arith.constant 0 : i32
      %dma_start3A_241 = tpu.memref_slice %arg7[%dma_start3A_238, %dma_start3A_239, %dma_start3A_240] : memref<4x2x128xi32, #tpu.memory_space<vmem>> -> memref<1x1x128xi32, #tpu.memory_space<vmem>>
      %dma_start3A_242 = tpu.memref_squeeze %dma_start3A_241 : memref<1x1x128xi32, #tpu.memory_space<vmem>> -> memref<128xi32, #tpu.memory_space<vmem>>
      %dma_start3A_243 = arith.constant 0 : i32
      %dma_start3A_244 = arith.constant 0 : i32
      %dma_start3A_245 = tpu.memref_slice %arg10[%dma_start3A_243, %dma_start3A_244] : memref<10008x128xf32, #tpu.memory_space<vmem_shared>> -> memref<10008x128xf32, #tpu.memory_space<vmem_shared>>
      tpu.enqueue_indirect_dma source(%arg8 : memref<128x128xf32, #tpu.memory_space<vmem>>) target(%dma_start3A_245 : memref<10008x128xf32, #tpu.memory_space<vmem_shared>>) offsets(%dma_start3A_242 : memref<128xi32, #tpu.memory_space<vmem>>) semaphore(%arg13 : memref<!tpu.dma_semaphore, #tpu.memory_space<semaphore_mem>>) {add = true}
      %lt3A = arith.constant 9 : i32
      %lt3A_246 = arith.cmpi slt, %scan3A_39, %lt3A : i32
      %convert_element_type3A_247 = arith.extui %lt3A_246 : i1 to i32
      %cond3A_248 = arith.constant 0 : i32
      %cond3A_249 = arith.cmpi ne, %convert_element_type3A_247, %cond3A_248 : i32
      scf.if %cond3A_249 {
        %add3A_255 = arith.constant 8 : i32
        %add3A_256 = arith.addi %add3A_42, %add3A_255 : i32
        "tpu.region"() ({
          %run_scoped3A = tpu.sem_alloc : memref<!tpu.dma_semaphore, #tpu.memory_space<semaphore_mem>>
          %dma_start3A_289 = arith.constant 0 : i32
          %dma_start3A_290 = arith.constant 0 : i32
          %dma_start3A_291 = tpu.memref_slice %arg3[%add3A_256, %dma_start3A_289, %dma_start3A_290] : memref<2560x2x128xi32, #tpu.memory_space<hbm>> -> memref<4x2x128xi32, #tpu.memory_space<hbm>>
          %dma_start3A_292 = arith.constant 0 : i32
          %dma_start3A_293 = arith.constant 0 : i32
          %dma_start3A_294 = tpu.memref_slice %arg3[%add3A_256, %dma_start3A_292, %dma_start3A_293] : memref<2560x2x128xi32, #tpu.memory_space<hbm>> -> memref<4x2x128xi32, #tpu.memory_space<hbm>>
          tpu.enqueue_dma source(%dma_start3A_294 : memref<4x2x128xi32, #tpu.memory_space<hbm>>) target(%arg6 : memref<4x2x128xi32, #tpu.memory_space<vmem>>) target_semaphore(%run_scoped3A : memref<!tpu.dma_semaphore, #tpu.memory_space<semaphore_mem>>)
          %dma_wait3A_295 = arith.constant 0 : i32
          %dma_wait3A_296 = arith.constant 0 : i32
          %dma_wait3A_297 = tpu.memref_slice %arg3[%add3A_256, %dma_wait3A_295, %dma_wait3A_296] : memref<2560x2x128xi32, #tpu.memory_space<hbm>> -> memref<4x2x128xi32, #tpu.memory_space<hbm>>
          %dma_wait3A_298 = arith.constant 0 : i32
          %dma_wait3A_299 = arith.constant 0 : i32
          %dma_wait3A_300 = tpu.memref_slice %arg3[%add3A_256, %dma_wait3A_298, %dma_wait3A_299] : memref<2560x2x128xi32, #tpu.memory_space<hbm>> -> memref<4x2x128xi32, #tpu.memory_space<hbm>>
          tpu.wait_dma2 semaphore(%run_scoped3A : memref<!tpu.dma_semaphore, #tpu.memory_space<semaphore_mem>>) src(%dma_wait3A_300 : memref<4x2x128xi32, #tpu.memory_space<hbm>>) dst(%arg6 : memref<4x2x128xi32, #tpu.memory_space<vmem>>)
          tpu.yield
        }) : () -> ()
        %dma_wait3A_257 = arith.constant 2 : i32
        %dma_wait3A_258 = arith.constant 1 : i32
        %dma_wait3A_259 = arith.constant 0 : i32
        %dma_wait3A_260 = tpu.memref_slice %arg7[%dma_wait3A_257, %dma_wait3A_258, %dma_wait3A_259] : memref<4x2x128xi32, #tpu.memory_space<vmem>> -> memref<1x1x128xi32, #tpu.memory_space<vmem>>
        %dma_wait3A_261 = tpu.memref_squeeze %dma_wait3A_260 : memref<1x1x128xi32, #tpu.memory_space<vmem>> -> memref<128xi32, #tpu.memory_space<vmem>>
        %dma_wait3A_262 = arith.constant 0 : i32
        %dma_wait3A_263 = arith.constant 0 : i32
        %dma_wait3A_264 = tpu.memref_slice %arg10[%dma_wait3A_262, %dma_wait3A_263] : memref<10008x128xf32, #tpu.memory_space<vmem_shared>> -> memref<10008x128xf32, #tpu.memory_space<vmem_shared>>
        tpu.wait_indirect_dma semaphore(%arg13 : memref<!tpu.dma_semaphore, #tpu.memory_space<semaphore_mem>>) src(%arg8 : memref<128x128xf32, #tpu.memory_space<vmem>>) dst(%dma_wait3A_264 : memref<10008x128xf32, #tpu.memory_space<vmem_shared>>)
        %dma_start3A_265 = arith.constant 0 : i32
        %dma_start3A_266 = arith.constant 0 : i32
        %dma_start3A_267 = arith.constant 0 : i32
        %dma_start3A_268 = tpu.memref_slice %arg6[%dma_start3A_265, %dma_start3A_266, %dma_start3A_267] : memref<4x2x128xi32, #tpu.memory_space<vmem>> -> memref<1x1x128xi32, #tpu.memory_space<vmem>>
        %dma_start3A_269 = tpu.memref_squeeze %dma_start3A_268 : memref<1x1x128xi32, #tpu.memory_space<vmem>> -> memref<128xi32, #tpu.memory_space<vmem>>
        %dma_start3A_270 = arith.constant 0 : i32
        %dma_start3A_271 = arith.constant 0 : i32
        %dma_start3A_272 = tpu.memref_slice %arg2[%dma_start3A_270, %dma_start3A_271] : memref<40000x128xf32, #tpu.memory_space<hbm>> -> memref<40000x128xf32, #tpu.memory_space<hbm>>
        tpu.enqueue_indirect_dma source(%dma_start3A_272 : memref<40000x128xf32, #tpu.memory_space<hbm>>) target(%arg8 : memref<128x128xf32, #tpu.memory_space<vmem>>) offsets(%dma_start3A_269 : memref<128xi32, #tpu.memory_space<vmem>>) semaphore(%arg11 : memref<!tpu.dma_semaphore, #tpu.memory_space<semaphore_mem>>)
        %dma_wait3A_273 = arith.constant 3 : i32
        %dma_wait3A_274 = arith.constant 0 : i32
        %dma_wait3A_275 = arith.constant 0 : i32
        %dma_wait3A_276 = tpu.memref_slice %arg7[%dma_wait3A_273, %dma_wait3A_274, %dma_wait3A_275] : memref<4x2x128xi32, #tpu.memory_space<vmem>> -> memref<1x1x128xi32, #tpu.memory_space<vmem>>
        %dma_wait3A_277 = tpu.memref_squeeze %dma_wait3A_276 : memref<1x1x128xi32, #tpu.memory_space<vmem>> -> memref<128xi32, #tpu.memory_space<vmem>>
        %dma_wait3A_278 = arith.constant 0 : i32
        %dma_wait3A_279 = arith.constant 0 : i32
        %dma_wait3A_280 = tpu.memref_slice %arg2[%dma_wait3A_278, %dma_wait3A_279] : memref<40000x128xf32, #tpu.memory_space<hbm>> -> memref<40000x128xf32, #tpu.memory_space<hbm>>
        tpu.wait_indirect_dma semaphore(%arg12 : memref<!tpu.dma_semaphore, #tpu.memory_space<semaphore_mem>>) src(%dma_wait3A_280 : memref<40000x128xf32, #tpu.memory_space<hbm>>) dst(%arg9 : memref<128x128xf32, #tpu.memory_space<vmem>>)
        %dma_start3A_281 = arith.constant 3 : i32
        %dma_start3A_282 = arith.constant 1 : i32
        %dma_start3A_283 = arith.constant 0 : i32
        %dma_start3A_284 = tpu.memref_slice %arg7[%dma_start3A_281, %dma_start3A_282, %dma_start3A_283] : memref<4x2x128xi32, #tpu.memory_space<vmem>> -> memref<1x1x128xi32, #tpu.memory_space<vmem>>
        %dma_start3A_285 = tpu.memref_squeeze %dma_start3A_284 : memref<1x1x128xi32, #tpu.memory_space<vmem>> -> memref<128xi32, #tpu.memory_space<vmem>>
        %dma_start3A_286 = arith.constant 0 : i32
        %dma_start3A_287 = arith.constant 0 : i32
        %dma_start3A_288 = tpu.memref_slice %arg10[%dma_start3A_286, %dma_start3A_287] : memref<10008x128xf32, #tpu.memory_space<vmem_shared>> -> memref<10008x128xf32, #tpu.memory_space<vmem_shared>>
        tpu.enqueue_indirect_dma source(%arg9 : memref<128x128xf32, #tpu.memory_space<vmem>>) target(%dma_start3A_288 : memref<10008x128xf32, #tpu.memory_space<vmem_shared>>) offsets(%dma_start3A_285 : memref<128xi32, #tpu.memory_space<vmem>>) semaphore(%arg14 : memref<!tpu.dma_semaphore, #tpu.memory_space<semaphore_mem>>) {add = true}
      } else {
      }
      %eq3A_250 = arith.constant 9 : i32
      %eq3A_251 = arith.cmpi eq, %scan3A_39, %eq3A_250 : i32
      %convert_element_type3A_252 = arith.extui %eq3A_251 : i1 to i32
      %cond3A_253 = arith.constant 0 : i32
      %cond3A_254 = arith.cmpi ne, %convert_element_type3A_252, %cond3A_253 : i32
      scf.if %cond3A_254 {
        %dma_wait3A_255 = arith.constant 2 : i32
        %dma_wait3A_256 = arith.constant 1 : i32
        %dma_wait3A_257 = arith.constant 0 : i32
        %dma_wait3A_258 = tpu.memref_slice %arg7[%dma_wait3A_255, %dma_wait3A_256, %dma_wait3A_257] : memref<4x2x128xi32, #tpu.memory_space<vmem>> -> memref<1x1x128xi32, #tpu.memory_space<vmem>>
        %dma_wait3A_259 = tpu.memref_squeeze %dma_wait3A_258 : memref<1x1x128xi32, #tpu.memory_space<vmem>> -> memref<128xi32, #tpu.memory_space<vmem>>
        %dma_wait3A_260 = arith.constant 0 : i32
        %dma_wait3A_261 = arith.constant 0 : i32
        %dma_wait3A_262 = tpu.memref_slice %arg10[%dma_wait3A_260, %dma_wait3A_261] : memref<10008x128xf32, #tpu.memory_space<vmem_shared>> -> memref<10008x128xf32, #tpu.memory_space<vmem_shared>>
        tpu.wait_indirect_dma semaphore(%arg13 : memref<!tpu.dma_semaphore, #tpu.memory_space<semaphore_mem>>) src(%arg8 : memref<128x128xf32, #tpu.memory_space<vmem>>) dst(%dma_wait3A_262 : memref<10008x128xf32, #tpu.memory_space<vmem_shared>>)
        %dma_wait3A_263 = arith.constant 3 : i32
        %dma_wait3A_264 = arith.constant 0 : i32
        %dma_wait3A_265 = arith.constant 0 : i32
        %dma_wait3A_266 = tpu.memref_slice %arg7[%dma_wait3A_263, %dma_wait3A_264, %dma_wait3A_265] : memref<4x2x128xi32, #tpu.memory_space<vmem>> -> memref<1x1x128xi32, #tpu.memory_space<vmem>>
        %dma_wait3A_267 = tpu.memref_squeeze %dma_wait3A_266 : memref<1x1x128xi32, #tpu.memory_space<vmem>> -> memref<128xi32, #tpu.memory_space<vmem>>
        %dma_wait3A_268 = arith.constant 0 : i32
        %dma_wait3A_269 = arith.constant 0 : i32
        %dma_wait3A_270 = tpu.memref_slice %arg2[%dma_wait3A_268, %dma_wait3A_269] : memref<40000x128xf32, #tpu.memory_space<hbm>> -> memref<40000x128xf32, #tpu.memory_space<hbm>>
        tpu.wait_indirect_dma semaphore(%arg12 : memref<!tpu.dma_semaphore, #tpu.memory_space<semaphore_mem>>) src(%dma_wait3A_270 : memref<40000x128xf32, #tpu.memory_space<hbm>>) dst(%arg9 : memref<128x128xf32, #tpu.memory_space<vmem>>)
        %dma_start3A_271 = arith.constant 3 : i32
        %dma_start3A_272 = arith.constant 1 : i32
        %dma_start3A_273 = arith.constant 0 : i32
        %dma_start3A_274 = tpu.memref_slice %arg7[%dma_start3A_271, %dma_start3A_272, %dma_start3A_273] : memref<4x2x128xi32, #tpu.memory_space<vmem>> -> memref<1x1x128xi32, #tpu.memory_space<vmem>>
        %dma_start3A_275 = tpu.memref_squeeze %dma_start3A_274 : memref<1x1x128xi32, #tpu.memory_space<vmem>> -> memref<128xi32, #tpu.memory_space<vmem>>
        %dma_start3A_276 = arith.constant 0 : i32
        %dma_start3A_277 = arith.constant 0 : i32
        %dma_start3A_278 = tpu.memref_slice %arg10[%dma_start3A_276, %dma_start3A_277] : memref<10008x128xf32, #tpu.memory_space<vmem_shared>> -> memref<10008x128xf32, #tpu.memory_space<vmem_shared>>
        tpu.enqueue_indirect_dma source(%arg9 : memref<128x128xf32, #tpu.memory_space<vmem>>) target(%dma_start3A_278 : memref<10008x128xf32, #tpu.memory_space<vmem_shared>>) offsets(%dma_start3A_275 : memref<128xi32, #tpu.memory_space<vmem>>) semaphore(%arg14 : memref<!tpu.dma_semaphore, #tpu.memory_space<semaphore_mem>>) {add = true}
        %dma_wait3A_279 = arith.constant 3 : i32
        %dma_wait3A_280 = arith.constant 1 : i32
        %dma_wait3A_281 = arith.constant 0 : i32
        %dma_wait3A_282 = tpu.memref_slice %arg7[%dma_wait3A_279, %dma_wait3A_280, %dma_wait3A_281] : memref<4x2x128xi32, #tpu.memory_space<vmem>> -> memref<1x1x128xi32, #tpu.memory_space<vmem>>
        %dma_wait3A_283 = tpu.memref_squeeze %dma_wait3A_282 : memref<1x1x128xi32, #tpu.memory_space<vmem>> -> memref<128xi32, #tpu.memory_space<vmem>>
        %dma_wait3A_284 = arith.constant 0 : i32
        %dma_wait3A_285 = arith.constant 0 : i32
        %dma_wait3A_286 = tpu.memref_slice %arg10[%dma_wait3A_284, %dma_wait3A_285] : memref<10008x128xf32, #tpu.memory_space<vmem_shared>> -> memref<10008x128xf32, #tpu.memory_space<vmem_shared>>
        tpu.wait_indirect_dma semaphore(%arg14 : memref<!tpu.dma_semaphore, #tpu.memory_space<semaphore_mem>>) src(%arg9 : memref<128x128xf32, #tpu.memory_space<vmem>>) dst(%dma_wait3A_286 : memref<10008x128xf32, #tpu.memory_space<vmem_shared>>)
      } else {
      }
    }
    %scan3A_28 = arith.constant 10 : i32
    %barrier3A_29 = arith.constant 0 : index
    tpu.barrier barrier_id(%barrier3A_29)
    %mul3A_30 = arith.constant 624 : i32
    %mul3A_31 = arith.muli %arg1, %mul3A_30 : i32
    %mul3A_32 = arith.constant 624 : i32
    %mul3A_33 = arith.muli %arg1, %mul3A_32 : i32
    "tpu.region"() ({
      %run_scoped3A = tpu.sem_alloc : memref<!tpu.dma_semaphore, #tpu.memory_space<semaphore_mem>>
      %dma_start3A_39 = arith.constant 0 : i32
      %dma_start3A_40 = arith.constant 0 : i32
      %dma_start3A_41 = tpu.memref_slice %arg5[%arg0, %dma_start3A_39, %dma_start3A_40] : memref<2x10000x128xf32, #tpu.memory_space<hbm>> -> memref<1x10000x128xf32, #tpu.memory_space<hbm>>
      %dma_start3A_42 = tpu.memref_squeeze %dma_start3A_41 : memref<1x10000x128xf32, #tpu.memory_space<hbm>> -> memref<10000x128xf32, #tpu.memory_space<hbm>>
      %dma_start3A_43 = arith.constant 0 : i32
      %dma_start3A_44 = tpu.memref_slice %dma_start3A_42[%mul3A_33, %dma_start3A_43] : memref<10000x128xf32, #tpu.memory_space<hbm>> -> memref<624x128xf32, #tpu.memory_space<hbm>>
      %dma_start3A_45 = arith.constant 0 : i32
      %dma_start3A_46 = tpu.memref_slice %arg10[%mul3A_31, %dma_start3A_45] : memref<10008x128xf32, #tpu.memory_space<vmem_shared>> -> memref<624x128xf32, #tpu.memory_space<vmem_shared>>
      tpu.enqueue_dma source(%dma_start3A_46 : memref<624x128xf32, #tpu.memory_space<vmem_shared>>) target(%dma_start3A_44 : memref<624x128xf32, #tpu.memory_space<hbm>>) target_semaphore(%run_scoped3A : memref<!tpu.dma_semaphore, #tpu.memory_space<semaphore_mem>>)
      %dma_wait3A_47 = arith.constant 0 : i32
      %dma_wait3A_48 = arith.constant 0 : i32
      %dma_wait3A_49 = tpu.memref_slice %arg5[%arg0, %dma_wait3A_47, %dma_wait3A_48] : memref<2x10000x128xf32, #tpu.memory_space<hbm>> -> memref<1x10000x128xf32, #tpu.memory_space<hbm>>
      %dma_wait3A_50 = tpu.memref_squeeze %dma_wait3A_49 : memref<1x10000x128xf32, #tpu.memory_space<hbm>> -> memref<10000x128xf32, #tpu.memory_space<hbm>>
      %dma_wait3A_51 = arith.constant 0 : i32
      %dma_wait3A_52 = tpu.memref_slice %dma_wait3A_50[%mul3A_33, %dma_wait3A_51] : memref<10000x128xf32, #tpu.memory_space<hbm>> -> memref<624x128xf32, #tpu.memory_space<hbm>>
      %dma_wait3A_53 = arith.constant 0 : i32
      %dma_wait3A_54 = tpu.memref_slice %arg10[%mul3A_31, %dma_wait3A_53] : memref<10008x128xf32, #tpu.memory_space<vmem_shared>> -> memref<624x128xf32, #tpu.memory_space<vmem_shared>>
      tpu.wait_dma2 semaphore(%run_scoped3A : memref<!tpu.dma_semaphore, #tpu.memory_space<semaphore_mem>>) src(%dma_wait3A_54 : memref<624x128xf32, #tpu.memory_space<vmem_shared>>) dst(%dma_wait3A_52 : memref<624x128xf32, #tpu.memory_space<hbm>>)
      tpu.yield
    }) : () -> ()
    %eq3A_34 = arith.constant 0 : i32
    %eq3A_35 = arith.cmpi eq, %arg1, %eq3A_34 : i32
    %convert_element_type3A_36 = arith.extui %eq3A_35 : i1 to i32
    %cond3A_37 = arith.constant 0 : i32
    %cond3A_38 = arith.cmpi ne, %convert_element_type3A_36, %cond3A_37 : i32
    scf.if %cond3A_38 {
      "tpu.region"() ({
        %run_scoped3A = tpu.sem_alloc : memref<!tpu.dma_semaphore, #tpu.memory_space<semaphore_mem>>
        %dma_start3A_39 = arith.constant 0 : i32
        %dma_start3A_40 = arith.constant 0 : i32
        %dma_start3A_41 = tpu.memref_slice %arg5[%arg0, %dma_start3A_39, %dma_start3A_40] : memref<2x10000x128xf32, #tpu.memory_space<hbm>> -> memref<1x10000x128xf32, #tpu.memory_space<hbm>>
        %dma_start3A_42 = tpu.memref_squeeze %dma_start3A_41 : memref<1x10000x128xf32, #tpu.memory_space<hbm>> -> memref<10000x128xf32, #tpu.memory_space<hbm>>
        %dma_start3A_43 = arith.constant 9984 : i32
        %dma_start3A_44 = arith.constant 0 : i32
        %dma_start3A_45 = tpu.memref_slice %dma_start3A_42[%dma_start3A_43, %dma_start3A_44] : memref<10000x128xf32, #tpu.memory_space<hbm>> -> memref<16x128xf32, #tpu.memory_space<hbm>>
        %dma_start3A_46 = arith.constant 9984 : i32
        %dma_start3A_47 = arith.constant 0 : i32
        %dma_start3A_48 = tpu.memref_slice %arg10[%dma_start3A_46, %dma_start3A_47] : memref<10008x128xf32, #tpu.memory_space<vmem_shared>> -> memref<16x128xf32, #tpu.memory_space<vmem_shared>>
        tpu.enqueue_dma source(%dma_start3A_48 : memref<16x128xf32, #tpu.memory_space<vmem_shared>>) target(%dma_start3A_45 : memref<16x128xf32, #tpu.memory_space<hbm>>) target_semaphore(%run_scoped3A : memref<!tpu.dma_semaphore, #tpu.memory_space<semaphore_mem>>)
        %dma_wait3A_49 = arith.constant 0 : i32
        %dma_wait3A_50 = arith.constant 0 : i32
        %dma_wait3A_51 = tpu.memref_slice %arg5[%arg0, %dma_wait3A_49, %dma_wait3A_50] : memref<2x10000x128xf32, #tpu.memory_space<hbm>> -> memref<1x10000x128xf32, #tpu.memory_space<hbm>>
        %dma_wait3A_52 = tpu.memref_squeeze %dma_wait3A_51 : memref<1x10000x128xf32, #tpu.memory_space<hbm>> -> memref<10000x128xf32, #tpu.memory_space<hbm>>
        %dma_wait3A_53 = arith.constant 9984 : i32
        %dma_wait3A_54 = arith.constant 0 : i32
        %dma_wait3A_55 = tpu.memref_slice %dma_wait3A_52[%dma_wait3A_53, %dma_wait3A_54] : memref<10000x128xf32, #tpu.memory_space<hbm>> -> memref<16x128xf32, #tpu.memory_space<hbm>>
        %dma_wait3A_56 = arith.constant 9984 : i32
        %dma_wait3A_57 = arith.constant 0 : i32
        %dma_wait3A_58 = tpu.memref_slice %arg10[%dma_wait3A_56, %dma_wait3A_57] : memref<10008x128xf32, #tpu.memory_space<vmem_shared>> -> memref<16x128xf32, #tpu.memory_space<vmem_shared>>
        tpu.wait_dma2 semaphore(%run_scoped3A : memref<!tpu.dma_semaphore, #tpu.memory_space<semaphore_mem>>) src(%dma_wait3A_58 : memref<16x128xf32, #tpu.memory_space<vmem_shared>>) dst(%dma_wait3A_55 : memref<16x128xf32, #tpu.memory_space<hbm>>)
        tpu.yield
      }) : () -> ()
    } else {
    }
    return
  }
}

#map = affine_map<(d0, d1) -> (0, 0)>
#map1 = affine_map<(d0, d1) -> (0, 0, 0)>
module attributes {stable_mosaic.version = 14 : i64} {
  func.func @k(%arg0: i32, %arg1: i32, %arg2: memref<40000x128xf32, #tpu.memory_space<hbm>>, %arg3: memref<2560x2x128xi32, #tpu.memory_space<hbm>>, %arg4: memref<624x128xf32, #tpu.memory_space<hbm>>, %arg5: memref<2x10000x128xf32, #tpu.memory_space<hbm>>, %arg6: memref<4x2x128xi32, #tpu.memory_space<vmem>>, %arg7: memref<4x2x128xi32, #tpu.memory_space<vmem>>, %arg8: memref<128x128xf32, #tpu.memory_space<vmem>>, %arg9: memref<128x128xf32, #tpu.memory_space<vmem>>, %arg10: memref<10008x128xf32, #tpu.memory_space<vmem_shared>>, %arg11: memref<!tpu.dma_semaphore, #tpu.memory_space<semaphore_mem>>, %arg12: memref<!tpu.dma_semaphore, #tpu.memory_space<semaphore_mem>>, %arg13: memref<!tpu.dma_semaphore, #tpu.memory_space<semaphore_mem>>, %arg14: memref<!tpu.dma_semaphore, #tpu.memory_space<semaphore_mem>>, %arg15: memref<!tpu.dma_semaphore, #tpu.memory_space<semaphore_mem>>) attributes {dimension_semantics = [#tpu.dimension_semantics<core_parallel>, #tpu.dimension_semantics<subcore_parallel>], iteration_bounds = array<i64: 2, 16>, scalar_prefetch = 0 : i64, scratch_operands = 10 : i64, tpu.core_type = #tpu.core_type<sc_vector_subcore>, window_params = [{transform_indices = #map}, {transform_indices = #map1}, {transform_indices = #map}, {transform_indices = #map1}]} {
    %mul3A = arith.constant 16 : i32
    %mul3A_0 = arith.muli %arg0, %mul3A : i32
    %add3A = arith.addi %mul3A_0, %arg1 : i32
    %mul3A_1 = arith.constant 80 : i32
    %mul3A_2 = arith.muli %add3A, %mul3A_1 : i32
    %mul3A_3 = arith.constant 624 : i32
    %mul3A_4 = arith.muli %arg1, %mul3A_3 : i32
    %dma_start3A = arith.constant 0 : i32
    %dma_start3A_5 = tpu.memref_slice %arg10[%mul3A_4, %dma_start3A] : memref<10008x128xf32, #tpu.memory_space<vmem_shared>> -> memref<624x128xf32, #tpu.memory_space<vmem_shared>>
    tpu.enqueue_dma source(%arg4 : memref<624x128xf32, #tpu.memory_space<hbm>>) target(%dma_start3A_5 : memref<624x128xf32, #tpu.memory_space<vmem_shared>>) target_semaphore(%arg15 : memref<!tpu.dma_semaphore, #tpu.memory_space<semaphore_mem>>)
    %eq3A = arith.constant 0 : i32
    %eq3A_6 = arith.cmpi eq, %arg1, %eq3A : i32
    %convert_element_type3A = arith.extui %eq3A_6 : i1 to i32
    %cond3A = arith.constant 0 : i32
    %cond3A_7 = arith.cmpi ne, %convert_element_type3A, %cond3A : i32
    scf.if %cond3A_7 {
      %dma_start3A_39 = arith.constant 9984 : i32
      %dma_start3A_40 = arith.constant 0 : i32
      %dma_start3A_41 = tpu.memref_slice %arg10[%dma_start3A_39, %dma_start3A_40] : memref<10008x128xf32, #tpu.memory_space<vmem_shared>> -> memref<16x128xf32, #tpu.memory_space<vmem_shared>>
      %dma_start3A_42 = arith.constant 0 : i32
      %dma_start3A_43 = arith.constant 0 : i32
      %dma_start3A_44 = tpu.memref_slice %arg4[%dma_start3A_42, %dma_start3A_43] : memref<624x128xf32, #tpu.memory_space<hbm>> -> memref<16x128xf32, #tpu.memory_space<hbm>>
      tpu.enqueue_dma source(%dma_start3A_44 : memref<16x128xf32, #tpu.memory_space<hbm>>) target(%dma_start3A_41 : memref<16x128xf32, #tpu.memory_space<vmem_shared>>) target_semaphore(%arg15 : memref<!tpu.dma_semaphore, #tpu.memory_space<semaphore_mem>>)
    } else {
    }
    "tpu.region"() ({
      %run_scoped3A = tpu.sem_alloc : memref<!tpu.dma_semaphore, #tpu.memory_space<semaphore_mem>>
      %dma_start3A_39 = arith.constant 0 : i32
      %dma_start3A_40 = arith.constant 0 : i32
      %dma_start3A_41 = tpu.memref_slice %arg3[%mul3A_2, %dma_start3A_39, %dma_start3A_40] : memref<2560x2x128xi32, #tpu.memory_space<hbm>> -> memref<4x2x128xi32, #tpu.memory_space<hbm>>
      %dma_start3A_42 = arith.constant 0 : i32
      %dma_start3A_43 = arith.constant 0 : i32
      %dma_start3A_44 = tpu.memref_slice %arg3[%mul3A_2, %dma_start3A_42, %dma_start3A_43] : memref<2560x2x128xi32, #tpu.memory_space<hbm>> -> memref<4x2x128xi32, #tpu.memory_space<hbm>>
      tpu.enqueue_dma source(%dma_start3A_44 : memref<4x2x128xi32, #tpu.memory_space<hbm>>) target(%arg6 : memref<4x2x128xi32, #tpu.memory_space<vmem>>) target_semaphore(%run_scoped3A : memref<!tpu.dma_semaphore, #tpu.memory_space<semaphore_mem>>)
      %dma_wait3A_45 = arith.constant 0 : i32
      %dma_wait3A_46 = arith.constant 0 : i32
      %dma_wait3A_47 = tpu.memref_slice %arg3[%mul3A_2, %dma_wait3A_45, %dma_wait3A_46] : memref<2560x2x128xi32, #tpu.memory_space<hbm>> -> memref<4x2x128xi32, #tpu.memory_space<hbm>>
      %dma_wait3A_48 = arith.constant 0 : i32
      %dma_wait3A_49 = arith.constant 0 : i32
      %dma_wait3A_50 = tpu.memref_slice %arg3[%mul3A_2, %dma_wait3A_48, %dma_wait3A_49] : memref<2560x2x128xi32, #tpu.memory_space<hbm>> -> memref<4x2x128xi32, #tpu.memory_space<hbm>>
      tpu.wait_dma2 semaphore(%run_scoped3A : memref<!tpu.dma_semaphore, #tpu.memory_space<semaphore_mem>>) src(%dma_wait3A_50 : memref<4x2x128xi32, #tpu.memory_space<hbm>>) dst(%arg6 : memref<4x2x128xi32, #tpu.memory_space<vmem>>)
      tpu.yield
    }) : () -> ()
    %dma_start3A_8 = arith.constant 0 : i32
    %dma_start3A_9 = arith.constant 0 : i32
    %dma_start3A_10 = arith.constant 0 : i32
    %dma_start3A_11 = tpu.memref_slice %arg6[%dma_start3A_8, %dma_start3A_9, %dma_start3A_10] : memref<4x2x128xi32, #tpu.memory_space<vmem>> -> memref<1x1x128xi32, #tpu.memory_space<vmem>>
    %dma_start3A_12 = tpu.memref_squeeze %dma_start3A_11 : memref<1x1x128xi32, #tpu.memory_space<vmem>> -> memref<128xi32, #tpu.memory_space<vmem>>
    %dma_start3A_13 = arith.constant 0 : i32
    %dma_start3A_14 = arith.constant 0 : i32
    %dma_start3A_15 = tpu.memref_slice %arg2[%dma_start3A_13, %dma_start3A_14] : memref<40000x128xf32, #tpu.memory_space<hbm>> -> memref<40000x128xf32, #tpu.memory_space<hbm>>
    tpu.enqueue_indirect_dma source(%dma_start3A_15 : memref<40000x128xf32, #tpu.memory_space<hbm>>) target(%arg8 : memref<128x128xf32, #tpu.memory_space<vmem>>) offsets(%dma_start3A_12 : memref<128xi32, #tpu.memory_space<vmem>>) semaphore(%arg11 : memref<!tpu.dma_semaphore, #tpu.memory_space<semaphore_mem>>)
    %mul3A_16 = arith.constant 624 : i32
    %mul3A_17 = arith.muli %arg1, %mul3A_16 : i32
    %dma_wait3A = arith.constant 0 : i32
    %dma_wait3A_18 = tpu.memref_slice %arg10[%mul3A_17, %dma_wait3A] : memref<10008x128xf32, #tpu.memory_space<vmem_shared>> -> memref<624x128xf32, #tpu.memory_space<vmem_shared>>
    tpu.wait_dma2 semaphore(%arg15 : memref<!tpu.dma_semaphore, #tpu.memory_space<semaphore_mem>>) src(%arg4 : memref<624x128xf32, #tpu.memory_space<hbm>>) dst(%dma_wait3A_18 : memref<624x128xf32, #tpu.memory_space<vmem_shared>>)
    %eq3A_19 = arith.constant 0 : i32
    %eq3A_20 = arith.cmpi eq, %arg1, %eq3A_19 : i32
    %convert_element_type3A_21 = arith.extui %eq3A_20 : i1 to i32
    %cond3A_22 = arith.constant 0 : i32
    %cond3A_23 = arith.cmpi ne, %convert_element_type3A_21, %cond3A_22 : i32
    scf.if %cond3A_23 {
      %dma_wait3A_39 = arith.constant 9984 : i32
      %dma_wait3A_40 = arith.constant 0 : i32
      %dma_wait3A_41 = tpu.memref_slice %arg10[%dma_wait3A_39, %dma_wait3A_40] : memref<10008x128xf32, #tpu.memory_space<vmem_shared>> -> memref<16x128xf32, #tpu.memory_space<vmem_shared>>
      %dma_wait3A_42 = arith.constant 0 : i32
      %dma_wait3A_43 = arith.constant 0 : i32
      %dma_wait3A_44 = tpu.memref_slice %arg4[%dma_wait3A_42, %dma_wait3A_43] : memref<624x128xf32, #tpu.memory_space<hbm>> -> memref<16x128xf32, #tpu.memory_space<hbm>>
      tpu.wait_dma2 semaphore(%arg15 : memref<!tpu.dma_semaphore, #tpu.memory_space<semaphore_mem>>) src(%dma_wait3A_44 : memref<16x128xf32, #tpu.memory_space<hbm>>) dst(%dma_wait3A_41 : memref<16x128xf32, #tpu.memory_space<vmem_shared>>)
    } else {
    }
    %barrier3A = arith.constant 0 : index
    tpu.barrier barrier_id(%barrier3A)
    %scan3A = arith.constant 0 : i32
    %scan3A_24 = arith.constant 0 : i32
    %scan3A_25 = arith.constant 10 : i32
    %scan3A_26 = arith.addi %scan3A_24, %scan3A_25 : i32
    %scan3A_27 = arith.constant 1 : i32
    scf.for %scan3A_39 = %scan3A_24 to %scan3A_26 step %scan3A_27  : i32 {
      %mul3A_40 = arith.constant 8 : i32
      %mul3A_41 = arith.muli %mul3A_40, %scan3A_39 : i32
      %add3A_42 = arith.addi %mul3A_2, %mul3A_41 : i32
      %eq3A_43 = arith.constant 0 : i32
      %eq3A_44 = arith.cmpi eq, %scan3A_39, %eq3A_43 : i32
      %convert_element_type3A_45 = arith.extui %eq3A_44 : i1 to i32
      %cond3A_46 = arith.constant 0 : i32
      %cond3A_47 = arith.cmpi ne, %convert_element_type3A_45, %cond3A_46 : i32
      scf.if %cond3A_47 {
        %dma_start3A_255 = arith.constant 1 : i32
        %dma_start3A_256 = arith.constant 0 : i32
        %dma_start3A_257 = arith.constant 0 : i32
        %dma_start3A_258 = tpu.memref_slice %arg6[%dma_start3A_255, %dma_start3A_256, %dma_start3A_257] : memref<4x2x128xi32, #tpu.memory_space<vmem>> -> memref<1x1x128xi32, #tpu.memory_space<vmem>>
        %dma_start3A_259 = tpu.memref_squeeze %dma_start3A_258 : memref<1x1x128xi32, #tpu.memory_space<vmem>> -> memref<128xi32, #tpu.memory_space<vmem>>
        %dma_start3A_260 = arith.constant 0 : i32
        %dma_start3A_261 = arith.constant 0 : i32
        %dma_start3A_262 = tpu.memref_slice %arg2[%dma_start3A_260, %dma_start3A_261] : memref<40000x128xf32, #tpu.memory_space<hbm>> -> memref<40000x128xf32, #tpu.memory_space<hbm>>
        tpu.enqueue_indirect_dma source(%dma_start3A_262 : memref<40000x128xf32, #tpu.memory_space<hbm>>) target(%arg9 : memref<128x128xf32, #tpu.memory_space<vmem>>) offsets(%dma_start3A_259 : memref<128xi32, #tpu.memory_space<vmem>>) semaphore(%arg12 : memref<!tpu.dma_semaphore, #tpu.memory_space<semaphore_mem>>)
        %dma_wait3A_263 = arith.constant 0 : i32
        %dma_wait3A_264 = arith.constant 0 : i32
        %dma_wait3A_265 = arith.constant 0 : i32
        %dma_wait3A_266 = tpu.memref_slice %arg6[%dma_wait3A_263, %dma_wait3A_264, %dma_wait3A_265] : memref<4x2x128xi32, #tpu.memory_space<vmem>> -> memref<1x1x128xi32, #tpu.memory_space<vmem>>
        %dma_wait3A_267 = tpu.memref_squeeze %dma_wait3A_266 : memref<1x1x128xi32, #tpu.memory_space<vmem>> -> memref<128xi32, #tpu.memory_space<vmem>>
        %dma_wait3A_268 = arith.constant 0 : i32
        %dma_wait3A_269 = arith.constant 0 : i32
        %dma_wait3A_270 = tpu.memref_slice %arg2[%dma_wait3A_268, %dma_wait3A_269] : memref<40000x128xf32, #tpu.memory_space<hbm>> -> memref<40000x128xf32, #tpu.memory_space<hbm>>
        tpu.wait_indirect_dma semaphore(%arg11 : memref<!tpu.dma_semaphore, #tpu.memory_space<semaphore_mem>>) src(%dma_wait3A_270 : memref<40000x128xf32, #tpu.memory_space<hbm>>) dst(%arg8 : memref<128x128xf32, #tpu.memory_space<vmem>>)
        %dma_start3A_271 = arith.constant 0 : i32
        %dma_start3A_272 = arith.constant 1 : i32
        %dma_start3A_273 = arith.constant 0 : i32
        %dma_start3A_274 = tpu.memref_slice %arg6[%dma_start3A_271, %dma_start3A_272, %dma_start3A_273] : memref<4x2x128xi32, #tpu.memory_space<vmem>> -> memref<1x1x128xi32, #tpu.memory_space<vmem>>
        %dma_start3A_275 = tpu.memref_squeeze %dma_start3A_274 : memref<1x1x128xi32, #tpu.memory_space<vmem>> -> memref<128xi32, #tpu.memory_space<vmem>>
        %dma_start3A_276 = arith.constant 0 : i32
        %dma_start3A_277 = arith.constant 0 : i32
        %dma_start3A_278 = tpu.memref_slice %arg10[%dma_start3A_276, %dma_start3A_277] : memref<10008x128xf32, #tpu.memory_space<vmem_shared>> -> memref<10008x128xf32, #tpu.memory_space<vmem_shared>>
        tpu.enqueue_indirect_dma source(%arg8 : memref<128x128xf32, #tpu.memory_space<vmem>>) target(%dma_start3A_278 : memref<10008x128xf32, #tpu.memory_space<vmem_shared>>) offsets(%dma_start3A_275 : memref<128xi32, #tpu.memory_space<vmem>>) semaphore(%arg13 : memref<!tpu.dma_semaphore, #tpu.memory_space<semaphore_mem>>) {add = true}
      } else {
      }
      %gt3A = arith.constant 0 : i32
      %gt3A_48 = arith.cmpi sgt, %scan3A_39, %gt3A : i32
      %convert_element_type3A_49 = arith.extui %gt3A_48 : i1 to i32
      %cond3A_50 = arith.constant 0 : i32
      %cond3A_51 = arith.cmpi ne, %convert_element_type3A_49, %cond3A_50 : i32
      scf.if %cond3A_51 {
        %dma_wait3A_255 = arith.constant 3 : i32
        %dma_wait3A_256 = arith.constant 1 : i32
        %dma_wait3A_257 = arith.constant 0 : i32
        %dma_wait3A_258 = tpu.memref_slice %arg7[%dma_wait3A_255, %dma_wait3A_256, %dma_wait3A_257] : memref<4x2x128xi32, #tpu.memory_space<vmem>> -> memref<1x1x128xi32, #tpu.memory_space<vmem>>
        %dma_wait3A_259 = tpu.memref_squeeze %dma_wait3A_258 : memref<1x1x128xi32, #tpu.memory_space<vmem>> -> memref<128xi32, #tpu.memory_space<vmem>>
        %dma_wait3A_260 = arith.constant 0 : i32
        %dma_wait3A_261 = arith.constant 0 : i32
        %dma_wait3A_262 = tpu.memref_slice %arg10[%dma_wait3A_260, %dma_wait3A_261] : memref<10008x128xf32, #tpu.memory_space<vmem_shared>> -> memref<10008x128xf32, #tpu.memory_space<vmem_shared>>
        tpu.wait_indirect_dma semaphore(%arg14 : memref<!tpu.dma_semaphore, #tpu.memory_space<semaphore_mem>>) src(%arg9 : memref<128x128xf32, #tpu.memory_space<vmem>>) dst(%dma_wait3A_262 : memref<10008x128xf32, #tpu.memory_space<vmem_shared>>)
        %dma_start3A_263 = arith.constant 1 : i32
        %dma_start3A_264 = arith.constant 0 : i32
        %dma_start3A_265 = arith.constant 0 : i32
        %dma_start3A_266 = tpu.memref_slice %arg6[%dma_start3A_263, %dma_start3A_264, %dma_start3A_265] : memref<4x2x128xi32, #tpu.memory_space<vmem>> -> memref<1x1x128xi32, #tpu.memory_space<vmem>>
        %dma_start3A_267 = tpu.memref_squeeze %dma_start3A_266 : memref<1x1x128xi32, #tpu.memory_space<vmem>> -> memref<128xi32, #tpu.memory_space<vmem>>
        %dma_start3A_268 = arith.constant 0 : i32
        %dma_start3A_269 = arith.constant 0 : i32
        %dma_start3A_270 = tpu.memref_slice %arg2[%dma_start3A_268, %dma_start3A_269] : memref<40000x128xf32, #tpu.memory_space<hbm>> -> memref<40000x128xf32, #tpu.memory_space<hbm>>
        tpu.enqueue_indirect_dma source(%dma_start3A_270 : memref<40000x128xf32, #tpu.memory_space<hbm>>) target(%arg9 : memref<128x128xf32, #tpu.memory_space<vmem>>) offsets(%dma_start3A_267 : memref<128xi32, #tpu.memory_space<vmem>>) semaphore(%arg12 : memref<!tpu.dma_semaphore, #tpu.memory_space<semaphore_mem>>)
        %dma_wait3A_271 = arith.constant 0 : i32
        %dma_wait3A_272 = arith.constant 0 : i32
        %dma_wait3A_273 = arith.constant 0 : i32
        %dma_wait3A_274 = tpu.memref_slice %arg6[%dma_wait3A_271, %dma_wait3A_272, %dma_wait3A_273] : memref<4x2x128xi32, #tpu.memory_space<vmem>> -> memref<1x1x128xi32, #tpu.memory_space<vmem>>
        %dma_wait3A_275 = tpu.memref_squeeze %dma_wait3A_274 : memref<1x1x128xi32, #tpu.memory_space<vmem>> -> memref<128xi32, #tpu.memory_space<vmem>>
        %dma_wait3A_276 = arith.constant 0 : i32
        %dma_wait3A_277 = arith.constant 0 : i32
        %dma_wait3A_278 = tpu.memref_slice %arg2[%dma_wait3A_276, %dma_wait3A_277] : memref<40000x128xf32, #tpu.memory_space<hbm>> -> memref<40000x128xf32, #tpu.memory_space<hbm>>
        tpu.wait_indirect_dma semaphore(%arg11 : memref<!tpu.dma_semaphore, #tpu.memory_space<semaphore_mem>>) src(%dma_wait3A_278 : memref<40000x128xf32, #tpu.memory_space<hbm>>) dst(%arg8 : memref<128x128xf32, #tpu.memory_space<vmem>>)
        %dma_start3A_279 = arith.constant 0 : i32
        %dma_start3A_280 = arith.constant 1 : i32
        %dma_start3A_281 = arith.constant 0 : i32
        %dma_start3A_282 = tpu.memref_slice %arg6[%dma_start3A_279, %dma_start3A_280, %dma_start3A_281] : memref<4x2x128xi32, #tpu.memory_space<vmem>> -> memref<1x1x128xi32, #tpu.memory_space<vmem>>
        %dma_start3A_283 = tpu.memref_squeeze %dma_start3A_282 : memref<1x1x128xi32, #tpu.memory_space<vmem>> -> memref<128xi32, #tpu.memory_space<vmem>>
        %dma_start3A_284 = arith.constant 0 : i32
        %dma_start3A_285 = arith.constant 0 : i32
        %dma_start3A_286 = tpu.memref_slice %arg10[%dma_start3A_284, %dma_start3A_285] : memref<10008x128xf32, #tpu.memory_space<vmem_shared>> -> memref<10008x128xf32, #tpu.memory_space<vmem_shared>>
        tpu.enqueue_indirect_dma source(%arg8 : memref<128x128xf32, #tpu.memory_space<vmem>>) target(%dma_start3A_286 : memref<10008x128xf32, #tpu.memory_space<vmem_shared>>) offsets(%dma_start3A_283 : memref<128xi32, #tpu.memory_space<vmem>>) semaphore(%arg13 : memref<!tpu.dma_semaphore, #tpu.memory_space<semaphore_mem>>) {add = true}
      } else {
      }
      %add3A_52 = arith.constant 4 : i32
      %add3A_53 = arith.addi %add3A_42, %add3A_52 : i32
      "tpu.region"() ({
        %run_scoped3A = tpu.sem_alloc : memref<!tpu.dma_semaphore, #tpu.memory_space<semaphore_mem>>
        %dma_start3A_255 = arith.constant 0 : i32
        %dma_start3A_256 = arith.constant 0 : i32
        %dma_start3A_257 = tpu.memref_slice %arg3[%add3A_53, %dma_start3A_255, %dma_start3A_256] : memref<2560x2x128xi32, #tpu.memory_space<hbm>> -> memref<4x2x128xi32, #tpu.memory_space<hbm>>
        %dma_start3A_258 = arith.constant 0 : i32
        %dma_start3A_259 = arith.constant 0 : i32
        %dma_start3A_260 = tpu.memref_slice %arg3[%add3A_53, %dma_start3A_258, %dma_start3A_259] : memref<2560x2x128xi32, #tpu.memory_space<hbm>> -> memref<4x2x128xi32, #tpu.memory_space<hbm>>
        tpu.enqueue_dma source(%dma_start3A_260 : memref<4x2x128xi32, #tpu.memory_space<hbm>>) target(%arg7 : memref<4x2x128xi32, #tpu.memory_space<vmem>>) target_semaphore(%run_scoped3A : memref<!tpu.dma_semaphore, #tpu.memory_space<semaphore_mem>>)
        %dma_wait3A_261 = arith.constant 0 : i32
        %dma_wait3A_262 = arith.constant 0 : i32
        %dma_wait3A_263 = tpu.memref_slice %arg3[%add3A_53, %dma_wait3A_261, %dma_wait3A_262] : memref<2560x2x128xi32, #tpu.memory_space<hbm>> -> memref<4x2x128xi32, #tpu.memory_space<hbm>>
        %dma_wait3A_264 = arith.constant 0 : i32
        %dma_wait3A_265 = arith.constant 0 : i32
        %dma_wait3A_266 = tpu.memref_slice %arg3[%add3A_53, %dma_wait3A_264, %dma_wait3A_265] : memref<2560x2x128xi32, #tpu.memory_space<hbm>> -> memref<4x2x128xi32, #tpu.memory_space<hbm>>
        tpu.wait_dma2 semaphore(%run_scoped3A : memref<!tpu.dma_semaphore, #tpu.memory_space<semaphore_mem>>) src(%dma_wait3A_266 : memref<4x2x128xi32, #tpu.memory_space<hbm>>) dst(%arg7 : memref<4x2x128xi32, #tpu.memory_space<vmem>>)
        tpu.yield
      }) : () -> ()
      %dma_wait3A_54 = arith.constant 0 : i32
      %dma_wait3A_55 = arith.constant 1 : i32
      %dma_wait3A_56 = arith.constant 0 : i32
      %dma_wait3A_57 = tpu.memref_slice %arg6[%dma_wait3A_54, %dma_wait3A_55, %dma_wait3A_56] : memref<4x2x128xi32, #tpu.memory_space<vmem>> -> memref<1x1x128xi32, #tpu.memory_space<vmem>>
      %dma_wait3A_58 = tpu.memref_squeeze %dma_wait3A_57 : memref<1x1x128xi32, #tpu.memory_space<vmem>> -> memref<128xi32, #tpu.memory_space<vmem>>
      %dma_wait3A_59 = arith.constant 0 : i32
      %dma_wait3A_60 = arith.constant 0 : i32
      %dma_wait3A_61 = tpu.memref_slice %arg10[%dma_wait3A_59, %dma_wait3A_60] : memref<10008x128xf32, #tpu.memory_space<vmem_shared>> -> memref<10008x128xf32, #tpu.memory_space<vmem_shared>>
      tpu.wait_indirect_dma semaphore(%arg13 : memref<!tpu.dma_semaphore, #tpu.memory_space<semaphore_mem>>) src(%arg8 : memref<128x128xf32, #tpu.memory_space<vmem>>) dst(%dma_wait3A_61 : memref<10008x128xf32, #tpu.memory_space<vmem_shared>>)
      %dma_start3A_62 = arith.constant 2 : i32
      %dma_start3A_63 = arith.constant 0 : i32
      %dma_start3A_64 = arith.constant 0 : i32
      %dma_start3A_65 = tpu.memref_slice %arg6[%dma_start3A_62, %dma_start3A_63, %dma_start3A_64] : memref<4x2x128xi32, #tpu.memory_space<vmem>> -> memref<1x1x128xi32, #tpu.memory_space<vmem>>
      %dma_start3A_66 = tpu.memref_squeeze %dma_start3A_65 : memref<1x1x128xi32, #tpu.memory_space<vmem>> -> memref<128xi32, #tpu.memory_space<vmem>>
      %dma_start3A_67 = arith.constant 0 : i32
      %dma_start3A_68 = arith.constant 0 : i32
      %dma_start3A_69 = tpu.memref_slice %arg2[%dma_start3A_67, %dma_start3A_68] : memref<40000x128xf32, #tpu.memory_space<hbm>> -> memref<40000x128xf32, #tpu.memory_space<hbm>>
      tpu.enqueue_indirect_dma source(%dma_start3A_69 : memref<40000x128xf32, #tpu.memory_space<hbm>>) target(%arg8 : memref<128x128xf32, #tpu.memory_space<vmem>>) offsets(%dma_start3A_66 : memref<128xi32, #tpu.memory_space<vmem>>) semaphore(%arg11 : memref<!tpu.dma_semaphore, #tpu.memory_space<semaphore_mem>>)
      %dma_wait3A_70 = arith.constant 1 : i32
      %dma_wait3A_71 = arith.constant 0 : i32
      %dma_wait3A_72 = arith.constant 0 : i32
      %dma_wait3A_73 = tpu.memref_slice %arg6[%dma_wait3A_70, %dma_wait3A_71, %dma_wait3A_72] : memref<4x2x128xi32, #tpu.memory_space<vmem>> -> memref<1x1x128xi32, #tpu.memory_space<vmem>>
      %dma_wait3A_74 = tpu.memref_squeeze %dma_wait3A_73 : memref<1x1x128xi32, #tpu.memory_space<vmem>> -> memref<128xi32, #tpu.memory_space<vmem>>
      %dma_wait3A_75 = arith.constant 0 : i32
      %dma_wait3A_76 = arith.constant 0 : i32
      %dma_wait3A_77 = tpu.memref_slice %arg2[%dma_wait3A_75, %dma_wait3A_76] : memref<40000x128xf32, #tpu.memory_space<hbm>> -> memref<40000x128xf32, #tpu.memory_space<hbm>>
      tpu.wait_indirect_dma semaphore(%arg12 : memref<!tpu.dma_semaphore, #tpu.memory_space<semaphore_mem>>) src(%dma_wait3A_77 : memref<40000x128xf32, #tpu.memory_space<hbm>>) dst(%arg9 : memref<128x128xf32, #tpu.memory_space<vmem>>)
      %dma_start3A_78 = arith.constant 1 : i32
      %dma_start3A_79 = arith.constant 1 : i32
      %dma_start3A_80 = arith.constant 0 : i32
      %dma_start3A_81 = tpu.memref_slice %arg6[%dma_start3A_78, %dma_start3A_79, %dma_start3A_80] : memref<4x2x128xi32, #tpu.memory_space<vmem>> -> memref<1x1x128xi32, #tpu.memory_space<vmem>>
      %dma_start3A_82 = tpu.memref_squeeze %dma_start3A_81 : memref<1x1x128xi32, #tpu.memory_space<vmem>> -> memref<128xi32, #tpu.memory_space<vmem>>
      %dma_start3A_83 = arith.constant 0 : i32
      %dma_start3A_84 = arith.constant 0 : i32
      %dma_start3A_85 = tpu.memref_slice %arg10[%dma_start3A_83, %dma_start3A_84] : memref<10008x128xf32, #tpu.memory_space<vmem_shared>> -> memref<10008x128xf32, #tpu.memory_space<vmem_shared>>
      tpu.enqueue_indirect_dma source(%arg9 : memref<128x128xf32, #tpu.memory_space<vmem>>) target(%dma_start3A_85 : memref<10008x128xf32, #tpu.memory_space<vmem_shared>>) offsets(%dma_start3A_82 : memref<128xi32, #tpu.memory_space<vmem>>) semaphore(%arg14 : memref<!tpu.dma_semaphore, #tpu.memory_space<semaphore_mem>>) {add = true}
      %dma_wait3A_86 = arith.constant 1 : i32
      %dma_wait3A_87 = arith.constant 1 : i32
      %dma_wait3A_88 = arith.constant 0 : i32
      %dma_wait3A_89 = tpu.memref_slice %arg6[%dma_wait3A_86, %dma_wait3A_87, %dma_wait3A_88] : memref<4x2x128xi32, #tpu.memory_space<vmem>> -> memref<1x1x128xi32, #tpu.memory_space<vmem>>
      %dma_wait3A_90 = tpu.memref_squeeze %dma_wait3A_89 : memref<1x1x128xi32, #tpu.memory_space<vmem>> -> memref<128xi32, #tpu.memory_space<vmem>>
      %dma_wait3A_91 = arith.constant 0 : i32
      %dma_wait3A_92 = arith.constant 0 : i32
      %dma_wait3A_93 = tpu.memref_slice %arg10[%dma_wait3A_91, %dma_wait3A_92] : memref<10008x128xf32, #tpu.memory_space<vmem_shared>> -> memref<10008x128xf32, #tpu.memory_space<vmem_shared>>
      tpu.wait_indirect_dma semaphore(%arg14 : memref<!tpu.dma_semaphore, #tpu.memory_space<semaphore_mem>>) src(%arg9 : memref<128x128xf32, #tpu.memory_space<vmem>>) dst(%dma_wait3A_93 : memref<10008x128xf32, #tpu.memory_space<vmem_shared>>)
      %dma_start3A_94 = arith.constant 3 : i32
      %dma_start3A_95 = arith.constant 0 : i32
      %dma_start3A_96 = arith.constant 0 : i32
      %dma_start3A_97 = tpu.memref_slice %arg6[%dma_start3A_94, %dma_start3A_95, %dma_start3A_96] : memref<4x2x128xi32, #tpu.memory_space<vmem>> -> memref<1x1x128xi32, #tpu.memory_space<vmem>>
      %dma_start3A_98 = tpu.memref_squeeze %dma_start3A_97 : memref<1x1x128xi32, #tpu.memory_space<vmem>> -> memref<128xi32, #tpu.memory_space<vmem>>
      %dma_start3A_99 = arith.constant 0 : i32
      %dma_start3A_100 = arith.constant 0 : i32
      %dma_start3A_101 = tpu.memref_slice %arg2[%dma_start3A_99, %dma_start3A_100] : memref<40000x128xf32, #tpu.memory_space<hbm>> -> memref<40000x128xf32, #tpu.memory_space<hbm>>
      tpu.enqueue_indirect_dma source(%dma_start3A_101 : memref<40000x128xf32, #tpu.memory_space<hbm>>) target(%arg9 : memref<128x128xf32, #tpu.memory_space<vmem>>) offsets(%dma_start3A_98 : memref<128xi32, #tpu.memory_space<vmem>>) semaphore(%arg12 : memref<!tpu.dma_semaphore, #tpu.memory_space<semaphore_mem>>)
      %dma_wait3A_102 = arith.constant 2 : i32
      %dma_wait3A_103 = arith.constant 0 : i32
      %dma_wait3A_104 = arith.constant 0 : i32
      %dma_wait3A_105 = tpu.memref_slice %arg6[%dma_wait3A_102, %dma_wait3A_103, %dma_wait3A_104] : memref<4x2x128xi32, #tpu.memory_space<vmem>> -> memref<1x1x128xi32, #tpu.memory_space<vmem>>
      %dma_wait3A_106 = tpu.memref_squeeze %dma_wait3A_105 : memref<1x1x128xi32, #tpu.memory_space<vmem>> -> memref<128xi32, #tpu.memory_space<vmem>>
      %dma_wait3A_107 = arith.constant 0 : i32
      %dma_wait3A_108 = arith.constant 0 : i32
      %dma_wait3A_109 = tpu.memref_slice %arg2[%dma_wait3A_107, %dma_wait3A_108] : memref<40000x128xf32, #tpu.memory_space<hbm>> -> memref<40000x128xf32, #tpu.memory_space<hbm>>
      tpu.wait_indirect_dma semaphore(%arg11 : memref<!tpu.dma_semaphore, #tpu.memory_space<semaphore_mem>>) src(%dma_wait3A_109 : memref<40000x128xf32, #tpu.memory_space<hbm>>) dst(%arg8 : memref<128x128xf32, #tpu.memory_space<vmem>>)
      %dma_start3A_110 = arith.constant 2 : i32
      %dma_start3A_111 = arith.constant 1 : i32
      %dma_start3A_112 = arith.constant 0 : i32
      %dma_start3A_113 = tpu.memref_slice %arg6[%dma_start3A_110, %dma_start3A_111, %dma_start3A_112] : memref<4x2x128xi32, #tpu.memory_space<vmem>> -> memref<1x1x128xi32, #tpu.memory_space<vmem>>
      %dma_start3A_114 = tpu.memref_squeeze %dma_start3A_113 : memref<1x1x128xi32, #tpu.memory_space<vmem>> -> memref<128xi32, #tpu.memory_space<vmem>>
      %dma_start3A_115 = arith.constant 0 : i32
      %dma_start3A_116 = arith.constant 0 : i32
      %dma_start3A_117 = tpu.memref_slice %arg10[%dma_start3A_115, %dma_start3A_116] : memref<10008x128xf32, #tpu.memory_space<vmem_shared>> -> memref<10008x128xf32, #tpu.memory_space<vmem_shared>>
      tpu.enqueue_indirect_dma source(%arg8 : memref<128x128xf32, #tpu.memory_space<vmem>>) target(%dma_start3A_117 : memref<10008x128xf32, #tpu.memory_space<vmem_shared>>) offsets(%dma_start3A_114 : memref<128xi32, #tpu.memory_space<vmem>>) semaphore(%arg13 : memref<!tpu.dma_semaphore, #tpu.memory_space<semaphore_mem>>) {add = true}
      %dma_wait3A_118 = arith.constant 2 : i32
      %dma_wait3A_119 = arith.constant 1 : i32
      %dma_wait3A_120 = arith.constant 0 : i32
      %dma_wait3A_121 = tpu.memref_slice %arg6[%dma_wait3A_118, %dma_wait3A_119, %dma_wait3A_120] : memref<4x2x128xi32, #tpu.memory_space<vmem>> -> memref<1x1x128xi32, #tpu.memory_space<vmem>>
      %dma_wait3A_122 = tpu.memref_squeeze %dma_wait3A_121 : memref<1x1x128xi32, #tpu.memory_space<vmem>> -> memref<128xi32, #tpu.memory_space<vmem>>
      %dma_wait3A_123 = arith.constant 0 : i32
      %dma_wait3A_124 = arith.constant 0 : i32
      %dma_wait3A_125 = tpu.memref_slice %arg10[%dma_wait3A_123, %dma_wait3A_124] : memref<10008x128xf32, #tpu.memory_space<vmem_shared>> -> memref<10008x128xf32, #tpu.memory_space<vmem_shared>>
      tpu.wait_indirect_dma semaphore(%arg13 : memref<!tpu.dma_semaphore, #tpu.memory_space<semaphore_mem>>) src(%arg8 : memref<128x128xf32, #tpu.memory_space<vmem>>) dst(%dma_wait3A_125 : memref<10008x128xf32, #tpu.memory_space<vmem_shared>>)
      %dma_start3A_126 = arith.constant 0 : i32
      %dma_start3A_127 = arith.constant 0 : i32
      %dma_start3A_128 = arith.constant 0 : i32
      %dma_start3A_129 = tpu.memref_slice %arg7[%dma_start3A_126, %dma_start3A_127, %dma_start3A_128] : memref<4x2x128xi32, #tpu.memory_space<vmem>> -> memref<1x1x128xi32, #tpu.memory_space<vmem>>
      %dma_start3A_130 = tpu.memref_squeeze %dma_start3A_129 : memref<1x1x128xi32, #tpu.memory_space<vmem>> -> memref<128xi32, #tpu.memory_space<vmem>>
      %dma_start3A_131 = arith.constant 0 : i32
      %dma_start3A_132 = arith.constant 0 : i32
      %dma_start3A_133 = tpu.memref_slice %arg2[%dma_start3A_131, %dma_start3A_132] : memref<40000x128xf32, #tpu.memory_space<hbm>> -> memref<40000x128xf32, #tpu.memory_space<hbm>>
      tpu.enqueue_indirect_dma source(%dma_start3A_133 : memref<40000x128xf32, #tpu.memory_space<hbm>>) target(%arg8 : memref<128x128xf32, #tpu.memory_space<vmem>>) offsets(%dma_start3A_130 : memref<128xi32, #tpu.memory_space<vmem>>) semaphore(%arg11 : memref<!tpu.dma_semaphore, #tpu.memory_space<semaphore_mem>>)
      %dma_wait3A_134 = arith.constant 3 : i32
      %dma_wait3A_135 = arith.constant 0 : i32
      %dma_wait3A_136 = arith.constant 0 : i32
      %dma_wait3A_137 = tpu.memref_slice %arg6[%dma_wait3A_134, %dma_wait3A_135, %dma_wait3A_136] : memref<4x2x128xi32, #tpu.memory_space<vmem>> -> memref<1x1x128xi32, #tpu.memory_space<vmem>>
      %dma_wait3A_138 = tpu.memref_squeeze %dma_wait3A_137 : memref<1x1x128xi32, #tpu.memory_space<vmem>> -> memref<128xi32, #tpu.memory_space<vmem>>
      %dma_wait3A_139 = arith.constant 0 : i32
      %dma_wait3A_140 = arith.constant 0 : i32
      %dma_wait3A_141 = tpu.memref_slice %arg2[%dma_wait3A_139, %dma_wait3A_140] : memref<40000x128xf32, #tpu.memory_space<hbm>> -> memref<40000x128xf32, #tpu.memory_space<hbm>>
      tpu.wait_indirect_dma semaphore(%arg12 : memref<!tpu.dma_semaphore, #tpu.memory_space<semaphore_mem>>) src(%dma_wait3A_141 : memref<40000x128xf32, #tpu.memory_space<hbm>>) dst(%arg9 : memref<128x128xf32, #tpu.memory_space<vmem>>)
      %dma_start3A_142 = arith.constant 3 : i32
      %dma_start3A_143 = arith.constant 1 : i32
      %dma_start3A_144 = arith.constant 0 : i32
      %dma_start3A_145 = tpu.memref_slice %arg6[%dma_start3A_142, %dma_start3A_143, %dma_start3A_144] : memref<4x2x128xi32, #tpu.memory_space<vmem>> -> memref<1x1x128xi32, #tpu.memory_space<vmem>>
      %dma_start3A_146 = tpu.memref_squeeze %dma_start3A_145 : memref<1x1x128xi32, #tpu.memory_space<vmem>> -> memref<128xi32, #tpu.memory_space<vmem>>
      %dma_start3A_147 = arith.constant 0 : i32
      %dma_start3A_148 = arith.constant 0 : i32
      %dma_start3A_149 = tpu.memref_slice %arg10[%dma_start3A_147, %dma_start3A_148] : memref<10008x128xf32, #tpu.memory_space<vmem_shared>> -> memref<10008x128xf32, #tpu.memory_space<vmem_shared>>
      tpu.enqueue_indirect_dma source(%arg9 : memref<128x128xf32, #tpu.memory_space<vmem>>) target(%dma_start3A_149 : memref<10008x128xf32, #tpu.memory_space<vmem_shared>>) offsets(%dma_start3A_146 : memref<128xi32, #tpu.memory_space<vmem>>) semaphore(%arg14 : memref<!tpu.dma_semaphore, #tpu.memory_space<semaphore_mem>>) {add = true}
      %dma_wait3A_150 = arith.constant 3 : i32
      %dma_wait3A_151 = arith.constant 1 : i32
      %dma_wait3A_152 = arith.constant 0 : i32
      %dma_wait3A_153 = tpu.memref_slice %arg6[%dma_wait3A_150, %dma_wait3A_151, %dma_wait3A_152] : memref<4x2x128xi32, #tpu.memory_space<vmem>> -> memref<1x1x128xi32, #tpu.memory_space<vmem>>
      %dma_wait3A_154 = tpu.memref_squeeze %dma_wait3A_153 : memref<1x1x128xi32, #tpu.memory_space<vmem>> -> memref<128xi32, #tpu.memory_space<vmem>>
      %dma_wait3A_155 = arith.constant 0 : i32
      %dma_wait3A_156 = arith.constant 0 : i32
      %dma_wait3A_157 = tpu.memref_slice %arg10[%dma_wait3A_155, %dma_wait3A_156] : memref<10008x128xf32, #tpu.memory_space<vmem_shared>> -> memref<10008x128xf32, #tpu.memory_space<vmem_shared>>
      tpu.wait_indirect_dma semaphore(%arg14 : memref<!tpu.dma_semaphore, #tpu.memory_space<semaphore_mem>>) src(%arg9 : memref<128x128xf32, #tpu.memory_space<vmem>>) dst(%dma_wait3A_157 : memref<10008x128xf32, #tpu.memory_space<vmem_shared>>)
      %dma_start3A_158 = arith.constant 1 : i32
      %dma_start3A_159 = arith.constant 0 : i32
      %dma_start3A_160 = arith.constant 0 : i32
      %dma_start3A_161 = tpu.memref_slice %arg7[%dma_start3A_158, %dma_start3A_159, %dma_start3A_160] : memref<4x2x128xi32, #tpu.memory_space<vmem>> -> memref<1x1x128xi32, #tpu.memory_space<vmem>>
      %dma_start3A_162 = tpu.memref_squeeze %dma_start3A_161 : memref<1x1x128xi32, #tpu.memory_space<vmem>> -> memref<128xi32, #tpu.memory_space<vmem>>
      %dma_start3A_163 = arith.constant 0 : i32
      %dma_start3A_164 = arith.constant 0 : i32
      %dma_start3A_165 = tpu.memref_slice %arg2[%dma_start3A_163, %dma_start3A_164] : memref<40000x128xf32, #tpu.memory_space<hbm>> -> memref<40000x128xf32, #tpu.memory_space<hbm>>
      tpu.enqueue_indirect_dma source(%dma_start3A_165 : memref<40000x128xf32, #tpu.memory_space<hbm>>) target(%arg9 : memref<128x128xf32, #tpu.memory_space<vmem>>) offsets(%dma_start3A_162 : memref<128xi32, #tpu.memory_space<vmem>>) semaphore(%arg12 : memref<!tpu.dma_semaphore, #tpu.memory_space<semaphore_mem>>)
      %dma_wait3A_166 = arith.constant 0 : i32
      %dma_wait3A_167 = arith.constant 0 : i32
      %dma_wait3A_168 = arith.constant 0 : i32
      %dma_wait3A_169 = tpu.memref_slice %arg7[%dma_wait3A_166, %dma_wait3A_167, %dma_wait3A_168] : memref<4x2x128xi32, #tpu.memory_space<vmem>> -> memref<1x1x128xi32, #tpu.memory_space<vmem>>
      %dma_wait3A_170 = tpu.memref_squeeze %dma_wait3A_169 : memref<1x1x128xi32, #tpu.memory_space<vmem>> -> memref<128xi32, #tpu.memory_space<vmem>>
      %dma_wait3A_171 = arith.constant 0 : i32
      %dma_wait3A_172 = arith.constant 0 : i32
      %dma_wait3A_173 = tpu.memref_slice %arg2[%dma_wait3A_171, %dma_wait3A_172] : memref<40000x128xf32, #tpu.memory_space<hbm>> -> memref<40000x128xf32, #tpu.memory_space<hbm>>
      tpu.wait_indirect_dma semaphore(%arg11 : memref<!tpu.dma_semaphore, #tpu.memory_space<semaphore_mem>>) src(%dma_wait3A_173 : memref<40000x128xf32, #tpu.memory_space<hbm>>) dst(%arg8 : memref<128x128xf32, #tpu.memory_space<vmem>>)
      %dma_start3A_174 = arith.constant 0 : i32
      %dma_start3A_175 = arith.constant 1 : i32
      %dma_start3A_176 = arith.constant 0 : i32
      %dma_start3A_177 = tpu.memref_slice %arg7[%dma_start3A_174, %dma_start3A_175, %dma_start3A_176] : memref<4x2x128xi32, #tpu.memory_space<vmem>> -> memref<1x1x128xi32, #tpu.memory_space<vmem>>
      %dma_start3A_178 = tpu.memref_squeeze %dma_start3A_177 : memref<1x1x128xi32, #tpu.memory_space<vmem>> -> memref<128xi32, #tpu.memory_space<vmem>>
      %dma_start3A_179 = arith.constant 0 : i32
      %dma_start3A_180 = arith.constant 0 : i32
      %dma_start3A_181 = tpu.memref_slice %arg10[%dma_start3A_179, %dma_start3A_180] : memref<10008x128xf32, #tpu.memory_space<vmem_shared>> -> memref<10008x128xf32, #tpu.memory_space<vmem_shared>>
      tpu.enqueue_indirect_dma source(%arg8 : memref<128x128xf32, #tpu.memory_space<vmem>>) target(%dma_start3A_181 : memref<10008x128xf32, #tpu.memory_space<vmem_shared>>) offsets(%dma_start3A_178 : memref<128xi32, #tpu.memory_space<vmem>>) semaphore(%arg13 : memref<!tpu.dma_semaphore, #tpu.memory_space<semaphore_mem>>) {add = true}
      %dma_wait3A_182 = arith.constant 0 : i32
      %dma_wait3A_183 = arith.constant 1 : i32
      %dma_wait3A_184 = arith.constant 0 : i32
      %dma_wait3A_185 = tpu.memref_slice %arg7[%dma_wait3A_182, %dma_wait3A_183, %dma_wait3A_184] : memref<4x2x128xi32, #tpu.memory_space<vmem>> -> memref<1x1x128xi32, #tpu.memory_space<vmem>>
      %dma_wait3A_186 = tpu.memref_squeeze %dma_wait3A_185 : memref<1x1x128xi32, #tpu.memory_space<vmem>> -> memref<128xi32, #tpu.memory_space<vmem>>
      %dma_wait3A_187 = arith.constant 0 : i32
      %dma_wait3A_188 = arith.constant 0 : i32
      %dma_wait3A_189 = tpu.memref_slice %arg10[%dma_wait3A_187, %dma_wait3A_188] : memref<10008x128xf32, #tpu.memory_space<vmem_shared>> -> memref<10008x128xf32, #tpu.memory_space<vmem_shared>>
      tpu.wait_indirect_dma semaphore(%arg13 : memref<!tpu.dma_semaphore, #tpu.memory_space<semaphore_mem>>) src(%arg8 : memref<128x128xf32, #tpu.memory_space<vmem>>) dst(%dma_wait3A_189 : memref<10008x128xf32, #tpu.memory_space<vmem_shared>>)
      %dma_start3A_190 = arith.constant 2 : i32
      %dma_start3A_191 = arith.constant 0 : i32
      %dma_start3A_192 = arith.constant 0 : i32
      %dma_start3A_193 = tpu.memref_slice %arg7[%dma_start3A_190, %dma_start3A_191, %dma_start3A_192] : memref<4x2x128xi32, #tpu.memory_space<vmem>> -> memref<1x1x128xi32, #tpu.memory_space<vmem>>
      %dma_start3A_194 = tpu.memref_squeeze %dma_start3A_193 : memref<1x1x128xi32, #tpu.memory_space<vmem>> -> memref<128xi32, #tpu.memory_space<vmem>>
      %dma_start3A_195 = arith.constant 0 : i32
      %dma_start3A_196 = arith.constant 0 : i32
      %dma_start3A_197 = tpu.memref_slice %arg2[%dma_start3A_195, %dma_start3A_196] : memref<40000x128xf32, #tpu.memory_space<hbm>> -> memref<40000x128xf32, #tpu.memory_space<hbm>>
      tpu.enqueue_indirect_dma source(%dma_start3A_197 : memref<40000x128xf32, #tpu.memory_space<hbm>>) target(%arg8 : memref<128x128xf32, #tpu.memory_space<vmem>>) offsets(%dma_start3A_194 : memref<128xi32, #tpu.memory_space<vmem>>) semaphore(%arg11 : memref<!tpu.dma_semaphore, #tpu.memory_space<semaphore_mem>>)
      %dma_wait3A_198 = arith.constant 1 : i32
      %dma_wait3A_199 = arith.constant 0 : i32
      %dma_wait3A_200 = arith.constant 0 : i32
      %dma_wait3A_201 = tpu.memref_slice %arg7[%dma_wait3A_198, %dma_wait3A_199, %dma_wait3A_200] : memref<4x2x128xi32, #tpu.memory_space<vmem>> -> memref<1x1x128xi32, #tpu.memory_space<vmem>>
      %dma_wait3A_202 = tpu.memref_squeeze %dma_wait3A_201 : memref<1x1x128xi32, #tpu.memory_space<vmem>> -> memref<128xi32, #tpu.memory_space<vmem>>
      %dma_wait3A_203 = arith.constant 0 : i32
      %dma_wait3A_204 = arith.constant 0 : i32
      %dma_wait3A_205 = tpu.memref_slice %arg2[%dma_wait3A_203, %dma_wait3A_204] : memref<40000x128xf32, #tpu.memory_space<hbm>> -> memref<40000x128xf32, #tpu.memory_space<hbm>>
      tpu.wait_indirect_dma semaphore(%arg12 : memref<!tpu.dma_semaphore, #tpu.memory_space<semaphore_mem>>) src(%dma_wait3A_205 : memref<40000x128xf32, #tpu.memory_space<hbm>>) dst(%arg9 : memref<128x128xf32, #tpu.memory_space<vmem>>)
      %dma_start3A_206 = arith.constant 1 : i32
      %dma_start3A_207 = arith.constant 1 : i32
      %dma_start3A_208 = arith.constant 0 : i32
      %dma_start3A_209 = tpu.memref_slice %arg7[%dma_start3A_206, %dma_start3A_207, %dma_start3A_208] : memref<4x2x128xi32, #tpu.memory_space<vmem>> -> memref<1x1x128xi32, #tpu.memory_space<vmem>>
      %dma_start3A_210 = tpu.memref_squeeze %dma_start3A_209 : memref<1x1x128xi32, #tpu.memory_space<vmem>> -> memref<128xi32, #tpu.memory_space<vmem>>
      %dma_start3A_211 = arith.constant 0 : i32
      %dma_start3A_212 = arith.constant 0 : i32
      %dma_start3A_213 = tpu.memref_slice %arg10[%dma_start3A_211, %dma_start3A_212] : memref<10008x128xf32, #tpu.memory_space<vmem_shared>> -> memref<10008x128xf32, #tpu.memory_space<vmem_shared>>
      tpu.enqueue_indirect_dma source(%arg9 : memref<128x128xf32, #tpu.memory_space<vmem>>) target(%dma_start3A_213 : memref<10008x128xf32, #tpu.memory_space<vmem_shared>>) offsets(%dma_start3A_210 : memref<128xi32, #tpu.memory_space<vmem>>) semaphore(%arg14 : memref<!tpu.dma_semaphore, #tpu.memory_space<semaphore_mem>>) {add = true}
      %dma_wait3A_214 = arith.constant 1 : i32
      %dma_wait3A_215 = arith.constant 1 : i32
      %dma_wait3A_216 = arith.constant 0 : i32
      %dma_wait3A_217 = tpu.memref_slice %arg7[%dma_wait3A_214, %dma_wait3A_215, %dma_wait3A_216] : memref<4x2x128xi32, #tpu.memory_space<vmem>> -> memref<1x1x128xi32, #tpu.memory_space<vmem>>
      %dma_wait3A_218 = tpu.memref_squeeze %dma_wait3A_217 : memref<1x1x128xi32, #tpu.memory_space<vmem>> -> memref<128xi32, #tpu.memory_space<vmem>>
      %dma_wait3A_219 = arith.constant 0 : i32
      %dma_wait3A_220 = arith.constant 0 : i32
      %dma_wait3A_221 = tpu.memref_slice %arg10[%dma_wait3A_219, %dma_wait3A_220] : memref<10008x128xf32, #tpu.memory_space<vmem_shared>> -> memref<10008x128xf32, #tpu.memory_space<vmem_shared>>
      tpu.wait_indirect_dma semaphore(%arg14 : memref<!tpu.dma_semaphore, #tpu.memory_space<semaphore_mem>>) src(%arg9 : memref<128x128xf32, #tpu.memory_space<vmem>>) dst(%dma_wait3A_221 : memref<10008x128xf32, #tpu.memory_space<vmem_shared>>)
      %dma_start3A_222 = arith.constant 3 : i32
      %dma_start3A_223 = arith.constant 0 : i32
      %dma_start3A_224 = arith.constant 0 : i32
      %dma_start3A_225 = tpu.memref_slice %arg7[%dma_start3A_222, %dma_start3A_223, %dma_start3A_224] : memref<4x2x128xi32, #tpu.memory_space<vmem>> -> memref<1x1x128xi32, #tpu.memory_space<vmem>>
      %dma_start3A_226 = tpu.memref_squeeze %dma_start3A_225 : memref<1x1x128xi32, #tpu.memory_space<vmem>> -> memref<128xi32, #tpu.memory_space<vmem>>
      %dma_start3A_227 = arith.constant 0 : i32
      %dma_start3A_228 = arith.constant 0 : i32
      %dma_start3A_229 = tpu.memref_slice %arg2[%dma_start3A_227, %dma_start3A_228] : memref<40000x128xf32, #tpu.memory_space<hbm>> -> memref<40000x128xf32, #tpu.memory_space<hbm>>
      tpu.enqueue_indirect_dma source(%dma_start3A_229 : memref<40000x128xf32, #tpu.memory_space<hbm>>) target(%arg9 : memref<128x128xf32, #tpu.memory_space<vmem>>) offsets(%dma_start3A_226 : memref<128xi32, #tpu.memory_space<vmem>>) semaphore(%arg12 : memref<!tpu.dma_semaphore, #tpu.memory_space<semaphore_mem>>)
      %dma_wait3A_230 = arith.constant 2 : i32
      %dma_wait3A_231 = arith.constant 0 : i32
      %dma_wait3A_232 = arith.constant 0 : i32
      %dma_wait3A_233 = tpu.memref_slice %arg7[%dma_wait3A_230, %dma_wait3A_231, %dma_wait3A_232] : memref<4x2x128xi32, #tpu.memory_space<vmem>> -> memref<1x1x128xi32, #tpu.memory_space<vmem>>
      %dma_wait3A_234 = tpu.memref_squeeze %dma_wait3A_233 : memref<1x1x128xi32, #tpu.memory_space<vmem>> -> memref<128xi32, #tpu.memory_space<vmem>>
      %dma_wait3A_235 = arith.constant 0 : i32
      %dma_wait3A_236 = arith.constant 0 : i32
      %dma_wait3A_237 = tpu.memref_slice %arg2[%dma_wait3A_235, %dma_wait3A_236] : memref<40000x128xf32, #tpu.memory_space<hbm>> -> memref<40000x128xf32, #tpu.memory_space<hbm>>
      tpu.wait_indirect_dma semaphore(%arg11 : memref<!tpu.dma_semaphore, #tpu.memory_space<semaphore_mem>>) src(%dma_wait3A_237 : memref<40000x128xf32, #tpu.memory_space<hbm>>) dst(%arg8 : memref<128x128xf32, #tpu.memory_space<vmem>>)
      %dma_start3A_238 = arith.constant 2 : i32
      %dma_start3A_239 = arith.constant 1 : i32
      %dma_start3A_240 = arith.constant 0 : i32
      %dma_start3A_241 = tpu.memref_slice %arg7[%dma_start3A_238, %dma_start3A_239, %dma_start3A_240] : memref<4x2x128xi32, #tpu.memory_space<vmem>> -> memref<1x1x128xi32, #tpu.memory_space<vmem>>
      %dma_start3A_242 = tpu.memref_squeeze %dma_start3A_241 : memref<1x1x128xi32, #tpu.memory_space<vmem>> -> memref<128xi32, #tpu.memory_space<vmem>>
      %dma_start3A_243 = arith.constant 0 : i32
      %dma_start3A_244 = arith.constant 0 : i32
      %dma_start3A_245 = tpu.memref_slice %arg10[%dma_start3A_243, %dma_start3A_244] : memref<10008x128xf32, #tpu.memory_space<vmem_shared>> -> memref<10008x128xf32, #tpu.memory_space<vmem_shared>>
      tpu.enqueue_indirect_dma source(%arg8 : memref<128x128xf32, #tpu.memory_space<vmem>>) target(%dma_start3A_245 : memref<10008x128xf32, #tpu.memory_space<vmem_shared>>) offsets(%dma_start3A_242 : memref<128xi32, #tpu.memory_space<vmem>>) semaphore(%arg13 : memref<!tpu.dma_semaphore, #tpu.memory_space<semaphore_mem>>) {add = true}
      %lt3A = arith.constant 9 : i32
      %lt3A_246 = arith.cmpi slt, %scan3A_39, %lt3A : i32
      %convert_element_type3A_247 = arith.extui %lt3A_246 : i1 to i32
      %cond3A_248 = arith.constant 0 : i32
      %cond3A_249 = arith.cmpi ne, %convert_element_type3A_247, %cond3A_248 : i32
      scf.if %cond3A_249 {
        %add3A_255 = arith.constant 8 : i32
        %add3A_256 = arith.addi %add3A_42, %add3A_255 : i32
        "tpu.region"() ({
          %run_scoped3A = tpu.sem_alloc : memref<!tpu.dma_semaphore, #tpu.memory_space<semaphore_mem>>
          %dma_start3A_289 = arith.constant 0 : i32
          %dma_start3A_290 = arith.constant 0 : i32
          %dma_start3A_291 = tpu.memref_slice %arg3[%add3A_256, %dma_start3A_289, %dma_start3A_290] : memref<2560x2x128xi32, #tpu.memory_space<hbm>> -> memref<4x2x128xi32, #tpu.memory_space<hbm>>
          %dma_start3A_292 = arith.constant 0 : i32
          %dma_start3A_293 = arith.constant 0 : i32
          %dma_start3A_294 = tpu.memref_slice %arg3[%add3A_256, %dma_start3A_292, %dma_start3A_293] : memref<2560x2x128xi32, #tpu.memory_space<hbm>> -> memref<4x2x128xi32, #tpu.memory_space<hbm>>
          tpu.enqueue_dma source(%dma_start3A_294 : memref<4x2x128xi32, #tpu.memory_space<hbm>>) target(%arg6 : memref<4x2x128xi32, #tpu.memory_space<vmem>>) target_semaphore(%run_scoped3A : memref<!tpu.dma_semaphore, #tpu.memory_space<semaphore_mem>>)
          %dma_wait3A_295 = arith.constant 0 : i32
          %dma_wait3A_296 = arith.constant 0 : i32
          %dma_wait3A_297 = tpu.memref_slice %arg3[%add3A_256, %dma_wait3A_295, %dma_wait3A_296] : memref<2560x2x128xi32, #tpu.memory_space<hbm>> -> memref<4x2x128xi32, #tpu.memory_space<hbm>>
          %dma_wait3A_298 = arith.constant 0 : i32
          %dma_wait3A_299 = arith.constant 0 : i32
          %dma_wait3A_300 = tpu.memref_slice %arg3[%add3A_256, %dma_wait3A_298, %dma_wait3A_299] : memref<2560x2x128xi32, #tpu.memory_space<hbm>> -> memref<4x2x128xi32, #tpu.memory_space<hbm>>
          tpu.wait_dma2 semaphore(%run_scoped3A : memref<!tpu.dma_semaphore, #tpu.memory_space<semaphore_mem>>) src(%dma_wait3A_300 : memref<4x2x128xi32, #tpu.memory_space<hbm>>) dst(%arg6 : memref<4x2x128xi32, #tpu.memory_space<vmem>>)
          tpu.yield
        }) : () -> ()
        %dma_wait3A_257 = arith.constant 2 : i32
        %dma_wait3A_258 = arith.constant 1 : i32
        %dma_wait3A_259 = arith.constant 0 : i32
        %dma_wait3A_260 = tpu.memref_slice %arg7[%dma_wait3A_257, %dma_wait3A_258, %dma_wait3A_259] : memref<4x2x128xi32, #tpu.memory_space<vmem>> -> memref<1x1x128xi32, #tpu.memory_space<vmem>>
        %dma_wait3A_261 = tpu.memref_squeeze %dma_wait3A_260 : memref<1x1x128xi32, #tpu.memory_space<vmem>> -> memref<128xi32, #tpu.memory_space<vmem>>
        %dma_wait3A_262 = arith.constant 0 : i32
        %dma_wait3A_263 = arith.constant 0 : i32
        %dma_wait3A_264 = tpu.memref_slice %arg10[%dma_wait3A_262, %dma_wait3A_263] : memref<10008x128xf32, #tpu.memory_space<vmem_shared>> -> memref<10008x128xf32, #tpu.memory_space<vmem_shared>>
        tpu.wait_indirect_dma semaphore(%arg13 : memref<!tpu.dma_semaphore, #tpu.memory_space<semaphore_mem>>) src(%arg8 : memref<128x128xf32, #tpu.memory_space<vmem>>) dst(%dma_wait3A_264 : memref<10008x128xf32, #tpu.memory_space<vmem_shared>>)
        %dma_start3A_265 = arith.constant 0 : i32
        %dma_start3A_266 = arith.constant 0 : i32
        %dma_start3A_267 = arith.constant 0 : i32
        %dma_start3A_268 = tpu.memref_slice %arg6[%dma_start3A_265, %dma_start3A_266, %dma_start3A_267] : memref<4x2x128xi32, #tpu.memory_space<vmem>> -> memref<1x1x128xi32, #tpu.memory_space<vmem>>
        %dma_start3A_269 = tpu.memref_squeeze %dma_start3A_268 : memref<1x1x128xi32, #tpu.memory_space<vmem>> -> memref<128xi32, #tpu.memory_space<vmem>>
        %dma_start3A_270 = arith.constant 0 : i32
        %dma_start3A_271 = arith.constant 0 : i32
        %dma_start3A_272 = tpu.memref_slice %arg2[%dma_start3A_270, %dma_start3A_271] : memref<40000x128xf32, #tpu.memory_space<hbm>> -> memref<40000x128xf32, #tpu.memory_space<hbm>>
        tpu.enqueue_indirect_dma source(%dma_start3A_272 : memref<40000x128xf32, #tpu.memory_space<hbm>>) target(%arg8 : memref<128x128xf32, #tpu.memory_space<vmem>>) offsets(%dma_start3A_269 : memref<128xi32, #tpu.memory_space<vmem>>) semaphore(%arg11 : memref<!tpu.dma_semaphore, #tpu.memory_space<semaphore_mem>>)
        %dma_wait3A_273 = arith.constant 3 : i32
        %dma_wait3A_274 = arith.constant 0 : i32
        %dma_wait3A_275 = arith.constant 0 : i32
        %dma_wait3A_276 = tpu.memref_slice %arg7[%dma_wait3A_273, %dma_wait3A_274, %dma_wait3A_275] : memref<4x2x128xi32, #tpu.memory_space<vmem>> -> memref<1x1x128xi32, #tpu.memory_space<vmem>>
        %dma_wait3A_277 = tpu.memref_squeeze %dma_wait3A_276 : memref<1x1x128xi32, #tpu.memory_space<vmem>> -> memref<128xi32, #tpu.memory_space<vmem>>
        %dma_wait3A_278 = arith.constant 0 : i32
        %dma_wait3A_279 = arith.constant 0 : i32
        %dma_wait3A_280 = tpu.memref_slice %arg2[%dma_wait3A_278, %dma_wait3A_279] : memref<40000x128xf32, #tpu.memory_space<hbm>> -> memref<40000x128xf32, #tpu.memory_space<hbm>>
        tpu.wait_indirect_dma semaphore(%arg12 : memref<!tpu.dma_semaphore, #tpu.memory_space<semaphore_mem>>) src(%dma_wait3A_280 : memref<40000x128xf32, #tpu.memory_space<hbm>>) dst(%arg9 : memref<128x128xf32, #tpu.memory_space<vmem>>)
        %dma_start3A_281 = arith.constant 3 : i32
        %dma_start3A_282 = arith.constant 1 : i32
        %dma_start3A_283 = arith.constant 0 : i32
        %dma_start3A_284 = tpu.memref_slice %arg7[%dma_start3A_281, %dma_start3A_282, %dma_start3A_283] : memref<4x2x128xi32, #tpu.memory_space<vmem>> -> memref<1x1x128xi32, #tpu.memory_space<vmem>>
        %dma_start3A_285 = tpu.memref_squeeze %dma_start3A_284 : memref<1x1x128xi32, #tpu.memory_space<vmem>> -> memref<128xi32, #tpu.memory_space<vmem>>
        %dma_start3A_286 = arith.constant 0 : i32
        %dma_start3A_287 = arith.constant 0 : i32
        %dma_start3A_288 = tpu.memref_slice %arg10[%dma_start3A_286, %dma_start3A_287] : memref<10008x128xf32, #tpu.memory_space<vmem_shared>> -> memref<10008x128xf32, #tpu.memory_space<vmem_shared>>
        tpu.enqueue_indirect_dma source(%arg9 : memref<128x128xf32, #tpu.memory_space<vmem>>) target(%dma_start3A_288 : memref<10008x128xf32, #tpu.memory_space<vmem_shared>>) offsets(%dma_start3A_285 : memref<128xi32, #tpu.memory_space<vmem>>) semaphore(%arg14 : memref<!tpu.dma_semaphore, #tpu.memory_space<semaphore_mem>>) {add = true}
      } else {
      }
      %eq3A_250 = arith.constant 9 : i32
      %eq3A_251 = arith.cmpi eq, %scan3A_39, %eq3A_250 : i32
      %convert_element_type3A_252 = arith.extui %eq3A_251 : i1 to i32
      %cond3A_253 = arith.constant 0 : i32
      %cond3A_254 = arith.cmpi ne, %convert_element_type3A_252, %cond3A_253 : i32
      scf.if %cond3A_254 {
        %dma_wait3A_255 = arith.constant 2 : i32
        %dma_wait3A_256 = arith.constant 1 : i32
        %dma_wait3A_257 = arith.constant 0 : i32
        %dma_wait3A_258 = tpu.memref_slice %arg7[%dma_wait3A_255, %dma_wait3A_256, %dma_wait3A_257] : memref<4x2x128xi32, #tpu.memory_space<vmem>> -> memref<1x1x128xi32, #tpu.memory_space<vmem>>
        %dma_wait3A_259 = tpu.memref_squeeze %dma_wait3A_258 : memref<1x1x128xi32, #tpu.memory_space<vmem>> -> memref<128xi32, #tpu.memory_space<vmem>>
        %dma_wait3A_260 = arith.constant 0 : i32
        %dma_wait3A_261 = arith.constant 0 : i32
        %dma_wait3A_262 = tpu.memref_slice %arg10[%dma_wait3A_260, %dma_wait3A_261] : memref<10008x128xf32, #tpu.memory_space<vmem_shared>> -> memref<10008x128xf32, #tpu.memory_space<vmem_shared>>
        tpu.wait_indirect_dma semaphore(%arg13 : memref<!tpu.dma_semaphore, #tpu.memory_space<semaphore_mem>>) src(%arg8 : memref<128x128xf32, #tpu.memory_space<vmem>>) dst(%dma_wait3A_262 : memref<10008x128xf32, #tpu.memory_space<vmem_shared>>)
        %dma_wait3A_263 = arith.constant 3 : i32
        %dma_wait3A_264 = arith.constant 0 : i32
        %dma_wait3A_265 = arith.constant 0 : i32
        %dma_wait3A_266 = tpu.memref_slice %arg7[%dma_wait3A_263, %dma_wait3A_264, %dma_wait3A_265] : memref<4x2x128xi32, #tpu.memory_space<vmem>> -> memref<1x1x128xi32, #tpu.memory_space<vmem>>
        %dma_wait3A_267 = tpu.memref_squeeze %dma_wait3A_266 : memref<1x1x128xi32, #tpu.memory_space<vmem>> -> memref<128xi32, #tpu.memory_space<vmem>>
        %dma_wait3A_268 = arith.constant 0 : i32
        %dma_wait3A_269 = arith.constant 0 : i32
        %dma_wait3A_270 = tpu.memref_slice %arg2[%dma_wait3A_268, %dma_wait3A_269] : memref<40000x128xf32, #tpu.memory_space<hbm>> -> memref<40000x128xf32, #tpu.memory_space<hbm>>
        tpu.wait_indirect_dma semaphore(%arg12 : memref<!tpu.dma_semaphore, #tpu.memory_space<semaphore_mem>>) src(%dma_wait3A_270 : memref<40000x128xf32, #tpu.memory_space<hbm>>) dst(%arg9 : memref<128x128xf32, #tpu.memory_space<vmem>>)
        %dma_start3A_271 = arith.constant 3 : i32
        %dma_start3A_272 = arith.constant 1 : i32
        %dma_start3A_273 = arith.constant 0 : i32
        %dma_start3A_274 = tpu.memref_slice %arg7[%dma_start3A_271, %dma_start3A_272, %dma_start3A_273] : memref<4x2x128xi32, #tpu.memory_space<vmem>> -> memref<1x1x128xi32, #tpu.memory_space<vmem>>
        %dma_start3A_275 = tpu.memref_squeeze %dma_start3A_274 : memref<1x1x128xi32, #tpu.memory_space<vmem>> -> memref<128xi32, #tpu.memory_space<vmem>>
        %dma_start3A_276 = arith.constant 0 : i32
        %dma_start3A_277 = arith.constant 0 : i32
        %dma_start3A_278 = tpu.memref_slice %arg10[%dma_start3A_276, %dma_start3A_277] : memref<10008x128xf32, #tpu.memory_space<vmem_shared>> -> memref<10008x128xf32, #tpu.memory_space<vmem_shared>>
        tpu.enqueue_indirect_dma source(%arg9 : memref<128x128xf32, #tpu.memory_space<vmem>>) target(%dma_start3A_278 : memref<10008x128xf32, #tpu.memory_space<vmem_shared>>) offsets(%dma_start3A_275 : memref<128xi32, #tpu.memory_space<vmem>>) semaphore(%arg14 : memref<!tpu.dma_semaphore, #tpu.memory_space<semaphore_mem>>) {add = true}
        %dma_wait3A_279 = arith.constant 3 : i32
        %dma_wait3A_280 = arith.constant 1 : i32
        %dma_wait3A_281 = arith.constant 0 : i32
        %dma_wait3A_282 = tpu.memref_slice %arg7[%dma_wait3A_279, %dma_wait3A_280, %dma_wait3A_281] : memref<4x2x128xi32, #tpu.memory_space<vmem>> -> memref<1x1x128xi32, #tpu.memory_space<vmem>>
        %dma_wait3A_283 = tpu.memref_squeeze %dma_wait3A_282 : memref<1x1x128xi32, #tpu.memory_space<vmem>> -> memref<128xi32, #tpu.memory_space<vmem>>
        %dma_wait3A_284 = arith.constant 0 : i32
        %dma_wait3A_285 = arith.constant 0 : i32
        %dma_wait3A_286 = tpu.memref_slice %arg10[%dma_wait3A_284, %dma_wait3A_285] : memref<10008x128xf32, #tpu.memory_space<vmem_shared>> -> memref<10008x128xf32, #tpu.memory_space<vmem_shared>>
        tpu.wait_indirect_dma semaphore(%arg14 : memref<!tpu.dma_semaphore, #tpu.memory_space<semaphore_mem>>) src(%arg9 : memref<128x128xf32, #tpu.memory_space<vmem>>) dst(%dma_wait3A_286 : memref<10008x128xf32, #tpu.memory_space<vmem_shared>>)
      } else {
      }
    }
    %scan3A_28 = arith.constant 10 : i32
    %barrier3A_29 = arith.constant 0 : index
    tpu.barrier barrier_id(%barrier3A_29)
    %mul3A_30 = arith.constant 624 : i32
    %mul3A_31 = arith.muli %arg1, %mul3A_30 : i32
    %mul3A_32 = arith.constant 624 : i32
    %mul3A_33 = arith.muli %arg1, %mul3A_32 : i32
    "tpu.region"() ({
      %run_scoped3A = tpu.sem_alloc : memref<!tpu.dma_semaphore, #tpu.memory_space<semaphore_mem>>
      %dma_start3A_39 = arith.constant 0 : i32
      %dma_start3A_40 = arith.constant 0 : i32
      %dma_start3A_41 = tpu.memref_slice %arg5[%arg0, %dma_start3A_39, %dma_start3A_40] : memref<2x10000x128xf32, #tpu.memory_space<hbm>> -> memref<1x10000x128xf32, #tpu.memory_space<hbm>>
      %dma_start3A_42 = tpu.memref_squeeze %dma_start3A_41 : memref<1x10000x128xf32, #tpu.memory_space<hbm>> -> memref<10000x128xf32, #tpu.memory_space<hbm>>
      %dma_start3A_43 = arith.constant 0 : i32
      %dma_start3A_44 = tpu.memref_slice %dma_start3A_42[%mul3A_33, %dma_start3A_43] : memref<10000x128xf32, #tpu.memory_space<hbm>> -> memref<624x128xf32, #tpu.memory_space<hbm>>
      %dma_start3A_45 = arith.constant 0 : i32
      %dma_start3A_46 = tpu.memref_slice %arg10[%mul3A_31, %dma_start3A_45] : memref<10008x128xf32, #tpu.memory_space<vmem_shared>> -> memref<624x128xf32, #tpu.memory_space<vmem_shared>>
      tpu.enqueue_dma source(%dma_start3A_46 : memref<624x128xf32, #tpu.memory_space<vmem_shared>>) target(%dma_start3A_44 : memref<624x128xf32, #tpu.memory_space<hbm>>) target_semaphore(%run_scoped3A : memref<!tpu.dma_semaphore, #tpu.memory_space<semaphore_mem>>)
      %dma_wait3A_47 = arith.constant 0 : i32
      %dma_wait3A_48 = arith.constant 0 : i32
      %dma_wait3A_49 = tpu.memref_slice %arg5[%arg0, %dma_wait3A_47, %dma_wait3A_48] : memref<2x10000x128xf32, #tpu.memory_space<hbm>> -> memref<1x10000x128xf32, #tpu.memory_space<hbm>>
      %dma_wait3A_50 = tpu.memref_squeeze %dma_wait3A_49 : memref<1x10000x128xf32, #tpu.memory_space<hbm>> -> memref<10000x128xf32, #tpu.memory_space<hbm>>
      %dma_wait3A_51 = arith.constant 0 : i32
      %dma_wait3A_52 = tpu.memref_slice %dma_wait3A_50[%mul3A_33, %dma_wait3A_51] : memref<10000x128xf32, #tpu.memory_space<hbm>> -> memref<624x128xf32, #tpu.memory_space<hbm>>
      %dma_wait3A_53 = arith.constant 0 : i32
      %dma_wait3A_54 = tpu.memref_slice %arg10[%mul3A_31, %dma_wait3A_53] : memref<10008x128xf32, #tpu.memory_space<vmem_shared>> -> memref<624x128xf32, #tpu.memory_space<vmem_shared>>
      tpu.wait_dma2 semaphore(%run_scoped3A : memref<!tpu.dma_semaphore, #tpu.memory_space<semaphore_mem>>) src(%dma_wait3A_54 : memref<624x128xf32, #tpu.memory_space<vmem_shared>>) dst(%dma_wait3A_52 : memref<624x128xf32, #tpu.memory_space<hbm>>)
      tpu.yield
    }) : () -> ()
    %eq3A_34 = arith.constant 0 : i32
    %eq3A_35 = arith.cmpi eq, %arg1, %eq3A_34 : i32
    %convert_element_type3A_36 = arith.extui %eq3A_35 : i1 to i32
    %cond3A_37 = arith.constant 0 : i32
    %cond3A_38 = arith.cmpi ne, %convert_element_type3A_36, %cond3A_37 : i32
    scf.if %cond3A_38 {
      "tpu.region"() ({
        %run_scoped3A = tpu.sem_alloc : memref<!tpu.dma_semaphore, #tpu.memory_space<semaphore_mem>>
        %dma_start3A_39 = arith.constant 0 : i32
        %dma_start3A_40 = arith.constant 0 : i32
        %dma_start3A_41 = tpu.memref_slice %arg5[%arg0, %dma_start3A_39, %dma_start3A_40] : memref<2x10000x128xf32, #tpu.memory_space<hbm>> -> memref<1x10000x128xf32, #tpu.memory_space<hbm>>
        %dma_start3A_42 = tpu.memref_squeeze %dma_start3A_41 : memref<1x10000x128xf32, #tpu.memory_space<hbm>> -> memref<10000x128xf32, #tpu.memory_space<hbm>>
        %dma_start3A_43 = arith.constant 9984 : i32
        %dma_start3A_44 = arith.constant 0 : i32
        %dma_start3A_45 = tpu.memref_slice %dma_start3A_42[%dma_start3A_43, %dma_start3A_44] : memref<10000x128xf32, #tpu.memory_space<hbm>> -> memref<16x128xf32, #tpu.memory_space<hbm>>
        %dma_start3A_46 = arith.constant 9984 : i32
        %dma_start3A_47 = arith.constant 0 : i32
        %dma_start3A_48 = tpu.memref_slice %arg10[%dma_start3A_46, %dma_start3A_47] : memref<10008x128xf32, #tpu.memory_space<vmem_shared>> -> memref<16x128xf32, #tpu.memory_space<vmem_shared>>
        tpu.enqueue_dma source(%dma_start3A_48 : memref<16x128xf32, #tpu.memory_space<vmem_shared>>) target(%dma_start3A_45 : memref<16x128xf32, #tpu.memory_space<hbm>>) target_semaphore(%run_scoped3A : memref<!tpu.dma_semaphore, #tpu.memory_space<semaphore_mem>>)
        %dma_wait3A_49 = arith.constant 0 : i32
        %dma_wait3A_50 = arith.constant 0 : i32
        %dma_wait3A_51 = tpu.memref_slice %arg5[%arg0, %dma_wait3A_49, %dma_wait3A_50] : memref<2x10000x128xf32, #tpu.memory_space<hbm>> -> memref<1x10000x128xf32, #tpu.memory_space<hbm>>
        %dma_wait3A_52 = tpu.memref_squeeze %dma_wait3A_51 : memref<1x10000x128xf32, #tpu.memory_space<hbm>> -> memref<10000x128xf32, #tpu.memory_space<hbm>>
        %dma_wait3A_53 = arith.constant 9984 : i32
        %dma_wait3A_54 = arith.constant 0 : i32
        %dma_wait3A_55 = tpu.memref_slice %dma_wait3A_52[%dma_wait3A_53, %dma_wait3A_54] : memref<10000x128xf32, #tpu.memory_space<hbm>> -> memref<16x128xf32, #tpu.memory_space<hbm>>
        %dma_wait3A_56 = arith.constant 9984 : i32
        %dma_wait3A_57 = arith.constant 0 : i32
        %dma_wait3A_58 = tpu.memref_slice %arg10[%dma_wait3A_56, %dma_wait3A_57] : memref<10008x128xf32, #tpu.memory_space<vmem_shared>> -> memref<16x128xf32, #tpu.memory_space<vmem_shared>>
        tpu.wait_dma2 semaphore(%run_scoped3A : memref<!tpu.dma_semaphore, #tpu.memory_space<semaphore_mem>>) src(%dma_wait3A_58 : memref<16x128xf32, #tpu.memory_space<vmem_shared>>) dst(%dma_wait3A_55 : memref<16x128xf32, #tpu.memory_space<hbm>>)
        tpu.yield
      }) : () -> ()
    } else {
    }
    return
  }
}

#map = affine_map<(d0, d1) -> (0, 0)>
#map1 = affine_map<(d0, d1) -> (0, 0, 0)>
module attributes {stable_mosaic.version = 14 : i64} {
  func.func @k(%arg0: i32, %arg1: i32, %arg2: memref<40000x128xf32, #tpu.memory_space<hbm>>, %arg3: memref<2560x2x128xi32, #tpu.memory_space<hbm>>, %arg4: memref<624x128xf32, #tpu.memory_space<hbm>>, %arg5: memref<2x10000x128xf32, #tpu.memory_space<hbm>>, %arg6: memref<4x2x128xi32, #tpu.memory_space<vmem>>, %arg7: memref<4x2x128xi32, #tpu.memory_space<vmem>>, %arg8: memref<128x128xf32, #tpu.memory_space<vmem>>, %arg9: memref<128x128xf32, #tpu.memory_space<vmem>>, %arg10: memref<10008x128xf32, #tpu.memory_space<vmem_shared>>, %arg11: memref<!tpu.dma_semaphore, #tpu.memory_space<semaphore_mem>>, %arg12: memref<!tpu.dma_semaphore, #tpu.memory_space<semaphore_mem>>, %arg13: memref<!tpu.dma_semaphore, #tpu.memory_space<semaphore_mem>>, %arg14: memref<!tpu.dma_semaphore, #tpu.memory_space<semaphore_mem>>, %arg15: memref<!tpu.dma_semaphore, #tpu.memory_space<semaphore_mem>>) attributes {dimension_semantics = [#tpu.dimension_semantics<core_parallel>, #tpu.dimension_semantics<subcore_parallel>], iteration_bounds = array<i64: 2, 16>, scalar_prefetch = 0 : i64, scratch_operands = 10 : i64, tpu.core_type = #tpu.core_type<sc_vector_subcore>, window_params = [{transform_indices = #map}, {transform_indices = #map1}, {transform_indices = #map}, {transform_indices = #map1}]} {
    %mul3A = arith.constant 16 : i32
    %mul3A_0 = arith.muli %arg0, %mul3A : i32
    %add3A = arith.addi %mul3A_0, %arg1 : i32
    %mul3A_1 = arith.constant 80 : i32
    %mul3A_2 = arith.muli %add3A, %mul3A_1 : i32
    %mul3A_3 = arith.constant 624 : i32
    %mul3A_4 = arith.muli %arg1, %mul3A_3 : i32
    %dma_start3A = arith.constant 0 : i32
    %dma_start3A_5 = tpu.memref_slice %arg10[%mul3A_4, %dma_start3A] : memref<10008x128xf32, #tpu.memory_space<vmem_shared>> -> memref<624x128xf32, #tpu.memory_space<vmem_shared>>
    tpu.enqueue_dma source(%arg4 : memref<624x128xf32, #tpu.memory_space<hbm>>) target(%dma_start3A_5 : memref<624x128xf32, #tpu.memory_space<vmem_shared>>) target_semaphore(%arg15 : memref<!tpu.dma_semaphore, #tpu.memory_space<semaphore_mem>>)
    %eq3A = arith.constant 0 : i32
    %eq3A_6 = arith.cmpi eq, %arg1, %eq3A : i32
    %convert_element_type3A = arith.extui %eq3A_6 : i1 to i32
    %cond3A = arith.constant 0 : i32
    %cond3A_7 = arith.cmpi ne, %convert_element_type3A, %cond3A : i32
    scf.if %cond3A_7 {
      %dma_start3A_39 = arith.constant 9984 : i32
      %dma_start3A_40 = arith.constant 0 : i32
      %dma_start3A_41 = tpu.memref_slice %arg10[%dma_start3A_39, %dma_start3A_40] : memref<10008x128xf32, #tpu.memory_space<vmem_shared>> -> memref<16x128xf32, #tpu.memory_space<vmem_shared>>
      %dma_start3A_42 = arith.constant 0 : i32
      %dma_start3A_43 = arith.constant 0 : i32
      %dma_start3A_44 = tpu.memref_slice %arg4[%dma_start3A_42, %dma_start3A_43] : memref<624x128xf32, #tpu.memory_space<hbm>> -> memref<16x128xf32, #tpu.memory_space<hbm>>
      tpu.enqueue_dma source(%dma_start3A_44 : memref<16x128xf32, #tpu.memory_space<hbm>>) target(%dma_start3A_41 : memref<16x128xf32, #tpu.memory_space<vmem_shared>>) target_semaphore(%arg15 : memref<!tpu.dma_semaphore, #tpu.memory_space<semaphore_mem>>)
    } else {
    }
    "tpu.region"() ({
      %run_scoped3A = tpu.sem_alloc : memref<!tpu.dma_semaphore, #tpu.memory_space<semaphore_mem>>
      %dma_start3A_39 = arith.constant 0 : i32
      %dma_start3A_40 = arith.constant 0 : i32
      %dma_start3A_41 = tpu.memref_slice %arg3[%mul3A_2, %dma_start3A_39, %dma_start3A_40] : memref<2560x2x128xi32, #tpu.memory_space<hbm>> -> memref<4x2x128xi32, #tpu.memory_space<hbm>>
      %dma_start3A_42 = arith.constant 0 : i32
      %dma_start3A_43 = arith.constant 0 : i32
      %dma_start3A_44 = tpu.memref_slice %arg3[%mul3A_2, %dma_start3A_42, %dma_start3A_43] : memref<2560x2x128xi32, #tpu.memory_space<hbm>> -> memref<4x2x128xi32, #tpu.memory_space<hbm>>
      tpu.enqueue_dma source(%dma_start3A_44 : memref<4x2x128xi32, #tpu.memory_space<hbm>>) target(%arg6 : memref<4x2x128xi32, #tpu.memory_space<vmem>>) target_semaphore(%run_scoped3A : memref<!tpu.dma_semaphore, #tpu.memory_space<semaphore_mem>>)
      %dma_wait3A_45 = arith.constant 0 : i32
      %dma_wait3A_46 = arith.constant 0 : i32
      %dma_wait3A_47 = tpu.memref_slice %arg3[%mul3A_2, %dma_wait3A_45, %dma_wait3A_46] : memref<2560x2x128xi32, #tpu.memory_space<hbm>> -> memref<4x2x128xi32, #tpu.memory_space<hbm>>
      %dma_wait3A_48 = arith.constant 0 : i32
      %dma_wait3A_49 = arith.constant 0 : i32
      %dma_wait3A_50 = tpu.memref_slice %arg3[%mul3A_2, %dma_wait3A_48, %dma_wait3A_49] : memref<2560x2x128xi32, #tpu.memory_space<hbm>> -> memref<4x2x128xi32, #tpu.memory_space<hbm>>
      tpu.wait_dma2 semaphore(%run_scoped3A : memref<!tpu.dma_semaphore, #tpu.memory_space<semaphore_mem>>) src(%dma_wait3A_50 : memref<4x2x128xi32, #tpu.memory_space<hbm>>) dst(%arg6 : memref<4x2x128xi32, #tpu.memory_space<vmem>>)
      tpu.yield
    }) : () -> ()
    %dma_start3A_8 = arith.constant 0 : i32
    %dma_start3A_9 = arith.constant 0 : i32
    %dma_start3A_10 = arith.constant 0 : i32
    %dma_start3A_11 = tpu.memref_slice %arg6[%dma_start3A_8, %dma_start3A_9, %dma_start3A_10] : memref<4x2x128xi32, #tpu.memory_space<vmem>> -> memref<1x1x128xi32, #tpu.memory_space<vmem>>
    %dma_start3A_12 = tpu.memref_squeeze %dma_start3A_11 : memref<1x1x128xi32, #tpu.memory_space<vmem>> -> memref<128xi32, #tpu.memory_space<vmem>>
    %dma_start3A_13 = arith.constant 0 : i32
    %dma_start3A_14 = arith.constant 0 : i32
    %dma_start3A_15 = tpu.memref_slice %arg2[%dma_start3A_13, %dma_start3A_14] : memref<40000x128xf32, #tpu.memory_space<hbm>> -> memref<40000x128xf32, #tpu.memory_space<hbm>>
    tpu.enqueue_indirect_dma source(%dma_start3A_15 : memref<40000x128xf32, #tpu.memory_space<hbm>>) target(%arg8 : memref<128x128xf32, #tpu.memory_space<vmem>>) offsets(%dma_start3A_12 : memref<128xi32, #tpu.memory_space<vmem>>) semaphore(%arg11 : memref<!tpu.dma_semaphore, #tpu.memory_space<semaphore_mem>>)
    %mul3A_16 = arith.constant 624 : i32
    %mul3A_17 = arith.muli %arg1, %mul3A_16 : i32
    %dma_wait3A = arith.constant 0 : i32
    %dma_wait3A_18 = tpu.memref_slice %arg10[%mul3A_17, %dma_wait3A] : memref<10008x128xf32, #tpu.memory_space<vmem_shared>> -> memref<624x128xf32, #tpu.memory_space<vmem_shared>>
    tpu.wait_dma2 semaphore(%arg15 : memref<!tpu.dma_semaphore, #tpu.memory_space<semaphore_mem>>) src(%arg4 : memref<624x128xf32, #tpu.memory_space<hbm>>) dst(%dma_wait3A_18 : memref<624x128xf32, #tpu.memory_space<vmem_shared>>)
    %eq3A_19 = arith.constant 0 : i32
    %eq3A_20 = arith.cmpi eq, %arg1, %eq3A_19 : i32
    %convert_element_type3A_21 = arith.extui %eq3A_20 : i1 to i32
    %cond3A_22 = arith.constant 0 : i32
    %cond3A_23 = arith.cmpi ne, %convert_element_type3A_21, %cond3A_22 : i32
    scf.if %cond3A_23 {
      %dma_wait3A_39 = arith.constant 9984 : i32
      %dma_wait3A_40 = arith.constant 0 : i32
      %dma_wait3A_41 = tpu.memref_slice %arg10[%dma_wait3A_39, %dma_wait3A_40] : memref<10008x128xf32, #tpu.memory_space<vmem_shared>> -> memref<16x128xf32, #tpu.memory_space<vmem_shared>>
      %dma_wait3A_42 = arith.constant 0 : i32
      %dma_wait3A_43 = arith.constant 0 : i32
      %dma_wait3A_44 = tpu.memref_slice %arg4[%dma_wait3A_42, %dma_wait3A_43] : memref<624x128xf32, #tpu.memory_space<hbm>> -> memref<16x128xf32, #tpu.memory_space<hbm>>
      tpu.wait_dma2 semaphore(%arg15 : memref<!tpu.dma_semaphore, #tpu.memory_space<semaphore_mem>>) src(%dma_wait3A_44 : memref<16x128xf32, #tpu.memory_space<hbm>>) dst(%dma_wait3A_41 : memref<16x128xf32, #tpu.memory_space<vmem_shared>>)
    } else {
    }
    %barrier3A = arith.constant 0 : index
    tpu.barrier barrier_id(%barrier3A)
    %scan3A = arith.constant 0 : i32
    %scan3A_24 = arith.constant 0 : i32
    %scan3A_25 = arith.constant 10 : i32
    %scan3A_26 = arith.addi %scan3A_24, %scan3A_25 : i32
    %scan3A_27 = arith.constant 1 : i32
    scf.for %scan3A_39 = %scan3A_24 to %scan3A_26 step %scan3A_27  : i32 {
      %mul3A_40 = arith.constant 8 : i32
      %mul3A_41 = arith.muli %mul3A_40, %scan3A_39 : i32
      %add3A_42 = arith.addi %mul3A_2, %mul3A_41 : i32
      %eq3A_43 = arith.constant 0 : i32
      %eq3A_44 = arith.cmpi eq, %scan3A_39, %eq3A_43 : i32
      %convert_element_type3A_45 = arith.extui %eq3A_44 : i1 to i32
      %cond3A_46 = arith.constant 0 : i32
      %cond3A_47 = arith.cmpi ne, %convert_element_type3A_45, %cond3A_46 : i32
      scf.if %cond3A_47 {
        %dma_start3A_255 = arith.constant 1 : i32
        %dma_start3A_256 = arith.constant 0 : i32
        %dma_start3A_257 = arith.constant 0 : i32
        %dma_start3A_258 = tpu.memref_slice %arg6[%dma_start3A_255, %dma_start3A_256, %dma_start3A_257] : memref<4x2x128xi32, #tpu.memory_space<vmem>> -> memref<1x1x128xi32, #tpu.memory_space<vmem>>
        %dma_start3A_259 = tpu.memref_squeeze %dma_start3A_258 : memref<1x1x128xi32, #tpu.memory_space<vmem>> -> memref<128xi32, #tpu.memory_space<vmem>>
        %dma_start3A_260 = arith.constant 0 : i32
        %dma_start3A_261 = arith.constant 0 : i32
        %dma_start3A_262 = tpu.memref_slice %arg2[%dma_start3A_260, %dma_start3A_261] : memref<40000x128xf32, #tpu.memory_space<hbm>> -> memref<40000x128xf32, #tpu.memory_space<hbm>>
        tpu.enqueue_indirect_dma source(%dma_start3A_262 : memref<40000x128xf32, #tpu.memory_space<hbm>>) target(%arg9 : memref<128x128xf32, #tpu.memory_space<vmem>>) offsets(%dma_start3A_259 : memref<128xi32, #tpu.memory_space<vmem>>) semaphore(%arg12 : memref<!tpu.dma_semaphore, #tpu.memory_space<semaphore_mem>>)
        %dma_wait3A_263 = arith.constant 0 : i32
        %dma_wait3A_264 = arith.constant 0 : i32
        %dma_wait3A_265 = arith.constant 0 : i32
        %dma_wait3A_266 = tpu.memref_slice %arg6[%dma_wait3A_263, %dma_wait3A_264, %dma_wait3A_265] : memref<4x2x128xi32, #tpu.memory_space<vmem>> -> memref<1x1x128xi32, #tpu.memory_space<vmem>>
        %dma_wait3A_267 = tpu.memref_squeeze %dma_wait3A_266 : memref<1x1x128xi32, #tpu.memory_space<vmem>> -> memref<128xi32, #tpu.memory_space<vmem>>
        %dma_wait3A_268 = arith.constant 0 : i32
        %dma_wait3A_269 = arith.constant 0 : i32
        %dma_wait3A_270 = tpu.memref_slice %arg2[%dma_wait3A_268, %dma_wait3A_269] : memref<40000x128xf32, #tpu.memory_space<hbm>> -> memref<40000x128xf32, #tpu.memory_space<hbm>>
        tpu.wait_indirect_dma semaphore(%arg11 : memref<!tpu.dma_semaphore, #tpu.memory_space<semaphore_mem>>) src(%dma_wait3A_270 : memref<40000x128xf32, #tpu.memory_space<hbm>>) dst(%arg8 : memref<128x128xf32, #tpu.memory_space<vmem>>)
        %dma_start3A_271 = arith.constant 0 : i32
        %dma_start3A_272 = arith.constant 1 : i32
        %dma_start3A_273 = arith.constant 0 : i32
        %dma_start3A_274 = tpu.memref_slice %arg6[%dma_start3A_271, %dma_start3A_272, %dma_start3A_273] : memref<4x2x128xi32, #tpu.memory_space<vmem>> -> memref<1x1x128xi32, #tpu.memory_space<vmem>>
        %dma_start3A_275 = tpu.memref_squeeze %dma_start3A_274 : memref<1x1x128xi32, #tpu.memory_space<vmem>> -> memref<128xi32, #tpu.memory_space<vmem>>
        %dma_start3A_276 = arith.constant 0 : i32
        %dma_start3A_277 = arith.constant 0 : i32
        %dma_start3A_278 = tpu.memref_slice %arg10[%dma_start3A_276, %dma_start3A_277] : memref<10008x128xf32, #tpu.memory_space<vmem_shared>> -> memref<10008x128xf32, #tpu.memory_space<vmem_shared>>
        tpu.enqueue_indirect_dma source(%arg8 : memref<128x128xf32, #tpu.memory_space<vmem>>) target(%dma_start3A_278 : memref<10008x128xf32, #tpu.memory_space<vmem_shared>>) offsets(%dma_start3A_275 : memref<128xi32, #tpu.memory_space<vmem>>) semaphore(%arg13 : memref<!tpu.dma_semaphore, #tpu.memory_space<semaphore_mem>>) {add = true}
      } else {
      }
      %gt3A = arith.constant 0 : i32
      %gt3A_48 = arith.cmpi sgt, %scan3A_39, %gt3A : i32
      %convert_element_type3A_49 = arith.extui %gt3A_48 : i1 to i32
      %cond3A_50 = arith.constant 0 : i32
      %cond3A_51 = arith.cmpi ne, %convert_element_type3A_49, %cond3A_50 : i32
      scf.if %cond3A_51 {
        %dma_wait3A_255 = arith.constant 3 : i32
        %dma_wait3A_256 = arith.constant 1 : i32
        %dma_wait3A_257 = arith.constant 0 : i32
        %dma_wait3A_258 = tpu.memref_slice %arg7[%dma_wait3A_255, %dma_wait3A_256, %dma_wait3A_257] : memref<4x2x128xi32, #tpu.memory_space<vmem>> -> memref<1x1x128xi32, #tpu.memory_space<vmem>>
        %dma_wait3A_259 = tpu.memref_squeeze %dma_wait3A_258 : memref<1x1x128xi32, #tpu.memory_space<vmem>> -> memref<128xi32, #tpu.memory_space<vmem>>
        %dma_wait3A_260 = arith.constant 0 : i32
        %dma_wait3A_261 = arith.constant 0 : i32
        %dma_wait3A_262 = tpu.memref_slice %arg10[%dma_wait3A_260, %dma_wait3A_261] : memref<10008x128xf32, #tpu.memory_space<vmem_shared>> -> memref<10008x128xf32, #tpu.memory_space<vmem_shared>>
        tpu.wait_indirect_dma semaphore(%arg14 : memref<!tpu.dma_semaphore, #tpu.memory_space<semaphore_mem>>) src(%arg9 : memref<128x128xf32, #tpu.memory_space<vmem>>) dst(%dma_wait3A_262 : memref<10008x128xf32, #tpu.memory_space<vmem_shared>>)
        %dma_start3A_263 = arith.constant 1 : i32
        %dma_start3A_264 = arith.constant 0 : i32
        %dma_start3A_265 = arith.constant 0 : i32
        %dma_start3A_266 = tpu.memref_slice %arg6[%dma_start3A_263, %dma_start3A_264, %dma_start3A_265] : memref<4x2x128xi32, #tpu.memory_space<vmem>> -> memref<1x1x128xi32, #tpu.memory_space<vmem>>
        %dma_start3A_267 = tpu.memref_squeeze %dma_start3A_266 : memref<1x1x128xi32, #tpu.memory_space<vmem>> -> memref<128xi32, #tpu.memory_space<vmem>>
        %dma_start3A_268 = arith.constant 0 : i32
        %dma_start3A_269 = arith.constant 0 : i32
        %dma_start3A_270 = tpu.memref_slice %arg2[%dma_start3A_268, %dma_start3A_269] : memref<40000x128xf32, #tpu.memory_space<hbm>> -> memref<40000x128xf32, #tpu.memory_space<hbm>>
        tpu.enqueue_indirect_dma source(%dma_start3A_270 : memref<40000x128xf32, #tpu.memory_space<hbm>>) target(%arg9 : memref<128x128xf32, #tpu.memory_space<vmem>>) offsets(%dma_start3A_267 : memref<128xi32, #tpu.memory_space<vmem>>) semaphore(%arg12 : memref<!tpu.dma_semaphore, #tpu.memory_space<semaphore_mem>>)
        %dma_wait3A_271 = arith.constant 0 : i32
        %dma_wait3A_272 = arith.constant 0 : i32
        %dma_wait3A_273 = arith.constant 0 : i32
        %dma_wait3A_274 = tpu.memref_slice %arg6[%dma_wait3A_271, %dma_wait3A_272, %dma_wait3A_273] : memref<4x2x128xi32, #tpu.memory_space<vmem>> -> memref<1x1x128xi32, #tpu.memory_space<vmem>>
        %dma_wait3A_275 = tpu.memref_squeeze %dma_wait3A_274 : memref<1x1x128xi32, #tpu.memory_space<vmem>> -> memref<128xi32, #tpu.memory_space<vmem>>
        %dma_wait3A_276 = arith.constant 0 : i32
        %dma_wait3A_277 = arith.constant 0 : i32
        %dma_wait3A_278 = tpu.memref_slice %arg2[%dma_wait3A_276, %dma_wait3A_277] : memref<40000x128xf32, #tpu.memory_space<hbm>> -> memref<40000x128xf32, #tpu.memory_space<hbm>>
        tpu.wait_indirect_dma semaphore(%arg11 : memref<!tpu.dma_semaphore, #tpu.memory_space<semaphore_mem>>) src(%dma_wait3A_278 : memref<40000x128xf32, #tpu.memory_space<hbm>>) dst(%arg8 : memref<128x128xf32, #tpu.memory_space<vmem>>)
        %dma_start3A_279 = arith.constant 0 : i32
        %dma_start3A_280 = arith.constant 1 : i32
        %dma_start3A_281 = arith.constant 0 : i32
        %dma_start3A_282 = tpu.memref_slice %arg6[%dma_start3A_279, %dma_start3A_280, %dma_start3A_281] : memref<4x2x128xi32, #tpu.memory_space<vmem>> -> memref<1x1x128xi32, #tpu.memory_space<vmem>>
        %dma_start3A_283 = tpu.memref_squeeze %dma_start3A_282 : memref<1x1x128xi32, #tpu.memory_space<vmem>> -> memref<128xi32, #tpu.memory_space<vmem>>
        %dma_start3A_284 = arith.constant 0 : i32
        %dma_start3A_285 = arith.constant 0 : i32
        %dma_start3A_286 = tpu.memref_slice %arg10[%dma_start3A_284, %dma_start3A_285] : memref<10008x128xf32, #tpu.memory_space<vmem_shared>> -> memref<10008x128xf32, #tpu.memory_space<vmem_shared>>
        tpu.enqueue_indirect_dma source(%arg8 : memref<128x128xf32, #tpu.memory_space<vmem>>) target(%dma_start3A_286 : memref<10008x128xf32, #tpu.memory_space<vmem_shared>>) offsets(%dma_start3A_283 : memref<128xi32, #tpu.memory_space<vmem>>) semaphore(%arg13 : memref<!tpu.dma_semaphore, #tpu.memory_space<semaphore_mem>>) {add = true}
      } else {
      }
      %add3A_52 = arith.constant 4 : i32
      %add3A_53 = arith.addi %add3A_42, %add3A_52 : i32
      "tpu.region"() ({
        %run_scoped3A = tpu.sem_alloc : memref<!tpu.dma_semaphore, #tpu.memory_space<semaphore_mem>>
        %dma_start3A_255 = arith.constant 0 : i32
        %dma_start3A_256 = arith.constant 0 : i32
        %dma_start3A_257 = tpu.memref_slice %arg3[%add3A_53, %dma_start3A_255, %dma_start3A_256] : memref<2560x2x128xi32, #tpu.memory_space<hbm>> -> memref<4x2x128xi32, #tpu.memory_space<hbm>>
        %dma_start3A_258 = arith.constant 0 : i32
        %dma_start3A_259 = arith.constant 0 : i32
        %dma_start3A_260 = tpu.memref_slice %arg3[%add3A_53, %dma_start3A_258, %dma_start3A_259] : memref<2560x2x128xi32, #tpu.memory_space<hbm>> -> memref<4x2x128xi32, #tpu.memory_space<hbm>>
        tpu.enqueue_dma source(%dma_start3A_260 : memref<4x2x128xi32, #tpu.memory_space<hbm>>) target(%arg7 : memref<4x2x128xi32, #tpu.memory_space<vmem>>) target_semaphore(%run_scoped3A : memref<!tpu.dma_semaphore, #tpu.memory_space<semaphore_mem>>)
        %dma_wait3A_261 = arith.constant 0 : i32
        %dma_wait3A_262 = arith.constant 0 : i32
        %dma_wait3A_263 = tpu.memref_slice %arg3[%add3A_53, %dma_wait3A_261, %dma_wait3A_262] : memref<2560x2x128xi32, #tpu.memory_space<hbm>> -> memref<4x2x128xi32, #tpu.memory_space<hbm>>
        %dma_wait3A_264 = arith.constant 0 : i32
        %dma_wait3A_265 = arith.constant 0 : i32
        %dma_wait3A_266 = tpu.memref_slice %arg3[%add3A_53, %dma_wait3A_264, %dma_wait3A_265] : memref<2560x2x128xi32, #tpu.memory_space<hbm>> -> memref<4x2x128xi32, #tpu.memory_space<hbm>>
        tpu.wait_dma2 semaphore(%run_scoped3A : memref<!tpu.dma_semaphore, #tpu.memory_space<semaphore_mem>>) src(%dma_wait3A_266 : memref<4x2x128xi32, #tpu.memory_space<hbm>>) dst(%arg7 : memref<4x2x128xi32, #tpu.memory_space<vmem>>)
        tpu.yield
      }) : () -> ()
      %dma_wait3A_54 = arith.constant 0 : i32
      %dma_wait3A_55 = arith.constant 1 : i32
      %dma_wait3A_56 = arith.constant 0 : i32
      %dma_wait3A_57 = tpu.memref_slice %arg6[%dma_wait3A_54, %dma_wait3A_55, %dma_wait3A_56] : memref<4x2x128xi32, #tpu.memory_space<vmem>> -> memref<1x1x128xi32, #tpu.memory_space<vmem>>
      %dma_wait3A_58 = tpu.memref_squeeze %dma_wait3A_57 : memref<1x1x128xi32, #tpu.memory_space<vmem>> -> memref<128xi32, #tpu.memory_space<vmem>>
      %dma_wait3A_59 = arith.constant 0 : i32
      %dma_wait3A_60 = arith.constant 0 : i32
      %dma_wait3A_61 = tpu.memref_slice %arg10[%dma_wait3A_59, %dma_wait3A_60] : memref<10008x128xf32, #tpu.memory_space<vmem_shared>> -> memref<10008x128xf32, #tpu.memory_space<vmem_shared>>
      tpu.wait_indirect_dma semaphore(%arg13 : memref<!tpu.dma_semaphore, #tpu.memory_space<semaphore_mem>>) src(%arg8 : memref<128x128xf32, #tpu.memory_space<vmem>>) dst(%dma_wait3A_61 : memref<10008x128xf32, #tpu.memory_space<vmem_shared>>)
      %dma_start3A_62 = arith.constant 2 : i32
      %dma_start3A_63 = arith.constant 0 : i32
      %dma_start3A_64 = arith.constant 0 : i32
      %dma_start3A_65 = tpu.memref_slice %arg6[%dma_start3A_62, %dma_start3A_63, %dma_start3A_64] : memref<4x2x128xi32, #tpu.memory_space<vmem>> -> memref<1x1x128xi32, #tpu.memory_space<vmem>>
      %dma_start3A_66 = tpu.memref_squeeze %dma_start3A_65 : memref<1x1x128xi32, #tpu.memory_space<vmem>> -> memref<128xi32, #tpu.memory_space<vmem>>
      %dma_start3A_67 = arith.constant 0 : i32
      %dma_start3A_68 = arith.constant 0 : i32
      %dma_start3A_69 = tpu.memref_slice %arg2[%dma_start3A_67, %dma_start3A_68] : memref<40000x128xf32, #tpu.memory_space<hbm>> -> memref<40000x128xf32, #tpu.memory_space<hbm>>
      tpu.enqueue_indirect_dma source(%dma_start3A_69 : memref<40000x128xf32, #tpu.memory_space<hbm>>) target(%arg8 : memref<128x128xf32, #tpu.memory_space<vmem>>) offsets(%dma_start3A_66 : memref<128xi32, #tpu.memory_space<vmem>>) semaphore(%arg11 : memref<!tpu.dma_semaphore, #tpu.memory_space<semaphore_mem>>)
      %dma_wait3A_70 = arith.constant 1 : i32
      %dma_wait3A_71 = arith.constant 0 : i32
      %dma_wait3A_72 = arith.constant 0 : i32
      %dma_wait3A_73 = tpu.memref_slice %arg6[%dma_wait3A_70, %dma_wait3A_71, %dma_wait3A_72] : memref<4x2x128xi32, #tpu.memory_space<vmem>> -> memref<1x1x128xi32, #tpu.memory_space<vmem>>
      %dma_wait3A_74 = tpu.memref_squeeze %dma_wait3A_73 : memref<1x1x128xi32, #tpu.memory_space<vmem>> -> memref<128xi32, #tpu.memory_space<vmem>>
      %dma_wait3A_75 = arith.constant 0 : i32
      %dma_wait3A_76 = arith.constant 0 : i32
      %dma_wait3A_77 = tpu.memref_slice %arg2[%dma_wait3A_75, %dma_wait3A_76] : memref<40000x128xf32, #tpu.memory_space<hbm>> -> memref<40000x128xf32, #tpu.memory_space<hbm>>
      tpu.wait_indirect_dma semaphore(%arg12 : memref<!tpu.dma_semaphore, #tpu.memory_space<semaphore_mem>>) src(%dma_wait3A_77 : memref<40000x128xf32, #tpu.memory_space<hbm>>) dst(%arg9 : memref<128x128xf32, #tpu.memory_space<vmem>>)
      %dma_start3A_78 = arith.constant 1 : i32
      %dma_start3A_79 = arith.constant 1 : i32
      %dma_start3A_80 = arith.constant 0 : i32
      %dma_start3A_81 = tpu.memref_slice %arg6[%dma_start3A_78, %dma_start3A_79, %dma_start3A_80] : memref<4x2x128xi32, #tpu.memory_space<vmem>> -> memref<1x1x128xi32, #tpu.memory_space<vmem>>
      %dma_start3A_82 = tpu.memref_squeeze %dma_start3A_81 : memref<1x1x128xi32, #tpu.memory_space<vmem>> -> memref<128xi32, #tpu.memory_space<vmem>>
      %dma_start3A_83 = arith.constant 0 : i32
      %dma_start3A_84 = arith.constant 0 : i32
      %dma_start3A_85 = tpu.memref_slice %arg10[%dma_start3A_83, %dma_start3A_84] : memref<10008x128xf32, #tpu.memory_space<vmem_shared>> -> memref<10008x128xf32, #tpu.memory_space<vmem_shared>>
      tpu.enqueue_indirect_dma source(%arg9 : memref<128x128xf32, #tpu.memory_space<vmem>>) target(%dma_start3A_85 : memref<10008x128xf32, #tpu.memory_space<vmem_shared>>) offsets(%dma_start3A_82 : memref<128xi32, #tpu.memory_space<vmem>>) semaphore(%arg14 : memref<!tpu.dma_semaphore, #tpu.memory_space<semaphore_mem>>) {add = true}
      %dma_wait3A_86 = arith.constant 1 : i32
      %dma_wait3A_87 = arith.constant 1 : i32
      %dma_wait3A_88 = arith.constant 0 : i32
      %dma_wait3A_89 = tpu.memref_slice %arg6[%dma_wait3A_86, %dma_wait3A_87, %dma_wait3A_88] : memref<4x2x128xi32, #tpu.memory_space<vmem>> -> memref<1x1x128xi32, #tpu.memory_space<vmem>>
      %dma_wait3A_90 = tpu.memref_squeeze %dma_wait3A_89 : memref<1x1x128xi32, #tpu.memory_space<vmem>> -> memref<128xi32, #tpu.memory_space<vmem>>
      %dma_wait3A_91 = arith.constant 0 : i32
      %dma_wait3A_92 = arith.constant 0 : i32
      %dma_wait3A_93 = tpu.memref_slice %arg10[%dma_wait3A_91, %dma_wait3A_92] : memref<10008x128xf32, #tpu.memory_space<vmem_shared>> -> memref<10008x128xf32, #tpu.memory_space<vmem_shared>>
      tpu.wait_indirect_dma semaphore(%arg14 : memref<!tpu.dma_semaphore, #tpu.memory_space<semaphore_mem>>) src(%arg9 : memref<128x128xf32, #tpu.memory_space<vmem>>) dst(%dma_wait3A_93 : memref<10008x128xf32, #tpu.memory_space<vmem_shared>>)
      %dma_start3A_94 = arith.constant 3 : i32
      %dma_start3A_95 = arith.constant 0 : i32
      %dma_start3A_96 = arith.constant 0 : i32
      %dma_start3A_97 = tpu.memref_slice %arg6[%dma_start3A_94, %dma_start3A_95, %dma_start3A_96] : memref<4x2x128xi32, #tpu.memory_space<vmem>> -> memref<1x1x128xi32, #tpu.memory_space<vmem>>
      %dma_start3A_98 = tpu.memref_squeeze %dma_start3A_97 : memref<1x1x128xi32, #tpu.memory_space<vmem>> -> memref<128xi32, #tpu.memory_space<vmem>>
      %dma_start3A_99 = arith.constant 0 : i32
      %dma_start3A_100 = arith.constant 0 : i32
      %dma_start3A_101 = tpu.memref_slice %arg2[%dma_start3A_99, %dma_start3A_100] : memref<40000x128xf32, #tpu.memory_space<hbm>> -> memref<40000x128xf32, #tpu.memory_space<hbm>>
      tpu.enqueue_indirect_dma source(%dma_start3A_101 : memref<40000x128xf32, #tpu.memory_space<hbm>>) target(%arg9 : memref<128x128xf32, #tpu.memory_space<vmem>>) offsets(%dma_start3A_98 : memref<128xi32, #tpu.memory_space<vmem>>) semaphore(%arg12 : memref<!tpu.dma_semaphore, #tpu.memory_space<semaphore_mem>>)
      %dma_wait3A_102 = arith.constant 2 : i32
      %dma_wait3A_103 = arith.constant 0 : i32
      %dma_wait3A_104 = arith.constant 0 : i32
      %dma_wait3A_105 = tpu.memref_slice %arg6[%dma_wait3A_102, %dma_wait3A_103, %dma_wait3A_104] : memref<4x2x128xi32, #tpu.memory_space<vmem>> -> memref<1x1x128xi32, #tpu.memory_space<vmem>>
      %dma_wait3A_106 = tpu.memref_squeeze %dma_wait3A_105 : memref<1x1x128xi32, #tpu.memory_space<vmem>> -> memref<128xi32, #tpu.memory_space<vmem>>
      %dma_wait3A_107 = arith.constant 0 : i32
      %dma_wait3A_108 = arith.constant 0 : i32
      %dma_wait3A_109 = tpu.memref_slice %arg2[%dma_wait3A_107, %dma_wait3A_108] : memref<40000x128xf32, #tpu.memory_space<hbm>> -> memref<40000x128xf32, #tpu.memory_space<hbm>>
      tpu.wait_indirect_dma semaphore(%arg11 : memref<!tpu.dma_semaphore, #tpu.memory_space<semaphore_mem>>) src(%dma_wait3A_109 : memref<40000x128xf32, #tpu.memory_space<hbm>>) dst(%arg8 : memref<128x128xf32, #tpu.memory_space<vmem>>)
      %dma_start3A_110 = arith.constant 2 : i32
      %dma_start3A_111 = arith.constant 1 : i32
      %dma_start3A_112 = arith.constant 0 : i32
      %dma_start3A_113 = tpu.memref_slice %arg6[%dma_start3A_110, %dma_start3A_111, %dma_start3A_112] : memref<4x2x128xi32, #tpu.memory_space<vmem>> -> memref<1x1x128xi32, #tpu.memory_space<vmem>>
      %dma_start3A_114 = tpu.memref_squeeze %dma_start3A_113 : memref<1x1x128xi32, #tpu.memory_space<vmem>> -> memref<128xi32, #tpu.memory_space<vmem>>
      %dma_start3A_115 = arith.constant 0 : i32
      %dma_start3A_116 = arith.constant 0 : i32
      %dma_start3A_117 = tpu.memref_slice %arg10[%dma_start3A_115, %dma_start3A_116] : memref<10008x128xf32, #tpu.memory_space<vmem_shared>> -> memref<10008x128xf32, #tpu.memory_space<vmem_shared>>
      tpu.enqueue_indirect_dma source(%arg8 : memref<128x128xf32, #tpu.memory_space<vmem>>) target(%dma_start3A_117 : memref<10008x128xf32, #tpu.memory_space<vmem_shared>>) offsets(%dma_start3A_114 : memref<128xi32, #tpu.memory_space<vmem>>) semaphore(%arg13 : memref<!tpu.dma_semaphore, #tpu.memory_space<semaphore_mem>>) {add = true}
      %dma_wait3A_118 = arith.constant 2 : i32
      %dma_wait3A_119 = arith.constant 1 : i32
      %dma_wait3A_120 = arith.constant 0 : i32
      %dma_wait3A_121 = tpu.memref_slice %arg6[%dma_wait3A_118, %dma_wait3A_119, %dma_wait3A_120] : memref<4x2x128xi32, #tpu.memory_space<vmem>> -> memref<1x1x128xi32, #tpu.memory_space<vmem>>
      %dma_wait3A_122 = tpu.memref_squeeze %dma_wait3A_121 : memref<1x1x128xi32, #tpu.memory_space<vmem>> -> memref<128xi32, #tpu.memory_space<vmem>>
      %dma_wait3A_123 = arith.constant 0 : i32
      %dma_wait3A_124 = arith.constant 0 : i32
      %dma_wait3A_125 = tpu.memref_slice %arg10[%dma_wait3A_123, %dma_wait3A_124] : memref<10008x128xf32, #tpu.memory_space<vmem_shared>> -> memref<10008x128xf32, #tpu.memory_space<vmem_shared>>
      tpu.wait_indirect_dma semaphore(%arg13 : memref<!tpu.dma_semaphore, #tpu.memory_space<semaphore_mem>>) src(%arg8 : memref<128x128xf32, #tpu.memory_space<vmem>>) dst(%dma_wait3A_125 : memref<10008x128xf32, #tpu.memory_space<vmem_shared>>)
      %dma_start3A_126 = arith.constant 0 : i32
      %dma_start3A_127 = arith.constant 0 : i32
      %dma_start3A_128 = arith.constant 0 : i32
      %dma_start3A_129 = tpu.memref_slice %arg7[%dma_start3A_126, %dma_start3A_127, %dma_start3A_128] : memref<4x2x128xi32, #tpu.memory_space<vmem>> -> memref<1x1x128xi32, #tpu.memory_space<vmem>>
      %dma_start3A_130 = tpu.memref_squeeze %dma_start3A_129 : memref<1x1x128xi32, #tpu.memory_space<vmem>> -> memref<128xi32, #tpu.memory_space<vmem>>
      %dma_start3A_131 = arith.constant 0 : i32
      %dma_start3A_132 = arith.constant 0 : i32
      %dma_start3A_133 = tpu.memref_slice %arg2[%dma_start3A_131, %dma_start3A_132] : memref<40000x128xf32, #tpu.memory_space<hbm>> -> memref<40000x128xf32, #tpu.memory_space<hbm>>
      tpu.enqueue_indirect_dma source(%dma_start3A_133 : memref<40000x128xf32, #tpu.memory_space<hbm>>) target(%arg8 : memref<128x128xf32, #tpu.memory_space<vmem>>) offsets(%dma_start3A_130 : memref<128xi32, #tpu.memory_space<vmem>>) semaphore(%arg11 : memref<!tpu.dma_semaphore, #tpu.memory_space<semaphore_mem>>)
      %dma_wait3A_134 = arith.constant 3 : i32
      %dma_wait3A_135 = arith.constant 0 : i32
      %dma_wait3A_136 = arith.constant 0 : i32
      %dma_wait3A_137 = tpu.memref_slice %arg6[%dma_wait3A_134, %dma_wait3A_135, %dma_wait3A_136] : memref<4x2x128xi32, #tpu.memory_space<vmem>> -> memref<1x1x128xi32, #tpu.memory_space<vmem>>
      %dma_wait3A_138 = tpu.memref_squeeze %dma_wait3A_137 : memref<1x1x128xi32, #tpu.memory_space<vmem>> -> memref<128xi32, #tpu.memory_space<vmem>>
      %dma_wait3A_139 = arith.constant 0 : i32
      %dma_wait3A_140 = arith.constant 0 : i32
      %dma_wait3A_141 = tpu.memref_slice %arg2[%dma_wait3A_139, %dma_wait3A_140] : memref<40000x128xf32, #tpu.memory_space<hbm>> -> memref<40000x128xf32, #tpu.memory_space<hbm>>
      tpu.wait_indirect_dma semaphore(%arg12 : memref<!tpu.dma_semaphore, #tpu.memory_space<semaphore_mem>>) src(%dma_wait3A_141 : memref<40000x128xf32, #tpu.memory_space<hbm>>) dst(%arg9 : memref<128x128xf32, #tpu.memory_space<vmem>>)
      %dma_start3A_142 = arith.constant 3 : i32
      %dma_start3A_143 = arith.constant 1 : i32
      %dma_start3A_144 = arith.constant 0 : i32
      %dma_start3A_145 = tpu.memref_slice %arg6[%dma_start3A_142, %dma_start3A_143, %dma_start3A_144] : memref<4x2x128xi32, #tpu.memory_space<vmem>> -> memref<1x1x128xi32, #tpu.memory_space<vmem>>
      %dma_start3A_146 = tpu.memref_squeeze %dma_start3A_145 : memref<1x1x128xi32, #tpu.memory_space<vmem>> -> memref<128xi32, #tpu.memory_space<vmem>>
      %dma_start3A_147 = arith.constant 0 : i32
      %dma_start3A_148 = arith.constant 0 : i32
      %dma_start3A_149 = tpu.memref_slice %arg10[%dma_start3A_147, %dma_start3A_148] : memref<10008x128xf32, #tpu.memory_space<vmem_shared>> -> memref<10008x128xf32, #tpu.memory_space<vmem_shared>>
      tpu.enqueue_indirect_dma source(%arg9 : memref<128x128xf32, #tpu.memory_space<vmem>>) target(%dma_start3A_149 : memref<10008x128xf32, #tpu.memory_space<vmem_shared>>) offsets(%dma_start3A_146 : memref<128xi32, #tpu.memory_space<vmem>>) semaphore(%arg14 : memref<!tpu.dma_semaphore, #tpu.memory_space<semaphore_mem>>) {add = true}
      %dma_wait3A_150 = arith.constant 3 : i32
      %dma_wait3A_151 = arith.constant 1 : i32
      %dma_wait3A_152 = arith.constant 0 : i32
      %dma_wait3A_153 = tpu.memref_slice %arg6[%dma_wait3A_150, %dma_wait3A_151, %dma_wait3A_152] : memref<4x2x128xi32, #tpu.memory_space<vmem>> -> memref<1x1x128xi32, #tpu.memory_space<vmem>>
      %dma_wait3A_154 = tpu.memref_squeeze %dma_wait3A_153 : memref<1x1x128xi32, #tpu.memory_space<vmem>> -> memref<128xi32, #tpu.memory_space<vmem>>
      %dma_wait3A_155 = arith.constant 0 : i32
      %dma_wait3A_156 = arith.constant 0 : i32
      %dma_wait3A_157 = tpu.memref_slice %arg10[%dma_wait3A_155, %dma_wait3A_156] : memref<10008x128xf32, #tpu.memory_space<vmem_shared>> -> memref<10008x128xf32, #tpu.memory_space<vmem_shared>>
      tpu.wait_indirect_dma semaphore(%arg14 : memref<!tpu.dma_semaphore, #tpu.memory_space<semaphore_mem>>) src(%arg9 : memref<128x128xf32, #tpu.memory_space<vmem>>) dst(%dma_wait3A_157 : memref<10008x128xf32, #tpu.memory_space<vmem_shared>>)
      %dma_start3A_158 = arith.constant 1 : i32
      %dma_start3A_159 = arith.constant 0 : i32
      %dma_start3A_160 = arith.constant 0 : i32
      %dma_start3A_161 = tpu.memref_slice %arg7[%dma_start3A_158, %dma_start3A_159, %dma_start3A_160] : memref<4x2x128xi32, #tpu.memory_space<vmem>> -> memref<1x1x128xi32, #tpu.memory_space<vmem>>
      %dma_start3A_162 = tpu.memref_squeeze %dma_start3A_161 : memref<1x1x128xi32, #tpu.memory_space<vmem>> -> memref<128xi32, #tpu.memory_space<vmem>>
      %dma_start3A_163 = arith.constant 0 : i32
      %dma_start3A_164 = arith.constant 0 : i32
      %dma_start3A_165 = tpu.memref_slice %arg2[%dma_start3A_163, %dma_start3A_164] : memref<40000x128xf32, #tpu.memory_space<hbm>> -> memref<40000x128xf32, #tpu.memory_space<hbm>>
      tpu.enqueue_indirect_dma source(%dma_start3A_165 : memref<40000x128xf32, #tpu.memory_space<hbm>>) target(%arg9 : memref<128x128xf32, #tpu.memory_space<vmem>>) offsets(%dma_start3A_162 : memref<128xi32, #tpu.memory_space<vmem>>) semaphore(%arg12 : memref<!tpu.dma_semaphore, #tpu.memory_space<semaphore_mem>>)
      %dma_wait3A_166 = arith.constant 0 : i32
      %dma_wait3A_167 = arith.constant 0 : i32
      %dma_wait3A_168 = arith.constant 0 : i32
      %dma_wait3A_169 = tpu.memref_slice %arg7[%dma_wait3A_166, %dma_wait3A_167, %dma_wait3A_168] : memref<4x2x128xi32, #tpu.memory_space<vmem>> -> memref<1x1x128xi32, #tpu.memory_space<vmem>>
      %dma_wait3A_170 = tpu.memref_squeeze %dma_wait3A_169 : memref<1x1x128xi32, #tpu.memory_space<vmem>> -> memref<128xi32, #tpu.memory_space<vmem>>
      %dma_wait3A_171 = arith.constant 0 : i32
      %dma_wait3A_172 = arith.constant 0 : i32
      %dma_wait3A_173 = tpu.memref_slice %arg2[%dma_wait3A_171, %dma_wait3A_172] : memref<40000x128xf32, #tpu.memory_space<hbm>> -> memref<40000x128xf32, #tpu.memory_space<hbm>>
      tpu.wait_indirect_dma semaphore(%arg11 : memref<!tpu.dma_semaphore, #tpu.memory_space<semaphore_mem>>) src(%dma_wait3A_173 : memref<40000x128xf32, #tpu.memory_space<hbm>>) dst(%arg8 : memref<128x128xf32, #tpu.memory_space<vmem>>)
      %dma_start3A_174 = arith.constant 0 : i32
      %dma_start3A_175 = arith.constant 1 : i32
      %dma_start3A_176 = arith.constant 0 : i32
      %dma_start3A_177 = tpu.memref_slice %arg7[%dma_start3A_174, %dma_start3A_175, %dma_start3A_176] : memref<4x2x128xi32, #tpu.memory_space<vmem>> -> memref<1x1x128xi32, #tpu.memory_space<vmem>>
      %dma_start3A_178 = tpu.memref_squeeze %dma_start3A_177 : memref<1x1x128xi32, #tpu.memory_space<vmem>> -> memref<128xi32, #tpu.memory_space<vmem>>
      %dma_start3A_179 = arith.constant 0 : i32
      %dma_start3A_180 = arith.constant 0 : i32
      %dma_start3A_181 = tpu.memref_slice %arg10[%dma_start3A_179, %dma_start3A_180] : memref<10008x128xf32, #tpu.memory_space<vmem_shared>> -> memref<10008x128xf32, #tpu.memory_space<vmem_shared>>
      tpu.enqueue_indirect_dma source(%arg8 : memref<128x128xf32, #tpu.memory_space<vmem>>) target(%dma_start3A_181 : memref<10008x128xf32, #tpu.memory_space<vmem_shared>>) offsets(%dma_start3A_178 : memref<128xi32, #tpu.memory_space<vmem>>) semaphore(%arg13 : memref<!tpu.dma_semaphore, #tpu.memory_space<semaphore_mem>>) {add = true}
      %dma_wait3A_182 = arith.constant 0 : i32
      %dma_wait3A_183 = arith.constant 1 : i32
      %dma_wait3A_184 = arith.constant 0 : i32
      %dma_wait3A_185 = tpu.memref_slice %arg7[%dma_wait3A_182, %dma_wait3A_183, %dma_wait3A_184] : memref<4x2x128xi32, #tpu.memory_space<vmem>> -> memref<1x1x128xi32, #tpu.memory_space<vmem>>
      %dma_wait3A_186 = tpu.memref_squeeze %dma_wait3A_185 : memref<1x1x128xi32, #tpu.memory_space<vmem>> -> memref<128xi32, #tpu.memory_space<vmem>>
      %dma_wait3A_187 = arith.constant 0 : i32
      %dma_wait3A_188 = arith.constant 0 : i32
      %dma_wait3A_189 = tpu.memref_slice %arg10[%dma_wait3A_187, %dma_wait3A_188] : memref<10008x128xf32, #tpu.memory_space<vmem_shared>> -> memref<10008x128xf32, #tpu.memory_space<vmem_shared>>
      tpu.wait_indirect_dma semaphore(%arg13 : memref<!tpu.dma_semaphore, #tpu.memory_space<semaphore_mem>>) src(%arg8 : memref<128x128xf32, #tpu.memory_space<vmem>>) dst(%dma_wait3A_189 : memref<10008x128xf32, #tpu.memory_space<vmem_shared>>)
      %dma_start3A_190 = arith.constant 2 : i32
      %dma_start3A_191 = arith.constant 0 : i32
      %dma_start3A_192 = arith.constant 0 : i32
      %dma_start3A_193 = tpu.memref_slice %arg7[%dma_start3A_190, %dma_start3A_191, %dma_start3A_192] : memref<4x2x128xi32, #tpu.memory_space<vmem>> -> memref<1x1x128xi32, #tpu.memory_space<vmem>>
      %dma_start3A_194 = tpu.memref_squeeze %dma_start3A_193 : memref<1x1x128xi32, #tpu.memory_space<vmem>> -> memref<128xi32, #tpu.memory_space<vmem>>
      %dma_start3A_195 = arith.constant 0 : i32
      %dma_start3A_196 = arith.constant 0 : i32
      %dma_start3A_197 = tpu.memref_slice %arg2[%dma_start3A_195, %dma_start3A_196] : memref<40000x128xf32, #tpu.memory_space<hbm>> -> memref<40000x128xf32, #tpu.memory_space<hbm>>
      tpu.enqueue_indirect_dma source(%dma_start3A_197 : memref<40000x128xf32, #tpu.memory_space<hbm>>) target(%arg8 : memref<128x128xf32, #tpu.memory_space<vmem>>) offsets(%dma_start3A_194 : memref<128xi32, #tpu.memory_space<vmem>>) semaphore(%arg11 : memref<!tpu.dma_semaphore, #tpu.memory_space<semaphore_mem>>)
      %dma_wait3A_198 = arith.constant 1 : i32
      %dma_wait3A_199 = arith.constant 0 : i32
      %dma_wait3A_200 = arith.constant 0 : i32
      %dma_wait3A_201 = tpu.memref_slice %arg7[%dma_wait3A_198, %dma_wait3A_199, %dma_wait3A_200] : memref<4x2x128xi32, #tpu.memory_space<vmem>> -> memref<1x1x128xi32, #tpu.memory_space<vmem>>
      %dma_wait3A_202 = tpu.memref_squeeze %dma_wait3A_201 : memref<1x1x128xi32, #tpu.memory_space<vmem>> -> memref<128xi32, #tpu.memory_space<vmem>>
      %dma_wait3A_203 = arith.constant 0 : i32
      %dma_wait3A_204 = arith.constant 0 : i32
      %dma_wait3A_205 = tpu.memref_slice %arg2[%dma_wait3A_203, %dma_wait3A_204] : memref<40000x128xf32, #tpu.memory_space<hbm>> -> memref<40000x128xf32, #tpu.memory_space<hbm>>
      tpu.wait_indirect_dma semaphore(%arg12 : memref<!tpu.dma_semaphore, #tpu.memory_space<semaphore_mem>>) src(%dma_wait3A_205 : memref<40000x128xf32, #tpu.memory_space<hbm>>) dst(%arg9 : memref<128x128xf32, #tpu.memory_space<vmem>>)
      %dma_start3A_206 = arith.constant 1 : i32
      %dma_start3A_207 = arith.constant 1 : i32
      %dma_start3A_208 = arith.constant 0 : i32
      %dma_start3A_209 = tpu.memref_slice %arg7[%dma_start3A_206, %dma_start3A_207, %dma_start3A_208] : memref<4x2x128xi32, #tpu.memory_space<vmem>> -> memref<1x1x128xi32, #tpu.memory_space<vmem>>
      %dma_start3A_210 = tpu.memref_squeeze %dma_start3A_209 : memref<1x1x128xi32, #tpu.memory_space<vmem>> -> memref<128xi32, #tpu.memory_space<vmem>>
      %dma_start3A_211 = arith.constant 0 : i32
      %dma_start3A_212 = arith.constant 0 : i32
      %dma_start3A_213 = tpu.memref_slice %arg10[%dma_start3A_211, %dma_start3A_212] : memref<10008x128xf32, #tpu.memory_space<vmem_shared>> -> memref<10008x128xf32, #tpu.memory_space<vmem_shared>>
      tpu.enqueue_indirect_dma source(%arg9 : memref<128x128xf32, #tpu.memory_space<vmem>>) target(%dma_start3A_213 : memref<10008x128xf32, #tpu.memory_space<vmem_shared>>) offsets(%dma_start3A_210 : memref<128xi32, #tpu.memory_space<vmem>>) semaphore(%arg14 : memref<!tpu.dma_semaphore, #tpu.memory_space<semaphore_mem>>) {add = true}
      %dma_wait3A_214 = arith.constant 1 : i32
      %dma_wait3A_215 = arith.constant 1 : i32
      %dma_wait3A_216 = arith.constant 0 : i32
      %dma_wait3A_217 = tpu.memref_slice %arg7[%dma_wait3A_214, %dma_wait3A_215, %dma_wait3A_216] : memref<4x2x128xi32, #tpu.memory_space<vmem>> -> memref<1x1x128xi32, #tpu.memory_space<vmem>>
      %dma_wait3A_218 = tpu.memref_squeeze %dma_wait3A_217 : memref<1x1x128xi32, #tpu.memory_space<vmem>> -> memref<128xi32, #tpu.memory_space<vmem>>
      %dma_wait3A_219 = arith.constant 0 : i32
      %dma_wait3A_220 = arith.constant 0 : i32
      %dma_wait3A_221 = tpu.memref_slice %arg10[%dma_wait3A_219, %dma_wait3A_220] : memref<10008x128xf32, #tpu.memory_space<vmem_shared>> -> memref<10008x128xf32, #tpu.memory_space<vmem_shared>>
      tpu.wait_indirect_dma semaphore(%arg14 : memref<!tpu.dma_semaphore, #tpu.memory_space<semaphore_mem>>) src(%arg9 : memref<128x128xf32, #tpu.memory_space<vmem>>) dst(%dma_wait3A_221 : memref<10008x128xf32, #tpu.memory_space<vmem_shared>>)
      %dma_start3A_222 = arith.constant 3 : i32
      %dma_start3A_223 = arith.constant 0 : i32
      %dma_start3A_224 = arith.constant 0 : i32
      %dma_start3A_225 = tpu.memref_slice %arg7[%dma_start3A_222, %dma_start3A_223, %dma_start3A_224] : memref<4x2x128xi32, #tpu.memory_space<vmem>> -> memref<1x1x128xi32, #tpu.memory_space<vmem>>
      %dma_start3A_226 = tpu.memref_squeeze %dma_start3A_225 : memref<1x1x128xi32, #tpu.memory_space<vmem>> -> memref<128xi32, #tpu.memory_space<vmem>>
      %dma_start3A_227 = arith.constant 0 : i32
      %dma_start3A_228 = arith.constant 0 : i32
      %dma_start3A_229 = tpu.memref_slice %arg2[%dma_start3A_227, %dma_start3A_228] : memref<40000x128xf32, #tpu.memory_space<hbm>> -> memref<40000x128xf32, #tpu.memory_space<hbm>>
      tpu.enqueue_indirect_dma source(%dma_start3A_229 : memref<40000x128xf32, #tpu.memory_space<hbm>>) target(%arg9 : memref<128x128xf32, #tpu.memory_space<vmem>>) offsets(%dma_start3A_226 : memref<128xi32, #tpu.memory_space<vmem>>) semaphore(%arg12 : memref<!tpu.dma_semaphore, #tpu.memory_space<semaphore_mem>>)
      %dma_wait3A_230 = arith.constant 2 : i32
      %dma_wait3A_231 = arith.constant 0 : i32
      %dma_wait3A_232 = arith.constant 0 : i32
      %dma_wait3A_233 = tpu.memref_slice %arg7[%dma_wait3A_230, %dma_wait3A_231, %dma_wait3A_232] : memref<4x2x128xi32, #tpu.memory_space<vmem>> -> memref<1x1x128xi32, #tpu.memory_space<vmem>>
      %dma_wait3A_234 = tpu.memref_squeeze %dma_wait3A_233 : memref<1x1x128xi32, #tpu.memory_space<vmem>> -> memref<128xi32, #tpu.memory_space<vmem>>
      %dma_wait3A_235 = arith.constant 0 : i32
      %dma_wait3A_236 = arith.constant 0 : i32
      %dma_wait3A_237 = tpu.memref_slice %arg2[%dma_wait3A_235, %dma_wait3A_236] : memref<40000x128xf32, #tpu.memory_space<hbm>> -> memref<40000x128xf32, #tpu.memory_space<hbm>>
      tpu.wait_indirect_dma semaphore(%arg11 : memref<!tpu.dma_semaphore, #tpu.memory_space<semaphore_mem>>) src(%dma_wait3A_237 : memref<40000x128xf32, #tpu.memory_space<hbm>>) dst(%arg8 : memref<128x128xf32, #tpu.memory_space<vmem>>)
      %dma_start3A_238 = arith.constant 2 : i32
      %dma_start3A_239 = arith.constant 1 : i32
      %dma_start3A_240 = arith.constant 0 : i32
      %dma_start3A_241 = tpu.memref_slice %arg7[%dma_start3A_238, %dma_start3A_239, %dma_start3A_240] : memref<4x2x128xi32, #tpu.memory_space<vmem>> -> memref<1x1x128xi32, #tpu.memory_space<vmem>>
      %dma_start3A_242 = tpu.memref_squeeze %dma_start3A_241 : memref<1x1x128xi32, #tpu.memory_space<vmem>> -> memref<128xi32, #tpu.memory_space<vmem>>
      %dma_start3A_243 = arith.constant 0 : i32
      %dma_start3A_244 = arith.constant 0 : i32
      %dma_start3A_245 = tpu.memref_slice %arg10[%dma_start3A_243, %dma_start3A_244] : memref<10008x128xf32, #tpu.memory_space<vmem_shared>> -> memref<10008x128xf32, #tpu.memory_space<vmem_shared>>
      tpu.enqueue_indirect_dma source(%arg8 : memref<128x128xf32, #tpu.memory_space<vmem>>) target(%dma_start3A_245 : memref<10008x128xf32, #tpu.memory_space<vmem_shared>>) offsets(%dma_start3A_242 : memref<128xi32, #tpu.memory_space<vmem>>) semaphore(%arg13 : memref<!tpu.dma_semaphore, #tpu.memory_space<semaphore_mem>>) {add = true}
      %lt3A = arith.constant 9 : i32
      %lt3A_246 = arith.cmpi slt, %scan3A_39, %lt3A : i32
      %convert_element_type3A_247 = arith.extui %lt3A_246 : i1 to i32
      %cond3A_248 = arith.constant 0 : i32
      %cond3A_249 = arith.cmpi ne, %convert_element_type3A_247, %cond3A_248 : i32
      scf.if %cond3A_249 {
        %add3A_255 = arith.constant 8 : i32
        %add3A_256 = arith.addi %add3A_42, %add3A_255 : i32
        "tpu.region"() ({
          %run_scoped3A = tpu.sem_alloc : memref<!tpu.dma_semaphore, #tpu.memory_space<semaphore_mem>>
          %dma_start3A_289 = arith.constant 0 : i32
          %dma_start3A_290 = arith.constant 0 : i32
          %dma_start3A_291 = tpu.memref_slice %arg3[%add3A_256, %dma_start3A_289, %dma_start3A_290] : memref<2560x2x128xi32, #tpu.memory_space<hbm>> -> memref<4x2x128xi32, #tpu.memory_space<hbm>>
          %dma_start3A_292 = arith.constant 0 : i32
          %dma_start3A_293 = arith.constant 0 : i32
          %dma_start3A_294 = tpu.memref_slice %arg3[%add3A_256, %dma_start3A_292, %dma_start3A_293] : memref<2560x2x128xi32, #tpu.memory_space<hbm>> -> memref<4x2x128xi32, #tpu.memory_space<hbm>>
          tpu.enqueue_dma source(%dma_start3A_294 : memref<4x2x128xi32, #tpu.memory_space<hbm>>) target(%arg6 : memref<4x2x128xi32, #tpu.memory_space<vmem>>) target_semaphore(%run_scoped3A : memref<!tpu.dma_semaphore, #tpu.memory_space<semaphore_mem>>)
          %dma_wait3A_295 = arith.constant 0 : i32
          %dma_wait3A_296 = arith.constant 0 : i32
          %dma_wait3A_297 = tpu.memref_slice %arg3[%add3A_256, %dma_wait3A_295, %dma_wait3A_296] : memref<2560x2x128xi32, #tpu.memory_space<hbm>> -> memref<4x2x128xi32, #tpu.memory_space<hbm>>
          %dma_wait3A_298 = arith.constant 0 : i32
          %dma_wait3A_299 = arith.constant 0 : i32
          %dma_wait3A_300 = tpu.memref_slice %arg3[%add3A_256, %dma_wait3A_298, %dma_wait3A_299] : memref<2560x2x128xi32, #tpu.memory_space<hbm>> -> memref<4x2x128xi32, #tpu.memory_space<hbm>>
          tpu.wait_dma2 semaphore(%run_scoped3A : memref<!tpu.dma_semaphore, #tpu.memory_space<semaphore_mem>>) src(%dma_wait3A_300 : memref<4x2x128xi32, #tpu.memory_space<hbm>>) dst(%arg6 : memref<4x2x128xi32, #tpu.memory_space<vmem>>)
          tpu.yield
        }) : () -> ()
        %dma_wait3A_257 = arith.constant 2 : i32
        %dma_wait3A_258 = arith.constant 1 : i32
        %dma_wait3A_259 = arith.constant 0 : i32
        %dma_wait3A_260 = tpu.memref_slice %arg7[%dma_wait3A_257, %dma_wait3A_258, %dma_wait3A_259] : memref<4x2x128xi32, #tpu.memory_space<vmem>> -> memref<1x1x128xi32, #tpu.memory_space<vmem>>
        %dma_wait3A_261 = tpu.memref_squeeze %dma_wait3A_260 : memref<1x1x128xi32, #tpu.memory_space<vmem>> -> memref<128xi32, #tpu.memory_space<vmem>>
        %dma_wait3A_262 = arith.constant 0 : i32
        %dma_wait3A_263 = arith.constant 0 : i32
        %dma_wait3A_264 = tpu.memref_slice %arg10[%dma_wait3A_262, %dma_wait3A_263] : memref<10008x128xf32, #tpu.memory_space<vmem_shared>> -> memref<10008x128xf32, #tpu.memory_space<vmem_shared>>
        tpu.wait_indirect_dma semaphore(%arg13 : memref<!tpu.dma_semaphore, #tpu.memory_space<semaphore_mem>>) src(%arg8 : memref<128x128xf32, #tpu.memory_space<vmem>>) dst(%dma_wait3A_264 : memref<10008x128xf32, #tpu.memory_space<vmem_shared>>)
        %dma_start3A_265 = arith.constant 0 : i32
        %dma_start3A_266 = arith.constant 0 : i32
        %dma_start3A_267 = arith.constant 0 : i32
        %dma_start3A_268 = tpu.memref_slice %arg6[%dma_start3A_265, %dma_start3A_266, %dma_start3A_267] : memref<4x2x128xi32, #tpu.memory_space<vmem>> -> memref<1x1x128xi32, #tpu.memory_space<vmem>>
        %dma_start3A_269 = tpu.memref_squeeze %dma_start3A_268 : memref<1x1x128xi32, #tpu.memory_space<vmem>> -> memref<128xi32, #tpu.memory_space<vmem>>
        %dma_start3A_270 = arith.constant 0 : i32
        %dma_start3A_271 = arith.constant 0 : i32
        %dma_start3A_272 = tpu.memref_slice %arg2[%dma_start3A_270, %dma_start3A_271] : memref<40000x128xf32, #tpu.memory_space<hbm>> -> memref<40000x128xf32, #tpu.memory_space<hbm>>
        tpu.enqueue_indirect_dma source(%dma_start3A_272 : memref<40000x128xf32, #tpu.memory_space<hbm>>) target(%arg8 : memref<128x128xf32, #tpu.memory_space<vmem>>) offsets(%dma_start3A_269 : memref<128xi32, #tpu.memory_space<vmem>>) semaphore(%arg11 : memref<!tpu.dma_semaphore, #tpu.memory_space<semaphore_mem>>)
        %dma_wait3A_273 = arith.constant 3 : i32
        %dma_wait3A_274 = arith.constant 0 : i32
        %dma_wait3A_275 = arith.constant 0 : i32
        %dma_wait3A_276 = tpu.memref_slice %arg7[%dma_wait3A_273, %dma_wait3A_274, %dma_wait3A_275] : memref<4x2x128xi32, #tpu.memory_space<vmem>> -> memref<1x1x128xi32, #tpu.memory_space<vmem>>
        %dma_wait3A_277 = tpu.memref_squeeze %dma_wait3A_276 : memref<1x1x128xi32, #tpu.memory_space<vmem>> -> memref<128xi32, #tpu.memory_space<vmem>>
        %dma_wait3A_278 = arith.constant 0 : i32
        %dma_wait3A_279 = arith.constant 0 : i32
        %dma_wait3A_280 = tpu.memref_slice %arg2[%dma_wait3A_278, %dma_wait3A_279] : memref<40000x128xf32, #tpu.memory_space<hbm>> -> memref<40000x128xf32, #tpu.memory_space<hbm>>
        tpu.wait_indirect_dma semaphore(%arg12 : memref<!tpu.dma_semaphore, #tpu.memory_space<semaphore_mem>>) src(%dma_wait3A_280 : memref<40000x128xf32, #tpu.memory_space<hbm>>) dst(%arg9 : memref<128x128xf32, #tpu.memory_space<vmem>>)
        %dma_start3A_281 = arith.constant 3 : i32
        %dma_start3A_282 = arith.constant 1 : i32
        %dma_start3A_283 = arith.constant 0 : i32
        %dma_start3A_284 = tpu.memref_slice %arg7[%dma_start3A_281, %dma_start3A_282, %dma_start3A_283] : memref<4x2x128xi32, #tpu.memory_space<vmem>> -> memref<1x1x128xi32, #tpu.memory_space<vmem>>
        %dma_start3A_285 = tpu.memref_squeeze %dma_start3A_284 : memref<1x1x128xi32, #tpu.memory_space<vmem>> -> memref<128xi32, #tpu.memory_space<vmem>>
        %dma_start3A_286 = arith.constant 0 : i32
        %dma_start3A_287 = arith.constant 0 : i32
        %dma_start3A_288 = tpu.memref_slice %arg10[%dma_start3A_286, %dma_start3A_287] : memref<10008x128xf32, #tpu.memory_space<vmem_shared>> -> memref<10008x128xf32, #tpu.memory_space<vmem_shared>>
        tpu.enqueue_indirect_dma source(%arg9 : memref<128x128xf32, #tpu.memory_space<vmem>>) target(%dma_start3A_288 : memref<10008x128xf32, #tpu.memory_space<vmem_shared>>) offsets(%dma_start3A_285 : memref<128xi32, #tpu.memory_space<vmem>>) semaphore(%arg14 : memref<!tpu.dma_semaphore, #tpu.memory_space<semaphore_mem>>) {add = true}
      } else {
      }
      %eq3A_250 = arith.constant 9 : i32
      %eq3A_251 = arith.cmpi eq, %scan3A_39, %eq3A_250 : i32
      %convert_element_type3A_252 = arith.extui %eq3A_251 : i1 to i32
      %cond3A_253 = arith.constant 0 : i32
      %cond3A_254 = arith.cmpi ne, %convert_element_type3A_252, %cond3A_253 : i32
      scf.if %cond3A_254 {
        %dma_wait3A_255 = arith.constant 2 : i32
        %dma_wait3A_256 = arith.constant 1 : i32
        %dma_wait3A_257 = arith.constant 0 : i32
        %dma_wait3A_258 = tpu.memref_slice %arg7[%dma_wait3A_255, %dma_wait3A_256, %dma_wait3A_257] : memref<4x2x128xi32, #tpu.memory_space<vmem>> -> memref<1x1x128xi32, #tpu.memory_space<vmem>>
        %dma_wait3A_259 = tpu.memref_squeeze %dma_wait3A_258 : memref<1x1x128xi32, #tpu.memory_space<vmem>> -> memref<128xi32, #tpu.memory_space<vmem>>
        %dma_wait3A_260 = arith.constant 0 : i32
        %dma_wait3A_261 = arith.constant 0 : i32
        %dma_wait3A_262 = tpu.memref_slice %arg10[%dma_wait3A_260, %dma_wait3A_261] : memref<10008x128xf32, #tpu.memory_space<vmem_shared>> -> memref<10008x128xf32, #tpu.memory_space<vmem_shared>>
        tpu.wait_indirect_dma semaphore(%arg13 : memref<!tpu.dma_semaphore, #tpu.memory_space<semaphore_mem>>) src(%arg8 : memref<128x128xf32, #tpu.memory_space<vmem>>) dst(%dma_wait3A_262 : memref<10008x128xf32, #tpu.memory_space<vmem_shared>>)
        %dma_wait3A_263 = arith.constant 3 : i32
        %dma_wait3A_264 = arith.constant 0 : i32
        %dma_wait3A_265 = arith.constant 0 : i32
        %dma_wait3A_266 = tpu.memref_slice %arg7[%dma_wait3A_263, %dma_wait3A_264, %dma_wait3A_265] : memref<4x2x128xi32, #tpu.memory_space<vmem>> -> memref<1x1x128xi32, #tpu.memory_space<vmem>>
        %dma_wait3A_267 = tpu.memref_squeeze %dma_wait3A_266 : memref<1x1x128xi32, #tpu.memory_space<vmem>> -> memref<128xi32, #tpu.memory_space<vmem>>
        %dma_wait3A_268 = arith.constant 0 : i32
        %dma_wait3A_269 = arith.constant 0 : i32
        %dma_wait3A_270 = tpu.memref_slice %arg2[%dma_wait3A_268, %dma_wait3A_269] : memref<40000x128xf32, #tpu.memory_space<hbm>> -> memref<40000x128xf32, #tpu.memory_space<hbm>>
        tpu.wait_indirect_dma semaphore(%arg12 : memref<!tpu.dma_semaphore, #tpu.memory_space<semaphore_mem>>) src(%dma_wait3A_270 : memref<40000x128xf32, #tpu.memory_space<hbm>>) dst(%arg9 : memref<128x128xf32, #tpu.memory_space<vmem>>)
        %dma_start3A_271 = arith.constant 3 : i32
        %dma_start3A_272 = arith.constant 1 : i32
        %dma_start3A_273 = arith.constant 0 : i32
        %dma_start3A_274 = tpu.memref_slice %arg7[%dma_start3A_271, %dma_start3A_272, %dma_start3A_273] : memref<4x2x128xi32, #tpu.memory_space<vmem>> -> memref<1x1x128xi32, #tpu.memory_space<vmem>>
        %dma_start3A_275 = tpu.memref_squeeze %dma_start3A_274 : memref<1x1x128xi32, #tpu.memory_space<vmem>> -> memref<128xi32, #tpu.memory_space<vmem>>
        %dma_start3A_276 = arith.constant 0 : i32
        %dma_start3A_277 = arith.constant 0 : i32
        %dma_start3A_278 = tpu.memref_slice %arg10[%dma_start3A_276, %dma_start3A_277] : memref<10008x128xf32, #tpu.memory_space<vmem_shared>> -> memref<10008x128xf32, #tpu.memory_space<vmem_shared>>
        tpu.enqueue_indirect_dma source(%arg9 : memref<128x128xf32, #tpu.memory_space<vmem>>) target(%dma_start3A_278 : memref<10008x128xf32, #tpu.memory_space<vmem_shared>>) offsets(%dma_start3A_275 : memref<128xi32, #tpu.memory_space<vmem>>) semaphore(%arg14 : memref<!tpu.dma_semaphore, #tpu.memory_space<semaphore_mem>>) {add = true}
        %dma_wait3A_279 = arith.constant 3 : i32
        %dma_wait3A_280 = arith.constant 1 : i32
        %dma_wait3A_281 = arith.constant 0 : i32
        %dma_wait3A_282 = tpu.memref_slice %arg7[%dma_wait3A_279, %dma_wait3A_280, %dma_wait3A_281] : memref<4x2x128xi32, #tpu.memory_space<vmem>> -> memref<1x1x128xi32, #tpu.memory_space<vmem>>
        %dma_wait3A_283 = tpu.memref_squeeze %dma_wait3A_282 : memref<1x1x128xi32, #tpu.memory_space<vmem>> -> memref<128xi32, #tpu.memory_space<vmem>>
        %dma_wait3A_284 = arith.constant 0 : i32
        %dma_wait3A_285 = arith.constant 0 : i32
        %dma_wait3A_286 = tpu.memref_slice %arg10[%dma_wait3A_284, %dma_wait3A_285] : memref<10008x128xf32, #tpu.memory_space<vmem_shared>> -> memref<10008x128xf32, #tpu.memory_space<vmem_shared>>
        tpu.wait_indirect_dma semaphore(%arg14 : memref<!tpu.dma_semaphore, #tpu.memory_space<semaphore_mem>>) src(%arg9 : memref<128x128xf32, #tpu.memory_space<vmem>>) dst(%dma_wait3A_286 : memref<10008x128xf32, #tpu.memory_space<vmem_shared>>)
      } else {
      }
    }
    %scan3A_28 = arith.constant 10 : i32
    %barrier3A_29 = arith.constant 0 : index
    tpu.barrier barrier_id(%barrier3A_29)
    %mul3A_30 = arith.constant 624 : i32
    %mul3A_31 = arith.muli %arg1, %mul3A_30 : i32
    %mul3A_32 = arith.constant 624 : i32
    %mul3A_33 = arith.muli %arg1, %mul3A_32 : i32
    "tpu.region"() ({
      %run_scoped3A = tpu.sem_alloc : memref<!tpu.dma_semaphore, #tpu.memory_space<semaphore_mem>>
      %dma_start3A_39 = arith.constant 0 : i32
      %dma_start3A_40 = arith.constant 0 : i32
      %dma_start3A_41 = tpu.memref_slice %arg5[%arg0, %dma_start3A_39, %dma_start3A_40] : memref<2x10000x128xf32, #tpu.memory_space<hbm>> -> memref<1x10000x128xf32, #tpu.memory_space<hbm>>
      %dma_start3A_42 = tpu.memref_squeeze %dma_start3A_41 : memref<1x10000x128xf32, #tpu.memory_space<hbm>> -> memref<10000x128xf32, #tpu.memory_space<hbm>>
      %dma_start3A_43 = arith.constant 0 : i32
      %dma_start3A_44 = tpu.memref_slice %dma_start3A_42[%mul3A_33, %dma_start3A_43] : memref<10000x128xf32, #tpu.memory_space<hbm>> -> memref<624x128xf32, #tpu.memory_space<hbm>>
      %dma_start3A_45 = arith.constant 0 : i32
      %dma_start3A_46 = tpu.memref_slice %arg10[%mul3A_31, %dma_start3A_45] : memref<10008x128xf32, #tpu.memory_space<vmem_shared>> -> memref<624x128xf32, #tpu.memory_space<vmem_shared>>
      tpu.enqueue_dma source(%dma_start3A_46 : memref<624x128xf32, #tpu.memory_space<vmem_shared>>) target(%dma_start3A_44 : memref<624x128xf32, #tpu.memory_space<hbm>>) target_semaphore(%run_scoped3A : memref<!tpu.dma_semaphore, #tpu.memory_space<semaphore_mem>>)
      %dma_wait3A_47 = arith.constant 0 : i32
      %dma_wait3A_48 = arith.constant 0 : i32
      %dma_wait3A_49 = tpu.memref_slice %arg5[%arg0, %dma_wait3A_47, %dma_wait3A_48] : memref<2x10000x128xf32, #tpu.memory_space<hbm>> -> memref<1x10000x128xf32, #tpu.memory_space<hbm>>
      %dma_wait3A_50 = tpu.memref_squeeze %dma_wait3A_49 : memref<1x10000x128xf32, #tpu.memory_space<hbm>> -> memref<10000x128xf32, #tpu.memory_space<hbm>>
      %dma_wait3A_51 = arith.constant 0 : i32
      %dma_wait3A_52 = tpu.memref_slice %dma_wait3A_50[%mul3A_33, %dma_wait3A_51] : memref<10000x128xf32, #tpu.memory_space<hbm>> -> memref<624x128xf32, #tpu.memory_space<hbm>>
      %dma_wait3A_53 = arith.constant 0 : i32
      %dma_wait3A_54 = tpu.memref_slice %arg10[%mul3A_31, %dma_wait3A_53] : memref<10008x128xf32, #tpu.memory_space<vmem_shared>> -> memref<624x128xf32, #tpu.memory_space<vmem_shared>>
      tpu.wait_dma2 semaphore(%run_scoped3A : memref<!tpu.dma_semaphore, #tpu.memory_space<semaphore_mem>>) src(%dma_wait3A_54 : memref<624x128xf32, #tpu.memory_space<vmem_shared>>) dst(%dma_wait3A_52 : memref<624x128xf32, #tpu.memory_space<hbm>>)
      tpu.yield
    }) : () -> ()
    %eq3A_34 = arith.constant 0 : i32
    %eq3A_35 = arith.cmpi eq, %arg1, %eq3A_34 : i32
    %convert_element_type3A_36 = arith.extui %eq3A_35 : i1 to i32
    %cond3A_37 = arith.constant 0 : i32
    %cond3A_38 = arith.cmpi ne, %convert_element_type3A_36, %cond3A_37 : i32
    scf.if %cond3A_38 {
      "tpu.region"() ({
        %run_scoped3A = tpu.sem_alloc : memref<!tpu.dma_semaphore, #tpu.memory_space<semaphore_mem>>
        %dma_start3A_39 = arith.constant 0 : i32
        %dma_start3A_40 = arith.constant 0 : i32
        %dma_start3A_41 = tpu.memref_slice %arg5[%arg0, %dma_start3A_39, %dma_start3A_40] : memref<2x10000x128xf32, #tpu.memory_space<hbm>> -> memref<1x10000x128xf32, #tpu.memory_space<hbm>>
        %dma_start3A_42 = tpu.memref_squeeze %dma_start3A_41 : memref<1x10000x128xf32, #tpu.memory_space<hbm>> -> memref<10000x128xf32, #tpu.memory_space<hbm>>
        %dma_start3A_43 = arith.constant 9984 : i32
        %dma_start3A_44 = arith.constant 0 : i32
        %dma_start3A_45 = tpu.memref_slice %dma_start3A_42[%dma_start3A_43, %dma_start3A_44] : memref<10000x128xf32, #tpu.memory_space<hbm>> -> memref<16x128xf32, #tpu.memory_space<hbm>>
        %dma_start3A_46 = arith.constant 9984 : i32
        %dma_start3A_47 = arith.constant 0 : i32
        %dma_start3A_48 = tpu.memref_slice %arg10[%dma_start3A_46, %dma_start3A_47] : memref<10008x128xf32, #tpu.memory_space<vmem_shared>> -> memref<16x128xf32, #tpu.memory_space<vmem_shared>>
        tpu.enqueue_dma source(%dma_start3A_48 : memref<16x128xf32, #tpu.memory_space<vmem_shared>>) target(%dma_start3A_45 : memref<16x128xf32, #tpu.memory_space<hbm>>) target_semaphore(%run_scoped3A : memref<!tpu.dma_semaphore, #tpu.memory_space<semaphore_mem>>)
        %dma_wait3A_49 = arith.constant 0 : i32
        %dma_wait3A_50 = arith.constant 0 : i32
        %dma_wait3A_51 = tpu.memref_slice %arg5[%arg0, %dma_wait3A_49, %dma_wait3A_50] : memref<2x10000x128xf32, #tpu.memory_space<hbm>> -> memref<1x10000x128xf32, #tpu.memory_space<hbm>>
        %dma_wait3A_52 = tpu.memref_squeeze %dma_wait3A_51 : memref<1x10000x128xf32, #tpu.memory_space<hbm>> -> memref<10000x128xf32, #tpu.memory_space<hbm>>
        %dma_wait3A_53 = arith.constant 9984 : i32
        %dma_wait3A_54 = arith.constant 0 : i32
        %dma_wait3A_55 = tpu.memref_slice %dma_wait3A_52[%dma_wait3A_53, %dma_wait3A_54] : memref<10000x128xf32, #tpu.memory_space<hbm>> -> memref<16x128xf32, #tpu.memory_space<hbm>>
        %dma_wait3A_56 = arith.constant 9984 : i32
        %dma_wait3A_57 = arith.constant 0 : i32
        %dma_wait3A_58 = tpu.memref_slice %arg10[%dma_wait3A_56, %dma_wait3A_57] : memref<10008x128xf32, #tpu.memory_space<vmem_shared>> -> memref<16x128xf32, #tpu.memory_space<vmem_shared>>
        tpu.wait_dma2 semaphore(%run_scoped3A : memref<!tpu.dma_semaphore, #tpu.memory_space<semaphore_mem>>) src(%dma_wait3A_58 : memref<16x128xf32, #tpu.memory_space<vmem_shared>>) dst(%dma_wait3A_55 : memref<16x128xf32, #tpu.memory_space<hbm>>)
        tpu.yield
      }) : () -> ()
    } else {
    }
    return
  }
}

module attributes {stable_mosaic.version = 14 : i64} {
  func.func @_transform_body(%arg0: i32, %arg1: memref<2000x64xf32, #tpu.memory_space<vmem>>, %arg2: memref<64x512xf32, #tpu.memory_space<vmem>>, %arg3: memref<1x512xf32, #tpu.memory_space<vmem>>, %arg4: memref<2000x512xf32, #tpu.memory_space<vmem>>) attributes {dimension_semantics = [#tpu.dimension_semantics<arbitrary>], iteration_bounds = array<i64: 5>, scalar_prefetch = 0 : i64, scratch_operands = 0 : i64, tpu.core_type = #tpu.core_type<tc>, window_params = [{transform_indices = @transform_0, window_bounds = array<i64: 2000, 64>}, {pipeline_mode = #tpu.pipeline_mode<synchronous>, transform_indices = @transform_1, window_bounds = array<i64: 64, 512>}, {pipeline_mode = #tpu.pipeline_mode<synchronous>, transform_indices = @transform_2, window_bounds = array<i64: 1, 512>}, {transform_indices = @transform_3, window_bounds = array<i64: 2000, 512>}]} {
    %get3A = arith.constant 0 : index
    %get3A_0 = arith.constant 0 : index
    %get3A_1 = vector.load %arg1[%get3A, %get3A_0] : memref<2000x64xf32, #tpu.memory_space<vmem>>, vector<2000x64xf32>
    %get3A_2 = arith.constant 0 : index
    %get3A_3 = arith.constant 0 : index
    %get3A_4 = vector.load %arg2[%get3A_2, %get3A_3] : memref<64x512xf32, #tpu.memory_space<vmem>>, vector<64x512xf32>
    %dot_general3A = arith.constant dense<0.000000e+00> : vector<2000x512xf32>
    %dot_general3A_5 = tpu.matmul %get3A_1, %get3A_4, %dot_general3A {dimension_numbers = #tpu.dot_dimension_numbers<[1], [0], [0], [1], [0, 0, 1, 1], [], []>, transpose_lhs_hint = false} : vector<2000x64xf32>, vector<64x512xf32>, vector<2000x512xf32> -> vector<2000x512xf32>
    %get3A_6 = arith.constant 0 : index
    %get3A_7 = arith.constant 0 : index
    %get3A_8 = vector.load %arg3[%get3A_6, %get3A_7] : memref<1x512xf32, #tpu.memory_space<vmem>>, vector<1x512xf32>
    %add3A = vector.broadcast %get3A_8 : vector<1x512xf32> to vector<2000x512xf32>
    %add3A_9 = arith.addf %dot_general3A_5, %add3A : vector<2000x512xf32>
    %swap3A = arith.constant 0 : index
    %swap3A_10 = arith.constant 0 : index
    %swap3A_11 = vector.load %arg4[%swap3A, %swap3A_10] : memref<2000x512xf32, #tpu.memory_space<vmem>>, vector<2000x512xf32>
    tpu.vector_store %arg4[%swap3A, %swap3A_10], %add3A_9 {strides = array<i32>} : memref<2000x512xf32, #tpu.memory_space<vmem>>, vector<2000x512xf32>,
    return
  }
  func.func @transform_0(%arg0: i32) -> (i32, i32) {
    %c0_i32 = arith.constant 0 : i32
    %c0_i32_0 = arith.constant 0 : i32
    return %arg0, %c0_i32 : i32, i32
  }
  func.func @transform_1(%arg0: i32) -> (i32, i32) {
    %c0_i32 = arith.constant 0 : i32
    %c0_i32_0 = arith.constant 0 : i32
    %c0_i32_1 = arith.constant 0 : i32
    return %c0_i32, %c0_i32_0 : i32, i32
  }
  func.func @transform_2(%arg0: i32) -> (i32, i32) {
    %c0_i32 = arith.constant 0 : i32
    %c0_i32_0 = arith.constant 0 : i32
    %c0_i32_1 = arith.constant 0 : i32
    return %c0_i32, %c0_i32_0 : i32, i32
  }
  func.func @transform_3(%arg0: i32) -> (i32, i32) {
    %c0_i32 = arith.constant 0 : i32
    %c0_i32_0 = arith.constant 0 : i32
    return %arg0, %c0_i32 : i32, i32
  }
}

module attributes {stable_mosaic.version = 14 : i64} {
  func.func @_gru_tr_body(%arg0: i32, %arg1: memref<2x2000x128xf32, #tpu.memory_space<vmem>>, %arg2: memref<2000x128xf32, #tpu.memory_space<vmem>>, %arg3: memref<128x384xf32, #tpu.memory_space<vmem>>, %arg4: memref<128x384xf32, #tpu.memory_space<vmem>>, %arg5: memref<1x384xf32, #tpu.memory_space<vmem>>, %arg6: memref<1x384xf32, #tpu.memory_space<vmem>>, %arg7: memref<128x512xf32, #tpu.memory_space<vmem>>, %arg8: memref<1x512xf32, #tpu.memory_space<vmem>>, %arg9: memref<2000x128xf32, #tpu.memory_space<vmem>>, %arg10: memref<2000x512xf32, #tpu.memory_space<vmem>>) attributes {dimension_semantics = [#tpu.dimension_semantics<arbitrary>], iteration_bounds = array<i64: 5>, scalar_prefetch = 0 : i64, scratch_operands = 0 : i64, tpu.core_type = #tpu.core_type<tc>, window_params = [{transform_indices = @transform_0, window_bounds = array<i64: 2, 2000, 128>}, {transform_indices = @transform_1, window_bounds = array<i64: 2000, 128>}, {pipeline_mode = #tpu.pipeline_mode<synchronous>, transform_indices = @transform_2, window_bounds = array<i64: 128, 384>}, {pipeline_mode = #tpu.pipeline_mode<synchronous>, transform_indices = @transform_3, window_bounds = array<i64: 128, 384>}, {pipeline_mode = #tpu.pipeline_mode<synchronous>, transform_indices = @transform_4, window_bounds = array<i64: 1, 384>}, {pipeline_mode = #tpu.pipeline_mode<synchronous>, transform_indices = @transform_5, window_bounds = array<i64: 1, 384>}, {pipeline_mode = #tpu.pipeline_mode<synchronous>, transform_indices = @transform_6, window_bounds = array<i64: 128, 512>}, {pipeline_mode = #tpu.pipeline_mode<synchronous>, transform_indices = @transform_7, window_bounds = array<i64: 1, 512>}, {transform_indices = @transform_8, window_bounds = array<i64: 2000, 128>}, {transform_indices = @transform_9, window_bounds = array<i64: 2000, 512>}]} {
    %get3A = arith.constant 0 : index
    %get3A_0 = arith.constant 0 : index
    %get3A_1 = arith.constant 0 : index
    %get3A_2 = vector.load %arg1[%get3A, %get3A_0, %get3A_1] : memref<2x2000x128xf32, #tpu.memory_space<vmem>>, vector<1x2000x128xf32>
    %get3A_3 = vector.shape_cast %get3A_2 : vector<1x2000x128xf32> to vector<2000x128xf32>
    %get3A_4 = arith.constant 1 : index
    %get3A_5 = arith.constant 0 : index
    %get3A_6 = arith.constant 0 : index
    %get3A_7 = vector.load %arg1[%get3A_4, %get3A_5, %get3A_6] : memref<2x2000x128xf32, #tpu.memory_space<vmem>>, vector<1x2000x128xf32>
    %get3A_8 = vector.shape_cast %get3A_7 : vector<1x2000x128xf32> to vector<2000x128xf32>
    %add3A = arith.addf %get3A_3, %get3A_8 : vector<2000x128xf32>
    %get3A_9 = arith.constant 0 : index
    %get3A_10 = arith.constant 0 : index
    %get3A_11 = vector.load %arg2[%get3A_9, %get3A_10] : memref<2000x128xf32, #tpu.memory_space<vmem>>, vector<2000x128xf32>
    %get3A_12 = arith.constant 0 : index
    %get3A_13 = arith.constant 0 : index
    %get3A_14 = vector.load %arg3[%get3A_12, %get3A_13] : memref<128x384xf32, #tpu.memory_space<vmem>>, vector<128x384xf32>
    %dot_general3A = arith.constant dense<0.000000e+00> : vector<2000x384xf32>
    %dot_general3A_15 = tpu.matmul %add3A, %get3A_14, %dot_general3A {dimension_numbers = #tpu.dot_dimension_numbers<[1], [0], [0], [1], [0, 0, 1, 1], [], []>, transpose_lhs_hint = false} : vector<2000x128xf32>, vector<128x384xf32>, vector<2000x384xf32> -> vector<2000x384xf32>
    %get3A_16 = arith.constant 0 : index
    %get3A_17 = arith.constant 0 : index
    %get3A_18 = vector.load %arg5[%get3A_16, %get3A_17] : memref<1x384xf32, #tpu.memory_space<vmem>>, vector<1x384xf32>
    %add3A_19 = vector.broadcast %get3A_18 : vector<1x384xf32> to vector<2000x384xf32>
    %add3A_20 = arith.addf %dot_general3A_15, %add3A_19 : vector<2000x384xf32>
    %get3A_21 = arith.constant 0 : index
    %get3A_22 = arith.constant 0 : index
    %get3A_23 = vector.load %arg4[%get3A_21, %get3A_22] : memref<128x384xf32, #tpu.memory_space<vmem>>, vector<128x384xf32>
    %dot_general3A_24 = arith.constant dense<0.000000e+00> : vector<2000x384xf32>
    %dot_general3A_25 = tpu.matmul %get3A_11, %get3A_23, %dot_general3A_24 {dimension_numbers = #tpu.dot_dimension_numbers<[1], [0], [0], [1], [0, 0, 1, 1], [], []>, transpose_lhs_hint = false} : vector<2000x128xf32>, vector<128x384xf32>, vector<2000x384xf32> -> vector<2000x384xf32>
    %get3A_26 = arith.constant 0 : index
    %get3A_27 = arith.constant 0 : index
    %get3A_28 = vector.load %arg6[%get3A_26, %get3A_27] : memref<1x384xf32, #tpu.memory_space<vmem>>, vector<1x384xf32>
    %add3A_29 = vector.broadcast %get3A_28 : vector<1x384xf32> to vector<2000x384xf32>
    %add3A_30 = arith.addf %dot_general3A_25, %add3A_29 : vector<2000x384xf32>
    %slice3A = vector.extract_strided_slice %add3A_20 {offsets = [0, 0], sizes = [2000, 128], strides = [1, 1]} : vector<2000x384xf32> to vector<2000x128xf32>
    %slice3A_31 = vector.extract_strided_slice %add3A_30 {offsets = [0, 0], sizes = [2000, 128], strides = [1, 1]} : vector<2000x384xf32> to vector<2000x128xf32>
    %add3A_32 = arith.addf %slice3A, %slice3A_31 : vector<2000x128xf32>
    %logistic3A = arith.negf %add3A_32 : vector<2000x128xf32>
    %logistic3A_33 = math.exp %logistic3A : vector<2000x128xf32>
    %logistic3A_34 = arith.constant 1.000000e+00 : f32
    %logistic3A_35 = vector.broadcast %logistic3A_34 : f32 to vector<2000x128xf32>
    %logistic3A_36 = arith.addf %logistic3A_35, %logistic3A_33 : vector<2000x128xf32>
    %logistic3A_37 = arith.divf %logistic3A_35, %logistic3A_36 : vector<2000x128xf32>
    %slice3A_38 = vector.extract_strided_slice %add3A_20 {offsets = [0, 128], sizes = [2000, 128], strides = [1, 1]} : vector<2000x384xf32> to vector<2000x128xf32>
    %slice3A_39 = vector.extract_strided_slice %add3A_30 {offsets = [0, 128], sizes = [2000, 128], strides = [1, 1]} : vector<2000x384xf32> to vector<2000x128xf32>
    %add3A_40 = arith.addf %slice3A_38, %slice3A_39 : vector<2000x128xf32>
    %logistic3A_41 = arith.negf %add3A_40 : vector<2000x128xf32>
    %logistic3A_42 = math.exp %logistic3A_41 : vector<2000x128xf32>
    %logistic3A_43 = arith.constant 1.000000e+00 : f32
    %logistic3A_44 = vector.broadcast %logistic3A_43 : f32 to vector<2000x128xf32>
    %logistic3A_45 = arith.addf %logistic3A_44, %logistic3A_42 : vector<2000x128xf32>
    %logistic3A_46 = arith.divf %logistic3A_44, %logistic3A_45 : vector<2000x128xf32>
    %slice3A_47 = vector.extract_strided_slice %add3A_20 {offsets = [0, 256], sizes = [2000, 128], strides = [1, 1]} : vector<2000x384xf32> to vector<2000x128xf32>
    %slice3A_48 = vector.extract_strided_slice %add3A_30 {offsets = [0, 256], sizes = [2000, 128], strides = [1, 1]} : vector<2000x384xf32> to vector<2000x128xf32>
    %mul3A = arith.mulf %logistic3A_37, %slice3A_48 : vector<2000x128xf32>
    %add3A_49 = arith.addf %slice3A_47, %mul3A : vector<2000x128xf32>
    %tanh3A = math.tanh %add3A_49 : vector<2000x128xf32>
    %sub3A = arith.constant 1.000000e+00 : f32
    %sub3A_50 = vector.broadcast %sub3A : f32 to vector<2000x128xf32>
    %sub3A_51 = arith.subf %sub3A_50, %logistic3A_46 : vector<2000x128xf32>
    %mul3A_52 = arith.mulf %sub3A_51, %tanh3A : vector<2000x128xf32>
    %mul3A_53 = arith.mulf %logistic3A_46, %get3A_11 : vector<2000x128xf32>
    %add3A_54 = arith.addf %mul3A_52, %mul3A_53 : vector<2000x128xf32>
    %swap3A = arith.constant 0 : index
    %swap3A_55 = arith.constant 0 : index
    %swap3A_56 = vector.load %arg9[%swap3A, %swap3A_55] : memref<2000x128xf32, #tpu.memory_space<vmem>>, vector<2000x128xf32>
    tpu.vector_store %arg9[%swap3A, %swap3A_55], %add3A_54 {strides = array<i32>} : memref<2000x128xf32, #tpu.memory_space<vmem>>, vector<2000x128xf32>,
    %get3A_57 = arith.constant 0 : index
    %get3A_58 = arith.constant 0 : index
    %get3A_59 = vector.load %arg7[%get3A_57, %get3A_58] : memref<128x512xf32, #tpu.memory_space<vmem>>, vector<128x512xf32>
    %dot_general3A_60 = arith.constant dense<0.000000e+00> : vector<2000x512xf32>
    %dot_general3A_61 = tpu.matmul %add3A_54, %get3A_59, %dot_general3A_60 {dimension_numbers = #tpu.dot_dimension_numbers<[1], [0], [0], [1], [0, 0, 1, 1], [], []>, transpose_lhs_hint = false} : vector<2000x128xf32>, vector<128x512xf32>, vector<2000x512xf32> -> vector<2000x512xf32>
    %get3A_62 = arith.constant 0 : index
    %get3A_63 = arith.constant 0 : index
    %get3A_64 = vector.load %arg8[%get3A_62, %get3A_63] : memref<1x512xf32, #tpu.memory_space<vmem>>, vector<1x512xf32>
    %add3A_65 = vector.broadcast %get3A_64 : vector<1x512xf32> to vector<2000x512xf32>
    %add3A_66 = arith.addf %dot_general3A_61, %add3A_65 : vector<2000x512xf32>
    %swap3A_67 = arith.constant 0 : index
    %swap3A_68 = arith.constant 0 : index
    %swap3A_69 = vector.load %arg10[%swap3A_67, %swap3A_68] : memref<2000x512xf32, #tpu.memory_space<vmem>>, vector<2000x512xf32>
    tpu.vector_store %arg10[%swap3A_67, %swap3A_68], %add3A_66 {strides = array<i32>} : memref<2000x512xf32, #tpu.memory_space<vmem>>, vector<2000x512xf32>,
    return
  }
  func.func @transform_0(%arg0: i32) -> (i32, i32, i32) {
    %c0_i32 = arith.constant 0 : i32
    %c0_i32_0 = arith.constant 0 : i32
    %c0_i32_1 = arith.constant 0 : i32
    return %c0_i32, %arg0, %c0_i32_0 : i32, i32, i32
  }
  func.func @transform_1(%arg0: i32) -> (i32, i32) {
    %c0_i32 = arith.constant 0 : i32
    %c0_i32_0 = arith.constant 0 : i32
    return %arg0, %c0_i32 : i32, i32
  }
  func.func @transform_2(%arg0: i32) -> (i32, i32) {
    %c0_i32 = arith.constant 0 : i32
    %c0_i32_0 = arith.constant 0 : i32
    %c0_i32_1 = arith.constant 0 : i32
    return %c0_i32, %c0_i32_0 : i32, i32
  }
  func.func @transform_3(%arg0: i32) -> (i32, i32) {
    %c0_i32 = arith.constant 0 : i32
    %c0_i32_0 = arith.constant 0 : i32
    %c0_i32_1 = arith.constant 0 : i32
    return %c0_i32, %c0_i32_0 : i32, i32
  }
  func.func @transform_4(%arg0: i32) -> (i32, i32) {
    %c0_i32 = arith.constant 0 : i32
    %c0_i32_0 = arith.constant 0 : i32
    %c0_i32_1 = arith.constant 0 : i32
    return %c0_i32, %c0_i32_0 : i32, i32
  }
  func.func @transform_5(%arg0: i32) -> (i32, i32) {
    %c0_i32 = arith.constant 0 : i32
    %c0_i32_0 = arith.constant 0 : i32
    %c0_i32_1 = arith.constant 0 : i32
    return %c0_i32, %c0_i32_0 : i32, i32
  }
  func.func @transform_6(%arg0: i32) -> (i32, i32) {
    %c0_i32 = arith.constant 0 : i32
    %c0_i32_0 = arith.constant 0 : i32
    %c0_i32_1 = arith.constant 0 : i32
    return %c0_i32, %c0_i32_0 : i32, i32
  }
  func.func @transform_7(%arg0: i32) -> (i32, i32) {
    %c0_i32 = arith.constant 0 : i32
    %c0_i32_0 = arith.constant 0 : i32
    %c0_i32_1 = arith.constant 0 : i32
    return %c0_i32, %c0_i32_0 : i32, i32
  }
  func.func @transform_8(%arg0: i32) -> (i32, i32) {
    %c0_i32 = arith.constant 0 : i32
    %c0_i32_0 = arith.constant 0 : i32
    return %arg0, %c0_i32 : i32, i32
  }
  func.func @transform_9(%arg0: i32) -> (i32, i32) {
    %c0_i32 = arith.constant 0 : i32
    %c0_i32_0 = arith.constant 0 : i32
    return %arg0, %c0_i32 : i32, i32
  }
}

module attributes {stable_mosaic.version = 14 : i64} {
  func.func @_gru_fin_body(%arg0: i32, %arg1: memref<2x2000x128xf32, #tpu.memory_space<vmem>>, %arg2: memref<2000x128xf32, #tpu.memory_space<vmem>>, %arg3: memref<128x384xf32, #tpu.memory_space<vmem>>, %arg4: memref<128x384xf32, #tpu.memory_space<vmem>>, %arg5: memref<1x384xf32, #tpu.memory_space<vmem>>, %arg6: memref<1x384xf32, #tpu.memory_space<vmem>>, %arg7: memref<2000x64xf32, #tpu.memory_space<vmem>>, %arg8: memref<1x128xf32, #tpu.memory_space<vmem>>, %arg9: memref<1x64xf32, #tpu.memory_space<vmem>>, %arg10: memref<1x1xf32, #tpu.memory_space<vmem>>, %arg11: memref<2000x1xf32, #tpu.memory_space<vmem>>, %arg12: memref<1xi32, #tpu.memory_space<smem>>, %arg13: memref<1xf32, #tpu.memory_space<smem>>, %arg14: memref<1xi32, #tpu.memory_space<smem>>) attributes {dimension_semantics = [#tpu.dimension_semantics<arbitrary>], iteration_bounds = array<i64: 5>, scalar_prefetch = 0 : i64, scratch_operands = 2 : i64, tpu.core_type = #tpu.core_type<tc>, window_params = [{transform_indices = @transform_0, window_bounds = array<i64: 2, 2000, 128>}, {transform_indices = @transform_1, window_bounds = array<i64: 2000, 128>}, {pipeline_mode = #tpu.pipeline_mode<synchronous>, transform_indices = @transform_2, window_bounds = array<i64: 128, 384>}, {pipeline_mode = #tpu.pipeline_mode<synchronous>, transform_indices = @transform_3, window_bounds = array<i64: 128, 384>}, {pipeline_mode = #tpu.pipeline_mode<synchronous>, transform_indices = @transform_4, window_bounds = array<i64: 1, 384>}, {pipeline_mode = #tpu.pipeline_mode<synchronous>, transform_indices = @transform_5, window_bounds = array<i64: 1, 384>}, {transform_indices = @transform_6, window_bounds = array<i64: 2000, 64>}, {pipeline_mode = #tpu.pipeline_mode<synchronous>, transform_indices = @transform_7, window_bounds = array<i64: 1, 128>}, {pipeline_mode = #tpu.pipeline_mode<synchronous>, transform_indices = @transform_8, window_bounds = array<i64: 1, 64>}, {pipeline_mode = #tpu.pipeline_mode<synchronous>, transform_indices = @transform_9, window_bounds = array<i64: 1, 1>}, {transform_indices = @transform_10, window_bounds = array<i64: 2000, 1>}, {transform_indices = @transform_11, window_bounds = array<i64: 1>}]} {
    %get3A = arith.constant 0 : index
    %get3A_0 = arith.constant 0 : index
    %get3A_1 = arith.constant 0 : index
    %get3A_2 = vector.load %arg1[%get3A, %get3A_0, %get3A_1] : memref<2x2000x128xf32, #tpu.memory_space<vmem>>, vector<1x2000x128xf32>
    %get3A_3 = vector.shape_cast %get3A_2 : vector<1x2000x128xf32> to vector<2000x128xf32>
    %get3A_4 = arith.constant 1 : index
    %get3A_5 = arith.constant 0 : index
    %get3A_6 = arith.constant 0 : index
    %get3A_7 = vector.load %arg1[%get3A_4, %get3A_5, %get3A_6] : memref<2x2000x128xf32, #tpu.memory_space<vmem>>, vector<1x2000x128xf32>
    %get3A_8 = vector.shape_cast %get3A_7 : vector<1x2000x128xf32> to vector<2000x128xf32>
    %add3A = arith.addf %get3A_3, %get3A_8 : vector<2000x128xf32>
    %get3A_9 = arith.constant 0 : index
    %get3A_10 = arith.constant 0 : index
    %get3A_11 = vector.load %arg2[%get3A_9, %get3A_10] : memref<2000x128xf32, #tpu.memory_space<vmem>>, vector<2000x128xf32>
    %get3A_12 = arith.constant 0 : index
    %get3A_13 = arith.constant 0 : index
    %get3A_14 = vector.load %arg3[%get3A_12, %get3A_13] : memref<128x384xf32, #tpu.memory_space<vmem>>, vector<128x384xf32>
    %dot_general3A = arith.constant dense<0.000000e+00> : vector<2000x384xf32>
    %dot_general3A_15 = tpu.matmul %add3A, %get3A_14, %dot_general3A {dimension_numbers = #tpu.dot_dimension_numbers<[1], [0], [0], [1], [0, 0, 1, 1], [], []>, transpose_lhs_hint = false} : vector<2000x128xf32>, vector<128x384xf32>, vector<2000x384xf32> -> vector<2000x384xf32>
    %get3A_16 = arith.constant 0 : index
    %get3A_17 = arith.constant 0 : index
    %get3A_18 = vector.load %arg5[%get3A_16, %get3A_17] : memref<1x384xf32, #tpu.memory_space<vmem>>, vector<1x384xf32>
    %add3A_19 = vector.broadcast %get3A_18 : vector<1x384xf32> to vector<2000x384xf32>
    %add3A_20 = arith.addf %dot_general3A_15, %add3A_19 : vector<2000x384xf32>
    %get3A_21 = arith.constant 0 : index
    %get3A_22 = arith.constant 0 : index
    %get3A_23 = vector.load %arg4[%get3A_21, %get3A_22] : memref<128x384xf32, #tpu.memory_space<vmem>>, vector<128x384xf32>
    %dot_general3A_24 = arith.constant dense<0.000000e+00> : vector<2000x384xf32>
    %dot_general3A_25 = tpu.matmul %get3A_11, %get3A_23, %dot_general3A_24 {dimension_numbers = #tpu.dot_dimension_numbers<[1], [0], [0], [1], [0, 0, 1, 1], [], []>, transpose_lhs_hint = false} : vector<2000x128xf32>, vector<128x384xf32>, vector<2000x384xf32> -> vector<2000x384xf32>
    %get3A_26 = arith.constant 0 : index
    %get3A_27 = arith.constant 0 : index
    %get3A_28 = vector.load %arg6[%get3A_26, %get3A_27] : memref<1x384xf32, #tpu.memory_space<vmem>>, vector<1x384xf32>
    %add3A_29 = vector.broadcast %get3A_28 : vector<1x384xf32> to vector<2000x384xf32>
    %add3A_30 = arith.addf %dot_general3A_25, %add3A_29 : vector<2000x384xf32>
    %slice3A = vector.extract_strided_slice %add3A_20 {offsets = [0, 0], sizes = [2000, 128], strides = [1, 1]} : vector<2000x384xf32> to vector<2000x128xf32>
    %slice3A_31 = vector.extract_strided_slice %add3A_30 {offsets = [0, 0], sizes = [2000, 128], strides = [1, 1]} : vector<2000x384xf32> to vector<2000x128xf32>
    %add3A_32 = arith.addf %slice3A, %slice3A_31 : vector<2000x128xf32>
    %logistic3A = arith.negf %add3A_32 : vector<2000x128xf32>
    %logistic3A_33 = math.exp %logistic3A : vector<2000x128xf32>
    %logistic3A_34 = arith.constant 1.000000e+00 : f32
    %logistic3A_35 = vector.broadcast %logistic3A_34 : f32 to vector<2000x128xf32>
    %logistic3A_36 = arith.addf %logistic3A_35, %logistic3A_33 : vector<2000x128xf32>
    %logistic3A_37 = arith.divf %logistic3A_35, %logistic3A_36 : vector<2000x128xf32>
    %slice3A_38 = vector.extract_strided_slice %add3A_20 {offsets = [0, 128], sizes = [2000, 128], strides = [1, 1]} : vector<2000x384xf32> to vector<2000x128xf32>
    %slice3A_39 = vector.extract_strided_slice %add3A_30 {offsets = [0, 128], sizes = [2000, 128], strides = [1, 1]} : vector<2000x384xf32> to vector<2000x128xf32>
    %add3A_40 = arith.addf %slice3A_38, %slice3A_39 : vector<2000x128xf32>
    %logistic3A_41 = arith.negf %add3A_40 : vector<2000x128xf32>
    %logistic3A_42 = math.exp %logistic3A_41 : vector<2000x128xf32>
    %logistic3A_43 = arith.constant 1.000000e+00 : f32
    %logistic3A_44 = vector.broadcast %logistic3A_43 : f32 to vector<2000x128xf32>
    %logistic3A_45 = arith.addf %logistic3A_44, %logistic3A_42 : vector<2000x128xf32>
    %logistic3A_46 = arith.divf %logistic3A_44, %logistic3A_45 : vector<2000x128xf32>
    %slice3A_47 = vector.extract_strided_slice %add3A_20 {offsets = [0, 256], sizes = [2000, 128], strides = [1, 1]} : vector<2000x384xf32> to vector<2000x128xf32>
    %slice3A_48 = vector.extract_strided_slice %add3A_30 {offsets = [0, 256], sizes = [2000, 128], strides = [1, 1]} : vector<2000x384xf32> to vector<2000x128xf32>
    %mul3A = arith.mulf %logistic3A_37, %slice3A_48 : vector<2000x128xf32>
    %add3A_49 = arith.addf %slice3A_47, %mul3A : vector<2000x128xf32>
    %tanh3A = math.tanh %add3A_49 : vector<2000x128xf32>
    %sub3A = arith.constant 1.000000e+00 : f32
    %sub3A_50 = vector.broadcast %sub3A : f32 to vector<2000x128xf32>
    %sub3A_51 = arith.subf %sub3A_50, %logistic3A_46 : vector<2000x128xf32>
    %mul3A_52 = arith.mulf %sub3A_51, %tanh3A : vector<2000x128xf32>
    %mul3A_53 = arith.mulf %logistic3A_46, %get3A_11 : vector<2000x128xf32>
    %add3A_54 = arith.addf %mul3A_52, %mul3A_53 : vector<2000x128xf32>
    %get3A_55 = arith.constant 0 : index
    %get3A_56 = arith.constant 0 : index
    %get3A_57 = vector.load %arg8[%get3A_55, %get3A_56] : memref<1x128xf32, #tpu.memory_space<vmem>>, vector<1x128xf32>
    %mul3A_58 = vector.broadcast %get3A_57 : vector<1x128xf32> to vector<2000x128xf32>
    %mul3A_59 = arith.mulf %add3A_54, %mul3A_58 : vector<2000x128xf32>
    %reduce_sum3A = arith.constant dense<0.000000e+00> : vector<2000xf32>
    %reduce_sum3A_60 = vector.multi_reduction <add>, %mul3A_59, %reduce_sum3A [1] : vector<2000x128xf32> to vector<2000xf32>
    %broadcast_in_dim3A = vector.shape_cast %reduce_sum3A_60 : vector<2000xf32> to vector<2000x1xf32>
    %get3A_61 = arith.constant 0 : index
    %get3A_62 = arith.constant 0 : index
    %get3A_63 = vector.load %arg7[%get3A_61, %get3A_62] : memref<2000x64xf32, #tpu.memory_space<vmem>>, vector<2000x64xf32>
    %get3A_64 = arith.constant 0 : index
    %get3A_65 = arith.constant 0 : index
    %get3A_66 = vector.load %arg9[%get3A_64, %get3A_65] : memref<1x64xf32, #tpu.memory_space<vmem>>, vector<1x64xf32>
    %mul3A_67 = vector.broadcast %get3A_66 : vector<1x64xf32> to vector<2000x64xf32>
    %mul3A_68 = arith.mulf %get3A_63, %mul3A_67 : vector<2000x64xf32>
    %reduce_sum3A_69 = arith.constant dense<0.000000e+00> : vector<2000xf32>
    %reduce_sum3A_70 = vector.multi_reduction <add>, %mul3A_68, %reduce_sum3A_69 [1] : vector<2000x64xf32> to vector<2000xf32>
    %broadcast_in_dim3A_71 = vector.shape_cast %reduce_sum3A_70 : vector<2000xf32> to vector<2000x1xf32>
    %add3A_72 = arith.addf %broadcast_in_dim3A, %broadcast_in_dim3A_71 : vector<2000x1xf32>
    %get3A_73 = arith.constant 0 : index
    %get3A_74 = arith.constant 0 : index
    %get3A_75 = vector.load %arg10[%get3A_73, %get3A_74] : memref<1x1xf32, #tpu.memory_space<vmem>>, vector<1x1xf32>
    %add3A_76 = vector.broadcast %get3A_75 : vector<1x1xf32> to vector<2000x1xf32>
    %add3A_77 = arith.addf %add3A_72, %add3A_76 : vector<2000x1xf32>
    %swap3A = arith.constant 0 : index
    %swap3A_78 = arith.constant 0 : index
    %swap3A_79 = vector.load %arg11[%swap3A, %swap3A_78] : memref<2000x1xf32, #tpu.memory_space<vmem>>, vector<2000x1xf32>
    tpu.vector_store %arg11[%swap3A, %swap3A_78], %add3A_77 {strides = array<i32>} : memref<2000x1xf32, #tpu.memory_space<vmem>>, vector<2000x1xf32>,
    %reduce_max3A = vector.shape_cast %add3A_77 : vector<2000x1xf32> to vector<1x2000x1xf32>
    %reduce_max3A_80 = arith.constant dense<0xFF800000> : vector<1xf32>
    %reduce_max3A_81 = vector.multi_reduction <maximumf>, %reduce_max3A, %reduce_max3A_80 [1, 2] : vector<1x2000x1xf32> to vector<1xf32>
    %reduce_max3A_82 = vector.shape_cast %reduce_max3A_81 : vector<1xf32> to vector<1x1x1xf32>
    %reduce_max3A_83 = vector.extract %reduce_max3A_82[0, 0, 0] : f32 from vector<1x1x1xf32>
    %iota3A = tpu.iota {dimensions = array<i32: 0>} : vector<2000x1xi32>
    %mul3A_84 = arith.constant 2000 : i32
    %mul3A_85 = arith.muli %arg0, %mul3A_84 : i32
    %add3A_86 = vector.broadcast %mul3A_85 : i32 to vector<2000x1xi32>
    %add3A_87 = arith.addi %iota3A, %add3A_86 : vector<2000x1xi32>
    %eq3A = vector.broadcast %reduce_max3A_83 : f32 to vector<2000x1xf32>
    %eq3A_88 = arith.cmpf oeq, %add3A_77, %eq3A : vector<2000x1xf32>
    %jit3A = arith.constant 1073741824 : i32
    %broadcast_in_dim3A_89 = vector.broadcast %jit3A : i32 to vector<2000x1xi32>
    %select_n3A = arith.select %eq3A_88, %add3A_87, %broadcast_in_dim3A_89 : vector<2000x1xi1>, vector<2000x1xi32>
    %reduce_min3A = vector.shape_cast %select_n3A : vector<2000x1xi32> to vector<1x2000x1xi32>
    %reduce_min3A_90 = arith.constant dense<2147483647> : vector<1xi32>
    %reduce_min3A_91 = vector.multi_reduction <minsi>, %reduce_min3A, %reduce_min3A_90 [1, 2] : vector<1x2000x1xi32> to vector<1xi32>
    %reduce_min3A_92 = vector.shape_cast %reduce_min3A_91 : vector<1xi32> to vector<1x1x1xi32>
    %reduce_min3A_93 = vector.extract %reduce_min3A_92[0, 0, 0] : i32 from vector<1x1x1xi32>
    %eq3A_94 = arith.constant 0 : i32
    %eq3A_95 = arith.cmpi eq, %arg0, %eq3A_94 : i32
    %get3A_96 = arith.constant 0 : index
    %get3A_97 = memref.load %arg13[%get3A_96] : memref<1xf32, #tpu.memory_space<smem>>
    %gt3A = arith.cmpf ogt, %reduce_max3A_83, %get3A_97 : f32
    %or3A = arith.ori %eq3A_95, %gt3A : i1
    %convert_element_type3A = arith.extui %or3A : i1 to i32
    %cond3A = arith.constant 0 : i32
    %cond3A_98 = arith.cmpi ne, %convert_element_type3A, %cond3A : i32
    scf.if %cond3A_98 {
      %swap3A_104 = arith.constant 0 : index
      %swap3A_105 = memref.load %arg13[%swap3A_104] : memref<1xf32, #tpu.memory_space<smem>>
      memref.store %reduce_max3A_83, %arg13[%swap3A_104] : memref<1xf32, #tpu.memory_space<smem>>
      %swap3A_106 = arith.constant 0 : index
      %swap3A_107 = memref.load %arg14[%swap3A_106] : memref<1xi32, #tpu.memory_space<smem>>
      memref.store %reduce_min3A_93, %arg14[%swap3A_106] : memref<1xi32, #tpu.memory_space<smem>>
    } else {
    }
    %eq3A_99 = arith.constant 4 : i32
    %eq3A_100 = arith.cmpi eq, %arg0, %eq3A_99 : i32
    %convert_element_type3A_101 = arith.extui %eq3A_100 : i1 to i32
    %cond3A_102 = arith.constant 0 : i32
    %cond3A_103 = arith.cmpi ne, %convert_element_type3A_101, %cond3A_102 : i32
    scf.if %cond3A_103 {
      %get3A_104 = arith.constant 0 : index
      %get3A_105 = memref.load %arg14[%get3A_104] : memref<1xi32, #tpu.memory_space<smem>>
      %swap3A_106 = arith.constant 0 : index
      %swap3A_107 = memref.load %arg12[%swap3A_106] : memref<1xi32, #tpu.memory_space<smem>>
      memref.store %get3A_105, %arg12[%swap3A_106] : memref<1xi32, #tpu.memory_space<smem>>
    } else {
    }
    return
  }
  func.func @transform_0(%arg0: i32) -> (i32, i32, i32) {
    %c0_i32 = arith.constant 0 : i32
    %c0_i32_0 = arith.constant 0 : i32
    %c0_i32_1 = arith.constant 0 : i32
    return %c0_i32, %arg0, %c0_i32_0 : i32, i32, i32
  }
  func.func @transform_1(%arg0: i32) -> (i32, i32) {
    %c0_i32 = arith.constant 0 : i32
    %c0_i32_0 = arith.constant 0 : i32
    return %arg0, %c0_i32 : i32, i32
  }
  func.func @transform_2(%arg0: i32) -> (i32, i32) {
    %c0_i32 = arith.constant 0 : i32
    %c0_i32_0 = arith.constant 0 : i32
    %c0_i32_1 = arith.constant 0 : i32
    return %c0_i32, %c0_i32_0 : i32, i32
  }
  func.func @transform_3(%arg0: i32) -> (i32, i32) {
    %c0_i32 = arith.constant 0 : i32
    %c0_i32_0 = arith.constant 0 : i32
    %c0_i32_1 = arith.constant 0 : i32
    return %c0_i32, %c0_i32_0 : i32, i32
  }
  func.func @transform_4(%arg0: i32) -> (i32, i32) {
    %c0_i32 = arith.constant 0 : i32
    %c0_i32_0 = arith.constant 0 : i32
    %c0_i32_1 = arith.constant 0 : i32
    return %c0_i32, %c0_i32_0 : i32, i32
  }
  func.func @transform_5(%arg0: i32) -> (i32, i32) {
    %c0_i32 = arith.constant 0 : i32
    %c0_i32_0 = arith.constant 0 : i32
    %c0_i32_1 = arith.constant 0 : i32
    return %c0_i32, %c0_i32_0 : i32, i32
  }
  func.func @transform_6(%arg0: i32) -> (i32, i32) {
    %c0_i32 = arith.constant 0 : i32
    %c0_i32_0 = arith.constant 0 : i32
    return %arg0, %c0_i32 : i32, i32
  }
  func.func @transform_7(%arg0: i32) -> (i32, i32) {
    %c0_i32 = arith.constant 0 : i32
    %c0_i32_0 = arith.constant 0 : i32
    %c0_i32_1 = arith.constant 0 : i32
    return %c0_i32, %c0_i32_0 : i32, i32
  }
  func.func @transform_8(%arg0: i32) -> (i32, i32) {
    %c0_i32 = arith.constant 0 : i32
    %c0_i32_0 = arith.constant 0 : i32
    %c0_i32_1 = arith.constant 0 : i32
    return %c0_i32, %c0_i32_0 : i32, i32
  }
  func.func @transform_9(%arg0: i32) -> (i32, i32) {
    %c0_i32 = arith.constant 0 : i32
    %c0_i32_0 = arith.constant 0 : i32
    %c0_i32_1 = arith.constant 0 : i32
    return %c0_i32, %c0_i32_0 : i32, i32
  }
  func.func @transform_10(%arg0: i32) -> (i32, i32) {
    %c0_i32 = arith.constant 0 : i32
    %c0_i32_0 = arith.constant 0 : i32
    return %arg0, %c0_i32 : i32, i32
  }
  func.func @transform_11(%arg0: i32) -> i32 {
    %c0_i32 = arith.constant 0 : i32
    %c0_i32_0 = arith.constant 0 : i32
    return %c0_i32 : i32
  }
}

</mosaic_0001>

<sc_bundles>
// kernel: kernel.13.cloned.1.call-start
scs
__scs_entry_jumppad:
0x0: {  	(pc) =	sbr.rel $0x88, $3  }
0x1: {  	(tag) =	ssettag $0x0;
	lr =	simm.s32 $0x1  }
0x2: {  	[smem:$0x3F96] =	sst lr;
	_ =	strace $0xD0000000  }
0x3: {  	_ = 	snop  }
0x4: {  	_ = 	snop  }
0x5: {  	_ = 	snop  }
0x6: {  	_ = 	snop  }
0x7: {  	_ = 	snop  }
__scs_overlays_trampoline_lowered:
0x8: {  	[smem:$0x3FA5] =	sst s0  }
0x9: {  	[smem:$0x3FA6] =	sst s1  }
0xa: {  	[smem:$0x3FA7] =	sst s2  }
0xb: {  	[smem:$0x3FA8] =	sst s3  }
0xc: {  	[smem:$0x3FA9] =	sst s4  }
0xd: {  	[smem:$0x3FAA] =	sst s5  }
0xe: {  	[smem:$0x3FAB] =	sst s6  }
0xf: {  	[smem:$0x3FAC] =	sst s7  }
0x10: {  	[smem:$0x3FAD] =	sst s8  }
0x11: {  	[smem:$0x3FAE] =	sst s9;
	s0 =	simm.s32 @!p0 $0x0  }
0x12: {  	s1 =	sld [smem:$0x3F94];
	s0 =	simm.s32 @p0 $0x1  }
0x13: {  	[smem:$0x3FAF] =	sst s0;
	s0 =	simm.s32 @!p1 $0x0  }
0x14: {  	s2 =	sld [smem:$0x3F93];
	s0 =	simm.s32 @p1 $0x1  }
0x15: {  	[smem:$0x3FB0] =	sst s0;
	s0 =	simm.s32 @!p2 $0x0  }
0x16: {  	s3 =	sld [smem:$0x3FDB];
	s0 =	simm.s32 @p2 $0x1  }
0x17: {  	s4 =	simm.s32 $0x1BF5;
	[smem:$0x3FB2] =	sst s0  }
0x18: {  	s0 =	sld [smem:$0x3F95];
	_ =	swait.ge [sflag:s4], $0x0  }
0x19: {  	s7 =	sld [smem:$0x3F96]  }
0x1a: {  	s8 =	sadd.s32 $0xFFFFE003, lr  }
0x1b: {  	s9 =	sadd.s32 $0xFFFFFEF7, lr;
	s5 =	simm.s32 $0xFFFFFFFF;
	p2 =	slt.u32 s8, $0xFFFFF086  }
0x1c: {  	p1 =	slt.u32 s9, $0xF7A;
	s5 =	simm.s32 @!p2 $0x0  }
0x1d: {  	s5 =	simm.s32 @p1 $0x1;
	p0 =	seq.s32 s7, s2  }
0x1e: {  	s7 =	smul.u32 @!p0 $0xF7A, s2;
	p2 =	seq.s32 @!p0 s5, $0x0  }
0x1f: {  	s9 =	smul.u32 $0xF7A, s1;
	s8 =	simm.s32 @!p0 $0x1BF5;
	p2 =	por !p2, p0  }
0x20: {  	[sflag:s8] =	ssyncset.s32 @!p0 $0xFFFFF086;
	s6 =	sadd.s32 @!p0 s3, s7;
	s7 =	simm.s32 @!p0 $0x108  }
0x21: {  	s3 =	sadd.s32 s3, s9;
	s6 =	sadd.s32 @!p0 $0x88, s6;
	s7 =	simm.s32 @p2 $0x1082  }
0x22: {  	[simem:s7], [sflag:s8] =	dma.local @!p0 [hbm:s6], $0xF7A  }
0x23: {  	s9 =	sor.u32 $0xD0000000, s2;
	s6 =	simm.s32 $0x108;
	_ =	swait.ge @!p0 [sflag:s8], $0x0  }
0x24: {  	s3 =	sadd.s32 $0x88, s3;
	s6 =	simm.s32 @!p1 $0x1082;
	[sflag:s4] =	ssyncset.s32 $0xFFFFF086  }
0x25: {  	[simem:s6], [sflag:s4] =	dma.local [hbm:s3], $0xF7A  }
0x26: {  	[smem:$0x3F96] =	sst s1;
	(tag) =	ssettag s2;
	_ =	strace s9  }
0x27: {  	s1 =	sld [smem:$0x3FA6]  }
0x28: {  	s2 =	sld [smem:$0x3FA7]  }
0x29: {  	s4 =	sld [smem:$0x3FA9]  }
0x2a: {  	p0 =	seq.s32 s5, $0x0;
	s5 =	sld [smem:$0x3FAA]  }
0x2b: {  	s6 =	sld [smem:$0x3FAB]  }
0x2c: {  	s7 =	sld [smem:$0x3FAC]  }
0x2d: {  	s3 =	simm.s32 $0x108;
	s8 =	sld [smem:$0x3FAD]  }
0x2e: {  	s3 =	simm.s32 @!p0 $0x1082;
	s9 =	sld [smem:$0x3FAE]  }
0x2f: {  	lr =	sadd.s32 s0, s3;
	s0 =	sld [smem:$0x3FA5]  }
0x30: {  	s3 =	sld [smem:$0x3FA8]  }
0x31: {  	[smem:$0x3FB1] =	sst s10  }
0x32: {  	s10 =	sld [smem:$0x3FAF];
	_ =	sdelay $0x3  }
0x33: {  	p0 =	seq.s32 s10, $0x1;
	s10 =	sld [smem:$0x3FB1];
	_ =	sdelay $0x3  }
0x34: {  	[smem:$0x3FB1] =	sst s10  }
0x35: {  	s10 =	sld [smem:$0x3FB0];
	_ =	sdelay $0x3  }
0x36: {  	p1 =	seq.s32 s10, $0x1;
	s10 =	sld [smem:$0x3FB1];
	_ =	sdelay $0x3  }
0x37: {  	[smem:$0x3FB1] =	sst s10  }
0x38: {  	s10 =	sld [smem:$0x3FB2]  }
0x39: {  	_ = 	snop;
	(pc) =	sbr.ind lr, $3  }
0x3a: {  	_ = 	snop  }
0x3b: {  	_ = 	snop  }
0x3c: {  	p2 =	seq.s32 s10, $0x1;
	s10 =	sld [smem:$0x3FB1]  }
0x3d: {  	_ =	shalt  }
0x3e: {  	_ =	shalt  }
0x3f: {  	_ =	shalt  }
0x40: {  	_ =	shalt  }
0x41: {  	_ =	shalt  }
0x42: {  	_ =	shalt  }
0x43: {  	_ =	shalt  }
0x44: {  	_ =	shalt  }
0x45: {  	_ =	shalt  }
0x46: {  	_ =	shalt  }
0x47: {  	_ =	shalt  }
0x48: {  	_ =	shalt  }
0x49: {  	_ =	shalt  }
0x4a: {  	_ =	shalt  }
0x4b: {  	_ =	shalt  }
0x4c: {  	_ =	shalt  }
0x4d: {  	_ =	shalt  }
0x4e: {  	_ =	shalt  }
0x4f: {  	_ =	shalt  }
0x50: {  	_ =	shalt  }
0x51: {  	_ =	shalt  }
0x52: {  	_ =	shalt  }
0x53: {  	_ =	shalt  }
0x54: {  	_ =	shalt  }
0x55: {  	_ =	shalt  }
0x56: {  	_ =	shalt  }
0x57: {  	_ =	shalt  }
0x58: {  	_ =	shalt  }
0x59: {  	_ =	shalt  }
0x5a: {  	_ =	shalt  }
0x5b: {  	_ =	shalt  }
0x5c: {  	_ =	shalt  }
0x5d: {  	_ =	shalt  }
0x5e: {  	_ =	shalt  }
0x5f: {  	_ =	shalt  }
0x60: {  	_ =	shalt  }
0x61: {  	_ =	shalt  }
0x62: {  	_ =	shalt  }
0x63: {  	_ =	shalt  }
0x64: {  	_ =	shalt  }
0x65: {  	_ =	shalt  }
0x66: {  	_ =	shalt  }
0x67: {  	_ =	shalt  }
0x68: {  	_ =	shalt  }
0x69: {  	_ =	shalt  }
0x6a: {  	_ =	shalt  }
0x6b: {  	_ =	shalt  }
0x6c: {  	_ =	shalt  }
0x6d: {  	_ =	shalt  }
0x6e: {  	_ =	shalt  }
0x6f: {  	_ =	shalt  }
0x70: {  	_ =	shalt  }
0x71: {  	_ =	shalt  }
0x72: {  	_ =	shalt  }
0x73: {  	_ =	shalt  }
0x74: {  	_ =	shalt  }
0x75: {  	_ =	shalt  }
0x76: {  	_ =	shalt  }
0x77: {  	_ =	shalt  }
0x78: {  	_ =	shalt  }
0x79: {  	_ =	shalt  }
0x7a: {  	_ =	shalt  }
0x7b: {  	_ =	shalt  }
0x7c: {  	_ =	shalt  }
0x7d: {  	_ =	shalt  }
0x7e: {  	_ =	shalt  }
0x7f: {  	_ =	shalt  }
0x80: {  	_ =	shalt  }
0x81: {  	_ =	shalt  }
0x82: {  	_ =	shalt  }
0x83: {  	_ =	shalt  }
0x84: {  	_ =	shalt  }
0x85: {  	_ =	shalt  }
0x86: {  	_ =	shalt  }
0x87: {  	_ =	shalt  }
.Lfunc_end0:
.L_simem_size_0:
called_computation_lowered:
.L_overlay_start_0:
0x88: {  	s2 =	sld [smem:$0x3FD9]  }
0x89: {  	s3 =	sld [smem:$0x3FFE];
	_ =	sdelay $0x1  }
0x8a: {  	s1 =	srdreg.scid  }
0x8b: {  	s0 =	sand.u32 $0x1, s1  }
0x8c: {  	s16 =	sshll.u32 s0, $0xA;
	s2 =	sadd.s32 s3, s2  }
0x8d: {  	s2 =	sadd.s32 s2, s16  }
0x8e: {  	[smem:$0x3FBD] =	sst s2  }
0x8f: {  	_ = 	snop  }
0x90: {  	(tm) =	ssettm $0x1  }
0x91: {  	s17 =	sld [smem:$0x3FFB];
	_ =	sdelay $0x3  }
0x92: {  	_ =	strace s17  }
0x93: {  	s2 =	sld [smem:$0x3FFC];
	_ =	sdelay $0x3  }
0x94: {  	_ =	strace s2  }
0x95: {  	s2 =	sld [smem:$0x3FFD];
	_ =	sdelay $0x3  }
0x96: {  	_ =	strace s2  }
0x97: {  	_ =	strace $0x8FFFFFFF  }
0x98: {  	s18 =	sld [smem:$0x3FDB];
	_ =	sdelay $0x1  }
0x99: {  	s19 =	simm.s32 $_scs_section_size  }
0x9a: {  	s4 =	simm.s32 $_size__tile_overlayer_lowered;
	s5 =	simm.s32 $_tile_overlayer_lowered  }
0x9b: {  	s22 =	simm.s32 $0x1BFF;
	s21 =	sshll.u32 s5, $0x1;
	s2 =	sadd.s32 s19, s18  }
0x9c: {  	s6 =	simm.s32 $0x0;
	s20 =	sshll.u32 s4, $0x1;
	s4 =	sadd.s32 s21, s2  }
0x9d: {  	[timem:s6], [sflag:s22] =	dma.local [hbm:s4], s20  }
0x9e: {  	_ =	swait.ge [sflag:s22], s20  }
0x9f: {  	s3 =	ssub.s32 $0x0, s20;
	[sflag:s22] =	ssyncset.done $0x0  }
0xa0: {  	[sflag:s22] =	ssyncadd.s32 s3;
	_ =	sdelay $0x1  }
0xa1: {  	s23 =	simm.s32 $0x1B8B  }
0xa2: {  	_ =	swait.ge [sflag:s23], $0x1  }
0xa3: {  	[sflag:s23] =	ssyncset.done $0x0  }
0xa4: {  	s25 =	simm.s32 $0x1B8E;
	s24 =	sld [smem:$0x3FFE];
	[sflag:s23] =	ssyncadd.s32 $0xFFFFFFFF  }
0xa5: {  	s26 =	simm.s32 $execute0_lowered;
	[smem:$0x3FD2] =	sst s25  }
0xa6: {  	s4 =	sshll.u32 s26, $0x1;
	_ =	strace $0x80000046;
	[dreg:$0x1] =	wrdreg $0xFFFFFFFF  }
0xa7: {  	s28 =	simm.s32 $_size_execute0_lowered;
	s2 =	sadd.s32 s2, s4;
	[dreg:$0x0] =	wrdreg $0x0  }
0xa8: {  	s4 =	sshll.u32 s28, $0x1;
	[dreg:$0x2] =	wrdreg s2  }
0xa9: {  	[dreg:$0x3] =	wrdreg s4  }
0xaa: {  	[dreg:$0x4] =	wrdreg $0xC0  }
0xab: {  	_ =	task [dreg:s6], $0x5FFFF  }
0xac: {  	[dreg:$0x1] =	wrdreg $0xFFFFFFFF  }
0xad: {  	[dreg:$0x0] =	wrdreg $0x60  }
0xae: {  	[dreg:$0x2] =	wrdreg s24  }
0xaf: {  	[dreg:$0x3] =	wrdreg $0x88000  }
0xb0: {  	[dreg:$0x4] =	wrdreg $0x9  }
0xb1: {  	_ =	task.clear_ibuf [dreg:s6], $0x5FFFF;
	_ =	strace $0x90000046  }
0xb2: {  	s29 =	simm.s32 $0x9;
	_ =	strace $0x80000048  }
0xb3: {  	_ =	swait.ge [sflag:s29], $0x1  }
0xb4: {  	[sflag:s29] =	ssyncadd.s32 $0xFFFFFFFF  }
0xb5: {  	_ =	strace $0x90000048  }
0xb6: {  	_ =	sfence  }
0xb7: {  	s30 =	sld [smem:$0x0];
	_ =	sdelay $0x2  }
0xb8: {  	s31 =	sshll.u32 s1, $0xD;
	s1 =	sshrl.u32 s1, $0x2  }
0xb9: {  	s3 =	sand.u32 $0x4000, s31;
	s1 =	sadd.s32 s1, s30  }
0xba: {  	s0 =	sor.u32 s3, s0;
	s1 =	sshll.u32 s1, $0x11  }
0xbb: {  	s0 =	sor.u32 s1, s0  }
0xbc: {  	s0 =	sadd.s32 $0x8F2B, s0  }
0xbd: {  	[sflag:s0] =	ssyncadd.remote.s32 $0x1  }
0xbe: {  	_ =	sfence.sel $0xFFFF  }
0xbf: {  	[dreg:$0x0] =	wrdreg $0xFFFFFFFF;
	(pc) =	sbr.abs _section_cstart, $3  }
0xc0: {  	[dreg:$0x1] =	wrdreg $0xFFFFFFFF  }
0xc1: {  	_ =	task.clear_ibuf [dreg:s6], $0x2FFFF;
	_ =	strace $0x9FFFFFFF  }
0xc2: {  	(tm) =	ssettm $0x7FFFFFFF  }
0xc3: {  	_ =	shalt  }
tec
execute0_lowered:
.L_overlay_start_1:
0x0: {  	(tag) =	ssettag $0x1  }
0x1: {  	s0 =	rddreg [dreg:$0x0]  }
0x2: {  	s1 =	rddreg [dreg:$0x1]  }
0x3: {  	s2 =	simm.s32 $0x0;
	s4 =	srdreg.scid;
	s7 =	stileid.u32  }
0x4: {  	s13 =	simm.s32 $0x6;
	s14 =	simm.s32 $0x80;
	s15 =	simm.s32 $0x800  }
0x5: {  	s17 =	simm.s32 $0x100;
	s18 =	simm.s32 $0x4800;
	s19 =	simm.s32 $0x1  }
0x6: {  	s20 =	simm.s32 $0x400;
	s28 =	simm.s32 $0x300;
	s29 =	simm.s32 $0x280  }
0x7: {  	s30 =	simm.s32 $0x380;
	s31 =	simm.s32 $0x500;
	[smem:$0x7FF] =	sst s2  }
0x8: {  	s3 =	sadd.s32 $0xC6A00, s0;
	s5 =	sadd.s32 $0x2A600, s0;
	s11 =	smul.u32 $0x4E000, s7  }
0x9: {  	s6 =	sadd.s32 $0x3E600, s0;
	s4 =	sand.u32 $0x1, s4;
	s26 =	smul.u32 $0xA00, s7  }
0xa: {  	s25 =	sshll.u32 s7, $0x6;
	s12 =	sadd.s32 $0x138000, s1;
	s16 =	smul.u32 $0x2700, s7  }
0xb: {  	p0 =	sne.s32 s7, $0x0;
	_ =	strace $0x80000047;
	[dreg:$0x3] =	wrdreg s6  }
0xc: {  	s21 =	smul.u32 $0x27100, s4;
	s8 =	ssub.s32 $0x2, s4;
	s10 =	sshll.u32 s4, $0x4  }
0xd: {  	[dreg:$0x4] =	wrdreg s25;
	s4 =	smul.u32 $0xA000, s4;
	s12 =	sshrl.u32 @!p0 s12, $0x3  }
0xe: {  	s9 =	sshrl.u32 s8, $0x1;
	s23 =	sor.u32 s7, s10;
	s24 =	sshrl.u32 s11, $0x2  }
0xf: {  	s10 =	sor.u32 $0x1C05, s25;
	s7 =	simm.s32 $0x580;
	[dreg:$0x9] =	wrdreg s12  }
0x10: {  	s0 =	sadd.s32 s21, s0;
	s22 =	ssub.s32 s8, s9;
	s8 =	smul.u32 $0xA00, s23  }
0x11: {  	s9 =	sadd.s32 s24, s1;
	[dreg:$0x5] =	wrdreg s10;
	s4 =	sadd.s32 s4, s5  }
0x12: {  	s21 =	simm.s32 $0x3;
	s23 =	simm.s32 $0x2;
	s24 =	simm.s32 $0x180  }
0x13: {  	s0 =	sadd.s32 $0x40E00, s0;
	s25 =	smax.u32 s22, $0x1;
	s10 =	sadd.s32 s26, s4  }
0x14: {  	s26 =	sshrl.u32 s9, $0x3;
	s22 =	simm.s32 $0x200;
	s9 =	simm.s32 $0x700  }
.Ltmp0:
0x15: {  	s8 =	sadd.s32 s5, s8;
	[dreg:$0x8] =	wrdreg s25;
	(pc) =	sbr.rel .LBB2_1-.Ltmp0, $4  }
0x16: {  	[dreg:$0x7] =	wrdreg s0;
	s0 =	sadd.s32 s16, s0;
	s11 =	smov.u32 s26  }
0x17: {  	s26 =	simm.s32 $0x4;
	s5 =	simm.s32 $0x600;
	[dreg:$0x6] =	wrdreg s8  }
0x18: {  	s25 =	simm.s32 $0x780;
	s16 =	simm.s32 $0x0;
	[dreg:$0xb] =	wrdreg s0  }
0x19: {  	s0 =	simm.s32 $0x480;
	s8 =	simm.s32 $0x680;
	[dreg:$0xa] =	wrdreg s11  }
.LBB2_4:
0x1a: {  	_ =	swait.ge [sflag:s21], $0x4000  }
0x1b: {  	[sflag:s21] =	ssyncset.done $0x0  }
0x1c: {  	[sflag:s21] =	ssyncadd.s32 $0xFFFFC000  }
0x1d: {  	_ =	swait.ge [sflag:s23], $0x4000  }
0x1e: {  	[sflag:s23] =	ssyncset.done $0x0  }
0x1f: {  	[sflag:s23] =	ssyncadd.s32 $0xFFFFC000  }
0x20: {  	[spmem:s1] =	stream.indirect.scatter.add.f32 [tilespmem:s18], [sflag:$0x4], $0x80, s25, s14, $0xb8;
	[tilespmem:$0x1C0C0] =	vst v63  }
0x21: {  	_ =	swait.ge [sflag:s26], $0x4000  }
0x22: {  	[sflag:s26] =	ssyncset.done $0x0  }
0x23: {  	[sflag:s26] =	ssyncadd.s32 $0xFFFFC000  }
0x24: {  	[bflag:$0x0] =	sbarrier.arrive $0xFFFF  }
0x25: {  	s4 =	rddreg [dreg:$0x4]  }
0x26: {  	s11 =	rddreg [dreg:$0xa]  }
0x27: {  	s6 =	rddreg [dreg:$0xb];
	s4 =	sor.u32 $0x1C06, s4  }
0x28: {  	[hbm:s6], [sflag:s4] =	dma.local [spmem:s11], $0x2700  }
0x29: {  	_ =	swait.ge [sflag:s13], $0x2700  }
0x2a: {  	[sflag:s13] =	ssyncset.done $0x0;
	s6 =	rddreg [dreg:$0x7]  }
0x2b: {  	s12 =	rddreg [dreg:$0x9];
	[sflag:s13] =	ssyncadd.s32 $0xFFFFD900;
	s6 =	sadd.s32 @!p0 $0x27000, s6  }
0x2c: {  	[hbm:s6], [sflag:s4] =	dma.local @!p0 [spmem:s12], $0x100  }
0x2d: {  	s4 =	simm.s32 @!p0 $0x6  }
0x2e: {  	_ =	swait.ge @!p0 [sflag:s4], $0x100  }
0x2f: {  	s16 =	sadd.s32 $0x1, s16;
	s6 =	rddreg [dreg:$0x8]  }
0x30: {  	p1 =	sne.s32 s16, s6  }
.Ltmp1:
0x31: {  	_ = 	snop;
	(pc) =	sbr.rel @!p1 .LBB2_5-.Ltmp1, $3  }
0x32: {  	_ =	sdelay $0x1  }
0x33: {  	[sflag:s4] =	ssyncset.done @!p0 $0x0  }
0x34: {  	[sflag:s4] =	ssyncadd.s32 @!p0 $0xFFFFFF00  }
.LBB2_1:
0x35: {  	s4 =	rddreg [dreg:$0x3]  }
0x36: {  	s6 =	rddreg [dreg:$0x5]  }
0x37: {  	[spmem:s11], [sflag:s6] =	dma.local [hbm:s4], $0x2700  }
0x38: {  	[spmem:s12], [sflag:s6] =	dma.local @!p0 [hbm:s4], $0x100  }
0x39: {  	s4 =	rddreg [dreg:$0x6]  }
0x3a: {  	[tilespmem:s2], [sflag:$0x6] =	stream.linear.gather [hbm4b:s4+s2], $0x400, $0x38;
	[tilespmem:$0x1C0C0] =	vst v63  }
0x3b: {  	_ =	swait.ge [sflag:s13], $0x400  }
0x3c: {  	[sflag:s13] =	ssyncset.done $0x0  }
0x3d: {  	s12 =	simm.s32 $0x5;
	[sflag:s13] =	ssyncadd.s32 $0xFFFFFC00  }
0x3e: {  	[tilespmem:s15], [sflag:$0x1] =	stream.indirect.gather [hbm4b:s3+s14], $0x80, s2, s14, $0xb8;
	[tilespmem:$0x1C0C0] =	vst v63  }
0x3f: {  	_ =	swait.ge [sflag:s12], $0x2700  }
0x40: {  	[sflag:s12] =	ssyncset.done $0x0  }
0x41: {  	s4 =	simm.s32 @!p0 $0x5;
	[sflag:s12] =	ssyncadd.s32 $0xFFFFD900  }
0x42: {  	_ =	swait.ge @!p0 [sflag:s4], $0x100  }
0x43: {  	[sflag:s4] =	ssyncset.done @!p0 $0x0  }
0x44: {  	[sflag:s4] =	ssyncadd.s32 @!p0 $0xFFFFFF00  }
0x45: {  	s4 =	simm.s32 $0x0;
	[bflag:$0x0] =	sbarrier.arrive $0xFFFF  }
.LBB2_2:
0x46: {  	p1 =	seq.s32 s4, $0x0  }
0x47: {  	s6 =	simm.s32 @!p1 $0x4  }
0x48: {  	_ =	swait.ge @!p1 [sflag:s6], $0x4000  }
0x49: {  	[sflag:s6] =	ssyncset.done @!p1 $0x0  }
0x4a: {  	[sflag:s6] =	ssyncadd.s32 @!p1 $0xFFFFC000  }
0x4b: {  	[tilespmem:s18], [sflag:$0x2] =	stream.indirect.gather [hbm4b:s3+s14], $0x80, s17, s14, $0xb8;
	[tilespmem:$0x1C0C0] =	vst v63  }
0x4c: {  	_ =	swait.ge [sflag:s19], $0x4000  }
0x4d: {  	[sflag:s19] =	ssyncset.done $0x0  }
0x4e: {  	s6 =	sadd.s32 s4, s10;
	[sflag:s19] =	ssyncadd.s32 $0xFFFFC000  }
0x4f: {  	[spmem:s1] =	stream.indirect.scatter.add.f32 [tilespmem:s15], [sflag:$0x3], $0x80, s14, s14, $0xb8;
	[tilespmem:$0x1C0C0] =	vst v63  }
0x50: {  	s11 =	sadd.s32 $0x80, s6  }
0x51: {  	[tilespmem:s20], [sflag:$0x6] =	stream.linear.gather [hbm4b:s11+s2], $0x400, $0x38;
	[tilespmem:$0x1C0C0] =	vst v63  }
0x52: {  	_ =	swait.ge [sflag:s13], $0x400  }
0x53: {  	[sflag:s13] =	ssyncset.done $0x0  }
0x54: {  	[sflag:s13] =	ssyncadd.s32 $0xFFFFFC00  }
0x55: {  	_ =	swait.ge [sflag:s21], $0x4000  }
0x56: {  	[sflag:s21] =	ssyncset.done $0x0  }
0x57: {  	[sflag:s21] =	ssyncadd.s32 $0xFFFFC000  }
0x58: {  	[tilespmem:s15], [sflag:$0x1] =	stream.indirect.gather [hbm4b:s3+s14], $0x80, s22, s14, $0xb8;
	[tilespmem:$0x1C0C0] =	vst v63  }
0x59: {  	_ =	swait.ge [sflag:s23], $0x4000  }
0x5a: {  	[sflag:s23] =	ssyncset.done $0x0  }
0x5b: {  	[sflag:s23] =	ssyncadd.s32 $0xFFFFC000  }
0x5c: {  	[spmem:s1] =	stream.indirect.scatter.add.f32 [tilespmem:s18], [sflag:$0x4], $0x80, s24, s14, $0xb8;
	[tilespmem:$0x1C0C0] =	vst v63  }
0x5d: {  	_ =	swait.ge [sflag:s26], $0x4000  }
0x5e: {  	[sflag:s26] =	ssyncset.done $0x0  }
0x5f: {  	[sflag:s26] =	ssyncadd.s32 $0xFFFFC000  }
0x60: {  	[tilespmem:s18], [sflag:$0x2] =	stream.indirect.gather [hbm4b:s3+s14], $0x80, s28, s14, $0xb8;
	[tilespmem:$0x1C0C0] =	vst v63  }
0x61: {  	_ =	swait.ge [sflag:s19], $0x4000  }
0x62: {  	[sflag:s19] =	ssyncset.done $0x0  }
0x63: {  	[sflag:s19] =	ssyncadd.s32 $0xFFFFC000  }
0x64: {  	[spmem:s1] =	stream.indirect.scatter.add.f32 [tilespmem:s15], [sflag:$0x3], $0x80, s29, s14, $0xb8;
	[tilespmem:$0x1C0C0] =	vst v63  }
0x65: {  	_ =	swait.ge [sflag:s21], $0x4000  }
0x66: {  	[sflag:s21] =	ssyncset.done $0x0  }
0x67: {  	[sflag:s21] =	ssyncadd.s32 $0xFFFFC000  }
0x68: {  	[tilespmem:s15], [sflag:$0x1] =	stream.indirect.gather [hbm4b:s3+s14], $0x80, s20, s14, $0xb8;
	[tilespmem:$0x1C0C0] =	vst v63  }
0x69: {  	_ =	swait.ge [sflag:s23], $0x4000  }
0x6a: {  	[sflag:s23] =	ssyncset.done $0x0  }
0x6b: {  	[sflag:s23] =	ssyncadd.s32 $0xFFFFC000  }
0x6c: {  	[spmem:s1] =	stream.indirect.scatter.add.f32 [tilespmem:s18], [sflag:$0x4], $0x80, s30, s14, $0xb8;
	[tilespmem:$0x1C0C0] =	vst v63  }
0x6d: {  	_ =	swait.ge [sflag:s26], $0x4000  }
0x6e: {  	[sflag:s26] =	ssyncset.done $0x0  }
0x6f: {  	[sflag:s26] =	ssyncadd.s32 $0xFFFFC000  }
0x70: {  	[tilespmem:s18], [sflag:$0x2] =	stream.indirect.gather [hbm4b:s3+s14], $0x80, s31, s14, $0xb8;
	[tilespmem:$0x1C0C0] =	vst v63  }
0x71: {  	_ =	swait.ge [sflag:s19], $0x4000  }
0x72: {  	[sflag:s19] =	ssyncset.done $0x0  }
0x73: {  	[sflag:s19] =	ssyncadd.s32 $0xFFFFC000  }
0x74: {  	[spmem:s1] =	stream.indirect.scatter.add.f32 [tilespmem:s15], [sflag:$0x3], $0x80, s0, s14, $0xb8;
	[tilespmem:$0x1C0C0] =	vst v63  }
0x75: {  	_ =	swait.ge [sflag:s21], $0x4000  }
0x76: {  	[sflag:s21] =	ssyncset.done $0x0  }
0x77: {  	[sflag:s21] =	ssyncadd.s32 $0xFFFFC000  }
0x78: {  	[tilespmem:s15], [sflag:$0x1] =	stream.indirect.gather [hbm4b:s3+s14], $0x80, s5, s14, $0xb8;
	[tilespmem:$0x1C0C0] =	vst v63  }
0x79: {  	_ =	swait.ge [sflag:s23], $0x4000  }
0x7a: {  	[sflag:s23] =	ssyncset.done $0x0  }
0x7b: {  	[sflag:s23] =	ssyncadd.s32 $0xFFFFC000  }
0x7c: {  	[spmem:s1] =	stream.indirect.scatter.add.f32 [tilespmem:s18], [sflag:$0x4], $0x80, s7, s14, $0xb8;
	[tilespmem:$0x1C0C0] =	vst v63  }
0x7d: {  	_ =	swait.ge [sflag:s26], $0x4000  }
0x7e: {  	[sflag:s26] =	ssyncset.done $0x0  }
0x7f: {  	p1 =	seq.s32 s4, $0x900;
	[sflag:s26] =	ssyncadd.s32 $0xFFFFC000  }
0x80: {  	[tilespmem:s18], [sflag:$0x2] =	stream.indirect.gather [hbm4b:s3+s14], $0x80, s9, s14, $0xb8;
	[tilespmem:$0x1C0C0] =	vst v63  }
.Ltmp2:
0x81: {  	_ = 	snop;
	(pc) =	sbr.rel @p1 .LBB2_4-.Ltmp2, $4  }
0x82: {  	_ =	swait.ge [sflag:s19], $0x4000  }
0x83: {  	[sflag:s19] =	ssyncset.done $0x0  }
0x84: {  	[sflag:s19] =	ssyncadd.s32 $0xFFFFC000  }
0x85: {  	[spmem:s1] =	stream.indirect.scatter.add.f32 [tilespmem:s15], [sflag:$0x3], $0x80, s8, s14, $0xb8;
	[tilespmem:$0x1C0C0] =	vst v63  }
0x86: {  	s6 =	sadd.s32 $0x100, s6  }
0x87: {  	[tilespmem:s2], [sflag:$0x6] =	stream.linear.gather [hbm4b:s6+s2], $0x400, $0x38;
	[tilespmem:$0x1C0C0] =	vst v63  }
0x88: {  	_ =	swait.ge [sflag:s13], $0x400  }
0x89: {  	[sflag:s13] =	ssyncset.done $0x0  }
0x8a: {  	[sflag:s13] =	ssyncadd.s32 $0xFFFFFC00  }
0x8b: {  	_ =	swait.ge [sflag:s21], $0x4000  }
0x8c: {  	[sflag:s21] =	ssyncset.done $0x0  }
0x8d: {  	[sflag:s21] =	ssyncadd.s32 $0xFFFFC000  }
0x8e: {  	[tilespmem:s15], [sflag:$0x1] =	stream.indirect.gather [hbm4b:s3+s14], $0x80, s2, s14, $0xb8;
	[tilespmem:$0x1C0C0] =	vst v63  }
.Ltmp3:
0x8f: {  	_ = 	snop;
	(pc) =	sbr.rel .LBB2_2-.Ltmp3, $4  }
0x90: {  	_ =	swait.ge [sflag:s23], $0x4000  }
0x91: {  	[sflag:s23] =	ssyncset.done $0x0  }
0x92: {  	s4 =	sadd.s32 $0x100, s4;
	[sflag:s23] =	ssyncadd.s32 $0xFFFFC000  }
0x93: {  	[spmem:s1] =	stream.indirect.scatter.add.f32 [tilespmem:s18], [sflag:$0x4], $0x80, s25, s14, $0xb8;
	[tilespmem:$0x1C0C0] =	vst v63  }
.LBB2_5:
0x94: {  	_ =	sfence.sel $0x180000  }
0x95: {  	[bflag:$0x0] =	sbarrier.arrive $0xFFFF  }
0x96: {  	_ =	strace $0x90000047  }
0x97: {  	[bflag:$0x2] =	sbarrier.arrive $0xFFFF  }
0x98: {  	s0 =	rddreg [dreg:$0x2]  }
0x99: {  	s0 =	sadd.s32 @!p0 $0x100000, s0  }
0x9a: {  	[sflag:s0] =	ssyncadd.tile.s32 @!p0 $0x1;
	_ =	shalt  }
.Lfunc_end2:
_tile_overlayer_lowered:
.L_overlay_start_2:
0x9b: {  	(tag) =	ssettag $0x2  }
0x9c: {  	s0 =	rddreg [dreg:$0x0];
	s2 =	stileid.u32  }
0x9d: {  	s1 =	rddreg [dreg:$0x1];
	p0 =	sne.s32 s2, $0x0  }
0x9e: {  	s3 =	rddreg [dreg:$0x2];
	[bflag:$0x3] =	sbarrier.arrive $0xFFFF;
	s2 =	simm.s32 @!p0 $0x1C06  }
0x9f: {  	[timem:s3], [sflag:s2] =	dma.local @!p0 [hbm:s0], s1  }
0xa0: {  	s0 =	simm.s32 @!p0 $0x6  }
0xa1: {  	_ =	swait.ge @!p0 [sflag:s0], s1  }
0xa2: {  	s1 =	ssub.s32 @!p0 $0x0, s1;
	[sflag:s0] =	ssyncset.done @!p0 $0x0  }
0xa3: {  	[sflag:s0] =	ssyncadd.s32 @!p0 s1  }
0xa4: {  	[bflag:$0x3] =	sbarrier.arrive $0xFFFF  }
0xa5: {  	_ =	shalt  }

// kernel: kernel.16.cloned.1.call-start
scs
__scs_entry_jumppad:
0x0: {  	(pc) =	sbr.rel $0x88, $3  }
0x1: {  	(tag) =	ssettag $0x0;
	lr =	simm.s32 $0x1  }
0x2: {  	[smem:$0x3F96] =	sst lr;
	_ =	strace $0xD0000000  }
0x3: {  	_ = 	snop  }
0x4: {  	_ = 	snop  }
0x5: {  	_ = 	snop  }
0x6: {  	_ = 	snop  }
0x7: {  	_ = 	snop  }
__scs_overlays_trampoline_lowered:
0x8: {  	[smem:$0x3FA5] =	sst s0  }
0x9: {  	[smem:$0x3FA6] =	sst s1  }
0xa: {  	[smem:$0x3FA7] =	sst s2  }
0xb: {  	[smem:$0x3FA8] =	sst s3  }
0xc: {  	[smem:$0x3FA9] =	sst s4  }
0xd: {  	[smem:$0x3FAA] =	sst s5  }
0xe: {  	[smem:$0x3FAB] =	sst s6  }
0xf: {  	[smem:$0x3FAC] =	sst s7  }
0x10: {  	[smem:$0x3FAD] =	sst s8  }
0x11: {  	[smem:$0x3FAE] =	sst s9;
	s0 =	simm.s32 @!p0 $0x0  }
0x12: {  	s1 =	sld [smem:$0x3F94];
	s0 =	simm.s32 @p0 $0x1  }
0x13: {  	[smem:$0x3FAF] =	sst s0;
	s0 =	simm.s32 @!p1 $0x0  }
0x14: {  	s2 =	sld [smem:$0x3F93];
	s0 =	simm.s32 @p1 $0x1  }
0x15: {  	[smem:$0x3FB0] =	sst s0;
	s0 =	simm.s32 @!p2 $0x0  }
0x16: {  	s3 =	sld [smem:$0x3FDB];
	s0 =	simm.s32 @p2 $0x1  }
0x17: {  	s4 =	simm.s32 $0x1BF5;
	[smem:$0x3FB2] =	sst s0  }
0x18: {  	s0 =	sld [smem:$0x3F95];
	_ =	swait.ge [sflag:s4], $0x0  }
0x19: {  	s7 =	sld [smem:$0x3F96]  }
0x1a: {  	s8 =	sadd.s32 $0xFFFFE003, lr  }
0x1b: {  	s9 =	sadd.s32 $0xFFFFFEF7, lr;
	s5 =	simm.s32 $0xFFFFFFFF;
	p2 =	slt.u32 s8, $0xFFFFF086  }
0x1c: {  	p1 =	slt.u32 s9, $0xF7A;
	s5 =	simm.s32 @!p2 $0x0  }
0x1d: {  	s5 =	simm.s32 @p1 $0x1;
	p0 =	seq.s32 s7, s2  }
0x1e: {  	s7 =	smul.u32 @!p0 $0xF7A, s2;
	p2 =	seq.s32 @!p0 s5, $0x0  }
0x1f: {  	s9 =	smul.u32 $0xF7A, s1;
	s8 =	simm.s32 @!p0 $0x1BF5;
	p2 =	por !p2, p0  }
0x20: {  	[sflag:s8] =	ssyncset.s32 @!p0 $0xFFFFF086;
	s6 =	sadd.s32 @!p0 s3, s7;
	s7 =	simm.s32 @!p0 $0x108  }
0x21: {  	s3 =	sadd.s32 s3, s9;
	s6 =	sadd.s32 @!p0 $0x88, s6;
	s7 =	simm.s32 @p2 $0x1082  }
0x22: {  	[simem:s7], [sflag:s8] =	dma.local @!p0 [hbm:s6], $0xF7A  }
0x23: {  	s9 =	sor.u32 $0xD0000000, s2;
	s6 =	simm.s32 $0x108;
	_ =	swait.ge @!p0 [sflag:s8], $0x0  }
0x24: {  	s3 =	sadd.s32 $0x88, s3;
	s6 =	simm.s32 @!p1 $0x1082;
	[sflag:s4] =	ssyncset.s32 $0xFFFFF086  }
0x25: {  	[simem:s6], [sflag:s4] =	dma.local [hbm:s3], $0xF7A  }
0x26: {  	[smem:$0x3F96] =	sst s1;
	(tag) =	ssettag s2;
	_ =	strace s9  }
0x27: {  	s1 =	sld [smem:$0x3FA6]  }
0x28: {  	s2 =	sld [smem:$0x3FA7]  }
0x29: {  	s4 =	sld [smem:$0x3FA9]  }
0x2a: {  	p0 =	seq.s32 s5, $0x0;
	s5 =	sld [smem:$0x3FAA]  }
0x2b: {  	s6 =	sld [smem:$0x3FAB]  }
0x2c: {  	s7 =	sld [smem:$0x3FAC]  }
0x2d: {  	s3 =	simm.s32 $0x108;
	s8 =	sld [smem:$0x3FAD]  }
0x2e: {  	s3 =	simm.s32 @!p0 $0x1082;
	s9 =	sld [smem:$0x3FAE]  }
0x2f: {  	lr =	sadd.s32 s0, s3;
	s0 =	sld [smem:$0x3FA5]  }
0x30: {  	s3 =	sld [smem:$0x3FA8]  }
0x31: {  	[smem:$0x3FB1] =	sst s10  }
0x32: {  	s10 =	sld [smem:$0x3FAF];
	_ =	sdelay $0x3  }
0x33: {  	p0 =	seq.s32 s10, $0x1;
	s10 =	sld [smem:$0x3FB1];
	_ =	sdelay $0x3  }
0x34: {  	[smem:$0x3FB1] =	sst s10  }
0x35: {  	s10 =	sld [smem:$0x3FB0];
	_ =	sdelay $0x3  }
0x36: {  	p1 =	seq.s32 s10, $0x1;
	s10 =	sld [smem:$0x3FB1];
	_ =	sdelay $0x3  }
0x37: {  	[smem:$0x3FB1] =	sst s10  }
0x38: {  	s10 =	sld [smem:$0x3FB2]  }
0x39: {  	_ = 	snop;
	(pc) =	sbr.ind lr, $3  }
0x3a: {  	_ = 	snop  }
0x3b: {  	_ = 	snop  }
0x3c: {  	p2 =	seq.s32 s10, $0x1;
	s10 =	sld [smem:$0x3FB1]  }
0x3d: {  	_ =	shalt  }
0x3e: {  	_ =	shalt  }
0x3f: {  	_ =	shalt  }
0x40: {  	_ =	shalt  }
0x41: {  	_ =	shalt  }
0x42: {  	_ =	shalt  }
0x43: {  	_ =	shalt  }
0x44: {  	_ =	shalt  }
0x45: {  	_ =	shalt  }
0x46: {  	_ =	shalt  }
0x47: {  	_ =	shalt  }
0x48: {  	_ =	shalt  }
0x49: {  	_ =	shalt  }
0x4a: {  	_ =	shalt  }
0x4b: {  	_ =	shalt  }
0x4c: {  	_ =	shalt  }
0x4d: {  	_ =	shalt  }
0x4e: {  	_ =	shalt  }
0x4f: {  	_ =	shalt  }
0x50: {  	_ =	shalt  }
0x51: {  	_ =	shalt  }
0x52: {  	_ =	shalt  }
0x53: {  	_ =	shalt  }
0x54: {  	_ =	shalt  }
0x55: {  	_ =	shalt  }
0x56: {  	_ =	shalt  }
0x57: {  	_ =	shalt  }
0x58: {  	_ =	shalt  }
0x59: {  	_ =	shalt  }
0x5a: {  	_ =	shalt  }
0x5b: {  	_ =	shalt  }
0x5c: {  	_ =	shalt  }
0x5d: {  	_ =	shalt  }
0x5e: {  	_ =	shalt  }
0x5f: {  	_ =	shalt  }
0x60: {  	_ =	shalt  }
0x61: {  	_ =	shalt  }
0x62: {  	_ =	shalt  }
0x63: {  	_ =	shalt  }
0x64: {  	_ =	shalt  }
0x65: {  	_ =	shalt  }
0x66: {  	_ =	shalt  }
0x67: {  	_ =	shalt  }
0x68: {  	_ =	shalt  }
0x69: {  	_ =	shalt  }
0x6a: {  	_ =	shalt  }
0x6b: {  	_ =	shalt  }
0x6c: {  	_ =	shalt  }
0x6d: {  	_ =	shalt  }
0x6e: {  	_ =	shalt  }
0x6f: {  	_ =	shalt  }
0x70: {  	_ =	shalt  }
0x71: {  	_ =	shalt  }
0x72: {  	_ =	shalt  }
0x73: {  	_ =	shalt  }
0x74: {  	_ =	shalt  }
0x75: {  	_ =	shalt  }
0x76: {  	_ =	shalt  }
0x77: {  	_ =	shalt  }
0x78: {  	_ =	shalt  }
0x79: {  	_ =	shalt  }
0x7a: {  	_ =	shalt  }
0x7b: {  	_ =	shalt  }
0x7c: {  	_ =	shalt  }
0x7d: {  	_ =	shalt  }
0x7e: {  	_ =	shalt  }
0x7f: {  	_ =	shalt  }
0x80: {  	_ =	shalt  }
0x81: {  	_ =	shalt  }
0x82: {  	_ =	shalt  }
0x83: {  	_ =	shalt  }
0x84: {  	_ =	shalt  }
0x85: {  	_ =	shalt  }
0x86: {  	_ =	shalt  }
0x87: {  	_ =	shalt  }
.Lfunc_end0:
.L_simem_size_0:
called_computation.1_lowered:
.L_overlay_start_0:
0x88: {  	s2 =	sld [smem:$0x3FD9]  }
0x89: {  	s3 =	sld [smem:$0x3FFE];
	_ =	sdelay $0x1  }
0x8a: {  	s1 =	srdreg.scid  }
0x8b: {  	s0 =	sand.u32 $0x1, s1  }
0x8c: {  	s16 =	sshll.u32 s0, $0xA;
	s2 =	sadd.s32 s3, s2  }
0x8d: {  	s2 =	sadd.s32 s2, s16  }
0x8e: {  	[smem:$0x3FBD] =	sst s2  }
0x8f: {  	_ = 	snop  }
0x90: {  	(tm) =	ssettm $0x1  }
0x91: {  	s17 =	sld [smem:$0x3FFB];
	_ =	sdelay $0x3  }
0x92: {  	_ =	strace s17  }
0x93: {  	s2 =	sld [smem:$0x3FFC];
	_ =	sdelay $0x3  }
0x94: {  	_ =	strace s2  }
0x95: {  	s2 =	sld [smem:$0x3FFD];
	_ =	sdelay $0x3  }
0x96: {  	_ =	strace s2  }
0x97: {  	_ =	strace $0x8FFFFFFF  }
0x98: {  	s18 =	sld [smem:$0x3FDB];
	_ =	sdelay $0x1  }
0x99: {  	s19 =	simm.s32 $_scs_section_size  }
0x9a: {  	s4 =	simm.s32 $_size__tile_overlayer_lowered;
	s5 =	simm.s32 $_tile_overlayer_lowered  }
0x9b: {  	s22 =	simm.s32 $0x1BFF;
	s21 =	sshll.u32 s5, $0x1;
	s2 =	sadd.s32 s19, s18  }
0x9c: {  	s6 =	simm.s32 $0x0;
	s20 =	sshll.u32 s4, $0x1;
	s4 =	sadd.s32 s21, s2  }
0x9d: {  	[timem:s6], [sflag:s22] =	dma.local [hbm:s4], s20  }
0x9e: {  	_ =	swait.ge [sflag:s22], s20  }
0x9f: {  	s3 =	ssub.s32 $0x0, s20;
	[sflag:s22] =	ssyncset.done $0x0  }
0xa0: {  	[sflag:s22] =	ssyncadd.s32 s3;
	_ =	sdelay $0x1  }
0xa1: {  	s23 =	simm.s32 $0x1B8B  }
0xa2: {  	_ =	swait.ge [sflag:s23], $0x1  }
0xa3: {  	[sflag:s23] =	ssyncset.done $0x0  }
0xa4: {  	s25 =	simm.s32 $0x1B8E;
	s24 =	sld [smem:$0x3FFE];
	[sflag:s23] =	ssyncadd.s32 $0xFFFFFFFF  }
0xa5: {  	s26 =	simm.s32 $execute0_lowered;
	[smem:$0x3FD2] =	sst s25  }
0xa6: {  	s4 =	sshll.u32 s26, $0x1;
	_ =	strace $0x80000049;
	[dreg:$0x1] =	wrdreg $0xFFFFFFFF  }
0xa7: {  	s28 =	simm.s32 $_size_execute0_lowered;
	s2 =	sadd.s32 s2, s4;
	[dreg:$0x0] =	wrdreg $0x0  }
0xa8: {  	s4 =	sshll.u32 s28, $0x1;
	[dreg:$0x2] =	wrdreg s2  }
0xa9: {  	[dreg:$0x3] =	wrdreg s4  }
0xaa: {  	[dreg:$0x4] =	wrdreg $0xC0  }
0xab: {  	_ =	task [dreg:s6], $0x5FFFF  }
0xac: {  	[dreg:$0x1] =	wrdreg $0xFFFFFFFF  }
0xad: {  	[dreg:$0x0] =	wrdreg $0x60  }
0xae: {  	[dreg:$0x2] =	wrdreg s24  }
0xaf: {  	[dreg:$0x3] =	wrdreg $0x88000  }
0xb0: {  	[dreg:$0x4] =	wrdreg $0x9  }
0xb1: {  	_ =	task.clear_ibuf [dreg:s6], $0x5FFFF;
	_ =	strace $0x90000049  }
0xb2: {  	s29 =	simm.s32 $0x9;
	_ =	strace $0x8000004B  }
0xb3: {  	_ =	swait.ge [sflag:s29], $0x1  }
0xb4: {  	[sflag:s29] =	ssyncadd.s32 $0xFFFFFFFF  }
0xb5: {  	_ =	strace $0x9000004B  }
0xb6: {  	_ =	sfence  }
0xb7: {  	s30 =	sld [smem:$0x0];
	_ =	sdelay $0x2  }
0xb8: {  	s31 =	sshll.u32 s1, $0xD;
	s1 =	sshrl.u32 s1, $0x2  }
0xb9: {  	s3 =	sand.u32 $0x4000, s31;
	s1 =	sadd.s32 s1, s30  }
0xba: {  	s0 =	sor.u32 s3, s0;
	s1 =	sshll.u32 s1, $0x11  }
0xbb: {  	s0 =	sor.u32 s1, s0  }
0xbc: {  	s0 =	sadd.s32 $0x8F2B, s0  }
0xbd: {  	[sflag:s0] =	ssyncadd.remote.s32 $0x1  }
0xbe: {  	_ =	sfence.sel $0xFFFF  }
0xbf: {  	[dreg:$0x0] =	wrdreg $0xFFFFFFFF;
	(pc) =	sbr.abs _section_cstart, $3  }
0xc0: {  	[dreg:$0x1] =	wrdreg $0xFFFFFFFF  }
0xc1: {  	_ =	task.clear_ibuf [dreg:s6], $0x2FFFF;
	_ =	strace $0x9FFFFFFF  }
0xc2: {  	(tm) =	ssettm $0x7FFFFFFF  }
0xc3: {  	_ =	shalt  }
tec
execute0_lowered:
.L_overlay_start_1:
0x0: {  	(tag) =	ssettag $0x1  }
0x1: {  	s0 =	rddreg [dreg:$0x0]  }
0x2: {  	s1 =	rddreg [dreg:$0x1]  }
0x3: {  	s2 =	simm.s32 $0x0;
	s4 =	srdreg.scid;
	s7 =	stileid.u32  }
0x4: {  	s13 =	simm.s32 $0x6;
	s14 =	simm.s32 $0x80;
	s15 =	simm.s32 $0x800  }
0x5: {  	s17 =	simm.s32 $0x100;
	s18 =	simm.s32 $0x4800;
	s19 =	simm.s32 $0x1  }
0x6: {  	s20 =	simm.s32 $0x400;
	s28 =	simm.s32 $0x300;
	s29 =	simm.s32 $0x280  }
0x7: {  	s30 =	simm.s32 $0x380;
	s31 =	simm.s32 $0x500;
	[smem:$0x7FF] =	sst s2  }
0x8: {  	s3 =	sadd.s32 $0xDD200, s0;
	s5 =	sadd.s32 $0x2A600, s0;
	s11 =	smul.u32 $0x4E000, s7  }
0x9: {  	s6 =	sadd.s32 $0x3E600, s0;
	s4 =	sand.u32 $0x1, s4;
	s26 =	smul.u32 $0xA00, s7  }
0xa: {  	s25 =	sshll.u32 s7, $0x6;
	s12 =	sadd.s32 $0x138000, s1;
	s16 =	smul.u32 $0x2700, s7  }
0xb: {  	p0 =	sne.s32 s7, $0x0;
	_ =	strace $0x8000004A;
	[dreg:$0x3] =	wrdreg s6  }
0xc: {  	s21 =	smul.u32 $0x27100, s4;
	s8 =	ssub.s32 $0x2, s4;
	s10 =	sshll.u32 s4, $0x4  }
0xd: {  	[dreg:$0x4] =	wrdreg s25;
	s4 =	smul.u32 $0xA000, s4;
	s12 =	sshrl.u32 @!p0 s12, $0x3  }
0xe: {  	s9 =	sshrl.u32 s8, $0x1;
	s23 =	sor.u32 s7, s10;
	s24 =	sshrl.u32 s11, $0x2  }
0xf: {  	s10 =	sor.u32 $0x1C05, s25;
	s7 =	simm.s32 $0x580;
	[dreg:$0x9] =	wrdreg s12  }
0x10: {  	s0 =	sadd.s32 s21, s0;
	s22 =	ssub.s32 s8, s9;
	s8 =	smul.u32 $0xA00, s23  }
0x11: {  	s9 =	sadd.s32 s24, s1;
	[dreg:$0x5] =	wrdreg s10;
	s4 =	sadd.s32 s4, s5  }
0x12: {  	s21 =	simm.s32 $0x3;
	s23 =	simm.s32 $0x2;
	s24 =	simm.s32 $0x180  }
0x13: {  	s0 =	sadd.s32 $0x40E00, s0;
	s25 =	smax.u32 s22, $0x1;
	s10 =	sadd.s32 s26, s4  }
0x14: {  	s26 =	sshrl.u32 s9, $0x3;
	s22 =	simm.s32 $0x200;
	s9 =	simm.s32 $0x700  }
.Ltmp0:
0x15: {  	s8 =	sadd.s32 s5, s8;
	[dreg:$0x8] =	wrdreg s25;
	(pc) =	sbr.rel .LBB2_1-.Ltmp0, $4  }
0x16: {  	[dreg:$0x7] =	wrdreg s0;
	s0 =	sadd.s32 s16, s0;
	s11 =	smov.u32 s26  }
0x17: {  	s26 =	simm.s32 $0x4;
	s5 =	simm.s32 $0x600;
	[dreg:$0x6] =	wrdreg s8  }
0x18: {  	s25 =	simm.s32 $0x780;
	s16 =	simm.s32 $0x0;
	[dreg:$0xb] =	wrdreg s0  }
0x19: {  	s0 =	simm.s32 $0x480;
	s8 =	simm.s32 $0x680;
	[dreg:$0xa] =	wrdreg s11  }
.LBB2_4:
0x1a: {  	_ =	swait.ge [sflag:s21], $0x4000  }
0x1b: {  	[sflag:s21] =	ssyncset.done $0x0  }
0x1c: {  	[sflag:s21] =	ssyncadd.s32 $0xFFFFC000  }
0x1d: {  	_ =	swait.ge [sflag:s23], $0x4000  }
0x1e: {  	[sflag:s23] =	ssyncset.done $0x0  }
0x1f: {  	[sflag:s23] =	ssyncadd.s32 $0xFFFFC000  }
0x20: {  	[spmem:s1] =	stream.indirect.scatter.add.f32 [tilespmem:s18], [sflag:$0x4], $0x80, s25, s14, $0xb8;
	[tilespmem:$0x1C0C0] =	vst v63  }
0x21: {  	_ =	swait.ge [sflag:s26], $0x4000  }
0x22: {  	[sflag:s26] =	ssyncset.done $0x0  }
0x23: {  	[sflag:s26] =	ssyncadd.s32 $0xFFFFC000  }
0x24: {  	[bflag:$0x0] =	sbarrier.arrive $0xFFFF  }
0x25: {  	s4 =	rddreg [dreg:$0x4]  }
0x26: {  	s11 =	rddreg [dreg:$0xa]  }
0x27: {  	s6 =	rddreg [dreg:$0xb];
	s4 =	sor.u32 $0x1C06, s4  }
0x28: {  	[hbm:s6], [sflag:s4] =	dma.local [spmem:s11], $0x2700  }
0x29: {  	_ =	swait.ge [sflag:s13], $0x2700  }
0x2a: {  	[sflag:s13] =	ssyncset.done $0x0;
	s6 =	rddreg [dreg:$0x7]  }
0x2b: {  	s12 =	rddreg [dreg:$0x9];
	[sflag:s13] =	ssyncadd.s32 $0xFFFFD900;
	s6 =	sadd.s32 @!p0 $0x27000, s6  }
0x2c: {  	[hbm:s6], [sflag:s4] =	dma.local @!p0 [spmem:s12], $0x100  }
0x2d: {  	s4 =	simm.s32 @!p0 $0x6  }
0x2e: {  	_ =	swait.ge @!p0 [sflag:s4], $0x100  }
0x2f: {  	s16 =	sadd.s32 $0x1, s16;
	s6 =	rddreg [dreg:$0x8]  }
0x30: {  	p1 =	sne.s32 s16, s6  }
.Ltmp1:
0x31: {  	_ = 	snop;
	(pc) =	sbr.rel @!p1 .LBB2_5-.Ltmp1, $3  }
0x32: {  	_ =	sdelay $0x1  }
0x33: {  	[sflag:s4] =	ssyncset.done @!p0 $0x0  }
0x34: {  	[sflag:s4] =	ssyncadd.s32 @!p0 $0xFFFFFF00  }
.LBB2_1:
0x35: {  	s4 =	rddreg [dreg:$0x3]  }
0x36: {  	s6 =	rddreg [dreg:$0x5]  }
0x37: {  	[spmem:s11], [sflag:s6] =	dma.local [hbm:s4], $0x2700  }
0x38: {  	[spmem:s12], [sflag:s6] =	dma.local @!p0 [hbm:s4], $0x100  }
0x39: {  	s4 =	rddreg [dreg:$0x6]  }
0x3a: {  	[tilespmem:s2], [sflag:$0x6] =	stream.linear.gather [hbm4b:s4+s2], $0x400, $0x38;
	[tilespmem:$0x1C0C0] =	vst v63  }
0x3b: {  	_ =	swait.ge [sflag:s13], $0x400  }
0x3c: {  	[sflag:s13] =	ssyncset.done $0x0  }
0x3d: {  	s12 =	simm.s32 $0x5;
	[sflag:s13] =	ssyncadd.s32 $0xFFFFFC00  }
0x3e: {  	[tilespmem:s15], [sflag:$0x1] =	stream.indirect.gather [hbm4b:s3+s14], $0x80, s2, s14, $0xb8;
	[tilespmem:$0x1C0C0] =	vst v63  }
0x3f: {  	_ =	swait.ge [sflag:s12], $0x2700  }
0x40: {  	[sflag:s12] =	ssyncset.done $0x0  }
0x41: {  	s4 =	simm.s32 @!p0 $0x5;
	[sflag:s12] =	ssyncadd.s32 $0xFFFFD900  }
0x42: {  	_ =	swait.ge @!p0 [sflag:s4], $0x100  }
0x43: {  	[sflag:s4] =	ssyncset.done @!p0 $0x0  }
0x44: {  	[sflag:s4] =	ssyncadd.s32 @!p0 $0xFFFFFF00  }
0x45: {  	s4 =	simm.s32 $0x0;
	[bflag:$0x0] =	sbarrier.arrive $0xFFFF  }
.LBB2_2:
0x46: {  	p1 =	seq.s32 s4, $0x0  }
0x47: {  	s6 =	simm.s32 @!p1 $0x4  }
0x48: {  	_ =	swait.ge @!p1 [sflag:s6], $0x4000  }
0x49: {  	[sflag:s6] =	ssyncset.done @!p1 $0x0  }
0x4a: {  	[sflag:s6] =	ssyncadd.s32 @!p1 $0xFFFFC000  }
0x4b: {  	[tilespmem:s18], [sflag:$0x2] =	stream.indirect.gather [hbm4b:s3+s14], $0x80, s17, s14, $0xb8;
	[tilespmem:$0x1C0C0] =	vst v63  }
0x4c: {  	_ =	swait.ge [sflag:s19], $0x4000  }
0x4d: {  	[sflag:s19] =	ssyncset.done $0x0  }
0x4e: {  	s6 =	sadd.s32 s4, s10;
	[sflag:s19] =	ssyncadd.s32 $0xFFFFC000  }
0x4f: {  	[spmem:s1] =	stream.indirect.scatter.add.f32 [tilespmem:s15], [sflag:$0x3], $0x80, s14, s14, $0xb8;
	[tilespmem:$0x1C0C0] =	vst v63  }
0x50: {  	s11 =	sadd.s32 $0x80, s6  }
0x51: {  	[tilespmem:s20], [sflag:$0x6] =	stream.linear.gather [hbm4b:s11+s2], $0x400, $0x38;
	[tilespmem:$0x1C0C0] =	vst v63  }
0x52: {  	_ =	swait.ge [sflag:s13], $0x400  }
0x53: {  	[sflag:s13] =	ssyncset.done $0x0  }
0x54: {  	[sflag:s13] =	ssyncadd.s32 $0xFFFFFC00  }
0x55: {  	_ =	swait.ge [sflag:s21], $0x4000  }
0x56: {  	[sflag:s21] =	ssyncset.done $0x0  }
0x57: {  	[sflag:s21] =	ssyncadd.s32 $0xFFFFC000  }
0x58: {  	[tilespmem:s15], [sflag:$0x1] =	stream.indirect.gather [hbm4b:s3+s14], $0x80, s22, s14, $0xb8;
	[tilespmem:$0x1C0C0] =	vst v63  }
0x59: {  	_ =	swait.ge [sflag:s23], $0x4000  }
0x5a: {  	[sflag:s23] =	ssyncset.done $0x0  }
0x5b: {  	[sflag:s23] =	ssyncadd.s32 $0xFFFFC000  }
0x5c: {  	[spmem:s1] =	stream.indirect.scatter.add.f32 [tilespmem:s18], [sflag:$0x4], $0x80, s24, s14, $0xb8;
	[tilespmem:$0x1C0C0] =	vst v63  }
0x5d: {  	_ =	swait.ge [sflag:s26], $0x4000  }
0x5e: {  	[sflag:s26] =	ssyncset.done $0x0  }
0x5f: {  	[sflag:s26] =	ssyncadd.s32 $0xFFFFC000  }
0x60: {  	[tilespmem:s18], [sflag:$0x2] =	stream.indirect.gather [hbm4b:s3+s14], $0x80, s28, s14, $0xb8;
	[tilespmem:$0x1C0C0] =	vst v63  }
0x61: {  	_ =	swait.ge [sflag:s19], $0x4000  }
0x62: {  	[sflag:s19] =	ssyncset.done $0x0  }
0x63: {  	[sflag:s19] =	ssyncadd.s32 $0xFFFFC000  }
0x64: {  	[spmem:s1] =	stream.indirect.scatter.add.f32 [tilespmem:s15], [sflag:$0x3], $0x80, s29, s14, $0xb8;
	[tilespmem:$0x1C0C0] =	vst v63  }
0x65: {  	_ =	swait.ge [sflag:s21], $0x4000  }
0x66: {  	[sflag:s21] =	ssyncset.done $0x0  }
0x67: {  	[sflag:s21] =	ssyncadd.s32 $0xFFFFC000  }
0x68: {  	[tilespmem:s15], [sflag:$0x1] =	stream.indirect.gather [hbm4b:s3+s14], $0x80, s20, s14, $0xb8;
	[tilespmem:$0x1C0C0] =	vst v63  }
0x69: {  	_ =	swait.ge [sflag:s23], $0x4000  }
0x6a: {  	[sflag:s23] =	ssyncset.done $0x0  }
0x6b: {  	[sflag:s23] =	ssyncadd.s32 $0xFFFFC000  }
0x6c: {  	[spmem:s1] =	stream.indirect.scatter.add.f32 [tilespmem:s18], [sflag:$0x4], $0x80, s30, s14, $0xb8;
	[tilespmem:$0x1C0C0] =	vst v63  }
0x6d: {  	_ =	swait.ge [sflag:s26], $0x4000  }
0x6e: {  	[sflag:s26] =	ssyncset.done $0x0  }
0x6f: {  	[sflag:s26] =	ssyncadd.s32 $0xFFFFC000  }
0x70: {  	[tilespmem:s18], [sflag:$0x2] =	stream.indirect.gather [hbm4b:s3+s14], $0x80, s31, s14, $0xb8;
	[tilespmem:$0x1C0C0] =	vst v63  }
0x71: {  	_ =	swait.ge [sflag:s19], $0x4000  }
0x72: {  	[sflag:s19] =	ssyncset.done $0x0  }
0x73: {  	[sflag:s19] =	ssyncadd.s32 $0xFFFFC000  }
0x74: {  	[spmem:s1] =	stream.indirect.scatter.add.f32 [tilespmem:s15], [sflag:$0x3], $0x80, s0, s14, $0xb8;
	[tilespmem:$0x1C0C0] =	vst v63  }
0x75: {  	_ =	swait.ge [sflag:s21], $0x4000  }
0x76: {  	[sflag:s21] =	ssyncset.done $0x0  }
0x77: {  	[sflag:s21] =	ssyncadd.s32 $0xFFFFC000  }
0x78: {  	[tilespmem:s15], [sflag:$0x1] =	stream.indirect.gather [hbm4b:s3+s14], $0x80, s5, s14, $0xb8;
	[tilespmem:$0x1C0C0] =	vst v63  }
0x79: {  	_ =	swait.ge [sflag:s23], $0x4000  }
0x7a: {  	[sflag:s23] =	ssyncset.done $0x0  }
0x7b: {  	[sflag:s23] =	ssyncadd.s32 $0xFFFFC000  }
0x7c: {  	[spmem:s1] =	stream.indirect.scatter.add.f32 [tilespmem:s18], [sflag:$0x4], $0x80, s7, s14, $0xb8;
	[tilespmem:$0x1C0C0] =	vst v63  }
0x7d: {  	_ =	swait.ge [sflag:s26], $0x4000  }
0x7e: {  	[sflag:s26] =	ssyncset.done $0x0  }
0x7f: {  	p1 =	seq.s32 s4, $0x900;
	[sflag:s26] =	ssyncadd.s32 $0xFFFFC000  }
0x80: {  	[tilespmem:s18], [sflag:$0x2] =	stream.indirect.gather [hbm4b:s3+s14], $0x80, s9, s14, $0xb8;
	[tilespmem:$0x1C0C0] =	vst v63  }
.Ltmp2:
0x81: {  	_ = 	snop;
	(pc) =	sbr.rel @p1 .LBB2_4-.Ltmp2, $4  }
0x82: {  	_ =	swait.ge [sflag:s19], $0x4000  }
0x83: {  	[sflag:s19] =	ssyncset.done $0x0  }
0x84: {  	[sflag:s19] =	ssyncadd.s32 $0xFFFFC000  }
0x85: {  	[spmem:s1] =	stream.indirect.scatter.add.f32 [tilespmem:s15], [sflag:$0x3], $0x80, s8, s14, $0xb8;
	[tilespmem:$0x1C0C0] =	vst v63  }
0x86: {  	s6 =	sadd.s32 $0x100, s6  }
0x87: {  	[tilespmem:s2], [sflag:$0x6] =	stream.linear.gather [hbm4b:s6+s2], $0x400, $0x38;
	[tilespmem:$0x1C0C0] =	vst v63  }
0x88: {  	_ =	swait.ge [sflag:s13], $0x400  }
0x89: {  	[sflag:s13] =	ssyncset.done $0x0  }
0x8a: {  	[sflag:s13] =	ssyncadd.s32 $0xFFFFFC00  }
0x8b: {  	_ =	swait.ge [sflag:s21], $0x4000  }
0x8c: {  	[sflag:s21] =	ssyncset.done $0x0  }
0x8d: {  	[sflag:s21] =	ssyncadd.s32 $0xFFFFC000  }
0x8e: {  	[tilespmem:s15], [sflag:$0x1] =	stream.indirect.gather [hbm4b:s3+s14], $0x80, s2, s14, $0xb8;
	[tilespmem:$0x1C0C0] =	vst v63  }
.Ltmp3:
0x8f: {  	_ = 	snop;
	(pc) =	sbr.rel .LBB2_2-.Ltmp3, $4  }
0x90: {  	_ =	swait.ge [sflag:s23], $0x4000  }
0x91: {  	[sflag:s23] =	ssyncset.done $0x0  }
0x92: {  	s4 =	sadd.s32 $0x100, s4;
	[sflag:s23] =	ssyncadd.s32 $0xFFFFC000  }
0x93: {  	[spmem:s1] =	stream.indirect.scatter.add.f32 [tilespmem:s18], [sflag:$0x4], $0x80, s25, s14, $0xb8;
	[tilespmem:$0x1C0C0] =	vst v63  }
.LBB2_5:
0x94: {  	_ =	sfence.sel $0x180000  }
0x95: {  	[bflag:$0x0] =	sbarrier.arrive $0xFFFF  }
0x96: {  	_ =	strace $0x9000004A  }
0x97: {  	[bflag:$0x2] =	sbarrier.arrive $0xFFFF  }
0x98: {  	s0 =	rddreg [dreg:$0x2]  }
0x99: {  	s0 =	sadd.s32 @!p0 $0x100000, s0  }
0x9a: {  	[sflag:s0] =	ssyncadd.tile.s32 @!p0 $0x1;
	_ =	shalt  }
.Lfunc_end2:
_tile_overlayer_lowered:
.L_overlay_start_2:
0x9b: {  	(tag) =	ssettag $0x2  }
0x9c: {  	s0 =	rddreg [dreg:$0x0];
	s2 =	stileid.u32  }
0x9d: {  	s1 =	rddreg [dreg:$0x1];
	p0 =	sne.s32 s2, $0x0  }
0x9e: {  	s3 =	rddreg [dreg:$0x2];
	[bflag:$0x3] =	sbarrier.arrive $0xFFFF;
	s2 =	simm.s32 @!p0 $0x1C06  }
0x9f: {  	[timem:s3], [sflag:s2] =	dma.local @!p0 [hbm:s0], s1  }
0xa0: {  	s0 =	simm.s32 @!p0 $0x6  }
0xa1: {  	_ =	swait.ge @!p0 [sflag:s0], s1  }
0xa2: {  	s1 =	ssub.s32 @!p0 $0x0, s1;
	[sflag:s0] =	ssyncset.done @!p0 $0x0  }
0xa3: {  	[sflag:s0] =	ssyncadd.s32 @!p0 s1  }
0xa4: {  	[bflag:$0x3] =	sbarrier.arrive $0xFFFF  }
0xa5: {  	_ =	shalt  }

// kernel: kernel.19.cloned.1.call-start
scs
__scs_entry_jumppad:
0x0: {  	(pc) =	sbr.rel $0x88, $3  }
0x1: {  	(tag) =	ssettag $0x0;
	lr =	simm.s32 $0x1  }
0x2: {  	[smem:$0x3F96] =	sst lr;
	_ =	strace $0xD0000000  }
0x3: {  	_ = 	snop  }
0x4: {  	_ = 	snop  }
0x5: {  	_ = 	snop  }
0x6: {  	_ = 	snop  }
0x7: {  	_ = 	snop  }
__scs_overlays_trampoline_lowered:
0x8: {  	[smem:$0x3FA5] =	sst s0  }
0x9: {  	[smem:$0x3FA6] =	sst s1  }
0xa: {  	[smem:$0x3FA7] =	sst s2  }
0xb: {  	[smem:$0x3FA8] =	sst s3  }
0xc: {  	[smem:$0x3FA9] =	sst s4  }
0xd: {  	[smem:$0x3FAA] =	sst s5  }
0xe: {  	[smem:$0x3FAB] =	sst s6  }
0xf: {  	[smem:$0x3FAC] =	sst s7  }
0x10: {  	[smem:$0x3FAD] =	sst s8  }
0x11: {  	[smem:$0x3FAE] =	sst s9;
	s0 =	simm.s32 @!p0 $0x0  }
0x12: {  	s1 =	sld [smem:$0x3F94];
	s0 =	simm.s32 @p0 $0x1  }
0x13: {  	[smem:$0x3FAF] =	sst s0;
	s0 =	simm.s32 @!p1 $0x0  }
0x14: {  	s2 =	sld [smem:$0x3F93];
	s0 =	simm.s32 @p1 $0x1  }
0x15: {  	[smem:$0x3FB0] =	sst s0;
	s0 =	simm.s32 @!p2 $0x0  }
0x16: {  	s3 =	sld [smem:$0x3FDB];
	s0 =	simm.s32 @p2 $0x1  }
0x17: {  	s4 =	simm.s32 $0x1BF5;
	[smem:$0x3FB2] =	sst s0  }
0x18: {  	s0 =	sld [smem:$0x3F95];
	_ =	swait.ge [sflag:s4], $0x0  }
0x19: {  	s7 =	sld [smem:$0x3F96]  }
0x1a: {  	s8 =	sadd.s32 $0xFFFFE003, lr  }
0x1b: {  	s9 =	sadd.s32 $0xFFFFFEF7, lr;
	s5 =	simm.s32 $0xFFFFFFFF;
	p2 =	slt.u32 s8, $0xFFFFF086  }
0x1c: {  	p1 =	slt.u32 s9, $0xF7A;
	s5 =	simm.s32 @!p2 $0x0  }
0x1d: {  	s5 =	simm.s32 @p1 $0x1;
	p0 =	seq.s32 s7, s2  }
0x1e: {  	s7 =	smul.u32 @!p0 $0xF7A, s2;
	p2 =	seq.s32 @!p0 s5, $0x0  }
0x1f: {  	s9 =	smul.u32 $0xF7A, s1;
	s8 =	simm.s32 @!p0 $0x1BF5;
	p2 =	por !p2, p0  }
0x20: {  	[sflag:s8] =	ssyncset.s32 @!p0 $0xFFFFF086;
	s6 =	sadd.s32 @!p0 s3, s7;
	s7 =	simm.s32 @!p0 $0x108  }
0x21: {  	s3 =	sadd.s32 s3, s9;
	s6 =	sadd.s32 @!p0 $0x88, s6;
	s7 =	simm.s32 @p2 $0x1082  }
0x22: {  	[simem:s7], [sflag:s8] =	dma.local @!p0 [hbm:s6], $0xF7A  }
0x23: {  	s9 =	sor.u32 $0xD0000000, s2;
	s6 =	simm.s32 $0x108;
	_ =	swait.ge @!p0 [sflag:s8], $0x0  }
0x24: {  	s3 =	sadd.s32 $0x88, s3;
	s6 =	simm.s32 @!p1 $0x1082;
	[sflag:s4] =	ssyncset.s32 $0xFFFFF086  }
0x25: {  	[simem:s6], [sflag:s4] =	dma.local [hbm:s3], $0xF7A  }
0x26: {  	[smem:$0x3F96] =	sst s1;
	(tag) =	ssettag s2;
	_ =	strace s9  }
0x27: {  	s1 =	sld [smem:$0x3FA6]  }
0x28: {  	s2 =	sld [smem:$0x3FA7]  }
0x29: {  	s4 =	sld [smem:$0x3FA9]  }
0x2a: {  	p0 =	seq.s32 s5, $0x0;
	s5 =	sld [smem:$0x3FAA]  }
0x2b: {  	s6 =	sld [smem:$0x3FAB]  }
0x2c: {  	s7 =	sld [smem:$0x3FAC]  }
0x2d: {  	s3 =	simm.s32 $0x108;
	s8 =	sld [smem:$0x3FAD]  }
0x2e: {  	s3 =	simm.s32 @!p0 $0x1082;
	s9 =	sld [smem:$0x3FAE]  }
0x2f: {  	lr =	sadd.s32 s0, s3;
	s0 =	sld [smem:$0x3FA5]  }
0x30: {  	s3 =	sld [smem:$0x3FA8]  }
0x31: {  	[smem:$0x3FB1] =	sst s10  }
0x32: {  	s10 =	sld [smem:$0x3FAF];
	_ =	sdelay $0x3  }
0x33: {  	p0 =	seq.s32 s10, $0x1;
	s10 =	sld [smem:$0x3FB1];
	_ =	sdelay $0x3  }
0x34: {  	[smem:$0x3FB1] =	sst s10  }
0x35: {  	s10 =	sld [smem:$0x3FB0];
	_ =	sdelay $0x3  }
0x36: {  	p1 =	seq.s32 s10, $0x1;
	s10 =	sld [smem:$0x3FB1];
	_ =	sdelay $0x3  }
0x37: {  	[smem:$0x3FB1] =	sst s10  }
0x38: {  	s10 =	sld [smem:$0x3FB2]  }
0x39: {  	_ = 	snop;
	(pc) =	sbr.ind lr, $3  }
0x3a: {  	_ = 	snop  }
0x3b: {  	_ = 	snop  }
0x3c: {  	p2 =	seq.s32 s10, $0x1;
	s10 =	sld [smem:$0x3FB1]  }
0x3d: {  	_ =	shalt  }
0x3e: {  	_ =	shalt  }
0x3f: {  	_ =	shalt  }
0x40: {  	_ =	shalt  }
0x41: {  	_ =	shalt  }
0x42: {  	_ =	shalt  }
0x43: {  	_ =	shalt  }
0x44: {  	_ =	shalt  }
0x45: {  	_ =	shalt  }
0x46: {  	_ =	shalt  }
0x47: {  	_ =	shalt  }
0x48: {  	_ =	shalt  }
0x49: {  	_ =	shalt  }
0x4a: {  	_ =	shalt  }
0x4b: {  	_ =	shalt  }
0x4c: {  	_ =	shalt  }
0x4d: {  	_ =	shalt  }
0x4e: {  	_ =	shalt  }
0x4f: {  	_ =	shalt  }
0x50: {  	_ =	shalt  }
0x51: {  	_ =	shalt  }
0x52: {  	_ =	shalt  }
0x53: {  	_ =	shalt  }
0x54: {  	_ =	shalt  }
0x55: {  	_ =	shalt  }
0x56: {  	_ =	shalt  }
0x57: {  	_ =	shalt  }
0x58: {  	_ =	shalt  }
0x59: {  	_ =	shalt  }
0x5a: {  	_ =	shalt  }
0x5b: {  	_ =	shalt  }
0x5c: {  	_ =	shalt  }
0x5d: {  	_ =	shalt  }
0x5e: {  	_ =	shalt  }
0x5f: {  	_ =	shalt  }
0x60: {  	_ =	shalt  }
0x61: {  	_ =	shalt  }
0x62: {  	_ =	shalt  }
0x63: {  	_ =	shalt  }
0x64: {  	_ =	shalt  }
0x65: {  	_ =	shalt  }
0x66: {  	_ =	shalt  }
0x67: {  	_ =	shalt  }
0x68: {  	_ =	shalt  }
0x69: {  	_ =	shalt  }
0x6a: {  	_ =	shalt  }
0x6b: {  	_ =	shalt  }
0x6c: {  	_ =	shalt  }
0x6d: {  	_ =	shalt  }
0x6e: {  	_ =	shalt  }
0x6f: {  	_ =	shalt  }
0x70: {  	_ =	shalt  }
0x71: {  	_ =	shalt  }
0x72: {  	_ =	shalt  }
0x73: {  	_ =	shalt  }
0x74: {  	_ =	shalt  }
0x75: {  	_ =	shalt  }
0x76: {  	_ =	shalt  }
0x77: {  	_ =	shalt  }
0x78: {  	_ =	shalt  }
0x79: {  	_ =	shalt  }
0x7a: {  	_ =	shalt  }
0x7b: {  	_ =	shalt  }
0x7c: {  	_ =	shalt  }
0x7d: {  	_ =	shalt  }
0x7e: {  	_ =	shalt  }
0x7f: {  	_ =	shalt  }
0x80: {  	_ =	shalt  }
0x81: {  	_ =	shalt  }
0x82: {  	_ =	shalt  }
0x83: {  	_ =	shalt  }
0x84: {  	_ =	shalt  }
0x85: {  	_ =	shalt  }
0x86: {  	_ =	shalt  }
0x87: {  	_ =	shalt  }
.Lfunc_end0:
.L_simem_size_0:
called_computation.2_lowered:
.L_overlay_start_0:
0x88: {  	s2 =	sld [smem:$0x3FD9]  }
0x89: {  	s3 =	sld [smem:$0x3FFE];
	_ =	sdelay $0x1  }
0x8a: {  	s1 =	srdreg.scid  }
0x8b: {  	s0 =	sand.u32 $0x1, s1  }
0x8c: {  	s16 =	sshll.u32 s0, $0xA;
	s2 =	sadd.s32 s3, s2  }
0x8d: {  	s2 =	sadd.s32 s2, s16  }
0x8e: {  	[smem:$0x3FBD] =	sst s2  }
0x8f: {  	_ = 	snop  }
0x90: {  	(tm) =	ssettm $0x1  }
0x91: {  	s17 =	sld [smem:$0x3FFB];
	_ =	sdelay $0x3  }
0x92: {  	_ =	strace s17  }
0x93: {  	s2 =	sld [smem:$0x3FFC];
	_ =	sdelay $0x3  }
0x94: {  	_ =	strace s2  }
0x95: {  	s2 =	sld [smem:$0x3FFD];
	_ =	sdelay $0x3  }
0x96: {  	_ =	strace s2  }
0x97: {  	_ =	strace $0x8FFFFFFF  }
0x98: {  	s18 =	sld [smem:$0x3FDB];
	_ =	sdelay $0x1  }
0x99: {  	s19 =	simm.s32 $_scs_section_size  }
0x9a: {  	s4 =	simm.s32 $_size__tile_overlayer_lowered;
	s5 =	simm.s32 $_tile_overlayer_lowered  }
0x9b: {  	s22 =	simm.s32 $0x1BFF;
	s21 =	sshll.u32 s5, $0x1;
	s2 =	sadd.s32 s19, s18  }
0x9c: {  	s6 =	simm.s32 $0x0;
	s20 =	sshll.u32 s4, $0x1;
	s4 =	sadd.s32 s21, s2  }
0x9d: {  	[timem:s6], [sflag:s22] =	dma.local [hbm:s4], s20  }
0x9e: {  	_ =	swait.ge [sflag:s22], s20  }
0x9f: {  	s3 =	ssub.s32 $0x0, s20;
	[sflag:s22] =	ssyncset.done $0x0  }
0xa0: {  	[sflag:s22] =	ssyncadd.s32 s3;
	_ =	sdelay $0x1  }
0xa1: {  	s23 =	simm.s32 $0x1B8B  }
0xa2: {  	_ =	swait.ge [sflag:s23], $0x1  }
0xa3: {  	[sflag:s23] =	ssyncset.done $0x0  }
0xa4: {  	s25 =	simm.s32 $0x1B8E;
	s24 =	sld [smem:$0x3FFE];
	[sflag:s23] =	ssyncadd.s32 $0xFFFFFFFF  }
0xa5: {  	s26 =	simm.s32 $execute0_lowered;
	[smem:$0x3FD2] =	sst s25  }
0xa6: {  	s4 =	sshll.u32 s26, $0x1;
	_ =	strace $0x8000004C;
	[dreg:$0x1] =	wrdreg $0xFFFFFFFF  }
0xa7: {  	s28 =	simm.s32 $_size_execute0_lowered;
	s2 =	sadd.s32 s2, s4;
	[dreg:$0x0] =	wrdreg $0x0  }
0xa8: {  	s4 =	sshll.u32 s28, $0x1;
	[dreg:$0x2] =	wrdreg s2  }
0xa9: {  	[dreg:$0x3] =	wrdreg s4  }
0xaa: {  	[dreg:$0x4] =	wrdreg $0xC0  }
0xab: {  	_ =	task [dreg:s6], $0x5FFFF  }
0xac: {  	[dreg:$0x1] =	wrdreg $0xFFFFFFFF  }
0xad: {  	[dreg:$0x0] =	wrdreg $0x60  }
0xae: {  	[dreg:$0x2] =	wrdreg s24  }
0xaf: {  	[dreg:$0x3] =	wrdreg $0x88000  }
0xb0: {  	[dreg:$0x4] =	wrdreg $0x9  }
0xb1: {  	_ =	task.clear_ibuf [dreg:s6], $0x5FFFF;
	_ =	strace $0x9000004C  }
0xb2: {  	s29 =	simm.s32 $0x9;
	_ =	strace $0x8000004E  }
0xb3: {  	_ =	swait.ge [sflag:s29], $0x1  }
0xb4: {  	[sflag:s29] =	ssyncadd.s32 $0xFFFFFFFF  }
0xb5: {  	_ =	strace $0x9000004E  }
0xb6: {  	_ =	sfence  }
0xb7: {  	s30 =	sld [smem:$0x0];
	_ =	sdelay $0x2  }
0xb8: {  	s31 =	sshll.u32 s1, $0xD;
	s1 =	sshrl.u32 s1, $0x2  }
0xb9: {  	s3 =	sand.u32 $0x4000, s31;
	s1 =	sadd.s32 s1, s30  }
0xba: {  	s0 =	sor.u32 s3, s0;
	s1 =	sshll.u32 s1, $0x11  }
0xbb: {  	s0 =	sor.u32 s1, s0  }
0xbc: {  	s0 =	sadd.s32 $0x8F2B, s0  }
0xbd: {  	[sflag:s0] =	ssyncadd.remote.s32 $0x1  }
0xbe: {  	_ =	sfence.sel $0xFFFF  }
0xbf: {  	[dreg:$0x0] =	wrdreg $0xFFFFFFFF;
	(pc) =	sbr.abs _section_cstart, $3  }
0xc0: {  	[dreg:$0x1] =	wrdreg $0xFFFFFFFF  }
0xc1: {  	_ =	task.clear_ibuf [dreg:s6], $0x2FFFF;
	_ =	strace $0x9FFFFFFF  }
0xc2: {  	(tm) =	ssettm $0x7FFFFFFF  }
0xc3: {  	_ =	shalt  }
tec
execute0_lowered:
.L_overlay_start_1:
0x0: {  	(tag) =	ssettag $0x1  }
0x1: {  	s0 =	rddreg [dreg:$0x0]  }
0x2: {  	s1 =	rddreg [dreg:$0x1]  }
0x3: {  	s2 =	simm.s32 $0x0;
	s4 =	srdreg.scid;
	s7 =	stileid.u32  }
0x4: {  	s13 =	simm.s32 $0x6;
	s14 =	simm.s32 $0x80;
	s15 =	simm.s32 $0x800  }
0x5: {  	s17 =	simm.s32 $0x100;
	s18 =	simm.s32 $0x4800;
	s19 =	simm.s32 $0x1  }
0x6: {  	s20 =	simm.s32 $0x400;
	s28 =	simm.s32 $0x300;
	s29 =	simm.s32 $0x280  }
0x7: {  	s30 =	simm.s32 $0x380;
	s31 =	simm.s32 $0x500;
	[smem:$0x7FF] =	sst s2  }
0x8: {  	s3 =	sadd.s32 $0xDD200, s0;
	s5 =	sadd.s32 $0x2A600, s0;
	s11 =	smul.u32 $0x4E000, s7  }
0x9: {  	s6 =	sadd.s32 $0x3E600, s0;
	s4 =	sand.u32 $0x1, s4;
	s26 =	smul.u32 $0xA00, s7  }
0xa: {  	s25 =	sshll.u32 s7, $0x6;
	s12 =	sadd.s32 $0x138000, s1;
	s16 =	smul.u32 $0x2700, s7  }
0xb: {  	p0 =	sne.s32 s7, $0x0;
	_ =	strace $0x8000004D;
	[dreg:$0x3] =	wrdreg s6  }
0xc: {  	s21 =	smul.u32 $0x27100, s4;
	s8 =	ssub.s32 $0x2, s4;
	s10 =	sshll.u32 s4, $0x4  }
0xd: {  	[dreg:$0x4] =	wrdreg s25;
	s4 =	smul.u32 $0xA000, s4;
	s12 =	sshrl.u32 @!p0 s12, $0x3  }
0xe: {  	s9 =	sshrl.u32 s8, $0x1;
	s23 =	sor.u32 s7, s10;
	s24 =	sshrl.u32 s11, $0x2  }
0xf: {  	s10 =	sor.u32 $0x1C05, s25;
	s7 =	simm.s32 $0x580;
	[dreg:$0x9] =	wrdreg s12  }
0x10: {  	s0 =	sadd.s32 s21, s0;
	s22 =	ssub.s32 s8, s9;
	s8 =	smul.u32 $0xA00, s23  }
0x11: {  	s9 =	sadd.s32 s24, s1;
	[dreg:$0x5] =	wrdreg s10;
	s4 =	sadd.s32 s4, s5  }
0x12: {  	s21 =	simm.s32 $0x3;
	s23 =	simm.s32 $0x2;
	s24 =	simm.s32 $0x180  }
0x13: {  	s0 =	sadd.s32 $0x40E00, s0;
	s25 =	smax.u32 s22, $0x1;
	s10 =	sadd.s32 s26, s4  }
0x14: {  	s26 =	sshrl.u32 s9, $0x3;
	s22 =	simm.s32 $0x200;
	s9 =	simm.s32 $0x700  }
.Ltmp0:
0x15: {  	s8 =	sadd.s32 s5, s8;
	[dreg:$0x8] =	wrdreg s25;
	(pc) =	sbr.rel .LBB2_1-.Ltmp0, $4  }
0x16: {  	[dreg:$0x7] =	wrdreg s0;
	s0 =	sadd.s32 s16, s0;
	s11 =	smov.u32 s26  }
0x17: {  	s26 =	simm.s32 $0x4;
	s5 =	simm.s32 $0x600;
	[dreg:$0x6] =	wrdreg s8  }
0x18: {  	s25 =	simm.s32 $0x780;
	s16 =	simm.s32 $0x0;
	[dreg:$0xb] =	wrdreg s0  }
0x19: {  	s0 =	simm.s32 $0x480;
	s8 =	simm.s32 $0x680;
	[dreg:$0xa] =	wrdreg s11  }
.LBB2_4:
0x1a: {  	_ =	swait.ge [sflag:s21], $0x4000  }
0x1b: {  	[sflag:s21] =	ssyncset.done $0x0  }
0x1c: {  	[sflag:s21] =	ssyncadd.s32 $0xFFFFC000  }
0x1d: {  	_ =	swait.ge [sflag:s23], $0x4000  }
0x1e: {  	[sflag:s23] =	ssyncset.done $0x0  }
0x1f: {  	[sflag:s23] =	ssyncadd.s32 $0xFFFFC000  }
0x20: {  	[spmem:s1] =	stream.indirect.scatter.add.f32 [tilespmem:s18], [sflag:$0x4], $0x80, s25, s14, $0xb8;
	[tilespmem:$0x1C0C0] =	vst v63  }
0x21: {  	_ =	swait.ge [sflag:s26], $0x4000  }
0x22: {  	[sflag:s26] =	ssyncset.done $0x0  }
0x23: {  	[sflag:s26] =	ssyncadd.s32 $0xFFFFC000  }
0x24: {  	[bflag:$0x0] =	sbarrier.arrive $0xFFFF  }
0x25: {  	s4 =	rddreg [dreg:$0x4]  }
0x26: {  	s11 =	rddreg [dreg:$0xa]  }
0x27: {  	s6 =	rddreg [dreg:$0xb];
	s4 =	sor.u32 $0x1C06, s4  }
0x28: {  	[hbm:s6], [sflag:s4] =	dma.local [spmem:s11], $0x2700  }
0x29: {  	_ =	swait.ge [sflag:s13], $0x2700  }
0x2a: {  	[sflag:s13] =	ssyncset.done $0x0;
	s6 =	rddreg [dreg:$0x7]  }
0x2b: {  	s12 =	rddreg [dreg:$0x9];
	[sflag:s13] =	ssyncadd.s32 $0xFFFFD900;
	s6 =	sadd.s32 @!p0 $0x27000, s6  }
0x2c: {  	[hbm:s6], [sflag:s4] =	dma.local @!p0 [spmem:s12], $0x100  }
0x2d: {  	s4 =	simm.s32 @!p0 $0x6  }
0x2e: {  	_ =	swait.ge @!p0 [sflag:s4], $0x100  }
0x2f: {  	s16 =	sadd.s32 $0x1, s16;
	s6 =	rddreg [dreg:$0x8]  }
0x30: {  	p1 =	sne.s32 s16, s6  }
.Ltmp1:
0x31: {  	_ = 	snop;
	(pc) =	sbr.rel @!p1 .LBB2_5-.Ltmp1, $3  }
0x32: {  	_ =	sdelay $0x1  }
0x33: {  	[sflag:s4] =	ssyncset.done @!p0 $0x0  }
0x34: {  	[sflag:s4] =	ssyncadd.s32 @!p0 $0xFFFFFF00  }
.LBB2_1:
0x35: {  	s4 =	rddreg [dreg:$0x3]  }
0x36: {  	s6 =	rddreg [dreg:$0x5]  }
0x37: {  	[spmem:s11], [sflag:s6] =	dma.local [hbm:s4], $0x2700  }
0x38: {  	[spmem:s12], [sflag:s6] =	dma.local @!p0 [hbm:s4], $0x100  }
0x39: {  	s4 =	rddreg [dreg:$0x6]  }
0x3a: {  	[tilespmem:s2], [sflag:$0x6] =	stream.linear.gather [hbm4b:s4+s2], $0x400, $0x38;
	[tilespmem:$0x1C0C0] =	vst v63  }
0x3b: {  	_ =	swait.ge [sflag:s13], $0x400  }
0x3c: {  	[sflag:s13] =	ssyncset.done $0x0  }
0x3d: {  	s12 =	simm.s32 $0x5;
	[sflag:s13] =	ssyncadd.s32 $0xFFFFFC00  }
0x3e: {  	[tilespmem:s15], [sflag:$0x1] =	stream.indirect.gather [hbm4b:s3+s14], $0x80, s2, s14, $0xb8;
	[tilespmem:$0x1C0C0] =	vst v63  }
0x3f: {  	_ =	swait.ge [sflag:s12], $0x2700  }
0x40: {  	[sflag:s12] =	ssyncset.done $0x0  }
0x41: {  	s4 =	simm.s32 @!p0 $0x5;
	[sflag:s12] =	ssyncadd.s32 $0xFFFFD900  }
0x42: {  	_ =	swait.ge @!p0 [sflag:s4], $0x100  }
0x43: {  	[sflag:s4] =	ssyncset.done @!p0 $0x0  }
0x44: {  	[sflag:s4] =	ssyncadd.s32 @!p0 $0xFFFFFF00  }
0x45: {  	s4 =	simm.s32 $0x0;
	[bflag:$0x0] =	sbarrier.arrive $0xFFFF  }
.LBB2_2:
0x46: {  	p1 =	seq.s32 s4, $0x0  }
0x47: {  	s6 =	simm.s32 @!p1 $0x4  }
0x48: {  	_ =	swait.ge @!p1 [sflag:s6], $0x4000  }
0x49: {  	[sflag:s6] =	ssyncset.done @!p1 $0x0  }
0x4a: {  	[sflag:s6] =	ssyncadd.s32 @!p1 $0xFFFFC000  }
0x4b: {  	[tilespmem:s18], [sflag:$0x2] =	stream.indirect.gather [hbm4b:s3+s14], $0x80, s17, s14, $0xb8;
	[tilespmem:$0x1C0C0] =	vst v63  }
0x4c: {  	_ =	swait.ge [sflag:s19], $0x4000  }
0x4d: {  	[sflag:s19] =	ssyncset.done $0x0  }
0x4e: {  	s6 =	sadd.s32 s4, s10;
	[sflag:s19] =	ssyncadd.s32 $0xFFFFC000  }
0x4f: {  	[spmem:s1] =	stream.indirect.scatter.add.f32 [tilespmem:s15], [sflag:$0x3], $0x80, s14, s14, $0xb8;
	[tilespmem:$0x1C0C0] =	vst v63  }
0x50: {  	s11 =	sadd.s32 $0x80, s6  }
0x51: {  	[tilespmem:s20], [sflag:$0x6] =	stream.linear.gather [hbm4b:s11+s2], $0x400, $0x38;
	[tilespmem:$0x1C0C0] =	vst v63  }
0x52: {  	_ =	swait.ge [sflag:s13], $0x400  }
0x53: {  	[sflag:s13] =	ssyncset.done $0x0  }
0x54: {  	[sflag:s13] =	ssyncadd.s32 $0xFFFFFC00  }
0x55: {  	_ =	swait.ge [sflag:s21], $0x4000  }
0x56: {  	[sflag:s21] =	ssyncset.done $0x0  }
0x57: {  	[sflag:s21] =	ssyncadd.s32 $0xFFFFC000  }
0x58: {  	[tilespmem:s15], [sflag:$0x1] =	stream.indirect.gather [hbm4b:s3+s14], $0x80, s22, s14, $0xb8;
	[tilespmem:$0x1C0C0] =	vst v63  }
0x59: {  	_ =	swait.ge [sflag:s23], $0x4000  }
0x5a: {  	[sflag:s23] =	ssyncset.done $0x0  }
0x5b: {  	[sflag:s23] =	ssyncadd.s32 $0xFFFFC000  }
0x5c: {  	[spmem:s1] =	stream.indirect.scatter.add.f32 [tilespmem:s18], [sflag:$0x4], $0x80, s24, s14, $0xb8;
	[tilespmem:$0x1C0C0] =	vst v63  }
0x5d: {  	_ =	swait.ge [sflag:s26], $0x4000  }
0x5e: {  	[sflag:s26] =	ssyncset.done $0x0  }
0x5f: {  	[sflag:s26] =	ssyncadd.s32 $0xFFFFC000  }
0x60: {  	[tilespmem:s18], [sflag:$0x2] =	stream.indirect.gather [hbm4b:s3+s14], $0x80, s28, s14, $0xb8;
	[tilespmem:$0x1C0C0] =	vst v63  }
0x61: {  	_ =	swait.ge [sflag:s19], $0x4000  }
0x62: {  	[sflag:s19] =	ssyncset.done $0x0  }
0x63: {  	[sflag:s19] =	ssyncadd.s32 $0xFFFFC000  }
0x64: {  	[spmem:s1] =	stream.indirect.scatter.add.f32 [tilespmem:s15], [sflag:$0x3], $0x80, s29, s14, $0xb8;
	[tilespmem:$0x1C0C0] =	vst v63  }
0x65: {  	_ =	swait.ge [sflag:s21], $0x4000  }
0x66: {  	[sflag:s21] =	ssyncset.done $0x0  }
0x67: {  	[sflag:s21] =	ssyncadd.s32 $0xFFFFC000  }
0x68: {  	[tilespmem:s15], [sflag:$0x1] =	stream.indirect.gather [hbm4b:s3+s14], $0x80, s20, s14, $0xb8;
	[tilespmem:$0x1C0C0] =	vst v63  }
0x69: {  	_ =	swait.ge [sflag:s23], $0x4000  }
0x6a: {  	[sflag:s23] =	ssyncset.done $0x0  }
0x6b: {  	[sflag:s23] =	ssyncadd.s32 $0xFFFFC000  }
0x6c: {  	[spmem:s1] =	stream.indirect.scatter.add.f32 [tilespmem:s18], [sflag:$0x4], $0x80, s30, s14, $0xb8;
	[tilespmem:$0x1C0C0] =	vst v63  }
0x6d: {  	_ =	swait.ge [sflag:s26], $0x4000  }
0x6e: {  	[sflag:s26] =	ssyncset.done $0x0  }
0x6f: {  	[sflag:s26] =	ssyncadd.s32 $0xFFFFC000  }
0x70: {  	[tilespmem:s18], [sflag:$0x2] =	stream.indirect.gather [hbm4b:s3+s14], $0x80, s31, s14, $0xb8;
	[tilespmem:$0x1C0C0] =	vst v63  }
0x71: {  	_ =	swait.ge [sflag:s19], $0x4000  }
0x72: {  	[sflag:s19] =	ssyncset.done $0x0  }
0x73: {  	[sflag:s19] =	ssyncadd.s32 $0xFFFFC000  }
0x74: {  	[spmem:s1] =	stream.indirect.scatter.add.f32 [tilespmem:s15], [sflag:$0x3], $0x80, s0, s14, $0xb8;
	[tilespmem:$0x1C0C0] =	vst v63  }
0x75: {  	_ =	swait.ge [sflag:s21], $0x4000  }
0x76: {  	[sflag:s21] =	ssyncset.done $0x0  }
0x77: {  	[sflag:s21] =	ssyncadd.s32 $0xFFFFC000  }
0x78: {  	[tilespmem:s15], [sflag:$0x1] =	stream.indirect.gather [hbm4b:s3+s14], $0x80, s5, s14, $0xb8;
	[tilespmem:$0x1C0C0] =	vst v63  }
0x79: {  	_ =	swait.ge [sflag:s23], $0x4000  }
0x7a: {  	[sflag:s23] =	ssyncset.done $0x0  }
0x7b: {  	[sflag:s23] =	ssyncadd.s32 $0xFFFFC000  }
0x7c: {  	[spmem:s1] =	stream.indirect.scatter.add.f32 [tilespmem:s18], [sflag:$0x4], $0x80, s7, s14, $0xb8;
	[tilespmem:$0x1C0C0] =	vst v63  }
0x7d: {  	_ =	swait.ge [sflag:s26], $0x4000  }
0x7e: {  	[sflag:s26] =	ssyncset.done $0x0  }
0x7f: {  	p1 =	seq.s32 s4, $0x900;
	[sflag:s26] =	ssyncadd.s32 $0xFFFFC000  }
0x80: {  	[tilespmem:s18], [sflag:$0x2] =	stream.indirect.gather [hbm4b:s3+s14], $0x80, s9, s14, $0xb8;
	[tilespmem:$0x1C0C0] =	vst v63  }
.Ltmp2:
0x81: {  	_ = 	snop;
	(pc) =	sbr.rel @p1 .LBB2_4-.Ltmp2, $4  }
0x82: {  	_ =	swait.ge [sflag:s19], $0x4000  }
0x83: {  	[sflag:s19] =	ssyncset.done $0x0  }
0x84: {  	[sflag:s19] =	ssyncadd.s32 $0xFFFFC000  }
0x85: {  	[spmem:s1] =	stream.indirect.scatter.add.f32 [tilespmem:s15], [sflag:$0x3], $0x80, s8, s14, $0xb8;
	[tilespmem:$0x1C0C0] =	vst v63  }
0x86: {  	s6 =	sadd.s32 $0x100, s6  }
0x87: {  	[tilespmem:s2], [sflag:$0x6] =	stream.linear.gather [hbm4b:s6+s2], $0x400, $0x38;
	[tilespmem:$0x1C0C0] =	vst v63  }
0x88: {  	_ =	swait.ge [sflag:s13], $0x400  }
0x89: {  	[sflag:s13] =	ssyncset.done $0x0  }
0x8a: {  	[sflag:s13] =	ssyncadd.s32 $0xFFFFFC00  }
0x8b: {  	_ =	swait.ge [sflag:s21], $0x4000  }
0x8c: {  	[sflag:s21] =	ssyncset.done $0x0  }
0x8d: {  	[sflag:s21] =	ssyncadd.s32 $0xFFFFC000  }
0x8e: {  	[tilespmem:s15], [sflag:$0x1] =	stream.indirect.gather [hbm4b:s3+s14], $0x80, s2, s14, $0xb8;
	[tilespmem:$0x1C0C0] =	vst v63  }
.Ltmp3:
0x8f: {  	_ = 	snop;
	(pc) =	sbr.rel .LBB2_2-.Ltmp3, $4  }
0x90: {  	_ =	swait.ge [sflag:s23], $0x4000  }
0x91: {  	[sflag:s23] =	ssyncset.done $0x0  }
0x92: {  	s4 =	sadd.s32 $0x100, s4;
	[sflag:s23] =	ssyncadd.s32 $0xFFFFC000  }
0x93: {  	[spmem:s1] =	stream.indirect.scatter.add.f32 [tilespmem:s18], [sflag:$0x4], $0x80, s25, s14, $0xb8;
	[tilespmem:$0x1C0C0] =	vst v63  }
.LBB2_5:
0x94: {  	_ =	sfence.sel $0x180000  }
0x95: {  	[bflag:$0x0] =	sbarrier.arrive $0xFFFF  }
0x96: {  	_ =	strace $0x9000004D  }
0x97: {  	[bflag:$0x2] =	sbarrier.arrive $0xFFFF  }
0x98: {  	s0 =	rddreg [dreg:$0x2]  }
0x99: {  	s0 =	sadd.s32 @!p0 $0x100000, s0  }
0x9a: {  	[sflag:s0] =	ssyncadd.tile.s32 @!p0 $0x1;
	_ =	shalt  }
.Lfunc_end2:
_tile_overlayer_lowered:
.L_overlay_start_2:
0x9b: {  	(tag) =	ssettag $0x2  }
0x9c: {  	s0 =	rddreg [dreg:$0x0];
	s2 =	stileid.u32  }
0x9d: {  	s1 =	rddreg [dreg:$0x1];
	p0 =	sne.s32 s2, $0x0  }
0x9e: {  	s3 =	rddreg [dreg:$0x2];
	[bflag:$0x3] =	sbarrier.arrive $0xFFFF;
	s2 =	simm.s32 @!p0 $0x1C06  }
0x9f: {  	[timem:s3], [sflag:s2] =	dma.local @!p0 [hbm:s0], s1  }
0xa0: {  	s0 =	simm.s32 @!p0 $0x6  }
0xa1: {  	_ =	swait.ge @!p0 [sflag:s0], s1  }
0xa2: {  	s1 =	ssub.s32 @!p0 $0x0, s1;
	[sflag:s0] =	ssyncset.done @!p0 $0x0  }
0xa3: {  	[sflag:s0] =	ssyncadd.s32 @!p0 s1  }
0xa4: {  	[bflag:$0x3] =	sbarrier.arrive $0xFFFF  }
0xa5: {  	_ =	shalt  }

// kernel: kernel.22.cloned.1.call-start
scs
__scs_entry_jumppad:
0x0: {  	(pc) =	sbr.rel $0x88, $3  }
0x1: {  	(tag) =	ssettag $0x0;
	lr =	simm.s32 $0x1  }
0x2: {  	[smem:$0x3F96] =	sst lr;
	_ =	strace $0xD0000000  }
0x3: {  	_ = 	snop  }
0x4: {  	_ = 	snop  }
0x5: {  	_ = 	snop  }
0x6: {  	_ = 	snop  }
0x7: {  	_ = 	snop  }
__scs_overlays_trampoline_lowered:
0x8: {  	[smem:$0x3FA5] =	sst s0  }
0x9: {  	[smem:$0x3FA6] =	sst s1  }
0xa: {  	[smem:$0x3FA7] =	sst s2  }
0xb: {  	[smem:$0x3FA8] =	sst s3  }
0xc: {  	[smem:$0x3FA9] =	sst s4  }
0xd: {  	[smem:$0x3FAA] =	sst s5  }
0xe: {  	[smem:$0x3FAB] =	sst s6  }
0xf: {  	[smem:$0x3FAC] =	sst s7  }
0x10: {  	[smem:$0x3FAD] =	sst s8  }
0x11: {  	[smem:$0x3FAE] =	sst s9;
	s0 =	simm.s32 @!p0 $0x0  }
0x12: {  	s1 =	sld [smem:$0x3F94];
	s0 =	simm.s32 @p0 $0x1  }
0x13: {  	[smem:$0x3FAF] =	sst s0;
	s0 =	simm.s32 @!p1 $0x0  }
0x14: {  	s2 =	sld [smem:$0x3F93];
	s0 =	simm.s32 @p1 $0x1  }
0x15: {  	[smem:$0x3FB0] =	sst s0;
	s0 =	simm.s32 @!p2 $0x0  }
0x16: {  	s3 =	sld [smem:$0x3FDB];
	s0 =	simm.s32 @p2 $0x1  }
0x17: {  	s4 =	simm.s32 $0x1BF5;
	[smem:$0x3FB2] =	sst s0  }
0x18: {  	s0 =	sld [smem:$0x3F95];
	_ =	swait.ge [sflag:s4], $0x0  }
0x19: {  	s7 =	sld [smem:$0x3F96]  }
0x1a: {  	s8 =	sadd.s32 $0xFFFFE003, lr  }
0x1b: {  	s9 =	sadd.s32 $0xFFFFFEF7, lr;
	s5 =	simm.s32 $0xFFFFFFFF;
	p2 =	slt.u32 s8, $0xFFFFF086  }
0x1c: {  	p1 =	slt.u32 s9, $0xF7A;
	s5 =	simm.s32 @!p2 $0x0  }
0x1d: {  	s5 =	simm.s32 @p1 $0x1;
	p0 =	seq.s32 s7, s2  }
0x1e: {  	s7 =	smul.u32 @!p0 $0xF7A, s2;
	p2 =	seq.s32 @!p0 s5, $0x0  }
0x1f: {  	s9 =	smul.u32 $0xF7A, s1;
	s8 =	simm.s32 @!p0 $0x1BF5;
	p2 =	por !p2, p0  }
0x20: {  	[sflag:s8] =	ssyncset.s32 @!p0 $0xFFFFF086;
	s6 =	sadd.s32 @!p0 s3, s7;
	s7 =	simm.s32 @!p0 $0x108  }
0x21: {  	s3 =	sadd.s32 s3, s9;
	s6 =	sadd.s32 @!p0 $0x88, s6;
	s7 =	simm.s32 @p2 $0x1082  }
0x22: {  	[simem:s7], [sflag:s8] =	dma.local @!p0 [hbm:s6], $0xF7A  }
0x23: {  	s9 =	sor.u32 $0xD0000000, s2;
	s6 =	simm.s32 $0x108;
	_ =	swait.ge @!p0 [sflag:s8], $0x0  }
0x24: {  	s3 =	sadd.s32 $0x88, s3;
	s6 =	simm.s32 @!p1 $0x1082;
	[sflag:s4] =	ssyncset.s32 $0xFFFFF086  }
0x25: {  	[simem:s6], [sflag:s4] =	dma.local [hbm:s3], $0xF7A  }
0x26: {  	[smem:$0x3F96] =	sst s1;
	(tag) =	ssettag s2;
	_ =	strace s9  }
0x27: {  	s1 =	sld [smem:$0x3FA6]  }
0x28: {  	s2 =	sld [smem:$0x3FA7]  }
0x29: {  	s4 =	sld [smem:$0x3FA9]  }
0x2a: {  	p0 =	seq.s32 s5, $0x0;
	s5 =	sld [smem:$0x3FAA]  }
0x2b: {  	s6 =	sld [smem:$0x3FAB]  }
0x2c: {  	s7 =	sld [smem:$0x3FAC]  }
0x2d: {  	s3 =	simm.s32 $0x108;
	s8 =	sld [smem:$0x3FAD]  }
0x2e: {  	s3 =	simm.s32 @!p0 $0x1082;
	s9 =	sld [smem:$0x3FAE]  }
0x2f: {  	lr =	sadd.s32 s0, s3;
	s0 =	sld [smem:$0x3FA5]  }
0x30: {  	s3 =	sld [smem:$0x3FA8]  }
0x31: {  	[smem:$0x3FB1] =	sst s10  }
0x32: {  	s10 =	sld [smem:$0x3FAF];
	_ =	sdelay $0x3  }
0x33: {  	p0 =	seq.s32 s10, $0x1;
	s10 =	sld [smem:$0x3FB1];
	_ =	sdelay $0x3  }
0x34: {  	[smem:$0x3FB1] =	sst s10  }
0x35: {  	s10 =	sld [smem:$0x3FB0];
	_ =	sdelay $0x3  }
0x36: {  	p1 =	seq.s32 s10, $0x1;
	s10 =	sld [smem:$0x3FB1];
	_ =	sdelay $0x3  }
0x37: {  	[smem:$0x3FB1] =	sst s10  }
0x38: {  	s10 =	sld [smem:$0x3FB2]  }
0x39: {  	_ = 	snop;
	(pc) =	sbr.ind lr, $3  }
0x3a: {  	_ = 	snop  }
0x3b: {  	_ = 	snop  }
0x3c: {  	p2 =	seq.s32 s10, $0x1;
	s10 =	sld [smem:$0x3FB1]  }
0x3d: {  	_ =	shalt  }
0x3e: {  	_ =	shalt  }
0x3f: {  	_ =	shalt  }
0x40: {  	_ =	shalt  }
0x41: {  	_ =	shalt  }
0x42: {  	_ =	shalt  }
0x43: {  	_ =	shalt  }
0x44: {  	_ =	shalt  }
0x45: {  	_ =	shalt  }
0x46: {  	_ =	shalt  }
0x47: {  	_ =	shalt  }
0x48: {  	_ =	shalt  }
0x49: {  	_ =	shalt  }
0x4a: {  	_ =	shalt  }
0x4b: {  	_ =	shalt  }
0x4c: {  	_ =	shalt  }
0x4d: {  	_ =	shalt  }
0x4e: {  	_ =	shalt  }
0x4f: {  	_ =	shalt  }
0x50: {  	_ =	shalt  }
0x51: {  	_ =	shalt  }
0x52: {  	_ =	shalt  }
0x53: {  	_ =	shalt  }
0x54: {  	_ =	shalt  }
0x55: {  	_ =	shalt  }
0x56: {  	_ =	shalt  }
0x57: {  	_ =	shalt  }
0x58: {  	_ =	shalt  }
0x59: {  	_ =	shalt  }
0x5a: {  	_ =	shalt  }
0x5b: {  	_ =	shalt  }
0x5c: {  	_ =	shalt  }
0x5d: {  	_ =	shalt  }
0x5e: {  	_ =	shalt  }
0x5f: {  	_ =	shalt  }
0x60: {  	_ =	shalt  }
0x61: {  	_ =	shalt  }
0x62: {  	_ =	shalt  }
0x63: {  	_ =	shalt  }
0x64: {  	_ =	shalt  }
0x65: {  	_ =	shalt  }
0x66: {  	_ =	shalt  }
0x67: {  	_ =	shalt  }
0x68: {  	_ =	shalt  }
0x69: {  	_ =	shalt  }
0x6a: {  	_ =	shalt  }
0x6b: {  	_ =	shalt  }
0x6c: {  	_ =	shalt  }
0x6d: {  	_ =	shalt  }
0x6e: {  	_ =	shalt  }
0x6f: {  	_ =	shalt  }
0x70: {  	_ =	shalt  }
0x71: {  	_ =	shalt  }
0x72: {  	_ =	shalt  }
0x73: {  	_ =	shalt  }
0x74: {  	_ =	shalt  }
0x75: {  	_ =	shalt  }
0x76: {  	_ =	shalt  }
0x77: {  	_ =	shalt  }
0x78: {  	_ =	shalt  }
0x79: {  	_ =	shalt  }
0x7a: {  	_ =	shalt  }
0x7b: {  	_ =	shalt  }
0x7c: {  	_ =	shalt  }
0x7d: {  	_ =	shalt  }
0x7e: {  	_ =	shalt  }
0x7f: {  	_ =	shalt  }
0x80: {  	_ =	shalt  }
0x81: {  	_ =	shalt  }
0x82: {  	_ =	shalt  }
0x83: {  	_ =	shalt  }
0x84: {  	_ =	shalt  }
0x85: {  	_ =	shalt  }
0x86: {  	_ =	shalt  }
0x87: {  	_ =	shalt  }
.Lfunc_end0:
.L_simem_size_0:
called_computation.3_lowered:
.L_overlay_start_0:
0x88: {  	s2 =	sld [smem:$0x3FD9]  }
0x89: {  	s3 =	sld [smem:$0x3FFE];
	_ =	sdelay $0x1  }
0x8a: {  	s1 =	srdreg.scid  }
0x8b: {  	s0 =	sand.u32 $0x1, s1  }
0x8c: {  	s16 =	sshll.u32 s0, $0xA;
	s2 =	sadd.s32 s3, s2  }
0x8d: {  	s2 =	sadd.s32 s2, s16  }
0x8e: {  	[smem:$0x3FBD] =	sst s2  }
0x8f: {  	_ = 	snop  }
0x90: {  	(tm) =	ssettm $0x1  }
0x91: {  	s17 =	sld [smem:$0x3FFB];
	_ =	sdelay $0x3  }
0x92: {  	_ =	strace s17  }
0x93: {  	s2 =	sld [smem:$0x3FFC];
	_ =	sdelay $0x3  }
0x94: {  	_ =	strace s2  }
0x95: {  	s2 =	sld [smem:$0x3FFD];
	_ =	sdelay $0x3  }
0x96: {  	_ =	strace s2  }
0x97: {  	_ =	strace $0x8FFFFFFF  }
0x98: {  	s18 =	sld [smem:$0x3FDB];
	_ =	sdelay $0x1  }
0x99: {  	s19 =	simm.s32 $_scs_section_size  }
0x9a: {  	s4 =	simm.s32 $_size__tile_overlayer_lowered;
	s5 =	simm.s32 $_tile_overlayer_lowered  }
0x9b: {  	s22 =	simm.s32 $0x1BFF;
	s21 =	sshll.u32 s5, $0x1;
	s2 =	sadd.s32 s19, s18  }
0x9c: {  	s6 =	simm.s32 $0x0;
	s20 =	sshll.u32 s4, $0x1;
	s4 =	sadd.s32 s21, s2  }
0x9d: {  	[timem:s6], [sflag:s22] =	dma.local [hbm:s4], s20  }
0x9e: {  	_ =	swait.ge [sflag:s22], s20  }
0x9f: {  	s3 =	ssub.s32 $0x0, s20;
	[sflag:s22] =	ssyncset.done $0x0  }
0xa0: {  	[sflag:s22] =	ssyncadd.s32 s3;
	_ =	sdelay $0x1  }
0xa1: {  	s23 =	simm.s32 $0x1B8B  }
0xa2: {  	_ =	swait.ge [sflag:s23], $0x1  }
0xa3: {  	[sflag:s23] =	ssyncset.done $0x0  }
0xa4: {  	s25 =	simm.s32 $0x1B8E;
	s24 =	sld [smem:$0x3FFE];
	[sflag:s23] =	ssyncadd.s32 $0xFFFFFFFF  }
0xa5: {  	s26 =	simm.s32 $execute0_lowered;
	[smem:$0x3FD2] =	sst s25  }
0xa6: {  	s4 =	sshll.u32 s26, $0x1;
	_ =	strace $0x8000004F;
	[dreg:$0x1] =	wrdreg $0xFFFFFFFF  }
0xa7: {  	s28 =	simm.s32 $_size_execute0_lowered;
	s2 =	sadd.s32 s2, s4;
	[dreg:$0x0] =	wrdreg $0x0  }
0xa8: {  	s4 =	sshll.u32 s28, $0x1;
	[dreg:$0x2] =	wrdreg s2  }
0xa9: {  	[dreg:$0x3] =	wrdreg s4  }
0xaa: {  	[dreg:$0x4] =	wrdreg $0xC0  }
0xab: {  	_ =	task [dreg:s6], $0x5FFFF  }
0xac: {  	[dreg:$0x1] =	wrdreg $0xFFFFFFFF  }
0xad: {  	[dreg:$0x0] =	wrdreg $0x60  }
0xae: {  	[dreg:$0x2] =	wrdreg s24  }
0xaf: {  	[dreg:$0x3] =	wrdreg $0x88000  }
0xb0: {  	[dreg:$0x4] =	wrdreg $0x9  }
0xb1: {  	_ =	task.clear_ibuf [dreg:s6], $0x5FFFF;
	_ =	strace $0x9000004F  }
0xb2: {  	s29 =	simm.s32 $0x9;
	_ =	strace $0x80000051  }
0xb3: {  	_ =	swait.ge [sflag:s29], $0x1  }
0xb4: {  	[sflag:s29] =	ssyncadd.s32 $0xFFFFFFFF  }
0xb5: {  	_ =	strace $0x90000051  }
0xb6: {  	_ =	sfence  }
0xb7: {  	s30 =	sld [smem:$0x0];
	_ =	sdelay $0x2  }
0xb8: {  	s31 =	sshll.u32 s1, $0xD;
	s1 =	sshrl.u32 s1, $0x2  }
0xb9: {  	s3 =	sand.u32 $0x4000, s31;
	s1 =	sadd.s32 s1, s30  }
0xba: {  	s0 =	sor.u32 s3, s0;
	s1 =	sshll.u32 s1, $0x11  }
0xbb: {  	s0 =	sor.u32 s1, s0  }
0xbc: {  	s0 =	sadd.s32 $0x8F2B, s0  }
0xbd: {  	[sflag:s0] =	ssyncadd.remote.s32 $0x1  }
0xbe: {  	_ =	sfence.sel $0xFFFF  }
0xbf: {  	[dreg:$0x0] =	wrdreg $0xFFFFFFFF;
	(pc) =	sbr.abs _section_cstart, $3  }
0xc0: {  	[dreg:$0x1] =	wrdreg $0xFFFFFFFF  }
0xc1: {  	_ =	task.clear_ibuf [dreg:s6], $0x2FFFF;
	_ =	strace $0x9FFFFFFF  }
0xc2: {  	(tm) =	ssettm $0x7FFFFFFF  }
0xc3: {  	_ =	shalt  }
tec
execute0_lowered:
.L_overlay_start_1:
0x0: {  	(tag) =	ssettag $0x1  }
0x1: {  	s0 =	rddreg [dreg:$0x0]  }
0x2: {  	s1 =	rddreg [dreg:$0x1]  }
0x3: {  	s2 =	simm.s32 $0x0;
	s4 =	srdreg.scid;
	s7 =	stileid.u32  }
0x4: {  	s13 =	simm.s32 $0x6;
	s14 =	simm.s32 $0x80;
	s15 =	simm.s32 $0x800  }
0x5: {  	s17 =	simm.s32 $0x100;
	s18 =	simm.s32 $0x4800;
	s19 =	simm.s32 $0x1  }
0x6: {  	s20 =	simm.s32 $0x400;
	s28 =	simm.s32 $0x300;
	s29 =	simm.s32 $0x280  }
0x7: {  	s30 =	simm.s32 $0x380;
	s31 =	simm.s32 $0x500;
	[smem:$0x7FF] =	sst s2  }
0x8: {  	s3 =	sadd.s32 $0xDD200, s0;
	s5 =	sadd.s32 $0x2A600, s0;
	s11 =	smul.u32 $0x4E000, s7  }
0x9: {  	s6 =	sadd.s32 $0x3E600, s0;
	s4 =	sand.u32 $0x1, s4;
	s26 =	smul.u32 $0xA00, s7  }
0xa: {  	s25 =	sshll.u32 s7, $0x6;
	s12 =	sadd.s32 $0x138000, s1;
	s16 =	smul.u32 $0x2700, s7  }
0xb: {  	p0 =	sne.s32 s7, $0x0;
	_ =	strace $0x80000050;
	[dreg:$0x3] =	wrdreg s6  }
0xc: {  	s21 =	smul.u32 $0x27100, s4;
	s8 =	ssub.s32 $0x2, s4;
	s10 =	sshll.u32 s4, $0x4  }
0xd: {  	[dreg:$0x4] =	wrdreg s25;
	s4 =	smul.u32 $0xA000, s4;
	s12 =	sshrl.u32 @!p0 s12, $0x3  }
0xe: {  	s9 =	sshrl.u32 s8, $0x1;
	s23 =	sor.u32 s7, s10;
	s24 =	sshrl.u32 s11, $0x2  }
0xf: {  	s10 =	sor.u32 $0x1C05, s25;
	s7 =	simm.s32 $0x580;
	[dreg:$0x9] =	wrdreg s12  }
0x10: {  	s0 =	sadd.s32 s21, s0;
	s22 =	ssub.s32 s8, s9;
	s8 =	smul.u32 $0xA00, s23  }
0x11: {  	s9 =	sadd.s32 s24, s1;
	[dreg:$0x5] =	wrdreg s10;
	s4 =	sadd.s32 s4, s5  }
0x12: {  	s21 =	simm.s32 $0x3;
	s23 =	simm.s32 $0x2;
	s24 =	simm.s32 $0x180  }
0x13: {  	s0 =	sadd.s32 $0x40E00, s0;
	s25 =	smax.u32 s22, $0x1;
	s10 =	sadd.s32 s26, s4  }
0x14: {  	s26 =	sshrl.u32 s9, $0x3;
	s22 =	simm.s32 $0x200;
	s9 =	simm.s32 $0x700  }
.Ltmp0:
0x15: {  	s8 =	sadd.s32 s5, s8;
	[dreg:$0x8] =	wrdreg s25;
	(pc) =	sbr.rel .LBB2_1-.Ltmp0, $4  }
0x16: {  	[dreg:$0x7] =	wrdreg s0;
	s0 =	sadd.s32 s16, s0;
	s11 =	smov.u32 s26  }
0x17: {  	s26 =	simm.s32 $0x4;
	s5 =	simm.s32 $0x600;
	[dreg:$0x6] =	wrdreg s8  }
0x18: {  	s25 =	simm.s32 $0x780;
	s16 =	simm.s32 $0x0;
	[dreg:$0xb] =	wrdreg s0  }
0x19: {  	s0 =	simm.s32 $0x480;
	s8 =	simm.s32 $0x680;
	[dreg:$0xa] =	wrdreg s11  }
.LBB2_4:
0x1a: {  	_ =	swait.ge [sflag:s21], $0x4000  }
0x1b: {  	[sflag:s21] =	ssyncset.done $0x0  }
0x1c: {  	[sflag:s21] =	ssyncadd.s32 $0xFFFFC000  }
0x1d: {  	_ =	swait.ge [sflag:s23], $0x4000  }
0x1e: {  	[sflag:s23] =	ssyncset.done $0x0  }
0x1f: {  	[sflag:s23] =	ssyncadd.s32 $0xFFFFC000  }
0x20: {  	[spmem:s1] =	stream.indirect.scatter.add.f32 [tilespmem:s18], [sflag:$0x4], $0x80, s25, s14, $0xb8;
	[tilespmem:$0x1C0C0] =	vst v63  }
0x21: {  	_ =	swait.ge [sflag:s26], $0x4000  }
0x22: {  	[sflag:s26] =	ssyncset.done $0x0  }
0x23: {  	[sflag:s26] =	ssyncadd.s32 $0xFFFFC000  }
0x24: {  	[bflag:$0x0] =	sbarrier.arrive $0xFFFF  }
0x25: {  	s4 =	rddreg [dreg:$0x4]  }
0x26: {  	s11 =	rddreg [dreg:$0xa]  }
0x27: {  	s6 =	rddreg [dreg:$0xb];
	s4 =	sor.u32 $0x1C06, s4  }
0x28: {  	[hbm:s6], [sflag:s4] =	dma.local [spmem:s11], $0x2700  }
0x29: {  	_ =	swait.ge [sflag:s13], $0x2700  }
0x2a: {  	[sflag:s13] =	ssyncset.done $0x0;
	s6 =	rddreg [dreg:$0x7]  }
0x2b: {  	s12 =	rddreg [dreg:$0x9];
	[sflag:s13] =	ssyncadd.s32 $0xFFFFD900;
	s6 =	sadd.s32 @!p0 $0x27000, s6  }
0x2c: {  	[hbm:s6], [sflag:s4] =	dma.local @!p0 [spmem:s12], $0x100  }
0x2d: {  	s4 =	simm.s32 @!p0 $0x6  }
0x2e: {  	_ =	swait.ge @!p0 [sflag:s4], $0x100  }
0x2f: {  	s16 =	sadd.s32 $0x1, s16;
	s6 =	rddreg [dreg:$0x8]  }
0x30: {  	p1 =	sne.s32 s16, s6  }
.Ltmp1:
0x31: {  	_ = 	snop;
	(pc) =	sbr.rel @!p1 .LBB2_5-.Ltmp1, $3  }
0x32: {  	_ =	sdelay $0x1  }
0x33: {  	[sflag:s4] =	ssyncset.done @!p0 $0x0  }
0x34: {  	[sflag:s4] =	ssyncadd.s32 @!p0 $0xFFFFFF00  }
.LBB2_1:
0x35: {  	s4 =	rddreg [dreg:$0x3]  }
0x36: {  	s6 =	rddreg [dreg:$0x5]  }
0x37: {  	[spmem:s11], [sflag:s6] =	dma.local [hbm:s4], $0x2700  }
0x38: {  	[spmem:s12], [sflag:s6] =	dma.local @!p0 [hbm:s4], $0x100  }
0x39: {  	s4 =	rddreg [dreg:$0x6]  }
0x3a: {  	[tilespmem:s2], [sflag:$0x6] =	stream.linear.gather [hbm4b:s4+s2], $0x400, $0x38;
	[tilespmem:$0x1C0C0] =	vst v63  }
0x3b: {  	_ =	swait.ge [sflag:s13], $0x400  }
0x3c: {  	[sflag:s13] =	ssyncset.done $0x0  }
0x3d: {  	s12 =	simm.s32 $0x5;
	[sflag:s13] =	ssyncadd.s32 $0xFFFFFC00  }
0x3e: {  	[tilespmem:s15], [sflag:$0x1] =	stream.indirect.gather [hbm4b:s3+s14], $0x80, s2, s14, $0xb8;
	[tilespmem:$0x1C0C0] =	vst v63  }
0x3f: {  	_ =	swait.ge [sflag:s12], $0x2700  }
0x40: {  	[sflag:s12] =	ssyncset.done $0x0  }
0x41: {  	s4 =	simm.s32 @!p0 $0x5;
	[sflag:s12] =	ssyncadd.s32 $0xFFFFD900  }
0x42: {  	_ =	swait.ge @!p0 [sflag:s4], $0x100  }
0x43: {  	[sflag:s4] =	ssyncset.done @!p0 $0x0  }
0x44: {  	[sflag:s4] =	ssyncadd.s32 @!p0 $0xFFFFFF00  }
0x45: {  	s4 =	simm.s32 $0x0;
	[bflag:$0x0] =	sbarrier.arrive $0xFFFF  }
.LBB2_2:
0x46: {  	p1 =	seq.s32 s4, $0x0  }
0x47: {  	s6 =	simm.s32 @!p1 $0x4  }
0x48: {  	_ =	swait.ge @!p1 [sflag:s6], $0x4000  }
0x49: {  	[sflag:s6] =	ssyncset.done @!p1 $0x0  }
0x4a: {  	[sflag:s6] =	ssyncadd.s32 @!p1 $0xFFFFC000  }
0x4b: {  	[tilespmem:s18], [sflag:$0x2] =	stream.indirect.gather [hbm4b:s3+s14], $0x80, s17, s14, $0xb8;
	[tilespmem:$0x1C0C0] =	vst v63  }
0x4c: {  	_ =	swait.ge [sflag:s19], $0x4000  }
0x4d: {  	[sflag:s19] =	ssyncset.done $0x0  }
0x4e: {  	s6 =	sadd.s32 s4, s10;
	[sflag:s19] =	ssyncadd.s32 $0xFFFFC000  }
0x4f: {  	[spmem:s1] =	stream.indirect.scatter.add.f32 [tilespmem:s15], [sflag:$0x3], $0x80, s14, s14, $0xb8;
	[tilespmem:$0x1C0C0] =	vst v63  }
0x50: {  	s11 =	sadd.s32 $0x80, s6  }
0x51: {  	[tilespmem:s20], [sflag:$0x6] =	stream.linear.gather [hbm4b:s11+s2], $0x400, $0x38;
	[tilespmem:$0x1C0C0] =	vst v63  }
0x52: {  	_ =	swait.ge [sflag:s13], $0x400  }
0x53: {  	[sflag:s13] =	ssyncset.done $0x0  }
0x54: {  	[sflag:s13] =	ssyncadd.s32 $0xFFFFFC00  }
0x55: {  	_ =	swait.ge [sflag:s21], $0x4000  }
0x56: {  	[sflag:s21] =	ssyncset.done $0x0  }
0x57: {  	[sflag:s21] =	ssyncadd.s32 $0xFFFFC000  }
0x58: {  	[tilespmem:s15], [sflag:$0x1] =	stream.indirect.gather [hbm4b:s3+s14], $0x80, s22, s14, $0xb8;
	[tilespmem:$0x1C0C0] =	vst v63  }
0x59: {  	_ =	swait.ge [sflag:s23], $0x4000  }
0x5a: {  	[sflag:s23] =	ssyncset.done $0x0  }
0x5b: {  	[sflag:s23] =	ssyncadd.s32 $0xFFFFC000  }
0x5c: {  	[spmem:s1] =	stream.indirect.scatter.add.f32 [tilespmem:s18], [sflag:$0x4], $0x80, s24, s14, $0xb8;
	[tilespmem:$0x1C0C0] =	vst v63  }
0x5d: {  	_ =	swait.ge [sflag:s26], $0x4000  }
0x5e: {  	[sflag:s26] =	ssyncset.done $0x0  }
0x5f: {  	[sflag:s26] =	ssyncadd.s32 $0xFFFFC000  }
0x60: {  	[tilespmem:s18], [sflag:$0x2] =	stream.indirect.gather [hbm4b:s3+s14], $0x80, s28, s14, $0xb8;
	[tilespmem:$0x1C0C0] =	vst v63  }
0x61: {  	_ =	swait.ge [sflag:s19], $0x4000  }
0x62: {  	[sflag:s19] =	ssyncset.done $0x0  }
0x63: {  	[sflag:s19] =	ssyncadd.s32 $0xFFFFC000  }
0x64: {  	[spmem:s1] =	stream.indirect.scatter.add.f32 [tilespmem:s15], [sflag:$0x3], $0x80, s29, s14, $0xb8;
	[tilespmem:$0x1C0C0] =	vst v63  }
0x65: {  	_ =	swait.ge [sflag:s21], $0x4000  }
0x66: {  	[sflag:s21] =	ssyncset.done $0x0  }
0x67: {  	[sflag:s21] =	ssyncadd.s32 $0xFFFFC000  }
0x68: {  	[tilespmem:s15], [sflag:$0x1] =	stream.indirect.gather [hbm4b:s3+s14], $0x80, s20, s14, $0xb8;
	[tilespmem:$0x1C0C0] =	vst v63  }
0x69: {  	_ =	swait.ge [sflag:s23], $0x4000  }
0x6a: {  	[sflag:s23] =	ssyncset.done $0x0  }
0x6b: {  	[sflag:s23] =	ssyncadd.s32 $0xFFFFC000  }
0x6c: {  	[spmem:s1] =	stream.indirect.scatter.add.f32 [tilespmem:s18], [sflag:$0x4], $0x80, s30, s14, $0xb8;
	[tilespmem:$0x1C0C0] =	vst v63  }
0x6d: {  	_ =	swait.ge [sflag:s26], $0x4000  }
0x6e: {  	[sflag:s26] =	ssyncset.done $0x0  }
0x6f: {  	[sflag:s26] =	ssyncadd.s32 $0xFFFFC000  }
0x70: {  	[tilespmem:s18], [sflag:$0x2] =	stream.indirect.gather [hbm4b:s3+s14], $0x80, s31, s14, $0xb8;
	[tilespmem:$0x1C0C0] =	vst v63  }
0x71: {  	_ =	swait.ge [sflag:s19], $0x4000  }
0x72: {  	[sflag:s19] =	ssyncset.done $0x0  }
0x73: {  	[sflag:s19] =	ssyncadd.s32 $0xFFFFC000  }
0x74: {  	[spmem:s1] =	stream.indirect.scatter.add.f32 [tilespmem:s15], [sflag:$0x3], $0x80, s0, s14, $0xb8;
	[tilespmem:$0x1C0C0] =	vst v63  }
0x75: {  	_ =	swait.ge [sflag:s21], $0x4000  }
0x76: {  	[sflag:s21] =	ssyncset.done $0x0  }
0x77: {  	[sflag:s21] =	ssyncadd.s32 $0xFFFFC000  }
0x78: {  	[tilespmem:s15], [sflag:$0x1] =	stream.indirect.gather [hbm4b:s3+s14], $0x80, s5, s14, $0xb8;
	[tilespmem:$0x1C0C0] =	vst v63  }
0x79: {  	_ =	swait.ge [sflag:s23], $0x4000  }
0x7a: {  	[sflag:s23] =	ssyncset.done $0x0  }
0x7b: {  	[sflag:s23] =	ssyncadd.s32 $0xFFFFC000  }
0x7c: {  	[spmem:s1] =	stream.indirect.scatter.add.f32 [tilespmem:s18], [sflag:$0x4], $0x80, s7, s14, $0xb8;
	[tilespmem:$0x1C0C0] =	vst v63  }
0x7d: {  	_ =	swait.ge [sflag:s26], $0x4000  }
0x7e: {  	[sflag:s26] =	ssyncset.done $0x0  }
0x7f: {  	p1 =	seq.s32 s4, $0x900;
	[sflag:s26] =	ssyncadd.s32 $0xFFFFC000  }
0x80: {  	[tilespmem:s18], [sflag:$0x2] =	stream.indirect.gather [hbm4b:s3+s14], $0x80, s9, s14, $0xb8;
	[tilespmem:$0x1C0C0] =	vst v63  }
.Ltmp2:
0x81: {  	_ = 	snop;
	(pc) =	sbr.rel @p1 .LBB2_4-.Ltmp2, $4  }
0x82: {  	_ =	swait.ge [sflag:s19], $0x4000  }
0x83: {  	[sflag:s19] =	ssyncset.done $0x0  }
0x84: {  	[sflag:s19] =	ssyncadd.s32 $0xFFFFC000  }
0x85: {  	[spmem:s1] =	stream.indirect.scatter.add.f32 [tilespmem:s15], [sflag:$0x3], $0x80, s8, s14, $0xb8;
	[tilespmem:$0x1C0C0] =	vst v63  }
0x86: {  	s6 =	sadd.s32 $0x100, s6  }
0x87: {  	[tilespmem:s2], [sflag:$0x6] =	stream.linear.gather [hbm4b:s6+s2], $0x400, $0x38;
	[tilespmem:$0x1C0C0] =	vst v63  }
0x88: {  	_ =	swait.ge [sflag:s13], $0x400  }
0x89: {  	[sflag:s13] =	ssyncset.done $0x0  }
0x8a: {  	[sflag:s13] =	ssyncadd.s32 $0xFFFFFC00  }
0x8b: {  	_ =	swait.ge [sflag:s21], $0x4000  }
0x8c: {  	[sflag:s21] =	ssyncset.done $0x0  }
0x8d: {  	[sflag:s21] =	ssyncadd.s32 $0xFFFFC000  }
0x8e: {  	[tilespmem:s15], [sflag:$0x1] =	stream.indirect.gather [hbm4b:s3+s14], $0x80, s2, s14, $0xb8;
	[tilespmem:$0x1C0C0] =	vst v63  }
.Ltmp3:
0x8f: {  	_ = 	snop;
	(pc) =	sbr.rel .LBB2_2-.Ltmp3, $4  }
0x90: {  	_ =	swait.ge [sflag:s23], $0x4000  }
0x91: {  	[sflag:s23] =	ssyncset.done $0x0  }
0x92: {  	s4 =	sadd.s32 $0x100, s4;
	[sflag:s23] =	ssyncadd.s32 $0xFFFFC000  }
0x93: {  	[spmem:s1] =	stream.indirect.scatter.add.f32 [tilespmem:s18], [sflag:$0x4], $0x80, s25, s14, $0xb8;
	[tilespmem:$0x1C0C0] =	vst v63  }
.LBB2_5:
0x94: {  	_ =	sfence.sel $0x180000  }
0x95: {  	[bflag:$0x0] =	sbarrier.arrive $0xFFFF  }
0x96: {  	_ =	strace $0x90000050  }
0x97: {  	[bflag:$0x2] =	sbarrier.arrive $0xFFFF  }
0x98: {  	s0 =	rddreg [dreg:$0x2]  }
0x99: {  	s0 =	sadd.s32 @!p0 $0x100000, s0  }
0x9a: {  	[sflag:s0] =	ssyncadd.tile.s32 @!p0 $0x1;
	_ =	shalt  }
.Lfunc_end2:
_tile_overlayer_lowered:
.L_overlay_start_2:
0x9b: {  	(tag) =	ssettag $0x2  }
0x9c: {  	s0 =	rddreg [dreg:$0x0];
	s2 =	stileid.u32  }
0x9d: {  	s1 =	rddreg [dreg:$0x1];
	p0 =	sne.s32 s2, $0x0  }
0x9e: {  	s3 =	rddreg [dreg:$0x2];
	[bflag:$0x3] =	sbarrier.arrive $0xFFFF;
	s2 =	simm.s32 @!p0 $0x1C06  }
0x9f: {  	[timem:s3], [sflag:s2] =	dma.local @!p0 [hbm:s0], s1  }
0xa0: {  	s0 =	simm.s32 @!p0 $0x6  }
0xa1: {  	_ =	swait.ge @!p0 [sflag:s0], s1  }
0xa2: {  	s1 =	ssub.s32 @!p0 $0x0, s1;
	[sflag:s0] =	ssyncset.done @!p0 $0x0  }
0xa3: {  	[sflag:s0] =	ssyncadd.s32 @!p0 s1  }
0xa4: {  	[bflag:$0x3] =	sbarrier.arrive $0xFFFF  }
0xa5: {  	_ =	shalt  }

// kernel: kernel.25.cloned.1.call-start
scs
__scs_entry_jumppad:
0x0: {  	(pc) =	sbr.rel $0x88, $3  }
0x1: {  	(tag) =	ssettag $0x0;
	lr =	simm.s32 $0x1  }
0x2: {  	[smem:$0x3F96] =	sst lr;
	_ =	strace $0xD0000000  }
0x3: {  	_ = 	snop  }
0x4: {  	_ = 	snop  }
0x5: {  	_ = 	snop  }
0x6: {  	_ = 	snop  }
0x7: {  	_ = 	snop  }
__scs_overlays_trampoline_lowered:
0x8: {  	[smem:$0x3FA5] =	sst s0  }
0x9: {  	[smem:$0x3FA6] =	sst s1  }
0xa: {  	[smem:$0x3FA7] =	sst s2  }
0xb: {  	[smem:$0x3FA8] =	sst s3  }
0xc: {  	[smem:$0x3FA9] =	sst s4  }
0xd: {  	[smem:$0x3FAA] =	sst s5  }
0xe: {  	[smem:$0x3FAB] =	sst s6  }
0xf: {  	[smem:$0x3FAC] =	sst s7  }
0x10: {  	[smem:$0x3FAD] =	sst s8  }
0x11: {  	[smem:$0x3FAE] =	sst s9;
	s0 =	simm.s32 @!p0 $0x0  }
0x12: {  	s1 =	sld [smem:$0x3F94];
	s0 =	simm.s32 @p0 $0x1  }
0x13: {  	[smem:$0x3FAF] =	sst s0;
	s0 =	simm.s32 @!p1 $0x0  }
0x14: {  	s2 =	sld [smem:$0x3F93];
	s0 =	simm.s32 @p1 $0x1  }
0x15: {  	[smem:$0x3FB0] =	sst s0;
	s0 =	simm.s32 @!p2 $0x0  }
0x16: {  	s3 =	sld [smem:$0x3FDB];
	s0 =	simm.s32 @p2 $0x1  }
0x17: {  	s4 =	simm.s32 $0x1BF5;
	[smem:$0x3FB2] =	sst s0  }
0x18: {  	s0 =	sld [smem:$0x3F95];
	_ =	swait.ge [sflag:s4], $0x0  }
0x19: {  	s7 =	sld [smem:$0x3F96]  }
0x1a: {  	s8 =	sadd.s32 $0xFFFFE003, lr  }
0x1b: {  	s9 =	sadd.s32 $0xFFFFFEF7, lr;
	s5 =	simm.s32 $0xFFFFFFFF;
	p2 =	slt.u32 s8, $0xFFFFF086  }
0x1c: {  	p1 =	slt.u32 s9, $0xF7A;
	s5 =	simm.s32 @!p2 $0x0  }
0x1d: {  	s5 =	simm.s32 @p1 $0x1;
	p0 =	seq.s32 s7, s2  }
0x1e: {  	s7 =	smul.u32 @!p0 $0xF7A, s2;
	p2 =	seq.s32 @!p0 s5, $0x0  }
0x1f: {  	s9 =	smul.u32 $0xF7A, s1;
	s8 =	simm.s32 @!p0 $0x1BF5;
	p2 =	por !p2, p0  }
0x20: {  	[sflag:s8] =	ssyncset.s32 @!p0 $0xFFFFF086;
	s6 =	sadd.s32 @!p0 s3, s7;
	s7 =	simm.s32 @!p0 $0x108  }
0x21: {  	s3 =	sadd.s32 s3, s9;
	s6 =	sadd.s32 @!p0 $0x88, s6;
	s7 =	simm.s32 @p2 $0x1082  }
0x22: {  	[simem:s7], [sflag:s8] =	dma.local @!p0 [hbm:s6], $0xF7A  }
0x23: {  	s9 =	sor.u32 $0xD0000000, s2;
	s6 =	simm.s32 $0x108;
	_ =	swait.ge @!p0 [sflag:s8], $0x0  }
0x24: {  	s3 =	sadd.s32 $0x88, s3;
	s6 =	simm.s32 @!p1 $0x1082;
	[sflag:s4] =	ssyncset.s32 $0xFFFFF086  }
0x25: {  	[simem:s6], [sflag:s4] =	dma.local [hbm:s3], $0xF7A  }
0x26: {  	[smem:$0x3F96] =	sst s1;
	(tag) =	ssettag s2;
	_ =	strace s9  }
0x27: {  	s1 =	sld [smem:$0x3FA6]  }
0x28: {  	s2 =	sld [smem:$0x3FA7]  }
0x29: {  	s4 =	sld [smem:$0x3FA9]  }
0x2a: {  	p0 =	seq.s32 s5, $0x0;
	s5 =	sld [smem:$0x3FAA]  }
0x2b: {  	s6 =	sld [smem:$0x3FAB]  }
0x2c: {  	s7 =	sld [smem:$0x3FAC]  }
0x2d: {  	s3 =	simm.s32 $0x108;
	s8 =	sld [smem:$0x3FAD]  }
0x2e: {  	s3 =	simm.s32 @!p0 $0x1082;
	s9 =	sld [smem:$0x3FAE]  }
0x2f: {  	lr =	sadd.s32 s0, s3;
	s0 =	sld [smem:$0x3FA5]  }
0x30: {  	s3 =	sld [smem:$0x3FA8]  }
0x31: {  	[smem:$0x3FB1] =	sst s10  }
0x32: {  	s10 =	sld [smem:$0x3FAF];
	_ =	sdelay $0x3  }
0x33: {  	p0 =	seq.s32 s10, $0x1;
	s10 =	sld [smem:$0x3FB1];
	_ =	sdelay $0x3  }
0x34: {  	[smem:$0x3FB1] =	sst s10  }
0x35: {  	s10 =	sld [smem:$0x3FB0];
	_ =	sdelay $0x3  }
0x36: {  	p1 =	seq.s32 s10, $0x1;
	s10 =	sld [smem:$0x3FB1];
	_ =	sdelay $0x3  }
0x37: {  	[smem:$0x3FB1] =	sst s10  }
0x38: {  	s10 =	sld [smem:$0x3FB2]  }
0x39: {  	_ = 	snop;
	(pc) =	sbr.ind lr, $3  }
0x3a: {  	_ = 	snop  }
0x3b: {  	_ = 	snop  }
0x3c: {  	p2 =	seq.s32 s10, $0x1;
	s10 =	sld [smem:$0x3FB1]  }
0x3d: {  	_ =	shalt  }
0x3e: {  	_ =	shalt  }
0x3f: {  	_ =	shalt  }
0x40: {  	_ =	shalt  }
0x41: {  	_ =	shalt  }
0x42: {  	_ =	shalt  }
0x43: {  	_ =	shalt  }
0x44: {  	_ =	shalt  }
0x45: {  	_ =	shalt  }
0x46: {  	_ =	shalt  }
0x47: {  	_ =	shalt  }
0x48: {  	_ =	shalt  }
0x49: {  	_ =	shalt  }
0x4a: {  	_ =	shalt  }
0x4b: {  	_ =	shalt  }
0x4c: {  	_ =	shalt  }
0x4d: {  	_ =	shalt  }
0x4e: {  	_ =	shalt  }
0x4f: {  	_ =	shalt  }
0x50: {  	_ =	shalt  }
0x51: {  	_ =	shalt  }
0x52: {  	_ =	shalt  }
0x53: {  	_ =	shalt  }
0x54: {  	_ =	shalt  }
0x55: {  	_ =	shalt  }
0x56: {  	_ =	shalt  }
0x57: {  	_ =	shalt  }
0x58: {  	_ =	shalt  }
0x59: {  	_ =	shalt  }
0x5a: {  	_ =	shalt  }
0x5b: {  	_ =	shalt  }
0x5c: {  	_ =	shalt  }
0x5d: {  	_ =	shalt  }
0x5e: {  	_ =	shalt  }
0x5f: {  	_ =	shalt  }
0x60: {  	_ =	shalt  }
0x61: {  	_ =	shalt  }
0x62: {  	_ =	shalt  }
0x63: {  	_ =	shalt  }
0x64: {  	_ =	shalt  }
0x65: {  	_ =	shalt  }
0x66: {  	_ =	shalt  }
0x67: {  	_ =	shalt  }
0x68: {  	_ =	shalt  }
0x69: {  	_ =	shalt  }
0x6a: {  	_ =	shalt  }
0x6b: {  	_ =	shalt  }
0x6c: {  	_ =	shalt  }
0x6d: {  	_ =	shalt  }
0x6e: {  	_ =	shalt  }
0x6f: {  	_ =	shalt  }
0x70: {  	_ =	shalt  }
0x71: {  	_ =	shalt  }
0x72: {  	_ =	shalt  }
0x73: {  	_ =	shalt  }
0x74: {  	_ =	shalt  }
0x75: {  	_ =	shalt  }
0x76: {  	_ =	shalt  }
0x77: {  	_ =	shalt  }
0x78: {  	_ =	shalt  }
0x79: {  	_ =	shalt  }
0x7a: {  	_ =	shalt  }
0x7b: {  	_ =	shalt  }
0x7c: {  	_ =	shalt  }
0x7d: {  	_ =	shalt  }
0x7e: {  	_ =	shalt  }
0x7f: {  	_ =	shalt  }
0x80: {  	_ =	shalt  }
0x81: {  	_ =	shalt  }
0x82: {  	_ =	shalt  }
0x83: {  	_ =	shalt  }
0x84: {  	_ =	shalt  }
0x85: {  	_ =	shalt  }
0x86: {  	_ =	shalt  }
0x87: {  	_ =	shalt  }
.Lfunc_end0:
.L_simem_size_0:
called_computation.4_lowered:
.L_overlay_start_0:
0x88: {  	s2 =	sld [smem:$0x3FD9]  }
0x89: {  	s3 =	sld [smem:$0x3FFE];
	_ =	sdelay $0x1  }
0x8a: {  	s1 =	srdreg.scid  }
0x8b: {  	s0 =	sand.u32 $0x1, s1  }
0x8c: {  	s16 =	sshll.u32 s0, $0xA;
	s2 =	sadd.s32 s3, s2  }
0x8d: {  	s2 =	sadd.s32 s2, s16  }
0x8e: {  	[smem:$0x3FBD] =	sst s2  }
0x8f: {  	_ = 	snop  }
0x90: {  	(tm) =	ssettm $0x1  }
0x91: {  	s17 =	sld [smem:$0x3FFB];
	_ =	sdelay $0x3  }
0x92: {  	_ =	strace s17  }
0x93: {  	s2 =	sld [smem:$0x3FFC];
	_ =	sdelay $0x3  }
0x94: {  	_ =	strace s2  }
0x95: {  	s2 =	sld [smem:$0x3FFD];
	_ =	sdelay $0x3  }
0x96: {  	_ =	strace s2  }
0x97: {  	_ =	strace $0x8FFFFFFF  }
0x98: {  	s18 =	sld [smem:$0x3FDB];
	_ =	sdelay $0x1  }
0x99: {  	s19 =	simm.s32 $_scs_section_size  }
0x9a: {  	s4 =	simm.s32 $_size__tile_overlayer_lowered;
	s5 =	simm.s32 $_tile_overlayer_lowered  }
0x9b: {  	s22 =	simm.s32 $0x1BFF;
	s21 =	sshll.u32 s5, $0x1;
	s2 =	sadd.s32 s19, s18  }
0x9c: {  	s6 =	simm.s32 $0x0;
	s20 =	sshll.u32 s4, $0x1;
	s4 =	sadd.s32 s21, s2  }
0x9d: {  	[timem:s6], [sflag:s22] =	dma.local [hbm:s4], s20  }
0x9e: {  	_ =	swait.ge [sflag:s22], s20  }
0x9f: {  	s3 =	ssub.s32 $0x0, s20;
	[sflag:s22] =	ssyncset.done $0x0  }
0xa0: {  	[sflag:s22] =	ssyncadd.s32 s3;
	_ =	sdelay $0x1  }
0xa1: {  	s23 =	simm.s32 $0x1B8B  }
0xa2: {  	_ =	swait.ge [sflag:s23], $0x1  }
0xa3: {  	[sflag:s23] =	ssyncset.done $0x0  }
0xa4: {  	s25 =	simm.s32 $0x1B8E;
	s24 =	sld [smem:$0x3FFE];
	[sflag:s23] =	ssyncadd.s32 $0xFFFFFFFF  }
0xa5: {  	s26 =	simm.s32 $execute0_lowered;
	[smem:$0x3FD2] =	sst s25  }
0xa6: {  	s4 =	sshll.u32 s26, $0x1;
	_ =	strace $0x80000052;
	[dreg:$0x1] =	wrdreg $0xFFFFFFFF  }
0xa7: {  	s28 =	simm.s32 $_size_execute0_lowered;
	s2 =	sadd.s32 s2, s4;
	[dreg:$0x0] =	wrdreg $0x0  }
0xa8: {  	s4 =	sshll.u32 s28, $0x1;
	[dreg:$0x2] =	wrdreg s2  }
0xa9: {  	[dreg:$0x3] =	wrdreg s4  }
0xaa: {  	[dreg:$0x4] =	wrdreg $0xC0  }
0xab: {  	_ =	task [dreg:s6], $0x5FFFF  }
0xac: {  	[dreg:$0x1] =	wrdreg $0xFFFFFFFF  }
0xad: {  	[dreg:$0x0] =	wrdreg $0x60  }
0xae: {  	[dreg:$0x2] =	wrdreg s24  }
0xaf: {  	[dreg:$0x3] =	wrdreg $0x88000  }
0xb0: {  	[dreg:$0x4] =	wrdreg $0x9  }
0xb1: {  	_ =	task.clear_ibuf [dreg:s6], $0x5FFFF;
	_ =	strace $0x90000052  }
0xb2: {  	s29 =	simm.s32 $0x9;
	_ =	strace $0x80000054  }
0xb3: {  	_ =	swait.ge [sflag:s29], $0x1  }
0xb4: {  	[sflag:s29] =	ssyncadd.s32 $0xFFFFFFFF  }
0xb5: {  	_ =	strace $0x90000054  }
0xb6: {  	_ =	sfence  }
0xb7: {  	s30 =	sld [smem:$0x0];
	_ =	sdelay $0x2  }
0xb8: {  	s31 =	sshll.u32 s1, $0xD;
	s1 =	sshrl.u32 s1, $0x2  }
0xb9: {  	s3 =	sand.u32 $0x4000, s31;
	s1 =	sadd.s32 s1, s30  }
0xba: {  	s0 =	sor.u32 s3, s0;
	s1 =	sshll.u32 s1, $0x11  }
0xbb: {  	s0 =	sor.u32 s1, s0  }
0xbc: {  	s0 =	sadd.s32 $0x8F2B, s0  }
0xbd: {  	[sflag:s0] =	ssyncadd.remote.s32 $0x1  }
0xbe: {  	_ =	sfence.sel $0xFFFF  }
0xbf: {  	[dreg:$0x0] =	wrdreg $0xFFFFFFFF;
	(pc) =	sbr.abs _section_cstart, $3  }
0xc0: {  	[dreg:$0x1] =	wrdreg $0xFFFFFFFF  }
0xc1: {  	_ =	task.clear_ibuf [dreg:s6], $0x2FFFF;
	_ =	strace $0x9FFFFFFF  }
0xc2: {  	(tm) =	ssettm $0x7FFFFFFF  }
0xc3: {  	_ =	shalt  }
tec
execute0_lowered:
.L_overlay_start_1:
0x0: {  	(tag) =	ssettag $0x1  }
0x1: {  	s0 =	rddreg [dreg:$0x0]  }
0x2: {  	s1 =	rddreg [dreg:$0x1]  }
0x3: {  	s2 =	simm.s32 $0x0;
	s4 =	srdreg.scid;
	s7 =	stileid.u32  }
0x4: {  	s13 =	simm.s32 $0x6;
	s14 =	simm.s32 $0x80;
	s15 =	simm.s32 $0x800  }
0x5: {  	s17 =	simm.s32 $0x100;
	s18 =	simm.s32 $0x4800;
	s19 =	simm.s32 $0x1  }
0x6: {  	s20 =	simm.s32 $0x400;
	s28 =	simm.s32 $0x300;
	s29 =	simm.s32 $0x280  }
0x7: {  	s30 =	simm.s32 $0x380;
	s31 =	simm.s32 $0x500;
	[smem:$0x7FF] =	sst s2  }
0x8: {  	s3 =	sadd.s32 $0xDD200, s0;
	s5 =	sadd.s32 $0x2A600, s0;
	s11 =	smul.u32 $0x4E000, s7  }
0x9: {  	s6 =	sadd.s32 $0x3E600, s0;
	s4 =	sand.u32 $0x1, s4;
	s26 =	smul.u32 $0xA00, s7  }
0xa: {  	s25 =	sshll.u32 s7, $0x6;
	s12 =	sadd.s32 $0x138000, s1;
	s16 =	smul.u32 $0x2700, s7  }
0xb: {  	p0 =	sne.s32 s7, $0x0;
	_ =	strace $0x80000053;
	[dreg:$0x3] =	wrdreg s6  }
0xc: {  	s21 =	smul.u32 $0x27100, s4;
	s8 =	ssub.s32 $0x2, s4;
	s10 =	sshll.u32 s4, $0x4  }
0xd: {  	[dreg:$0x4] =	wrdreg s25;
	s4 =	smul.u32 $0xA000, s4;
	s12 =	sshrl.u32 @!p0 s12, $0x3  }
0xe: {  	s9 =	sshrl.u32 s8, $0x1;
	s23 =	sor.u32 s7, s10;
	s24 =	sshrl.u32 s11, $0x2  }
0xf: {  	s10 =	sor.u32 $0x1C05, s25;
	s7 =	simm.s32 $0x580;
	[dreg:$0x9] =	wrdreg s12  }
0x10: {  	s0 =	sadd.s32 s21, s0;
	s22 =	ssub.s32 s8, s9;
	s8 =	smul.u32 $0xA00, s23  }
0x11: {  	s9 =	sadd.s32 s24, s1;
	[dreg:$0x5] =	wrdreg s10;
	s4 =	sadd.s32 s4, s5  }
0x12: {  	s21 =	simm.s32 $0x3;
	s23 =	simm.s32 $0x2;
	s24 =	simm.s32 $0x180  }
0x13: {  	s0 =	sadd.s32 $0x40E00, s0;
	s25 =	smax.u32 s22, $0x1;
	s10 =	sadd.s32 s26, s4  }
0x14: {  	s26 =	sshrl.u32 s9, $0x3;
	s22 =	simm.s32 $0x200;
	s9 =	simm.s32 $0x700  }
.Ltmp0:
0x15: {  	s8 =	sadd.s32 s5, s8;
	[dreg:$0x8] =	wrdreg s25;
	(pc) =	sbr.rel .LBB2_1-.Ltmp0, $4  }
0x16: {  	[dreg:$0x7] =	wrdreg s0;
	s0 =	sadd.s32 s16, s0;
	s11 =	smov.u32 s26  }
0x17: {  	s26 =	simm.s32 $0x4;
	s5 =	simm.s32 $0x600;
	[dreg:$0x6] =	wrdreg s8  }
0x18: {  	s25 =	simm.s32 $0x780;
	s16 =	simm.s32 $0x0;
	[dreg:$0xb] =	wrdreg s0  }
0x19: {  	s0 =	simm.s32 $0x480;
	s8 =	simm.s32 $0x680;
	[dreg:$0xa] =	wrdreg s11  }
.LBB2_4:
0x1a: {  	_ =	swait.ge [sflag:s21], $0x4000  }
0x1b: {  	[sflag:s21] =	ssyncset.done $0x0  }
0x1c: {  	[sflag:s21] =	ssyncadd.s32 $0xFFFFC000  }
0x1d: {  	_ =	swait.ge [sflag:s23], $0x4000  }
0x1e: {  	[sflag:s23] =	ssyncset.done $0x0  }
0x1f: {  	[sflag:s23] =	ssyncadd.s32 $0xFFFFC000  }
0x20: {  	[spmem:s1] =	stream.indirect.scatter.add.f32 [tilespmem:s18], [sflag:$0x4], $0x80, s25, s14, $0xb8;
	[tilespmem:$0x1C0C0] =	vst v63  }
0x21: {  	_ =	swait.ge [sflag:s26], $0x4000  }
0x22: {  	[sflag:s26] =	ssyncset.done $0x0  }
0x23: {  	[sflag:s26] =	ssyncadd.s32 $0xFFFFC000  }
0x24: {  	[bflag:$0x0] =	sbarrier.arrive $0xFFFF  }
0x25: {  	s4 =	rddreg [dreg:$0x4]  }
0x26: {  	s11 =	rddreg [dreg:$0xa]  }
0x27: {  	s6 =	rddreg [dreg:$0xb];
	s4 =	sor.u32 $0x1C06, s4  }
0x28: {  	[hbm:s6], [sflag:s4] =	dma.local [spmem:s11], $0x2700  }
0x29: {  	_ =	swait.ge [sflag:s13], $0x2700  }
0x2a: {  	[sflag:s13] =	ssyncset.done $0x0;
	s6 =	rddreg [dreg:$0x7]  }
0x2b: {  	s12 =	rddreg [dreg:$0x9];
	[sflag:s13] =	ssyncadd.s32 $0xFFFFD900;
	s6 =	sadd.s32 @!p0 $0x27000, s6  }
0x2c: {  	[hbm:s6], [sflag:s4] =	dma.local @!p0 [spmem:s12], $0x100  }
0x2d: {  	s4 =	simm.s32 @!p0 $0x6  }
0x2e: {  	_ =	swait.ge @!p0 [sflag:s4], $0x100  }
0x2f: {  	s16 =	sadd.s32 $0x1, s16;
	s6 =	rddreg [dreg:$0x8]  }
0x30: {  	p1 =	sne.s32 s16, s6  }
.Ltmp1:
0x31: {  	_ = 	snop;
	(pc) =	sbr.rel @!p1 .LBB2_5-.Ltmp1, $3  }
0x32: {  	_ =	sdelay $0x1  }
0x33: {  	[sflag:s4] =	ssyncset.done @!p0 $0x0  }
0x34: {  	[sflag:s4] =	ssyncadd.s32 @!p0 $0xFFFFFF00  }
.LBB2_1:
0x35: {  	s4 =	rddreg [dreg:$0x3]  }
0x36: {  	s6 =	rddreg [dreg:$0x5]  }
0x37: {  	[spmem:s11], [sflag:s6] =	dma.local [hbm:s4], $0x2700  }
0x38: {  	[spmem:s12], [sflag:s6] =	dma.local @!p0 [hbm:s4], $0x100  }
0x39: {  	s4 =	rddreg [dreg:$0x6]  }
0x3a: {  	[tilespmem:s2], [sflag:$0x6] =	stream.linear.gather [hbm4b:s4+s2], $0x400, $0x38;
	[tilespmem:$0x1C0C0] =	vst v63  }
0x3b: {  	_ =	swait.ge [sflag:s13], $0x400  }
0x3c: {  	[sflag:s13] =	ssyncset.done $0x0  }
0x3d: {  	s12 =	simm.s32 $0x5;
	[sflag:s13] =	ssyncadd.s32 $0xFFFFFC00  }
0x3e: {  	[tilespmem:s15], [sflag:$0x1] =	stream.indirect.gather [hbm4b:s3+s14], $0x80, s2, s14, $0xb8;
	[tilespmem:$0x1C0C0] =	vst v63  }
0x3f: {  	_ =	swait.ge [sflag:s12], $0x2700  }
0x40: {  	[sflag:s12] =	ssyncset.done $0x0  }
0x41: {  	s4 =	simm.s32 @!p0 $0x5;
	[sflag:s12] =	ssyncadd.s32 $0xFFFFD900  }
0x42: {  	_ =	swait.ge @!p0 [sflag:s4], $0x100  }
0x43: {  	[sflag:s4] =	ssyncset.done @!p0 $0x0  }
0x44: {  	[sflag:s4] =	ssyncadd.s32 @!p0 $0xFFFFFF00  }
0x45: {  	s4 =	simm.s32 $0x0;
	[bflag:$0x0] =	sbarrier.arrive $0xFFFF  }
.LBB2_2:
0x46: {  	p1 =	seq.s32 s4, $0x0  }
0x47: {  	s6 =	simm.s32 @!p1 $0x4  }
0x48: {  	_ =	swait.ge @!p1 [sflag:s6], $0x4000  }
0x49: {  	[sflag:s6] =	ssyncset.done @!p1 $0x0  }
0x4a: {  	[sflag:s6] =	ssyncadd.s32 @!p1 $0xFFFFC000  }
0x4b: {  	[tilespmem:s18], [sflag:$0x2] =	stream.indirect.gather [hbm4b:s3+s14], $0x80, s17, s14, $0xb8;
	[tilespmem:$0x1C0C0] =	vst v63  }
0x4c: {  	_ =	swait.ge [sflag:s19], $0x4000  }
0x4d: {  	[sflag:s19] =	ssyncset.done $0x0  }
0x4e: {  	s6 =	sadd.s32 s4, s10;
	[sflag:s19] =	ssyncadd.s32 $0xFFFFC000  }
0x4f: {  	[spmem:s1] =	stream.indirect.scatter.add.f32 [tilespmem:s15], [sflag:$0x3], $0x80, s14, s14, $0xb8;
	[tilespmem:$0x1C0C0] =	vst v63  }
0x50: {  	s11 =	sadd.s32 $0x80, s6  }
0x51: {  	[tilespmem:s20], [sflag:$0x6] =	stream.linear.gather [hbm4b:s11+s2], $0x400, $0x38;
	[tilespmem:$0x1C0C0] =	vst v63  }
0x52: {  	_ =	swait.ge [sflag:s13], $0x400  }
0x53: {  	[sflag:s13] =	ssyncset.done $0x0  }
0x54: {  	[sflag:s13] =	ssyncadd.s32 $0xFFFFFC00  }
0x55: {  	_ =	swait.ge [sflag:s21], $0x4000  }
0x56: {  	[sflag:s21] =	ssyncset.done $0x0  }
0x57: {  	[sflag:s21] =	ssyncadd.s32 $0xFFFFC000  }
0x58: {  	[tilespmem:s15], [sflag:$0x1] =	stream.indirect.gather [hbm4b:s3+s14], $0x80, s22, s14, $0xb8;
	[tilespmem:$0x1C0C0] =	vst v63  }
0x59: {  	_ =	swait.ge [sflag:s23], $0x4000  }
0x5a: {  	[sflag:s23] =	ssyncset.done $0x0  }
0x5b: {  	[sflag:s23] =	ssyncadd.s32 $0xFFFFC000  }
0x5c: {  	[spmem:s1] =	stream.indirect.scatter.add.f32 [tilespmem:s18], [sflag:$0x4], $0x80, s24, s14, $0xb8;
	[tilespmem:$0x1C0C0] =	vst v63  }
0x5d: {  	_ =	swait.ge [sflag:s26], $0x4000  }
0x5e: {  	[sflag:s26] =	ssyncset.done $0x0  }
0x5f: {  	[sflag:s26] =	ssyncadd.s32 $0xFFFFC000  }
0x60: {  	[tilespmem:s18], [sflag:$0x2] =	stream.indirect.gather [hbm4b:s3+s14], $0x80, s28, s14, $0xb8;
	[tilespmem:$0x1C0C0] =	vst v63  }
0x61: {  	_ =	swait.ge [sflag:s19], $0x4000  }
0x62: {  	[sflag:s19] =	ssyncset.done $0x0  }
0x63: {  	[sflag:s19] =	ssyncadd.s32 $0xFFFFC000  }
0x64: {  	[spmem:s1] =	stream.indirect.scatter.add.f32 [tilespmem:s15], [sflag:$0x3], $0x80, s29, s14, $0xb8;
	[tilespmem:$0x1C0C0] =	vst v63  }
0x65: {  	_ =	swait.ge [sflag:s21], $0x4000  }
0x66: {  	[sflag:s21] =	ssyncset.done $0x0  }
0x67: {  	[sflag:s21] =	ssyncadd.s32 $0xFFFFC000  }
0x68: {  	[tilespmem:s15], [sflag:$0x1] =	stream.indirect.gather [hbm4b:s3+s14], $0x80, s20, s14, $0xb8;
	[tilespmem:$0x1C0C0] =	vst v63  }
0x69: {  	_ =	swait.ge [sflag:s23], $0x4000  }
0x6a: {  	[sflag:s23] =	ssyncset.done $0x0  }
0x6b: {  	[sflag:s23] =	ssyncadd.s32 $0xFFFFC000  }
0x6c: {  	[spmem:s1] =	stream.indirect.scatter.add.f32 [tilespmem:s18], [sflag:$0x4], $0x80, s30, s14, $0xb8;
	[tilespmem:$0x1C0C0] =	vst v63  }
0x6d: {  	_ =	swait.ge [sflag:s26], $0x4000  }
0x6e: {  	[sflag:s26] =	ssyncset.done $0x0  }
0x6f: {  	[sflag:s26] =	ssyncadd.s32 $0xFFFFC000  }
0x70: {  	[tilespmem:s18], [sflag:$0x2] =	stream.indirect.gather [hbm4b:s3+s14], $0x80, s31, s14, $0xb8;
	[tilespmem:$0x1C0C0] =	vst v63  }
0x71: {  	_ =	swait.ge [sflag:s19], $0x4000  }
0x72: {  	[sflag:s19] =	ssyncset.done $0x0  }
0x73: {  	[sflag:s19] =	ssyncadd.s32 $0xFFFFC000  }
0x74: {  	[spmem:s1] =	stream.indirect.scatter.add.f32 [tilespmem:s15], [sflag:$0x3], $0x80, s0, s14, $0xb8;
	[tilespmem:$0x1C0C0] =	vst v63  }
0x75: {  	_ =	swait.ge [sflag:s21], $0x4000  }
0x76: {  	[sflag:s21] =	ssyncset.done $0x0  }
0x77: {  	[sflag:s21] =	ssyncadd.s32 $0xFFFFC000  }
0x78: {  	[tilespmem:s15], [sflag:$0x1] =	stream.indirect.gather [hbm4b:s3+s14], $0x80, s5, s14, $0xb8;
	[tilespmem:$0x1C0C0] =	vst v63  }
0x79: {  	_ =	swait.ge [sflag:s23], $0x4000  }
0x7a: {  	[sflag:s23] =	ssyncset.done $0x0  }
0x7b: {  	[sflag:s23] =	ssyncadd.s32 $0xFFFFC000  }
0x7c: {  	[spmem:s1] =	stream.indirect.scatter.add.f32 [tilespmem:s18], [sflag:$0x4], $0x80, s7, s14, $0xb8;
	[tilespmem:$0x1C0C0] =	vst v63  }
0x7d: {  	_ =	swait.ge [sflag:s26], $0x4000  }
0x7e: {  	[sflag:s26] =	ssyncset.done $0x0  }
0x7f: {  	p1 =	seq.s32 s4, $0x900;
	[sflag:s26] =	ssyncadd.s32 $0xFFFFC000  }
0x80: {  	[tilespmem:s18], [sflag:$0x2] =	stream.indirect.gather [hbm4b:s3+s14], $0x80, s9, s14, $0xb8;
	[tilespmem:$0x1C0C0] =	vst v63  }
.Ltmp2:
0x81: {  	_ = 	snop;
	(pc) =	sbr.rel @p1 .LBB2_4-.Ltmp2, $4  }
0x82: {  	_ =	swait.ge [sflag:s19], $0x4000  }
0x83: {  	[sflag:s19] =	ssyncset.done $0x0  }
0x84: {  	[sflag:s19] =	ssyncadd.s32 $0xFFFFC000  }
0x85: {  	[spmem:s1] =	stream.indirect.scatter.add.f32 [tilespmem:s15], [sflag:$0x3], $0x80, s8, s14, $0xb8;
	[tilespmem:$0x1C0C0] =	vst v63  }
0x86: {  	s6 =	sadd.s32 $0x100, s6  }
0x87: {  	[tilespmem:s2], [sflag:$0x6] =	stream.linear.gather [hbm4b:s6+s2], $0x400, $0x38;
	[tilespmem:$0x1C0C0] =	vst v63  }
0x88: {  	_ =	swait.ge [sflag:s13], $0x400  }
0x89: {  	[sflag:s13] =	ssyncset.done $0x0  }
0x8a: {  	[sflag:s13] =	ssyncadd.s32 $0xFFFFFC00  }
0x8b: {  	_ =	swait.ge [sflag:s21], $0x4000  }
0x8c: {  	[sflag:s21] =	ssyncset.done $0x0  }
0x8d: {  	[sflag:s21] =	ssyncadd.s32 $0xFFFFC000  }
0x8e: {  	[tilespmem:s15], [sflag:$0x1] =	stream.indirect.gather [hbm4b:s3+s14], $0x80, s2, s14, $0xb8;
	[tilespmem:$0x1C0C0] =	vst v63  }
.Ltmp3:
0x8f: {  	_ = 	snop;
	(pc) =	sbr.rel .LBB2_2-.Ltmp3, $4  }
0x90: {  	_ =	swait.ge [sflag:s23], $0x4000  }
0x91: {  	[sflag:s23] =	ssyncset.done $0x0  }
0x92: {  	s4 =	sadd.s32 $0x100, s4;
	[sflag:s23] =	ssyncadd.s32 $0xFFFFC000  }
0x93: {  	[spmem:s1] =	stream.indirect.scatter.add.f32 [tilespmem:s18], [sflag:$0x4], $0x80, s25, s14, $0xb8;
	[tilespmem:$0x1C0C0] =	vst v63  }
.LBB2_5:
0x94: {  	_ =	sfence.sel $0x180000  }
0x95: {  	[bflag:$0x0] =	sbarrier.arrive $0xFFFF  }
0x96: {  	_ =	strace $0x90000053  }
0x97: {  	[bflag:$0x2] =	sbarrier.arrive $0xFFFF  }
0x98: {  	s0 =	rddreg [dreg:$0x2]  }
0x99: {  	s0 =	sadd.s32 @!p0 $0x100000, s0  }
0x9a: {  	[sflag:s0] =	ssyncadd.tile.s32 @!p0 $0x1;
	_ =	shalt  }
.Lfunc_end2:
_tile_overlayer_lowered:
.L_overlay_start_2:
0x9b: {  	(tag) =	ssettag $0x2  }
0x9c: {  	s0 =	rddreg [dreg:$0x0];
	s2 =	stileid.u32  }
0x9d: {  	s1 =	rddreg [dreg:$0x1];
	p0 =	sne.s32 s2, $0x0  }
0x9e: {  	s3 =	rddreg [dreg:$0x2];
	[bflag:$0x3] =	sbarrier.arrive $0xFFFF;
	s2 =	simm.s32 @!p0 $0x1C06  }
0x9f: {  	[timem:s3], [sflag:s2] =	dma.local @!p0 [hbm:s0], s1  }
0xa0: {  	s0 =	simm.s32 @!p0 $0x6  }
0xa1: {  	_ =	swait.ge @!p0 [sflag:s0], s1  }
0xa2: {  	s1 =	ssub.s32 @!p0 $0x0, s1;
	[sflag:s0] =	ssyncset.done @!p0 $0x0  }
0xa3: {  	[sflag:s0] =	ssyncadd.s32 @!p0 s1  }
0xa4: {  	[bflag:$0x3] =	sbarrier.arrive $0xFFFF  }
0xa5: {  	_ =	shalt  }

</sc_bundles>
